<compile_context>
chip_gen: v7x
topology: tpu7x:2x2x1
jax: 0.10.2.dev20260603
libtpu: 0.0.44.dev20260713+nightly
codegen_flags: <defaults>
</compile_context>

<pallas_src>
import functools

import jax
import jax.numpy as jnp
from jax import lax
from jax.experimental import pallas as pl
from jax.experimental.pallas import tpu as pltpu
from jax.experimental.pallas import tpu_sc as plsc

N_NODES = 10000
N_EDGES = 320000
D_IN = 128
D_OUT = 128
K = 4

_E2 = N_EDGES // 2
_E2_BLK = 4000


def _edge_mlp_body(attr_ref, ws1_ref, ws2_ref, out_ref):
    t = jnp.dot(attr_ref[...], ws1_ref[...], preferred_element_type=jnp.float32)
    la = jnp.maximum(t[:, 0:32], 0.0)
    ga = jnp.tanh(t[:, 32:64]) * jnp.tanh(t[:, 64:96])
    lb = jnp.maximum(t[:, 96:128], 0.0)
    gb = jnp.tanh(t[:, 128:160]) * jnp.tanh(t[:, 160:192])
    tmp = jnp.concatenate([la, ga, lb, gb], axis=1)
    out_ref[...] = jnp.maximum(
        jnp.dot(tmp, ws2_ref[...], preferred_element_type=jnp.float32), 0.0
    )


def _edge_mlp(attr2, ws1, ws2):
    grid = _E2 // _E2_BLK
    return pl.pallas_call(
        _edge_mlp_body,
        grid=(grid,),
        in_specs=[
            pl.BlockSpec((_E2_BLK, 32), lambda i: (i, 0)),
            pl.BlockSpec(ws1.shape, lambda i: (0, 0)),
            pl.BlockSpec(ws2.shape, lambda i: (0, 0)),
        ],
        out_specs=pl.BlockSpec((_E2_BLK, 2 * K * _L), lambda i: (i, 0)),
        out_shape=jax.ShapeDtypeStruct((_E2, 2 * K * _L), jnp.float32),
    )(attr2, ws1, ws2)


_N_BLK = 2000


def _zmm_body(x_ref, w_ref, out_ref):
    zf = jnp.dot(x_ref[...], w_ref[...], preferred_element_type=jnp.float32)
    lo = jax.lax.bitcast_convert_type(
        zf[:, : K * D_OUT // 2].astype(jnp.bfloat16), jnp.uint16
    ).astype(jnp.int32)
    hi = jax.lax.bitcast_convert_type(
        zf[:, K * D_OUT // 2:].astype(jnp.bfloat16), jnp.uint16
    ).astype(jnp.int32)
    out_ref[...] = lo | (hi << 16)


def _z_matmul(x, wflat):
    grid = N_NODES // _N_BLK
    return pl.pallas_call(
        _zmm_body,
        grid=(grid,),
        in_specs=[
            pl.BlockSpec((_N_BLK, D_IN), lambda i: (i, 0)),
            pl.BlockSpec((D_IN, K * D_OUT), lambda i: (0, 0)),
        ],
        out_specs=pl.BlockSpec((_N_BLK, K * D_OUT // 2), lambda i: (i, 0)),
        out_shape=jax.ShapeDtypeStruct((N_NODES, K * D_OUT // 2), jnp.int32),
    )(x, wflat)


_NC = 2
_NS = 16
_NW = _NC * _NS
_L = 16
_CH = 40
_NCH_G = N_EDGES // _CH
_NCHT = _NCH_G // _NW
_ROWS_PT = 632
_N_PAD = _NS * _ROWS_PT


def _sc_body(z_hbm, src_hbm, dst_hbm, wts_hbm, zero_hbm, out_hbm,
             src0, src1, src2, src3, dst0, dst1, dst2, dst3,
             wts0, wts1, zrow0, zrow1, msg0, msg1, acc_sh,
             rsem0, rsem1, rsem2, rsem3, dsem0, dsem1, dsem2, dsem3,
             wsem0, wsem1, gsem0, gsem1, ssem0, ssem1):
    c = lax.axis_index("c")
    s = lax.axis_index("s")
    wid = s * _NC + c
    srcs = (src0, src1, src2, src3)
    rsems = (rsem0, rsem1, rsem2, rsem3)
    dsts = (dst0, dst1, dst2, dst3)
    dsems = (dsem0, dsem1, dsem2, dsem3)
    wtss = (wts0, wts1)
    wsems = (wsem0, wsem1)
    zrows = (zrow0, zrow1)
    gsems = (gsem0, gsem1)
    msgs = (msg0, msg1)
    ssems = (ssem0, ssem1)

    pltpu.sync_copy(zero_hbm.at[pl.ds(s * _ROWS_PT, _ROWS_PT)],
                    acc_sh.at[pl.ds(s * _ROWS_PT, _ROWS_PT)])
    plsc.subcore_barrier()

    base = wid * _NCHT
    ebase = base * _CH
    pltpu.async_copy(src_hbm.at[pl.ds(ebase, _CH)], srcs[0], rsems[0])
    pltpu.async_copy(src_hbm.at[pl.ds(ebase + _CH, _CH)], srcs[1], rsems[1])
    pltpu.async_copy(dst_hbm.at[pl.ds(ebase, _CH)], dsts[0], dsems[0])
    pltpu.async_copy(dst_hbm.at[pl.ds(ebase + _CH, _CH)], dsts[1], dsems[1])
    pltpu.async_copy(wts_hbm.at[base], wtss[0], wsems[0])
    pltpu.make_async_copy(src_hbm.at[pl.ds(ebase, _CH)], srcs[0],
                          rsems[0]).wait()
    pltpu.async_copy(z_hbm.at[srcs[0]], zrows[0], gsems[0])

    def chunk_step(k, j):
        if True:
            b2 = j % 2
            b4 = j % 4
            nx2 = (j + 1) % 2
            nx4 = (j + 1) % 4
            pf4 = (j + 2) % 4

            @pl.when(k >= 2)
            def _():
                pltpu.make_async_copy(msgs[b2], acc_sh.at[dsts[pf4]],
                                      ssems[b2]).wait()

            @pl.when(k + 2 < _NCHT)
            def _():
                off = ebase + (k + 2) * _CH
                pltpu.async_copy(src_hbm.at[pl.ds(off, _CH)], srcs[pf4],
                                 rsems[pf4])
                pltpu.async_copy(dst_hbm.at[pl.ds(off, _CH)], dsts[pf4],
                                 dsems[pf4])

            @pl.when(k + 1 < _NCHT)
            def _():
                pltpu.make_async_copy(
                    src_hbm.at[pl.ds(ebase + (k + 1) * _CH, _CH)], srcs[nx4],
                    rsems[nx4]).wait()
                pltpu.async_copy(z_hbm.at[srcs[nx4]], zrows[nx2], gsems[nx2])
                pltpu.async_copy(wts_hbm.at[base + k + 1], wtss[nx2],
                                 wsems[nx2])

            pltpu.make_async_copy(z_hbm.at[srcs[b4]], zrows[b2],
                                  gsems[b2]).wait()
            pltpu.make_async_copy(wts_hbm.at[base + k], wtss[b2],
                                  wsems[b2]).wait()
            pltpu.make_async_copy(dst_hbm.at[pl.ds(ebase + k * _CH, _CH)],
                                  dsts[b4], dsems[b4]).wait()

            zr = zrows[b2]
            mg = msgs[b2]
            wt = wtss[b2]

            def edge_body(e, carry2):
                rw = e // 2
                cw = (e % 2) * (K * _L)
                w0 = wt[rw, pl.ds(cw, _L)]
                w1 = wt[rw, pl.ds(cw + _L, _L)]
                w2 = wt[rw, pl.ds(cw + 2 * _L, _L)]
                w3 = wt[rw, pl.ds(cw + 3 * _L, _L)]
                for t in range(D_OUT // (2 * _L)):
                    def halves(i):
                        pr = plsc.bitcast(
                            zr[e, pl.ds(i * (D_OUT // 2) + _L * t, _L)],
                            jnp.bfloat16)
                        return plsc.unpack(
                            pr, format=plsc.PackFormat.INTERLEAVED)

                    a0, b0 = halves(0)
                    a1, b1 = halves(1)
                    a2, b2 = halves(2)
                    a3, b3 = halves(3)
                    va = w0 * a0 + w1 * a1 + w2 * a2 + w3 * a3
                    vb = w0 * b0 + w1 * b1 + w2 * b2 + w3 * b3
                    mg[e, pl.ds(2 * _L * t, _L)] = va
                    mg[e, pl.ds(2 * _L * t + _L, _L)] = vb
                return carry2

            lax.fori_loop(0, _CH, edge_body, 0, unroll=2)

            pltpu.async_copy(msgs[b2], acc_sh.at[dsts[b4]],
                             ssems[b2], add=True)

    def super_body(k2, carry):
        for j in range(4):
            chunk_step(k2 * 4 + j, j)
        return carry

    ntail = _NCHT % 4
    lax.fori_loop(0, _NCHT // 4, super_body, 0)
    for j in range(ntail):
        chunk_step(jnp.int32((_NCHT // 4) * 4 + j), j)
    pltpu.make_async_copy(msgs[_NCHT % 2], acc_sh.at[dsts[(_NCHT - 2) % 4]],
                          ssems[_NCHT % 2]).wait()
    pltpu.make_async_copy(msgs[(_NCHT + 1) % 2],
                          acc_sh.at[dsts[(_NCHT - 1) % 4]],
                          ssems[(_NCHT + 1) % 2]).wait()
    plsc.subcore_barrier()
    pltpu.sync_copy(acc_sh.at[pl.ds(s * _ROWS_PT, _ROWS_PT)],
                    out_hbm.at[c, pl.ds(s * _ROWS_PT, _ROWS_PT)])


def _sc_scatter(z, srcp, dstp, wts, zeros):
    mesh = plsc.VectorSubcoreMesh(core_axis_name="c", subcore_axis_name="s")
    fn = functools.partial(
        pl.kernel,
        mesh=mesh,
        compiler_params=pltpu.CompilerParams(needs_layout_passes=False),
        out_type=jax.ShapeDtypeStruct((_NC, _N_PAD, D_OUT), jnp.float32),
        scratch_types=(
            [pltpu.VMEM((_CH,), jnp.int32)] * 8
            + [pltpu.VMEM((_CH // 2, 2 * K * _L), jnp.float32)] * 2
            + [pltpu.VMEM((_CH, K * D_OUT // 2), jnp.int32)] * 2
            + [pltpu.VMEM((_CH, D_OUT), jnp.float32)] * 2
            + [pltpu.VMEM_SHARED((_N_PAD, D_OUT), jnp.float32)]
            + [pltpu.SemaphoreType.DMA] * 14
        ),
    )(_sc_body)
    return fn(z, srcp, dstp, wts, zeros)


def _final_body(p_ref, b_ref, out_ref):
    out_ref[...] = jnp.maximum(p_ref[0] + p_ref[1] + b_ref[...], 0.0)


def _final(partials, bias2d):
    grid = N_NODES // _N_BLK
    return pl.pallas_call(
        _final_body,
        grid=(grid,),
        in_specs=[
            pl.BlockSpec((_NC, _N_BLK, D_OUT), lambda i: (0, i, 0)),
            pl.BlockSpec((1, D_OUT), lambda i: (0, 0)),
        ],
        out_specs=pl.BlockSpec((_N_BLK, D_OUT), lambda i: (i, 0)),
        out_shape=jax.ShapeDtypeStruct((N_NODES, D_OUT), jnp.float32),
    )(partials, bias2d)


def kernel(x, edge_index, edge_attr, W1, W2, W3, W4, Wc, bias):
    src = edge_index[0].astype(jnp.int32)
    dst = edge_index[1].astype(jnp.int32)
    w123 = jnp.concatenate([W1.T, W2.T, W3.T], axis=1)
    ws1 = jnp.kron(jnp.eye(2, dtype=jnp.float32), w123)
    w4x = jnp.repeat(W4.T, _L, axis=1)
    ws2 = jnp.kron(jnp.eye(2, dtype=jnp.float32), w4x)

    wflat = jnp.transpose(Wc, (1, 0, 2)).reshape(D_IN, K * D_OUT)
    pos = jnp.arange(K * D_OUT // 2)
    blk, l = pos // _L, pos % _L
    perm = jnp.concatenate([blk * 2 * _L + l, blk * 2 * _L + _L + l])
    wflat = wflat[:, perm]

    ea2 = _edge_mlp(edge_attr.reshape(_E2, 32), ws1, ws2)
    z = _z_matmul(x, wflat)

    wts = ea2.reshape(_NCH_G, _CH // 2, 2 * K * _L)

    zeros = jnp.zeros((_N_PAD, D_OUT), jnp.float32)
    partials = _sc_scatter(z, src, dst, wts, zeros)
    return _final(partials, bias.reshape(1, D_OUT))

# --- scband reference (transcript-rebuilt; emitter-appended) ---
"""Pipeline reference for scband-ml3-layer-18073222382240 (READ-ONLY COPY).

The authoritative reference and input builder live on the scoring server;
editing this copy changes nothing except your own understanding.
"""

import jax, jax.numpy as jnp
import numpy as np

N_NODES = 10000
N_EDGES = 320000
D_IN = 128
D_OUT1 = 128
NEDGE_IN = 16
NEDGE_OUT = 4


def _glorot(key, shape):
    stdv = np.sqrt(6.0 / (shape[-2] + shape[-1]))
    return jax.random.uniform(key, shape, dtype=jnp.float32, minval=-stdv, maxval=stdv)


def setup_inputs(seed: int = 0) -> dict:
    key = jax.random.key(seed)
    ks = jax.random.split(key, 10)
    x = jax.random.normal(ks[0], (N_NODES, D_IN), dtype=jnp.float32)
    edge_index = jax.random.randint(ks[1], (2, N_EDGES), 0, N_NODES, dtype=jnp.int64)
    edge_attr = jax.random.normal(ks[2], (N_EDGES, NEDGE_IN), dtype=jnp.float32)
    # edge transform linears (torch Linear weight shape [out, in], no bias)
    W1 = _glorot(ks[3], (2 * NEDGE_IN, NEDGE_IN))
    W2 = _glorot(ks[4], (2 * NEDGE_IN, NEDGE_IN))
    W3 = _glorot(ks[5], (2 * NEDGE_IN, NEDGE_IN))
    W4 = _glorot(ks[6], (NEDGE_OUT, 4 * NEDGE_IN))
    # SpectConv weight: K = nedgeoutput (selfconn=False), shape [K, in, out]
    Wc = _glorot(ks[7], (NEDGE_OUT, D_IN, D_OUT1))
    bias = jnp.zeros((D_OUT1,), dtype=jnp.float32)
    return {"x": x, "edge_index": edge_index, "edge_attr": edge_attr,
            "W1": W1, "W2": W2, "W3": W3, "W4": W4, "Wc": Wc, "bias": bias}


def reference(x, edge_index, edge_attr, W1, W2, W3, W4, Wc, bias):
    # learned edge transform
    linear_part = jax.nn.relu(edge_attr @ W1.T)
    gated_part = jnp.tanh(edge_attr @ W2.T) * jnp.tanh(edge_attr @ W3.T)
    tmp = jnp.concatenate([linear_part, gated_part], axis=1)
    ea = jax.nn.relu(tmp @ W4.T)  # [E, NEDGE_OUT]
    # SpectConv, selfconn=False, depthwise=False, aggr='add'
    src = edge_index[0]
    dst = edge_index[1]
    x_j = x[src]  # gather source node features [E, D_IN]
    out = jnp.zeros((N_NODES, D_OUT1), dtype=jnp.float32)
    for i in range(NEDGE_OUT):
        msg = ea[:, i:i + 1] * x_j
        h = jax.ops.segment_sum(msg, dst, num_segments=N_NODES)
        out = out + h @ Wc[i]
    out = out + bias
    # nout2 = 0 -> no skip connection branch
    return jax.nn.relu(out)

if __name__ == "__main__":
    import jax
    _d = setup_inputs()
    print(jax.jit(kernel)(*tuple(_d.values())))

</pallas_src>

<mosaic_0001>
#map = affine_map<(d0, d1) -> (0, 0)>
#map1 = affine_map<(d0, d1) -> (0)>
#map2 = affine_map<(d0, d1) -> (0, 0, 0)>
module attributes {stable_mosaic.version = 14 : i64} {
  func.func @_sc_body(%arg0: i32, %arg1: i32, %arg2: memref<10000x256xi32, #tpu.memory_space<hbm>>, %arg3: memref<320000xi32, #tpu.memory_space<hbm>>, %arg4: memref<320000xi32, #tpu.memory_space<hbm>>, %arg5: memref<8000x20x128xf32, #tpu.memory_space<hbm>>, %arg6: memref<10112x128xf32, #tpu.memory_space<hbm>>, %arg7: memref<2x10112x128xf32, #tpu.memory_space<hbm>>, %arg8: memref<40xi32, #tpu.memory_space<vmem>>, %arg9: memref<40xi32, #tpu.memory_space<vmem>>, %arg10: memref<40xi32, #tpu.memory_space<vmem>>, %arg11: memref<40xi32, #tpu.memory_space<vmem>>, %arg12: memref<40xi32, #tpu.memory_space<vmem>>, %arg13: memref<40xi32, #tpu.memory_space<vmem>>, %arg14: memref<40xi32, #tpu.memory_space<vmem>>, %arg15: memref<40xi32, #tpu.memory_space<vmem>>, %arg16: memref<20x128xf32, #tpu.memory_space<vmem>>, %arg17: memref<20x128xf32, #tpu.memory_space<vmem>>, %arg18: memref<40x256xi32, #tpu.memory_space<vmem>>, %arg19: memref<40x256xi32, #tpu.memory_space<vmem>>, %arg20: memref<40x128xf32, #tpu.memory_space<vmem>>, %arg21: memref<40x128xf32, #tpu.memory_space<vmem>>, %arg22: memref<10112x128xf32, #tpu.memory_space<vmem_shared>>, %arg23: memref<!tpu.dma_semaphore, #tpu.memory_space<semaphore_mem>>, %arg24: memref<!tpu.dma_semaphore, #tpu.memory_space<semaphore_mem>>, %arg25: memref<!tpu.dma_semaphore, #tpu.memory_space<semaphore_mem>>, %arg26: memref<!tpu.dma_semaphore, #tpu.memory_space<semaphore_mem>>, %arg27: memref<!tpu.dma_semaphore, #tpu.memory_space<semaphore_mem>>, %arg28: memref<!tpu.dma_semaphore, #tpu.memory_space<semaphore_mem>>, %arg29: memref<!tpu.dma_semaphore, #tpu.memory_space<semaphore_mem>>, %arg30: memref<!tpu.dma_semaphore, #tpu.memory_space<semaphore_mem>>, %arg31: memref<!tpu.dma_semaphore, #tpu.memory_space<semaphore_mem>>, %arg32: memref<!tpu.dma_semaphore, #tpu.memory_space<semaphore_mem>>, %arg33: memref<!tpu.dma_semaphore, #tpu.memory_space<semaphore_mem>>, %arg34: memref<!tpu.dma_semaphore, #tpu.memory_space<semaphore_mem>>, %arg35: memref<!tpu.dma_semaphore, #tpu.memory_space<semaphore_mem>>, %arg36: memref<!tpu.dma_semaphore, #tpu.memory_space<semaphore_mem>>) attributes {dimension_semantics = [#tpu.dimension_semantics<core_parallel>, #tpu.dimension_semantics<subcore_parallel>], iteration_bounds = array<i64: 2, 16>, scalar_prefetch = 0 : i64, scratch_operands = 29 : i64, tpu.core_type = #tpu.core_type<sc_vector_subcore>, window_params = [{transform_indices = #map}, {transform_indices = #map1}, {transform_indices = #map1}, {transform_indices = #map2}, {transform_indices = #map}, {transform_indices = #map2}]} {
    %mul3A = arith.constant 2 : i32
    %mul3A_0 = arith.muli %arg1, %mul3A : i32
    %add3A = arith.addi %mul3A_0, %arg0 : i32
    %mul3A_1 = arith.constant 632 : i32
    %mul3A_2 = arith.muli %arg1, %mul3A_1 : i32
    %mul3A_3 = arith.constant 632 : i32
    %mul3A_4 = arith.muli %arg1, %mul3A_3 : i32
    "tpu.region"() ({
      %run_scoped3A = tpu.sem_alloc : memref<!tpu.dma_semaphore, #tpu.memory_space<semaphore_mem>>
      %dma_start3A_148 = arith.constant 0 : i32
      %dma_start3A_149 = tpu.memref_slice %arg22[%mul3A_4, %dma_start3A_148] : memref<10112x128xf32, #tpu.memory_space<vmem_shared>> -> memref<632x128xf32, #tpu.memory_space<vmem_shared>>
      %dma_start3A_150 = arith.constant 0 : i32
      %dma_start3A_151 = tpu.memref_slice %arg6[%mul3A_2, %dma_start3A_150] : memref<10112x128xf32, #tpu.memory_space<hbm>> -> memref<632x128xf32, #tpu.memory_space<hbm>>
      tpu.enqueue_dma source(%dma_start3A_151 : memref<632x128xf32, #tpu.memory_space<hbm>>) target(%dma_start3A_149 : memref<632x128xf32, #tpu.memory_space<vmem_shared>>) target_semaphore(%run_scoped3A : memref<!tpu.dma_semaphore, #tpu.memory_space<semaphore_mem>>)
      %dma_wait3A_152 = arith.constant 0 : i32
      %dma_wait3A_153 = tpu.memref_slice %arg22[%mul3A_4, %dma_wait3A_152] : memref<10112x128xf32, #tpu.memory_space<vmem_shared>> -> memref<632x128xf32, #tpu.memory_space<vmem_shared>>
      %dma_wait3A_154 = arith.constant 0 : i32
      %dma_wait3A_155 = tpu.memref_slice %arg6[%mul3A_2, %dma_wait3A_154] : memref<10112x128xf32, #tpu.memory_space<hbm>> -> memref<632x128xf32, #tpu.memory_space<hbm>>
      tpu.wait_dma2 semaphore(%run_scoped3A : memref<!tpu.dma_semaphore, #tpu.memory_space<semaphore_mem>>) src(%dma_wait3A_155 : memref<632x128xf32, #tpu.memory_space<hbm>>) dst(%dma_wait3A_153 : memref<632x128xf32, #tpu.memory_space<vmem_shared>>)
      tpu.yield
    }) : () -> ()
    %barrier3A = arith.constant 0 : index
    tpu.barrier barrier_id(%barrier3A)
    %mul3A_5 = arith.constant 250 : i32
    %mul3A_6 = arith.muli %add3A, %mul3A_5 : i32
    %mul3A_7 = arith.constant 40 : i32
    %mul3A_8 = arith.muli %mul3A_6, %mul3A_7 : i32
    %dma_start3A = tpu.memref_slice %arg3[%mul3A_8] : memref<320000xi32, #tpu.memory_space<hbm>> -> memref<40xi32, #tpu.memory_space<hbm>>
    %dma_start3A_9 = tpu.memref_slice %arg3[%mul3A_8] : memref<320000xi32, #tpu.memory_space<hbm>> -> memref<40xi32, #tpu.memory_space<hbm>>
    tpu.enqueue_dma source(%dma_start3A_9 : memref<40xi32, #tpu.memory_space<hbm>>) target(%arg8 : memref<40xi32, #tpu.memory_space<vmem>>) target_semaphore(%arg23 : memref<!tpu.dma_semaphore, #tpu.memory_space<semaphore_mem>>)
    %add3A_10 = arith.constant 40 : i32
    %add3A_11 = arith.addi %mul3A_8, %add3A_10 : i32
    %dma_start3A_12 = tpu.memref_slice %arg3[%add3A_11] : memref<320000xi32, #tpu.memory_space<hbm>> -> memref<40xi32, #tpu.memory_space<hbm>>
    %dma_start3A_13 = tpu.memref_slice %arg3[%add3A_11] : memref<320000xi32, #tpu.memory_space<hbm>> -> memref<40xi32, #tpu.memory_space<hbm>>
    tpu.enqueue_dma source(%dma_start3A_13 : memref<40xi32, #tpu.memory_space<hbm>>) target(%arg9 : memref<40xi32, #tpu.memory_space<vmem>>) target_semaphore(%arg24 : memref<!tpu.dma_semaphore, #tpu.memory_space<semaphore_mem>>)
    %dma_start3A_14 = tpu.memref_slice %arg4[%mul3A_8] : memref<320000xi32, #tpu.memory_space<hbm>> -> memref<40xi32, #tpu.memory_space<hbm>>
    %dma_start3A_15 = tpu.memref_slice %arg4[%mul3A_8] : memref<320000xi32, #tpu.memory_space<hbm>> -> memref<40xi32, #tpu.memory_space<hbm>>
    tpu.enqueue_dma source(%dma_start3A_15 : memref<40xi32, #tpu.memory_space<hbm>>) target(%arg12 : memref<40xi32, #tpu.memory_space<vmem>>) target_semaphore(%arg27 : memref<!tpu.dma_semaphore, #tpu.memory_space<semaphore_mem>>)
    %add3A_16 = arith.constant 40 : i32
    %add3A_17 = arith.addi %mul3A_8, %add3A_16 : i32
    %dma_start3A_18 = tpu.memref_slice %arg4[%add3A_17] : memref<320000xi32, #tpu.memory_space<hbm>> -> memref<40xi32, #tpu.memory_space<hbm>>
    %dma_start3A_19 = tpu.memref_slice %arg4[%add3A_17] : memref<320000xi32, #tpu.memory_space<hbm>> -> memref<40xi32, #tpu.memory_space<hbm>>
    tpu.enqueue_dma source(%dma_start3A_19 : memref<40xi32, #tpu.memory_space<hbm>>) target(%arg13 : memref<40xi32, #tpu.memory_space<vmem>>) target_semaphore(%arg28 : memref<!tpu.dma_semaphore, #tpu.memory_space<semaphore_mem>>)
    %dma_start3A_20 = arith.constant 0 : i32
    %dma_start3A_21 = arith.constant 0 : i32
    %dma_start3A_22 = tpu.memref_slice %arg5[%mul3A_6, %dma_start3A_20, %dma_start3A_21] : memref<8000x20x128xf32, #tpu.memory_space<hbm>> -> memref<1x20x128xf32, #tpu.memory_space<hbm>>
    %dma_start3A_23 = tpu.memref_squeeze %dma_start3A_22 : memref<1x20x128xf32, #tpu.memory_space<hbm>> -> memref<20x128xf32, #tpu.memory_space<hbm>>
    %dma_start3A_24 = arith.constant 0 : i32
    %dma_start3A_25 = arith.constant 0 : i32
    %dma_start3A_26 = tpu.memref_slice %arg5[%mul3A_6, %dma_start3A_24, %dma_start3A_25] : memref<8000x20x128xf32, #tpu.memory_space<hbm>> -> memref<1x20x128xf32, #tpu.memory_space<hbm>>
    %dma_start3A_27 = tpu.memref_squeeze %dma_start3A_26 : memref<1x20x128xf32, #tpu.memory_space<hbm>> -> memref<20x128xf32, #tpu.memory_space<hbm>>
    tpu.enqueue_dma source(%dma_start3A_27 : memref<20x128xf32, #tpu.memory_space<hbm>>) target(%arg16 : memref<20x128xf32, #tpu.memory_space<vmem>>) target_semaphore(%arg31 : memref<!tpu.dma_semaphore, #tpu.memory_space<semaphore_mem>>)
    %dma_wait3A = tpu.memref_slice %arg3[%mul3A_8] : memref<320000xi32, #tpu.memory_space<hbm>> -> memref<40xi32, #tpu.memory_space<hbm>>
    %dma_wait3A_28 = tpu.memref_slice %arg3[%mul3A_8] : memref<320000xi32, #tpu.memory_space<hbm>> -> memref<40xi32, #tpu.memory_space<hbm>>
    tpu.wait_dma2 semaphore(%arg23 : memref<!tpu.dma_semaphore, #tpu.memory_space<semaphore_mem>>) src(%dma_wait3A_28 : memref<40xi32, #tpu.memory_space<hbm>>) dst(%arg8 : memref<40xi32, #tpu.memory_space<vmem>>)
    %dma_start3A_29 = arith.constant 0 : i32
    %dma_start3A_30 = arith.constant 0 : i32
    %dma_start3A_31 = tpu.memref_slice %arg2[%dma_start3A_29, %dma_start3A_30] : memref<10000x256xi32, #tpu.memory_space<hbm>> -> memref<10000x256xi32, #tpu.memory_space<hbm>>
    tpu.enqueue_indirect_dma source(%dma_start3A_31 : memref<10000x256xi32, #tpu.memory_space<hbm>>) target(%arg18 : memref<40x256xi32, #tpu.memory_space<vmem>>) offsets(%arg8 : memref<40xi32, #tpu.memory_space<vmem>>) semaphore(%arg33 : memref<!tpu.dma_semaphore, #tpu.memory_space<semaphore_mem>>)
    %scan3A = arith.constant 0 : i32
    %scan3A_32 = arith.constant 0 : i32
    %scan3A_33 = arith.constant 62 : i32
    %scan3A_34 = arith.addi %scan3A_32, %scan3A_33 : i32
    %scan3A_35 = arith.constant 1 : i32
    scf.for %scan3A_148 = %scan3A_32 to %scan3A_34 step %scan3A_35  : i32 {
      %mul3A_149 = arith.constant 4 : i32
      %mul3A_150 = arith.muli %scan3A_148, %mul3A_149 : i32
      %add3A_151 = arith.constant 0 : i32
      %add3A_152 = arith.addi %mul3A_150, %add3A_151 : i32
      %ge3A_153 = arith.constant 2 : i32
      %ge3A_154 = arith.cmpi sge, %add3A_152, %ge3A_153 : i32
      %convert_element_type3A_155 = arith.extui %ge3A_154 : i1 to i32
      %cond3A_156 = arith.constant 0 : i32
      %cond3A_157 = arith.cmpi ne, %convert_element_type3A_155, %cond3A_156 : i32
      scf.if %cond3A_157 {
        %dma_wait3A_345 = arith.constant 0 : i32
        %dma_wait3A_346 = arith.constant 0 : i32
        %dma_wait3A_347 = tpu.memref_slice %arg22[%dma_wait3A_345, %dma_wait3A_346] : memref<10112x128xf32, #tpu.memory_space<vmem_shared>> -> memref<10112x128xf32, #tpu.memory_space<vmem_shared>>
        tpu.wait_indirect_dma semaphore(%arg35 : memref<!tpu.dma_semaphore, #tpu.memory_space<semaphore_mem>>) src(%arg20 : memref<40x128xf32, #tpu.memory_space<vmem>>) dst(%dma_wait3A_347 : memref<10112x128xf32, #tpu.memory_space<vmem_shared>>)
      } else {
      }
      %add3A_158 = arith.constant 2 : i32
      %add3A_159 = arith.addi %add3A_152, %add3A_158 : i32
      %lt3A_160 = arith.constant 250 : i32
      %lt3A_161 = arith.cmpi slt, %add3A_159, %lt3A_160 : i32
      %convert_element_type3A_162 = arith.extui %lt3A_161 : i1 to i32
      %cond3A_163 = arith.constant 0 : i32
      %cond3A_164 = arith.cmpi ne, %convert_element_type3A_162, %cond3A_163 : i32
      scf.if %cond3A_164 {
        %add3A_345 = arith.constant 2 : i32
        %add3A_346 = arith.addi %add3A_152, %add3A_345 : i32
        %mul3A_347 = arith.constant 40 : i32
        %mul3A_348 = arith.muli %add3A_346, %mul3A_347 : i32
        %add3A_349 = arith.addi %mul3A_8, %mul3A_348 : i32
        %dma_start3A_350 = tpu.memref_slice %arg3[%add3A_349] : memref<320000xi32, #tpu.memory_space<hbm>> -> memref<40xi32, #tpu.memory_space<hbm>>
        %dma_start3A_351 = tpu.memref_slice %arg3[%add3A_349] : memref<320000xi32, #tpu.memory_space<hbm>> -> memref<40xi32, #tpu.memory_space<hbm>>
        tpu.enqueue_dma source(%dma_start3A_351 : memref<40xi32, #tpu.memory_space<hbm>>) target(%arg10 : memref<40xi32, #tpu.memory_space<vmem>>) target_semaphore(%arg25 : memref<!tpu.dma_semaphore, #tpu.memory_space<semaphore_mem>>)
        %dma_start3A_352 = tpu.memref_slice %arg4[%add3A_349] : memref<320000xi32, #tpu.memory_space<hbm>> -> memref<40xi32, #tpu.memory_space<hbm>>
        %dma_start3A_353 = tpu.memref_slice %arg4[%add3A_349] : memref<320000xi32, #tpu.memory_space<hbm>> -> memref<40xi32, #tpu.memory_space<hbm>>
        tpu.enqueue_dma source(%dma_start3A_353 : memref<40xi32, #tpu.memory_space<hbm>>) target(%arg14 : memref<40xi32, #tpu.memory_space<vmem>>) target_semaphore(%arg29 : memref<!tpu.dma_semaphore, #tpu.memory_space<semaphore_mem>>)
      } else {
      }
      %add3A_165 = arith.constant 1 : i32
      %add3A_166 = arith.addi %add3A_152, %add3A_165 : i32
      %lt3A_167 = arith.constant 250 : i32
      %lt3A_168 = arith.cmpi slt, %add3A_166, %lt3A_167 : i32
      %convert_element_type3A_169 = arith.extui %lt3A_168 : i1 to i32
      %cond3A_170 = arith.constant 0 : i32
      %cond3A_171 = arith.cmpi ne, %convert_element_type3A_169, %cond3A_170 : i32
      scf.if %cond3A_171 {
        %add3A_345 = arith.constant 1 : i32
        %add3A_346 = arith.addi %add3A_152, %add3A_345 : i32
        %mul3A_347 = arith.constant 40 : i32
        %mul3A_348 = arith.muli %add3A_346, %mul3A_347 : i32
        %add3A_349 = arith.addi %mul3A_8, %mul3A_348 : i32
        %dma_wait3A_350 = tpu.memref_slice %arg3[%add3A_349] : memref<320000xi32, #tpu.memory_space<hbm>> -> memref<40xi32, #tpu.memory_space<hbm>>
        %dma_wait3A_351 = tpu.memref_slice %arg3[%add3A_349] : memref<320000xi32, #tpu.memory_space<hbm>> -> memref<40xi32, #tpu.memory_space<hbm>>
        tpu.wait_dma2 semaphore(%arg24 : memref<!tpu.dma_semaphore, #tpu.memory_space<semaphore_mem>>) src(%dma_wait3A_351 : memref<40xi32, #tpu.memory_space<hbm>>) dst(%arg9 : memref<40xi32, #tpu.memory_space<vmem>>)
        %dma_start3A_352 = arith.constant 0 : i32
        %dma_start3A_353 = arith.constant 0 : i32
        %dma_start3A_354 = tpu.memref_slice %arg2[%dma_start3A_352, %dma_start3A_353] : memref<10000x256xi32, #tpu.memory_space<hbm>> -> memref<10000x256xi32, #tpu.memory_space<hbm>>
        tpu.enqueue_indirect_dma source(%dma_start3A_354 : memref<10000x256xi32, #tpu.memory_space<hbm>>) target(%arg19 : memref<40x256xi32, #tpu.memory_space<vmem>>) offsets(%arg9 : memref<40xi32, #tpu.memory_space<vmem>>) semaphore(%arg34 : memref<!tpu.dma_semaphore, #tpu.memory_space<semaphore_mem>>)
        %add3A_355 = arith.addi %mul3A_6, %add3A_152 : i32
        %add3A_356 = arith.constant 1 : i32
        %add3A_357 = arith.addi %add3A_355, %add3A_356 : i32
        %dma_start3A_358 = arith.constant 0 : i32
        %dma_start3A_359 = arith.constant 0 : i32
        %dma_start3A_360 = tpu.memref_slice %arg5[%add3A_357, %dma_start3A_358, %dma_start3A_359] : memref<8000x20x128xf32, #tpu.memory_space<hbm>> -> memref<1x20x128xf32, #tpu.memory_space<hbm>>
        %dma_start3A_361 = tpu.memref_squeeze %dma_start3A_360 : memref<1x20x128xf32, #tpu.memory_space<hbm>> -> memref<20x128xf32, #tpu.memory_space<hbm>>
        %dma_start3A_362 = arith.constant 0 : i32
        %dma_start3A_363 = arith.constant 0 : i32
        %dma_start3A_364 = tpu.memref_slice %arg5[%add3A_357, %dma_start3A_362, %dma_start3A_363] : memref<8000x20x128xf32, #tpu.memory_space<hbm>> -> memref<1x20x128xf32, #tpu.memory_space<hbm>>
        %dma_start3A_365 = tpu.memref_squeeze %dma_start3A_364 : memref<1x20x128xf32, #tpu.memory_space<hbm>> -> memref<20x128xf32, #tpu.memory_space<hbm>>
        tpu.enqueue_dma source(%dma_start3A_365 : memref<20x128xf32, #tpu.memory_space<hbm>>) target(%arg17 : memref<20x128xf32, #tpu.memory_space<vmem>>) target_semaphore(%arg32 : memref<!tpu.dma_semaphore, #tpu.memory_space<semaphore_mem>>)
      } else {
      }
      %dma_wait3A_172 = arith.constant 0 : i32
      %dma_wait3A_173 = arith.constant 0 : i32
      %dma_wait3A_174 = tpu.memref_slice %arg2[%dma_wait3A_172, %dma_wait3A_173] : memref<10000x256xi32, #tpu.memory_space<hbm>> -> memref<10000x256xi32, #tpu.memory_space<hbm>>
      tpu.wait_indirect_dma semaphore(%arg33 : memref<!tpu.dma_semaphore, #tpu.memory_space<semaphore_mem>>) src(%dma_wait3A_174 : memref<10000x256xi32, #tpu.memory_space<hbm>>) dst(%arg18 : memref<40x256xi32, #tpu.memory_space<vmem>>)
      %add3A_175 = arith.addi %mul3A_6, %add3A_152 : i32
      %dma_wait3A_176 = arith.constant 0 : i32
      %dma_wait3A_177 = arith.constant 0 : i32
      %dma_wait3A_178 = tpu.memref_slice %arg5[%add3A_175, %dma_wait3A_176, %dma_wait3A_177] : memref<8000x20x128xf32, #tpu.memory_space<hbm>> -> memref<1x20x128xf32, #tpu.memory_space<hbm>>
      %dma_wait3A_179 = tpu.memref_squeeze %dma_wait3A_178 : memref<1x20x128xf32, #tpu.memory_space<hbm>> -> memref<20x128xf32, #tpu.memory_space<hbm>>
      %dma_wait3A_180 = arith.constant 0 : i32
      %dma_wait3A_181 = arith.constant 0 : i32
      %dma_wait3A_182 = tpu.memref_slice %arg5[%add3A_175, %dma_wait3A_180, %dma_wait3A_181] : memref<8000x20x128xf32, #tpu.memory_space<hbm>> -> memref<1x20x128xf32, #tpu.memory_space<hbm>>
      %dma_wait3A_183 = tpu.memref_squeeze %dma_wait3A_182 : memref<1x20x128xf32, #tpu.memory_space<hbm>> -> memref<20x128xf32, #tpu.memory_space<hbm>>
      tpu.wait_dma2 semaphore(%arg31 : memref<!tpu.dma_semaphore, #tpu.memory_space<semaphore_mem>>) src(%dma_wait3A_183 : memref<20x128xf32, #tpu.memory_space<hbm>>) dst(%arg16 : memref<20x128xf32, #tpu.memory_space<vmem>>)
      %mul3A_184 = arith.constant 40 : i32
      %mul3A_185 = arith.muli %add3A_152, %mul3A_184 : i32
      %add3A_186 = arith.addi %mul3A_8, %mul3A_185 : i32
      %dma_wait3A_187 = tpu.memref_slice %arg4[%add3A_186] : memref<320000xi32, #tpu.memory_space<hbm>> -> memref<40xi32, #tpu.memory_space<hbm>>
      %dma_wait3A_188 = tpu.memref_slice %arg4[%add3A_186] : memref<320000xi32, #tpu.memory_space<hbm>> -> memref<40xi32, #tpu.memory_space<hbm>>
      tpu.wait_dma2 semaphore(%arg27 : memref<!tpu.dma_semaphore, #tpu.memory_space<semaphore_mem>>) src(%dma_wait3A_188 : memref<40xi32, #tpu.memory_space<hbm>>) dst(%arg12 : memref<40xi32, #tpu.memory_space<vmem>>)
      %scan3A_189 = arith.constant 0 : i32
      %scan3A_190 = arith.constant 0 : i32
      %scan3A_191 = arith.constant 40 : i32
      %scan3A_192 = arith.addi %scan3A_190, %scan3A_191 : i32
      %scan3A_193 = arith.constant 2 : i32
      scf.for %scan3A_345 = %scan3A_190 to %scan3A_192 step %scan3A_193  : i32 {
        %jit3A = arith.constant 2 : i32
        %div3A = arith.divsi %scan3A_345, %jit3A : i32
        %sign3A = arith.constant 0 : i32
        %sign3A_346 = arith.cmpi sgt, %scan3A_345, %sign3A : i32
        %sign3A_347 = arith.extui %sign3A_346 : i1 to i32
        %sign3A_348 = arith.constant 0 : i32
        %sign3A_349 = arith.cmpi slt, %scan3A_345, %sign3A_348 : i32
        %sign3A_350 = arith.extui %sign3A_349 : i1 to i32
        %sign3A_351 = arith.subi %sign3A_347, %sign3A_350 : i32
        %sign3A_352 = arith.constant 0 : i32
        %sign3A_353 = arith.cmpi sgt, %jit3A, %sign3A_352 : i32
        %sign3A_354 = arith.extui %sign3A_353 : i1 to i32
        %sign3A_355 = arith.constant 0 : i32
        %sign3A_356 = arith.cmpi slt, %jit3A, %sign3A_355 : i32
        %sign3A_357 = arith.extui %sign3A_356 : i1 to i32
        %sign3A_358 = arith.subi %sign3A_354, %sign3A_357 : i32
        %ne3A = arith.cmpi ne, %sign3A_351, %sign3A_358 : i32
        %rem3A = arith.remsi %scan3A_345, %jit3A : i32
        %ne3A_359 = arith.constant 0 : i32
        %ne3A_360 = arith.cmpi ne, %rem3A, %ne3A_359 : i32
        %and3A = arith.andi %ne3A, %ne3A_360 : i1
        %sub3A = arith.constant 1 : i32
        %sub3A_361 = arith.subi %div3A, %sub3A : i32
        %select_n3A = arith.select %and3A, %sub3A_361, %div3A : i32
        %jit3A_362 = arith.constant 2 : i32
        %eq3A = arith.constant 0 : i32
        %eq3A_363 = arith.cmpi eq, %jit3A_362, %eq3A : i32
        %jit3A_364 = arith.constant 1 : i32
        %select_n3A_365 = arith.select %eq3A_363, %jit3A_364, %jit3A_362 : i32
        %rem3A_366 = arith.remsi %scan3A_345, %select_n3A_365 : i32
        %ne3A_367 = arith.constant 0 : i32
        %ne3A_368 = arith.cmpi ne, %rem3A_366, %ne3A_367 : i32
        %lt3A_369 = arith.constant 0 : i32
        %lt3A_370 = arith.cmpi slt, %rem3A_366, %lt3A_369 : i32
        %lt3A_371 = arith.constant 0 : i32
        %lt3A_372 = arith.cmpi slt, %select_n3A_365, %lt3A_371 : i32
        %ne3A_373 = arith.xori %lt3A_370, %lt3A_372 : i1
        %and3A_374 = arith.andi %ne3A_373, %ne3A_368 : i1
        %add3A_375 = arith.addi %rem3A_366, %select_n3A_365 : i32
        %select_n3A_376 = arith.select %and3A_374, %add3A_375, %rem3A_366 : i32
        %mul3A_377 = arith.constant 64 : i32
        %mul3A_378 = arith.muli %select_n3A_376, %mul3A_377 : i32
        %get3A = arith.index_cast %select_n3A : i32 to index
        %get3A_379 = arith.index_cast %mul3A_378 : i32 to index
        %get3A_380 = tpu.vector_load %arg16[%get3A, %get3A_379] {strides = array<i32>} : memref<20x128xf32, #tpu.memory_space<vmem>>, vector<16xf32>,
        %add3A_381 = arith.constant 16 : i32
        %add3A_382 = arith.addi %mul3A_378, %add3A_381 : i32
        %get3A_383 = arith.index_cast %select_n3A : i32 to index
        %get3A_384 = arith.index_cast %add3A_382 : i32 to index
        %get3A_385 = tpu.vector_load %arg16[%get3A_383, %get3A_384] {strides = array<i32>} : memref<20x128xf32, #tpu.memory_space<vmem>>, vector<16xf32>,
        %add3A_386 = arith.constant 32 : i32
        %add3A_387 = arith.addi %mul3A_378, %add3A_386 : i32
        %get3A_388 = arith.index_cast %select_n3A : i32 to index
        %get3A_389 = arith.index_cast %add3A_387 : i32 to index
        %get3A_390 = tpu.vector_load %arg16[%get3A_388, %get3A_389] {strides = array<i32>} : memref<20x128xf32, #tpu.memory_space<vmem>>, vector<16xf32>,
        %add3A_391 = arith.constant 48 : i32
        %add3A_392 = arith.addi %mul3A_378, %add3A_391 : i32
        %get3A_393 = arith.index_cast %select_n3A : i32 to index
        %get3A_394 = arith.index_cast %add3A_392 : i32 to index
        %get3A_395 = tpu.vector_load %arg16[%get3A_393, %get3A_394] {strides = array<i32>} : memref<20x128xf32, #tpu.memory_space<vmem>>, vector<16xf32>,
        %get3A_396 = arith.index_cast %scan3A_345 : i32 to index
        %get3A_397 = arith.constant 0 : index
        %get3A_398 = tpu.vector_load %arg18[%get3A_396, %get3A_397] {strides = array<i32>} : memref<40x256xi32, #tpu.memory_space<vmem>>, vector<16xi32>,
        %bitcast3A = vector.bitcast %get3A_398 : vector<16xi32> to vector<32xbf16>
        %unpack3A = tpu.unpack_subelements %bitcast3A, 0 {pack_format = #tpu.pack_format<interleaved>} : vector<32xbf16> -> vector<16xf32>
        %unpack3A_399 = tpu.unpack_subelements %bitcast3A, 1 {pack_format = #tpu.pack_format<interleaved>} : vector<32xbf16> -> vector<16xf32>
        %get3A_400 = arith.index_cast %scan3A_345 : i32 to index
        %get3A_401 = arith.constant 64 : index
        %get3A_402 = tpu.vector_load %arg18[%get3A_400, %get3A_401] {strides = array<i32>} : memref<40x256xi32, #tpu.memory_space<vmem>>, vector<16xi32>,
        %bitcast3A_403 = vector.bitcast %get3A_402 : vector<16xi32> to vector<32xbf16>
        %unpack3A_404 = tpu.unpack_subelements %bitcast3A_403, 0 {pack_format = #tpu.pack_format<interleaved>} : vector<32xbf16> -> vector<16xf32>
        %unpack3A_405 = tpu.unpack_subelements %bitcast3A_403, 1 {pack_format = #tpu.pack_format<interleaved>} : vector<32xbf16> -> vector<16xf32>
        %get3A_406 = arith.index_cast %scan3A_345 : i32 to index
        %get3A_407 = arith.constant 128 : index
        %get3A_408 = tpu.vector_load %arg18[%get3A_406, %get3A_407] {strides = array<i32>} : memref<40x256xi32, #tpu.memory_space<vmem>>, vector<16xi32>,
        %bitcast3A_409 = vector.bitcast %get3A_408 : vector<16xi32> to vector<32xbf16>
        %unpack3A_410 = tpu.unpack_subelements %bitcast3A_409, 0 {pack_format = #tpu.pack_format<interleaved>} : vector<32xbf16> -> vector<16xf32>
        %unpack3A_411 = tpu.unpack_subelements %bitcast3A_409, 1 {pack_format = #tpu.pack_format<interleaved>} : vector<32xbf16> -> vector<16xf32>
        %get3A_412 = arith.index_cast %scan3A_345 : i32 to index
        %get3A_413 = arith.constant 192 : index
        %get3A_414 = tpu.vector_load %arg18[%get3A_412, %get3A_413] {strides = array<i32>} : memref<40x256xi32, #tpu.memory_space<vmem>>, vector<16xi32>,
        %bitcast3A_415 = vector.bitcast %get3A_414 : vector<16xi32> to vector<32xbf16>
        %unpack3A_416 = tpu.unpack_subelements %bitcast3A_415, 0 {pack_format = #tpu.pack_format<interleaved>} : vector<32xbf16> -> vector<16xf32>
        %unpack3A_417 = tpu.unpack_subelements %bitcast3A_415, 1 {pack_format = #tpu.pack_format<interleaved>} : vector<32xbf16> -> vector<16xf32>
        %mul3A_418 = arith.mulf %get3A_380, %unpack3A : vector<16xf32>
        %mul3A_419 = arith.mulf %get3A_385, %unpack3A_404 : vector<16xf32>
        %add3A_420 = arith.addf %mul3A_418, %mul3A_419 : vector<16xf32>
        %mul3A_421 = arith.mulf %get3A_390, %unpack3A_410 : vector<16xf32>
        %add3A_422 = arith.addf %add3A_420, %mul3A_421 : vector<16xf32>
        %mul3A_423 = arith.mulf %get3A_395, %unpack3A_416 : vector<16xf32>
        %add3A_424 = arith.addf %add3A_422, %mul3A_423 : vector<16xf32>
        %mul3A_425 = arith.mulf %get3A_380, %unpack3A_399 : vector<16xf32>
        %mul3A_426 = arith.mulf %get3A_385, %unpack3A_405 : vector<16xf32>
        %add3A_427 = arith.addf %mul3A_425, %mul3A_426 : vector<16xf32>
        %mul3A_428 = arith.mulf %get3A_390, %unpack3A_411 : vector<16xf32>
        %add3A_429 = arith.addf %add3A_427, %mul3A_428 : vector<16xf32>
        %mul3A_430 = arith.mulf %get3A_395, %unpack3A_417 : vector<16xf32>
        %add3A_431 = arith.addf %add3A_429, %mul3A_430 : vector<16xf32>
        %swap3A = arith.index_cast %scan3A_345 : i32 to index
        %swap3A_432 = arith.constant 0 : index
        %swap3A_433 = tpu.vector_load %arg20[%swap3A, %swap3A_432] {strides = array<i32>} : memref<40x128xf32, #tpu.memory_space<vmem>>, vector<16xf32>,
        tpu.vector_store %arg20[%swap3A, %swap3A_432], %add3A_424 {strides = array<i32>} : memref<40x128xf32, #tpu.memory_space<vmem>>, vector<16xf32>,
        %swap3A_434 = arith.index_cast %scan3A_345 : i32 to index
        %swap3A_435 = arith.constant 16 : index
        %swap3A_436 = tpu.vector_load %arg20[%swap3A_434, %swap3A_435] {strides = array<i32>} : memref<40x128xf32, #tpu.memory_space<vmem>>, vector<16xf32>,
        tpu.vector_store %arg20[%swap3A_434, %swap3A_435], %add3A_431 {strides = array<i32>} : memref<40x128xf32, #tpu.memory_space<vmem>>, vector<16xf32>,
        %get3A_437 = arith.index_cast %scan3A_345 : i32 to index
        %get3A_438 = arith.constant 16 : index
        %get3A_439 = tpu.vector_load %arg18[%get3A_437, %get3A_438] {strides = array<i32>} : memref<40x256xi32, #tpu.memory_space<vmem>>, vector<16xi32>,
        %bitcast3A_440 = vector.bitcast %get3A_439 : vector<16xi32> to vector<32xbf16>
        %unpack3A_441 = tpu.unpack_subelements %bitcast3A_440, 0 {pack_format = #tpu.pack_format<interleaved>} : vector<32xbf16> -> vector<16xf32>
        %unpack3A_442 = tpu.unpack_subelements %bitcast3A_440, 1 {pack_format = #tpu.pack_format<interleaved>} : vector<32xbf16> -> vector<16xf32>
        %get3A_443 = arith.index_cast %scan3A_345 : i32 to index
        %get3A_444 = arith.constant 80 : index
        %get3A_445 = tpu.vector_load %arg18[%get3A_443, %get3A_444] {strides = array<i32>} : memref<40x256xi32, #tpu.memory_space<vmem>>, vector<16xi32>,
        %bitcast3A_446 = vector.bitcast %get3A_445 : vector<16xi32> to vector<32xbf16>
        %unpack3A_447 = tpu.unpack_subelements %bitcast3A_446, 0 {pack_format = #tpu.pack_format<interleaved>} : vector<32xbf16> -> vector<16xf32>
        %unpack3A_448 = tpu.unpack_subelements %bitcast3A_446, 1 {pack_format = #tpu.pack_format<interleaved>} : vector<32xbf16> -> vector<16xf32>
        %get3A_449 = arith.index_cast %scan3A_345 : i32 to index
        %get3A_450 = arith.constant 144 : index
        %get3A_451 = tpu.vector_load %arg18[%get3A_449, %get3A_450] {strides = array<i32>} : memref<40x256xi32, #tpu.memory_space<vmem>>, vector<16xi32>,
        %bitcast3A_452 = vector.bitcast %get3A_451 : vector<16xi32> to vector<32xbf16>
        %unpack3A_453 = tpu.unpack_subelements %bitcast3A_452, 0 {pack_format = #tpu.pack_format<interleaved>} : vector<32xbf16> -> vector<16xf32>
        %unpack3A_454 = tpu.unpack_subelements %bitcast3A_452, 1 {pack_format = #tpu.pack_format<interleaved>} : vector<32xbf16> -> vector<16xf32>
        %get3A_455 = arith.index_cast %scan3A_345 : i32 to index
        %get3A_456 = arith.constant 208 : index
        %get3A_457 = tpu.vector_load %arg18[%get3A_455, %get3A_456] {strides = array<i32>} : memref<40x256xi32, #tpu.memory_space<vmem>>, vector<16xi32>,
        %bitcast3A_458 = vector.bitcast %get3A_457 : vector<16xi32> to vector<32xbf16>
        %unpack3A_459 = tpu.unpack_subelements %bitcast3A_458, 0 {pack_format = #tpu.pack_format<interleaved>} : vector<32xbf16> -> vector<16xf32>
        %unpack3A_460 = tpu.unpack_subelements %bitcast3A_458, 1 {pack_format = #tpu.pack_format<interleaved>} : vector<32xbf16> -> vector<16xf32>
        %mul3A_461 = arith.mulf %get3A_380, %unpack3A_441 : vector<16xf32>
        %mul3A_462 = arith.mulf %get3A_385, %unpack3A_447 : vector<16xf32>
        %add3A_463 = arith.addf %mul3A_461, %mul3A_462 : vector<16xf32>
        %mul3A_464 = arith.mulf %get3A_390, %unpack3A_453 : vector<16xf32>
        %add3A_465 = arith.addf %add3A_463, %mul3A_464 : vector<16xf32>
        %mul3A_466 = arith.mulf %get3A_395, %unpack3A_459 : vector<16xf32>
        %add3A_467 = arith.addf %add3A_465, %mul3A_466 : vector<16xf32>
        %mul3A_468 = arith.mulf %get3A_380, %unpack3A_442 : vector<16xf32>
        %mul3A_469 = arith.mulf %get3A_385, %unpack3A_448 : vector<16xf32>
        %add3A_470 = arith.addf %mul3A_468, %mul3A_469 : vector<16xf32>
        %mul3A_471 = arith.mulf %get3A_390, %unpack3A_454 : vector<16xf32>
        %add3A_472 = arith.addf %add3A_470, %mul3A_471 : vector<16xf32>
        %mul3A_473 = arith.mulf %get3A_395, %unpack3A_460 : vector<16xf32>
        %add3A_474 = arith.addf %add3A_472, %mul3A_473 : vector<16xf32>
        %swap3A_475 = arith.index_cast %scan3A_345 : i32 to index
        %swap3A_476 = arith.constant 32 : index
        %swap3A_477 = tpu.vector_load %arg20[%swap3A_475, %swap3A_476] {strides = array<i32>} : memref<40x128xf32, #tpu.memory_space<vmem>>, vector<16xf32>,
        tpu.vector_store %arg20[%swap3A_475, %swap3A_476], %add3A_467 {strides = array<i32>} : memref<40x128xf32, #tpu.memory_space<vmem>>, vector<16xf32>,
        %swap3A_478 = arith.index_cast %scan3A_345 : i32 to index
        %swap3A_479 = arith.constant 48 : index
        %swap3A_480 = tpu.vector_load %arg20[%swap3A_478, %swap3A_479] {strides = array<i32>} : memref<40x128xf32, #tpu.memory_space<vmem>>, vector<16xf32>,
        tpu.vector_store %arg20[%swap3A_478, %swap3A_479], %add3A_474 {strides = array<i32>} : memref<40x128xf32, #tpu.memory_space<vmem>>, vector<16xf32>,
        %get3A_481 = arith.index_cast %scan3A_345 : i32 to index
        %get3A_482 = arith.constant 32 : index
        %get3A_483 = tpu.vector_load %arg18[%get3A_481, %get3A_482] {strides = array<i32>} : memref<40x256xi32, #tpu.memory_space<vmem>>, vector<16xi32>,
        %bitcast3A_484 = vector.bitcast %get3A_483 : vector<16xi32> to vector<32xbf16>
        %unpack3A_485 = tpu.unpack_subelements %bitcast3A_484, 0 {pack_format = #tpu.pack_format<interleaved>} : vector<32xbf16> -> vector<16xf32>
        %unpack3A_486 = tpu.unpack_subelements %bitcast3A_484, 1 {pack_format = #tpu.pack_format<interleaved>} : vector<32xbf16> -> vector<16xf32>
        %get3A_487 = arith.index_cast %scan3A_345 : i32 to index
        %get3A_488 = arith.constant 96 : index
        %get3A_489 = tpu.vector_load %arg18[%get3A_487, %get3A_488] {strides = array<i32>} : memref<40x256xi32, #tpu.memory_space<vmem>>, vector<16xi32>,
        %bitcast3A_490 = vector.bitcast %get3A_489 : vector<16xi32> to vector<32xbf16>
        %unpack3A_491 = tpu.unpack_subelements %bitcast3A_490, 0 {pack_format = #tpu.pack_format<interleaved>} : vector<32xbf16> -> vector<16xf32>
        %unpack3A_492 = tpu.unpack_subelements %bitcast3A_490, 1 {pack_format = #tpu.pack_format<interleaved>} : vector<32xbf16> -> vector<16xf32>
        %get3A_493 = arith.index_cast %scan3A_345 : i32 to index
        %get3A_494 = arith.constant 160 : index
        %get3A_495 = tpu.vector_load %arg18[%get3A_493, %get3A_494] {strides = array<i32>} : memref<40x256xi32, #tpu.memory_space<vmem>>, vector<16xi32>,
        %bitcast3A_496 = vector.bitcast %get3A_495 : vector<16xi32> to vector<32xbf16>
        %unpack3A_497 = tpu.unpack_subelements %bitcast3A_496, 0 {pack_format = #tpu.pack_format<interleaved>} : vector<32xbf16> -> vector<16xf32>
        %unpack3A_498 = tpu.unpack_subelements %bitcast3A_496, 1 {pack_format = #tpu.pack_format<interleaved>} : vector<32xbf16> -> vector<16xf32>
        %get3A_499 = arith.index_cast %scan3A_345 : i32 to index
        %get3A_500 = arith.constant 224 : index
        %get3A_501 = tpu.vector_load %arg18[%get3A_499, %get3A_500] {strides = array<i32>} : memref<40x256xi32, #tpu.memory_space<vmem>>, vector<16xi32>,
        %bitcast3A_502 = vector.bitcast %get3A_501 : vector<16xi32> to vector<32xbf16>
        %unpack3A_503 = tpu.unpack_subelements %bitcast3A_502, 0 {pack_format = #tpu.pack_format<interleaved>} : vector<32xbf16> -> vector<16xf32>
        %unpack3A_504 = tpu.unpack_subelements %bitcast3A_502, 1 {pack_format = #tpu.pack_format<interleaved>} : vector<32xbf16> -> vector<16xf32>
        %mul3A_505 = arith.mulf %get3A_380, %unpack3A_485 : vector<16xf32>
        %mul3A_506 = arith.mulf %get3A_385, %unpack3A_491 : vector<16xf32>
        %add3A_507 = arith.addf %mul3A_505, %mul3A_506 : vector<16xf32>
        %mul3A_508 = arith.mulf %get3A_390, %unpack3A_497 : vector<16xf32>
        %add3A_509 = arith.addf %add3A_507, %mul3A_508 : vector<16xf32>
        %mul3A_510 = arith.mulf %get3A_395, %unpack3A_503 : vector<16xf32>
        %add3A_511 = arith.addf %add3A_509, %mul3A_510 : vector<16xf32>
        %mul3A_512 = arith.mulf %get3A_380, %unpack3A_486 : vector<16xf32>
        %mul3A_513 = arith.mulf %get3A_385, %unpack3A_492 : vector<16xf32>
        %add3A_514 = arith.addf %mul3A_512, %mul3A_513 : vector<16xf32>
        %mul3A_515 = arith.mulf %get3A_390, %unpack3A_498 : vector<16xf32>
        %add3A_516 = arith.addf %add3A_514, %mul3A_515 : vector<16xf32>
        %mul3A_517 = arith.mulf %get3A_395, %unpack3A_504 : vector<16xf32>
        %add3A_518 = arith.addf %add3A_516, %mul3A_517 : vector<16xf32>
        %swap3A_519 = arith.index_cast %scan3A_345 : i32 to index
        %swap3A_520 = arith.constant 64 : index
        %swap3A_521 = tpu.vector_load %arg20[%swap3A_519, %swap3A_520] {strides = array<i32>} : memref<40x128xf32, #tpu.memory_space<vmem>>, vector<16xf32>,
        tpu.vector_store %arg20[%swap3A_519, %swap3A_520], %add3A_511 {strides = array<i32>} : memref<40x128xf32, #tpu.memory_space<vmem>>, vector<16xf32>,
        %swap3A_522 = arith.index_cast %scan3A_345 : i32 to index
        %swap3A_523 = arith.constant 80 : index
        %swap3A_524 = tpu.vector_load %arg20[%swap3A_522, %swap3A_523] {strides = array<i32>} : memref<40x128xf32, #tpu.memory_space<vmem>>, vector<16xf32>,
        tpu.vector_store %arg20[%swap3A_522, %swap3A_523], %add3A_518 {strides = array<i32>} : memref<40x128xf32, #tpu.memory_space<vmem>>, vector<16xf32>,
        %get3A_525 = arith.index_cast %scan3A_345 : i32 to index
        %get3A_526 = arith.constant 48 : index
        %get3A_527 = tpu.vector_load %arg18[%get3A_525, %get3A_526] {strides = array<i32>} : memref<40x256xi32, #tpu.memory_space<vmem>>, vector<16xi32>,
        %bitcast3A_528 = vector.bitcast %get3A_527 : vector<16xi32> to vector<32xbf16>
        %unpack3A_529 = tpu.unpack_subelements %bitcast3A_528, 0 {pack_format = #tpu.pack_format<interleaved>} : vector<32xbf16> -> vector<16xf32>
        %unpack3A_530 = tpu.unpack_subelements %bitcast3A_528, 1 {pack_format = #tpu.pack_format<interleaved>} : vector<32xbf16> -> vector<16xf32>
        %get3A_531 = arith.index_cast %scan3A_345 : i32 to index
        %get3A_532 = arith.constant 112 : index
        %get3A_533 = tpu.vector_load %arg18[%get3A_531, %get3A_532] {strides = array<i32>} : memref<40x256xi32, #tpu.memory_space<vmem>>, vector<16xi32>,
        %bitcast3A_534 = vector.bitcast %get3A_533 : vector<16xi32> to vector<32xbf16>
        %unpack3A_535 = tpu.unpack_subelements %bitcast3A_534, 0 {pack_format = #tpu.pack_format<interleaved>} : vector<32xbf16> -> vector<16xf32>
        %unpack3A_536 = tpu.unpack_subelements %bitcast3A_534, 1 {pack_format = #tpu.pack_format<interleaved>} : vector<32xbf16> -> vector<16xf32>
        %get3A_537 = arith.index_cast %scan3A_345 : i32 to index
        %get3A_538 = arith.constant 176 : index
        %get3A_539 = tpu.vector_load %arg18[%get3A_537, %get3A_538] {strides = array<i32>} : memref<40x256xi32, #tpu.memory_space<vmem>>, vector<16xi32>,
        %bitcast3A_540 = vector.bitcast %get3A_539 : vector<16xi32> to vector<32xbf16>
        %unpack3A_541 = tpu.unpack_subelements %bitcast3A_540, 0 {pack_format = #tpu.pack_format<interleaved>} : vector<32xbf16> -> vector<16xf32>
        %unpack3A_542 = tpu.unpack_subelements %bitcast3A_540, 1 {pack_format = #tpu.pack_format<interleaved>} : vector<32xbf16> -> vector<16xf32>
        %get3A_543 = arith.index_cast %scan3A_345 : i32 to index
        %get3A_544 = arith.constant 240 : index
        %get3A_545 = tpu.vector_load %arg18[%get3A_543, %get3A_544] {strides = array<i32>} : memref<40x256xi32, #tpu.memory_space<vmem>>, vector<16xi32>,
        %bitcast3A_546 = vector.bitcast %get3A_545 : vector<16xi32> to vector<32xbf16>
        %unpack3A_547 = tpu.unpack_subelements %bitcast3A_546, 0 {pack_format = #tpu.pack_format<interleaved>} : vector<32xbf16> -> vector<16xf32>
        %unpack3A_548 = tpu.unpack_subelements %bitcast3A_546, 1 {pack_format = #tpu.pack_format<interleaved>} : vector<32xbf16> -> vector<16xf32>
        %mul3A_549 = arith.mulf %get3A_380, %unpack3A_529 : vector<16xf32>
        %mul3A_550 = arith.mulf %get3A_385, %unpack3A_535 : vector<16xf32>
        %add3A_551 = arith.addf %mul3A_549, %mul3A_550 : vector<16xf32>
        %mul3A_552 = arith.mulf %get3A_390, %unpack3A_541 : vector<16xf32>
        %add3A_553 = arith.addf %add3A_551, %mul3A_552 : vector<16xf32>
        %mul3A_554 = arith.mulf %get3A_395, %unpack3A_547 : vector<16xf32>
        %add3A_555 = arith.addf %add3A_553, %mul3A_554 : vector<16xf32>
        %mul3A_556 = arith.mulf %get3A_380, %unpack3A_530 : vector<16xf32>
        %mul3A_557 = arith.mulf %get3A_385, %unpack3A_536 : vector<16xf32>
        %add3A_558 = arith.addf %mul3A_556, %mul3A_557 : vector<16xf32>
        %mul3A_559 = arith.mulf %get3A_390, %unpack3A_542 : vector<16xf32>
        %add3A_560 = arith.addf %add3A_558, %mul3A_559 : vector<16xf32>
        %mul3A_561 = arith.mulf %get3A_395, %unpack3A_548 : vector<16xf32>
        %add3A_562 = arith.addf %add3A_560, %mul3A_561 : vector<16xf32>
        %swap3A_563 = arith.index_cast %scan3A_345 : i32 to index
        %swap3A_564 = arith.constant 96 : index
        %swap3A_565 = tpu.vector_load %arg20[%swap3A_563, %swap3A_564] {strides = array<i32>} : memref<40x128xf32, #tpu.memory_space<vmem>>, vector<16xf32>,
        tpu.vector_store %arg20[%swap3A_563, %swap3A_564], %add3A_555 {strides = array<i32>} : memref<40x128xf32, #tpu.memory_space<vmem>>, vector<16xf32>,
        %swap3A_566 = arith.index_cast %scan3A_345 : i32 to index
        %swap3A_567 = arith.constant 112 : index
        %swap3A_568 = tpu.vector_load %arg20[%swap3A_566, %swap3A_567] {strides = array<i32>} : memref<40x128xf32, #tpu.memory_space<vmem>>, vector<16xf32>,
        tpu.vector_store %arg20[%swap3A_566, %swap3A_567], %add3A_562 {strides = array<i32>} : memref<40x128xf32, #tpu.memory_space<vmem>>, vector<16xf32>,
        %scan3A_569 = arith.constant 1 : i32
        %scan3A_570 = arith.addi %scan3A_345, %scan3A_569 : i32
        %jit3A_571 = arith.constant 2 : i32
        %div3A_572 = arith.divsi %scan3A_570, %jit3A_571 : i32
        %sign3A_573 = arith.constant 0 : i32
        %sign3A_574 = arith.cmpi sgt, %scan3A_570, %sign3A_573 : i32
        %sign3A_575 = arith.extui %sign3A_574 : i1 to i32
        %sign3A_576 = arith.constant 0 : i32
        %sign3A_577 = arith.cmpi slt, %scan3A_570, %sign3A_576 : i32
        %sign3A_578 = arith.extui %sign3A_577 : i1 to i32
        %sign3A_579 = arith.subi %sign3A_575, %sign3A_578 : i32
        %sign3A_580 = arith.constant 0 : i32
        %sign3A_581 = arith.cmpi sgt, %jit3A_571, %sign3A_580 : i32
        %sign3A_582 = arith.extui %sign3A_581 : i1 to i32
        %sign3A_583 = arith.constant 0 : i32
        %sign3A_584 = arith.cmpi slt, %jit3A_571, %sign3A_583 : i32
        %sign3A_585 = arith.extui %sign3A_584 : i1 to i32
        %sign3A_586 = arith.subi %sign3A_582, %sign3A_585 : i32
        %ne3A_587 = arith.cmpi ne, %sign3A_579, %sign3A_586 : i32
        %rem3A_588 = arith.remsi %scan3A_570, %jit3A_571 : i32
        %ne3A_589 = arith.constant 0 : i32
        %ne3A_590 = arith.cmpi ne, %rem3A_588, %ne3A_589 : i32
        %and3A_591 = arith.andi %ne3A_587, %ne3A_590 : i1
        %sub3A_592 = arith.constant 1 : i32
        %sub3A_593 = arith.subi %div3A_572, %sub3A_592 : i32
        %select_n3A_594 = arith.select %and3A_591, %sub3A_593, %div3A_572 : i32
        %jit3A_595 = arith.constant 2 : i32
        %eq3A_596 = arith.constant 0 : i32
        %eq3A_597 = arith.cmpi eq, %jit3A_595, %eq3A_596 : i32
        %jit3A_598 = arith.constant 1 : i32
        %select_n3A_599 = arith.select %eq3A_597, %jit3A_598, %jit3A_595 : i32
        %rem3A_600 = arith.remsi %scan3A_570, %select_n3A_599 : i32
        %ne3A_601 = arith.constant 0 : i32
        %ne3A_602 = arith.cmpi ne, %rem3A_600, %ne3A_601 : i32
        %lt3A_603 = arith.constant 0 : i32
        %lt3A_604 = arith.cmpi slt, %rem3A_600, %lt3A_603 : i32
        %lt3A_605 = arith.constant 0 : i32
        %lt3A_606 = arith.cmpi slt, %select_n3A_599, %lt3A_605 : i32
        %ne3A_607 = arith.xori %lt3A_604, %lt3A_606 : i1
        %and3A_608 = arith.andi %ne3A_607, %ne3A_602 : i1
        %add3A_609 = arith.addi %rem3A_600, %select_n3A_599 : i32
        %select_n3A_610 = arith.select %and3A_608, %add3A_609, %rem3A_600 : i32
        %mul3A_611 = arith.constant 64 : i32
        %mul3A_612 = arith.muli %select_n3A_610, %mul3A_611 : i32
        %get3A_613 = arith.index_cast %select_n3A_594 : i32 to index
        %get3A_614 = arith.index_cast %mul3A_612 : i32 to index
        %get3A_615 = tpu.vector_load %arg16[%get3A_613, %get3A_614] {strides = array<i32>} : memref<20x128xf32, #tpu.memory_space<vmem>>, vector<16xf32>,
        %add3A_616 = arith.constant 16 : i32
        %add3A_617 = arith.addi %mul3A_612, %add3A_616 : i32
        %get3A_618 = arith.index_cast %select_n3A_594 : i32 to index
        %get3A_619 = arith.index_cast %add3A_617 : i32 to index
        %get3A_620 = tpu.vector_load %arg16[%get3A_618, %get3A_619] {strides = array<i32>} : memref<20x128xf32, #tpu.memory_space<vmem>>, vector<16xf32>,
        %add3A_621 = arith.constant 32 : i32
        %add3A_622 = arith.addi %mul3A_612, %add3A_621 : i32
        %get3A_623 = arith.index_cast %select_n3A_594 : i32 to index
        %get3A_624 = arith.index_cast %add3A_622 : i32 to index
        %get3A_625 = tpu.vector_load %arg16[%get3A_623, %get3A_624] {strides = array<i32>} : memref<20x128xf32, #tpu.memory_space<vmem>>, vector<16xf32>,
        %add3A_626 = arith.constant 48 : i32
        %add3A_627 = arith.addi %mul3A_612, %add3A_626 : i32
        %get3A_628 = arith.index_cast %select_n3A_594 : i32 to index
        %get3A_629 = arith.index_cast %add3A_627 : i32 to index
        %get3A_630 = tpu.vector_load %arg16[%get3A_628, %get3A_629] {strides = array<i32>} : memref<20x128xf32, #tpu.memory_space<vmem>>, vector<16xf32>,
        %get3A_631 = arith.index_cast %scan3A_570 : i32 to index
        %get3A_632 = arith.constant 0 : index
        %get3A_633 = tpu.vector_load %arg18[%get3A_631, %get3A_632] {strides = array<i32>} : memref<40x256xi32, #tpu.memory_space<vmem>>, vector<16xi32>,
        %bitcast3A_634 = vector.bitcast %get3A_633 : vector<16xi32> to vector<32xbf16>
        %unpack3A_635 = tpu.unpack_subelements %bitcast3A_634, 0 {pack_format = #tpu.pack_format<interleaved>} : vector<32xbf16> -> vector<16xf32>
        %unpack3A_636 = tpu.unpack_subelements %bitcast3A_634, 1 {pack_format = #tpu.pack_format<interleaved>} : vector<32xbf16> -> vector<16xf32>
        %get3A_637 = arith.index_cast %scan3A_570 : i32 to index
        %get3A_638 = arith.constant 64 : index
        %get3A_639 = tpu.vector_load %arg18[%get3A_637, %get3A_638] {strides = array<i32>} : memref<40x256xi32, #tpu.memory_space<vmem>>, vector<16xi32>,
        %bitcast3A_640 = vector.bitcast %get3A_639 : vector<16xi32> to vector<32xbf16>
        %unpack3A_641 = tpu.unpack_subelements %bitcast3A_640, 0 {pack_format = #tpu.pack_format<interleaved>} : vector<32xbf16> -> vector<16xf32>
        %unpack3A_642 = tpu.unpack_subelements %bitcast3A_640, 1 {pack_format = #tpu.pack_format<interleaved>} : vector<32xbf16> -> vector<16xf32>
        %get3A_643 = arith.index_cast %scan3A_570 : i32 to index
        %get3A_644 = arith.constant 128 : index
        %get3A_645 = tpu.vector_load %arg18[%get3A_643, %get3A_644] {strides = array<i32>} : memref<40x256xi32, #tpu.memory_space<vmem>>, vector<16xi32>,
        %bitcast3A_646 = vector.bitcast %get3A_645 : vector<16xi32> to vector<32xbf16>
        %unpack3A_647 = tpu.unpack_subelements %bitcast3A_646, 0 {pack_format = #tpu.pack_format<interleaved>} : vector<32xbf16> -> vector<16xf32>
        %unpack3A_648 = tpu.unpack_subelements %bitcast3A_646, 1 {pack_format = #tpu.pack_format<interleaved>} : vector<32xbf16> -> vector<16xf32>
        %get3A_649 = arith.index_cast %scan3A_570 : i32 to index
        %get3A_650 = arith.constant 192 : index
        %get3A_651 = tpu.vector_load %arg18[%get3A_649, %get3A_650] {strides = array<i32>} : memref<40x256xi32, #tpu.memory_space<vmem>>, vector<16xi32>,
        %bitcast3A_652 = vector.bitcast %get3A_651 : vector<16xi32> to vector<32xbf16>
        %unpack3A_653 = tpu.unpack_subelements %bitcast3A_652, 0 {pack_format = #tpu.pack_format<interleaved>} : vector<32xbf16> -> vector<16xf32>
        %unpack3A_654 = tpu.unpack_subelements %bitcast3A_652, 1 {pack_format = #tpu.pack_format<interleaved>} : vector<32xbf16> -> vector<16xf32>
        %mul3A_655 = arith.mulf %get3A_615, %unpack3A_635 : vector<16xf32>
        %mul3A_656 = arith.mulf %get3A_620, %unpack3A_641 : vector<16xf32>
        %add3A_657 = arith.addf %mul3A_655, %mul3A_656 : vector<16xf32>
        %mul3A_658 = arith.mulf %get3A_625, %unpack3A_647 : vector<16xf32>
        %add3A_659 = arith.addf %add3A_657, %mul3A_658 : vector<16xf32>
        %mul3A_660 = arith.mulf %get3A_630, %unpack3A_653 : vector<16xf32>
        %add3A_661 = arith.addf %add3A_659, %mul3A_660 : vector<16xf32>
        %mul3A_662 = arith.mulf %get3A_615, %unpack3A_636 : vector<16xf32>
        %mul3A_663 = arith.mulf %get3A_620, %unpack3A_642 : vector<16xf32>
        %add3A_664 = arith.addf %mul3A_662, %mul3A_663 : vector<16xf32>
        %mul3A_665 = arith.mulf %get3A_625, %unpack3A_648 : vector<16xf32>
        %add3A_666 = arith.addf %add3A_664, %mul3A_665 : vector<16xf32>
        %mul3A_667 = arith.mulf %get3A_630, %unpack3A_654 : vector<16xf32>
        %add3A_668 = arith.addf %add3A_666, %mul3A_667 : vector<16xf32>
        %swap3A_669 = arith.index_cast %scan3A_570 : i32 to index
        %swap3A_670 = arith.constant 0 : index
        %swap3A_671 = tpu.vector_load %arg20[%swap3A_669, %swap3A_670] {strides = array<i32>} : memref<40x128xf32, #tpu.memory_space<vmem>>, vector<16xf32>,
        tpu.vector_store %arg20[%swap3A_669, %swap3A_670], %add3A_661 {strides = array<i32>} : memref<40x128xf32, #tpu.memory_space<vmem>>, vector<16xf32>,
        %swap3A_672 = arith.index_cast %scan3A_570 : i32 to index
        %swap3A_673 = arith.constant 16 : index
        %swap3A_674 = tpu.vector_load %arg20[%swap3A_672, %swap3A_673] {strides = array<i32>} : memref<40x128xf32, #tpu.memory_space<vmem>>, vector<16xf32>,
        tpu.vector_store %arg20[%swap3A_672, %swap3A_673], %add3A_668 {strides = array<i32>} : memref<40x128xf32, #tpu.memory_space<vmem>>, vector<16xf32>,
        %get3A_675 = arith.index_cast %scan3A_570 : i32 to index
        %get3A_676 = arith.constant 16 : index
        %get3A_677 = tpu.vector_load %arg18[%get3A_675, %get3A_676] {strides = array<i32>} : memref<40x256xi32, #tpu.memory_space<vmem>>, vector<16xi32>,
        %bitcast3A_678 = vector.bitcast %get3A_677 : vector<16xi32> to vector<32xbf16>
        %unpack3A_679 = tpu.unpack_subelements %bitcast3A_678, 0 {pack_format = #tpu.pack_format<interleaved>} : vector<32xbf16> -> vector<16xf32>
        %unpack3A_680 = tpu.unpack_subelements %bitcast3A_678, 1 {pack_format = #tpu.pack_format<interleaved>} : vector<32xbf16> -> vector<16xf32>
        %get3A_681 = arith.index_cast %scan3A_570 : i32 to index
        %get3A_682 = arith.constant 80 : index
        %get3A_683 = tpu.vector_load %arg18[%get3A_681, %get3A_682] {strides = array<i32>} : memref<40x256xi32, #tpu.memory_space<vmem>>, vector<16xi32>,
        %bitcast3A_684 = vector.bitcast %get3A_683 : vector<16xi32> to vector<32xbf16>
        %unpack3A_685 = tpu.unpack_subelements %bitcast3A_684, 0 {pack_format = #tpu.pack_format<interleaved>} : vector<32xbf16> -> vector<16xf32>
        %unpack3A_686 = tpu.unpack_subelements %bitcast3A_684, 1 {pack_format = #tpu.pack_format<interleaved>} : vector<32xbf16> -> vector<16xf32>
        %get3A_687 = arith.index_cast %scan3A_570 : i32 to index
        %get3A_688 = arith.constant 144 : index
        %get3A_689 = tpu.vector_load %arg18[%get3A_687, %get3A_688] {strides = array<i32>} : memref<40x256xi32, #tpu.memory_space<vmem>>, vector<16xi32>,
        %bitcast3A_690 = vector.bitcast %get3A_689 : vector<16xi32> to vector<32xbf16>
        %unpack3A_691 = tpu.unpack_subelements %bitcast3A_690, 0 {pack_format = #tpu.pack_format<interleaved>} : vector<32xbf16> -> vector<16xf32>
        %unpack3A_692 = tpu.unpack_subelements %bitcast3A_690, 1 {pack_format = #tpu.pack_format<interleaved>} : vector<32xbf16> -> vector<16xf32>
        %get3A_693 = arith.index_cast %scan3A_570 : i32 to index
        %get3A_694 = arith.constant 208 : index
        %get3A_695 = tpu.vector_load %arg18[%get3A_693, %get3A_694] {strides = array<i32>} : memref<40x256xi32, #tpu.memory_space<vmem>>, vector<16xi32>,
        %bitcast3A_696 = vector.bitcast %get3A_695 : vector<16xi32> to vector<32xbf16>
        %unpack3A_697 = tpu.unpack_subelements %bitcast3A_696, 0 {pack_format = #tpu.pack_format<interleaved>} : vector<32xbf16> -> vector<16xf32>
        %unpack3A_698 = tpu.unpack_subelements %bitcast3A_696, 1 {pack_format = #tpu.pack_format<interleaved>} : vector<32xbf16> -> vector<16xf32>
        %mul3A_699 = arith.mulf %get3A_615, %unpack3A_679 : vector<16xf32>
        %mul3A_700 = arith.mulf %get3A_620, %unpack3A_685 : vector<16xf32>
        %add3A_701 = arith.addf %mul3A_699, %mul3A_700 : vector<16xf32>
        %mul3A_702 = arith.mulf %get3A_625, %unpack3A_691 : vector<16xf32>
        %add3A_703 = arith.addf %add3A_701, %mul3A_702 : vector<16xf32>
        %mul3A_704 = arith.mulf %get3A_630, %unpack3A_697 : vector<16xf32>
        %add3A_705 = arith.addf %add3A_703, %mul3A_704 : vector<16xf32>
        %mul3A_706 = arith.mulf %get3A_615, %unpack3A_680 : vector<16xf32>
        %mul3A_707 = arith.mulf %get3A_620, %unpack3A_686 : vector<16xf32>
        %add3A_708 = arith.addf %mul3A_706, %mul3A_707 : vector<16xf32>
        %mul3A_709 = arith.mulf %get3A_625, %unpack3A_692 : vector<16xf32>
        %add3A_710 = arith.addf %add3A_708, %mul3A_709 : vector<16xf32>
        %mul3A_711 = arith.mulf %get3A_630, %unpack3A_698 : vector<16xf32>
        %add3A_712 = arith.addf %add3A_710, %mul3A_711 : vector<16xf32>
        %swap3A_713 = arith.index_cast %scan3A_570 : i32 to index
        %swap3A_714 = arith.constant 32 : index
        %swap3A_715 = tpu.vector_load %arg20[%swap3A_713, %swap3A_714] {strides = array<i32>} : memref<40x128xf32, #tpu.memory_space<vmem>>, vector<16xf32>,
        tpu.vector_store %arg20[%swap3A_713, %swap3A_714], %add3A_705 {strides = array<i32>} : memref<40x128xf32, #tpu.memory_space<vmem>>, vector<16xf32>,
        %swap3A_716 = arith.index_cast %scan3A_570 : i32 to index
        %swap3A_717 = arith.constant 48 : index
        %swap3A_718 = tpu.vector_load %arg20[%swap3A_716, %swap3A_717] {strides = array<i32>} : memref<40x128xf32, #tpu.memory_space<vmem>>, vector<16xf32>,
        tpu.vector_store %arg20[%swap3A_716, %swap3A_717], %add3A_712 {strides = array<i32>} : memref<40x128xf32, #tpu.memory_space<vmem>>, vector<16xf32>,
        %get3A_719 = arith.index_cast %scan3A_570 : i32 to index
        %get3A_720 = arith.constant 32 : index
        %get3A_721 = tpu.vector_load %arg18[%get3A_719, %get3A_720] {strides = array<i32>} : memref<40x256xi32, #tpu.memory_space<vmem>>, vector<16xi32>,
        %bitcast3A_722 = vector.bitcast %get3A_721 : vector<16xi32> to vector<32xbf16>
        %unpack3A_723 = tpu.unpack_subelements %bitcast3A_722, 0 {pack_format = #tpu.pack_format<interleaved>} : vector<32xbf16> -> vector<16xf32>
        %unpack3A_724 = tpu.unpack_subelements %bitcast3A_722, 1 {pack_format = #tpu.pack_format<interleaved>} : vector<32xbf16> -> vector<16xf32>
        %get3A_725 = arith.index_cast %scan3A_570 : i32 to index
        %get3A_726 = arith.constant 96 : index
        %get3A_727 = tpu.vector_load %arg18[%get3A_725, %get3A_726] {strides = array<i32>} : memref<40x256xi32, #tpu.memory_space<vmem>>, vector<16xi32>,
        %bitcast3A_728 = vector.bitcast %get3A_727 : vector<16xi32> to vector<32xbf16>
        %unpack3A_729 = tpu.unpack_subelements %bitcast3A_728, 0 {pack_format = #tpu.pack_format<interleaved>} : vector<32xbf16> -> vector<16xf32>
        %unpack3A_730 = tpu.unpack_subelements %bitcast3A_728, 1 {pack_format = #tpu.pack_format<interleaved>} : vector<32xbf16> -> vector<16xf32>
        %get3A_731 = arith.index_cast %scan3A_570 : i32 to index
        %get3A_732 = arith.constant 160 : index
        %get3A_733 = tpu.vector_load %arg18[%get3A_731, %get3A_732] {strides = array<i32>} : memref<40x256xi32, #tpu.memory_space<vmem>>, vector<16xi32>,
        %bitcast3A_734 = vector.bitcast %get3A_733 : vector<16xi32> to vector<32xbf16>
        %unpack3A_735 = tpu.unpack_subelements %bitcast3A_734, 0 {pack_format = #tpu.pack_format<interleaved>} : vector<32xbf16> -> vector<16xf32>
        %unpack3A_736 = tpu.unpack_subelements %bitcast3A_734, 1 {pack_format = #tpu.pack_format<interleaved>} : vector<32xbf16> -> vector<16xf32>
        %get3A_737 = arith.index_cast %scan3A_570 : i32 to index
        %get3A_738 = arith.constant 224 : index
        %get3A_739 = tpu.vector_load %arg18[%get3A_737, %get3A_738] {strides = array<i32>} : memref<40x256xi32, #tpu.memory_space<vmem>>, vector<16xi32>,
        %bitcast3A_740 = vector.bitcast %get3A_739 : vector<16xi32> to vector<32xbf16>
        %unpack3A_741 = tpu.unpack_subelements %bitcast3A_740, 0 {pack_format = #tpu.pack_format<interleaved>} : vector<32xbf16> -> vector<16xf32>
        %unpack3A_742 = tpu.unpack_subelements %bitcast3A_740, 1 {pack_format = #tpu.pack_format<interleaved>} : vector<32xbf16> -> vector<16xf32>
        %mul3A_743 = arith.mulf %get3A_615, %unpack3A_723 : vector<16xf32>
        %mul3A_744 = arith.mulf %get3A_620, %unpack3A_729 : vector<16xf32>
        %add3A_745 = arith.addf %mul3A_743, %mul3A_744 : vector<16xf32>
        %mul3A_746 = arith.mulf %get3A_625, %unpack3A_735 : vector<16xf32>
        %add3A_747 = arith.addf %add3A_745, %mul3A_746 : vector<16xf32>
        %mul3A_748 = arith.mulf %get3A_630, %unpack3A_741 : vector<16xf32>
        %add3A_749 = arith.addf %add3A_747, %mul3A_748 : vector<16xf32>
        %mul3A_750 = arith.mulf %get3A_615, %unpack3A_724 : vector<16xf32>
        %mul3A_751 = arith.mulf %get3A_620, %unpack3A_730 : vector<16xf32>
        %add3A_752 = arith.addf %mul3A_750, %mul3A_751 : vector<16xf32>
        %mul3A_753 = arith.mulf %get3A_625, %unpack3A_736 : vector<16xf32>
        %add3A_754 = arith.addf %add3A_752, %mul3A_753 : vector<16xf32>
        %mul3A_755 = arith.mulf %get3A_630, %unpack3A_742 : vector<16xf32>
        %add3A_756 = arith.addf %add3A_754, %mul3A_755 : vector<16xf32>
        %swap3A_757 = arith.index_cast %scan3A_570 : i32 to index
        %swap3A_758 = arith.constant 64 : index
        %swap3A_759 = tpu.vector_load %arg20[%swap3A_757, %swap3A_758] {strides = array<i32>} : memref<40x128xf32, #tpu.memory_space<vmem>>, vector<16xf32>,
        tpu.vector_store %arg20[%swap3A_757, %swap3A_758], %add3A_749 {strides = array<i32>} : memref<40x128xf32, #tpu.memory_space<vmem>>, vector<16xf32>,
        %swap3A_760 = arith.index_cast %scan3A_570 : i32 to index
        %swap3A_761 = arith.constant 80 : index
        %swap3A_762 = tpu.vector_load %arg20[%swap3A_760, %swap3A_761] {strides = array<i32>} : memref<40x128xf32, #tpu.memory_space<vmem>>, vector<16xf32>,
        tpu.vector_store %arg20[%swap3A_760, %swap3A_761], %add3A_756 {strides = array<i32>} : memref<40x128xf32, #tpu.memory_space<vmem>>, vector<16xf32>,
        %get3A_763 = arith.index_cast %scan3A_570 : i32 to index
        %get3A_764 = arith.constant 48 : index
        %get3A_765 = tpu.vector_load %arg18[%get3A_763, %get3A_764] {strides = array<i32>} : memref<40x256xi32, #tpu.memory_space<vmem>>, vector<16xi32>,
        %bitcast3A_766 = vector.bitcast %get3A_765 : vector<16xi32> to vector<32xbf16>
        %unpack3A_767 = tpu.unpack_subelements %bitcast3A_766, 0 {pack_format = #tpu.pack_format<interleaved>} : vector<32xbf16> -> vector<16xf32>
        %unpack3A_768 = tpu.unpack_subelements %bitcast3A_766, 1 {pack_format = #tpu.pack_format<interleaved>} : vector<32xbf16> -> vector<16xf32>
        %get3A_769 = arith.index_cast %scan3A_570 : i32 to index
        %get3A_770 = arith.constant 112 : index
        %get3A_771 = tpu.vector_load %arg18[%get3A_769, %get3A_770] {strides = array<i32>} : memref<40x256xi32, #tpu.memory_space<vmem>>, vector<16xi32>,
        %bitcast3A_772 = vector.bitcast %get3A_771 : vector<16xi32> to vector<32xbf16>
        %unpack3A_773 = tpu.unpack_subelements %bitcast3A_772, 0 {pack_format = #tpu.pack_format<interleaved>} : vector<32xbf16> -> vector<16xf32>
        %unpack3A_774 = tpu.unpack_subelements %bitcast3A_772, 1 {pack_format = #tpu.pack_format<interleaved>} : vector<32xbf16> -> vector<16xf32>
        %get3A_775 = arith.index_cast %scan3A_570 : i32 to index
        %get3A_776 = arith.constant 176 : index
        %get3A_777 = tpu.vector_load %arg18[%get3A_775, %get3A_776] {strides = array<i32>} : memref<40x256xi32, #tpu.memory_space<vmem>>, vector<16xi32>,
        %bitcast3A_778 = vector.bitcast %get3A_777 : vector<16xi32> to vector<32xbf16>
        %unpack3A_779 = tpu.unpack_subelements %bitcast3A_778, 0 {pack_format = #tpu.pack_format<interleaved>} : vector<32xbf16> -> vector<16xf32>
        %unpack3A_780 = tpu.unpack_subelements %bitcast3A_778, 1 {pack_format = #tpu.pack_format<interleaved>} : vector<32xbf16> -> vector<16xf32>
        %get3A_781 = arith.index_cast %scan3A_570 : i32 to index
        %get3A_782 = arith.constant 240 : index
        %get3A_783 = tpu.vector_load %arg18[%get3A_781, %get3A_782] {strides = array<i32>} : memref<40x256xi32, #tpu.memory_space<vmem>>, vector<16xi32>,
        %bitcast3A_784 = vector.bitcast %get3A_783 : vector<16xi32> to vector<32xbf16>
        %unpack3A_785 = tpu.unpack_subelements %bitcast3A_784, 0 {pack_format = #tpu.pack_format<interleaved>} : vector<32xbf16> -> vector<16xf32>
        %unpack3A_786 = tpu.unpack_subelements %bitcast3A_784, 1 {pack_format = #tpu.pack_format<interleaved>} : vector<32xbf16> -> vector<16xf32>
        %mul3A_787 = arith.mulf %get3A_615, %unpack3A_767 : vector<16xf32>
        %mul3A_788 = arith.mulf %get3A_620, %unpack3A_773 : vector<16xf32>
        %add3A_789 = arith.addf %mul3A_787, %mul3A_788 : vector<16xf32>
        %mul3A_790 = arith.mulf %get3A_625, %unpack3A_779 : vector<16xf32>
        %add3A_791 = arith.addf %add3A_789, %mul3A_790 : vector<16xf32>
        %mul3A_792 = arith.mulf %get3A_630, %unpack3A_785 : vector<16xf32>
        %add3A_793 = arith.addf %add3A_791, %mul3A_792 : vector<16xf32>
        %mul3A_794 = arith.mulf %get3A_615, %unpack3A_768 : vector<16xf32>
        %mul3A_795 = arith.mulf %get3A_620, %unpack3A_774 : vector<16xf32>
        %add3A_796 = arith.addf %mul3A_794, %mul3A_795 : vector<16xf32>
        %mul3A_797 = arith.mulf %get3A_625, %unpack3A_780 : vector<16xf32>
        %add3A_798 = arith.addf %add3A_796, %mul3A_797 : vector<16xf32>
        %mul3A_799 = arith.mulf %get3A_630, %unpack3A_786 : vector<16xf32>
        %add3A_800 = arith.addf %add3A_798, %mul3A_799 : vector<16xf32>
        %swap3A_801 = arith.index_cast %scan3A_570 : i32 to index
        %swap3A_802 = arith.constant 96 : index
        %swap3A_803 = tpu.vector_load %arg20[%swap3A_801, %swap3A_802] {strides = array<i32>} : memref<40x128xf32, #tpu.memory_space<vmem>>, vector<16xf32>,
        tpu.vector_store %arg20[%swap3A_801, %swap3A_802], %add3A_793 {strides = array<i32>} : memref<40x128xf32, #tpu.memory_space<vmem>>, vector<16xf32>,
        %swap3A_804 = arith.index_cast %scan3A_570 : i32 to index
        %swap3A_805 = arith.constant 112 : index
        %swap3A_806 = tpu.vector_load %arg20[%swap3A_804, %swap3A_805] {strides = array<i32>} : memref<40x128xf32, #tpu.memory_space<vmem>>, vector<16xf32>,
        tpu.vector_store %arg20[%swap3A_804, %swap3A_805], %add3A_800 {strides = array<i32>} : memref<40x128xf32, #tpu.memory_space<vmem>>, vector<16xf32>,
      }
      %scan3A_194 = arith.constant 40 : i32
      %dma_start3A_195 = arith.constant 0 : i32
      %dma_start3A_196 = arith.constant 0 : i32
      %dma_start3A_197 = tpu.memref_slice %arg22[%dma_start3A_195, %dma_start3A_196] : memref<10112x128xf32, #tpu.memory_space<vmem_shared>> -> memref<10112x128xf32, #tpu.memory_space<vmem_shared>>
      tpu.enqueue_indirect_dma source(%arg20 : memref<40x128xf32, #tpu.memory_space<vmem>>) target(%dma_start3A_197 : memref<10112x128xf32, #tpu.memory_space<vmem_shared>>) offsets(%arg12 : memref<40xi32, #tpu.memory_space<vmem>>) semaphore(%arg35 : memref<!tpu.dma_semaphore, #tpu.memory_space<semaphore_mem>>) {add = true}
      %mul3A_198 = arith.constant 4 : i32
      %mul3A_199 = arith.muli %scan3A_148, %mul3A_198 : i32
      %add3A_200 = arith.constant 1 : i32
      %add3A_201 = arith.addi %mul3A_199, %add3A_200 : i32
      %ge3A_202 = arith.constant 2 : i32
      %ge3A_203 = arith.cmpi sge, %add3A_201, %ge3A_202 : i32
      %convert_element_type3A_204 = arith.extui %ge3A_203 : i1 to i32
      %cond3A_205 = arith.constant 0 : i32
      %cond3A_206 = arith.cmpi ne, %convert_element_type3A_204, %cond3A_205 : i32
      scf.if %cond3A_206 {
        %dma_wait3A_345 = arith.constant 0 : i32
        %dma_wait3A_346 = arith.constant 0 : i32
        %dma_wait3A_347 = tpu.memref_slice %arg22[%dma_wait3A_345, %dma_wait3A_346] : memref<10112x128xf32, #tpu.memory_space<vmem_shared>> -> memref<10112x128xf32, #tpu.memory_space<vmem_shared>>
        tpu.wait_indirect_dma semaphore(%arg36 : memref<!tpu.dma_semaphore, #tpu.memory_space<semaphore_mem>>) src(%arg21 : memref<40x128xf32, #tpu.memory_space<vmem>>) dst(%dma_wait3A_347 : memref<10112x128xf32, #tpu.memory_space<vmem_shared>>)
      } else {
      }
      %add3A_207 = arith.constant 2 : i32
      %add3A_208 = arith.addi %add3A_201, %add3A_207 : i32
      %lt3A_209 = arith.constant 250 : i32
      %lt3A_210 = arith.cmpi slt, %add3A_208, %lt3A_209 : i32
      %convert_element_type3A_211 = arith.extui %lt3A_210 : i1 to i32
      %cond3A_212 = arith.constant 0 : i32
      %cond3A_213 = arith.cmpi ne, %convert_element_type3A_211, %cond3A_212 : i32
      scf.if %cond3A_213 {
        %add3A_345 = arith.constant 2 : i32
        %add3A_346 = arith.addi %add3A_201, %add3A_345 : i32
        %mul3A_347 = arith.constant 40 : i32
        %mul3A_348 = arith.muli %add3A_346, %mul3A_347 : i32
        %add3A_349 = arith.addi %mul3A_8, %mul3A_348 : i32
        %dma_start3A_350 = tpu.memref_slice %arg3[%add3A_349] : memref<320000xi32, #tpu.memory_space<hbm>> -> memref<40xi32, #tpu.memory_space<hbm>>
        %dma_start3A_351 = tpu.memref_slice %arg3[%add3A_349] : memref<320000xi32, #tpu.memory_space<hbm>> -> memref<40xi32, #tpu.memory_space<hbm>>
        tpu.enqueue_dma source(%dma_start3A_351 : memref<40xi32, #tpu.memory_space<hbm>>) target(%arg11 : memref<40xi32, #tpu.memory_space<vmem>>) target_semaphore(%arg26 : memref<!tpu.dma_semaphore, #tpu.memory_space<semaphore_mem>>)
        %dma_start3A_352 = tpu.memref_slice %arg4[%add3A_349] : memref<320000xi32, #tpu.memory_space<hbm>> -> memref<40xi32, #tpu.memory_space<hbm>>
        %dma_start3A_353 = tpu.memref_slice %arg4[%add3A_349] : memref<320000xi32, #tpu.memory_space<hbm>> -> memref<40xi32, #tpu.memory_space<hbm>>
        tpu.enqueue_dma source(%dma_start3A_353 : memref<40xi32, #tpu.memory_space<hbm>>) target(%arg15 : memref<40xi32, #tpu.memory_space<vmem>>) target_semaphore(%arg30 : memref<!tpu.dma_semaphore, #tpu.memory_space<semaphore_mem>>)
      } else {
      }
      %add3A_214 = arith.constant 1 : i32
      %add3A_215 = arith.addi %add3A_201, %add3A_214 : i32
      %lt3A_216 = arith.constant 250 : i32
      %lt3A_217 = arith.cmpi slt, %add3A_215, %lt3A_216 : i32
      %convert_element_type3A_218 = arith.extui %lt3A_217 : i1 to i32
      %cond3A_219 = arith.constant 0 : i32
      %cond3A_220 = arith.cmpi ne, %convert_element_type3A_218, %cond3A_219 : i32
      scf.if %cond3A_220 {
        %add3A_345 = arith.constant 1 : i32
        %add3A_346 = arith.addi %add3A_201, %add3A_345 : i32
        %mul3A_347 = arith.constant 40 : i32
        %mul3A_348 = arith.muli %add3A_346, %mul3A_347 : i32
        %add3A_349 = arith.addi %mul3A_8, %mul3A_348 : i32
        %dma_wait3A_350 = tpu.memref_slice %arg3[%add3A_349] : memref<320000xi32, #tpu.memory_space<hbm>> -> memref<40xi32, #tpu.memory_space<hbm>>
        %dma_wait3A_351 = tpu.memref_slice %arg3[%add3A_349] : memref<320000xi32, #tpu.memory_space<hbm>> -> memref<40xi32, #tpu.memory_space<hbm>>
        tpu.wait_dma2 semaphore(%arg25 : memref<!tpu.dma_semaphore, #tpu.memory_space<semaphore_mem>>) src(%dma_wait3A_351 : memref<40xi32, #tpu.memory_space<hbm>>) dst(%arg10 : memref<40xi32, #tpu.memory_space<vmem>>)
        %dma_start3A_352 = arith.constant 0 : i32
        %dma_start3A_353 = arith.constant 0 : i32
        %dma_start3A_354 = tpu.memref_slice %arg2[%dma_start3A_352, %dma_start3A_353] : memref<10000x256xi32, #tpu.memory_space<hbm>> -> memref<10000x256xi32, #tpu.memory_space<hbm>>
        tpu.enqueue_indirect_dma source(%dma_start3A_354 : memref<10000x256xi32, #tpu.memory_space<hbm>>) target(%arg18 : memref<40x256xi32, #tpu.memory_space<vmem>>) offsets(%arg10 : memref<40xi32, #tpu.memory_space<vmem>>) semaphore(%arg33 : memref<!tpu.dma_semaphore, #tpu.memory_space<semaphore_mem>>)
        %add3A_355 = arith.addi %mul3A_6, %add3A_201 : i32
        %add3A_356 = arith.constant 1 : i32
        %add3A_357 = arith.addi %add3A_355, %add3A_356 : i32
        %dma_start3A_358 = arith.constant 0 : i32
        %dma_start3A_359 = arith.constant 0 : i32
        %dma_start3A_360 = tpu.memref_slice %arg5[%add3A_357, %dma_start3A_358, %dma_start3A_359] : memref<8000x20x128xf32, #tpu.memory_space<hbm>> -> memref<1x20x128xf32, #tpu.memory_space<hbm>>
        %dma_start3A_361 = tpu.memref_squeeze %dma_start3A_360 : memref<1x20x128xf32, #tpu.memory_space<hbm>> -> memref<20x128xf32, #tpu.memory_space<hbm>>
        %dma_start3A_362 = arith.constant 0 : i32
        %dma_start3A_363 = arith.constant 0 : i32
        %dma_start3A_364 = tpu.memref_slice %arg5[%add3A_357, %dma_start3A_362, %dma_start3A_363] : memref<8000x20x128xf32, #tpu.memory_space<hbm>> -> memref<1x20x128xf32, #tpu.memory_space<hbm>>
        %dma_start3A_365 = tpu.memref_squeeze %dma_start3A_364 : memref<1x20x128xf32, #tpu.memory_space<hbm>> -> memref<20x128xf32, #tpu.memory_space<hbm>>
        tpu.enqueue_dma source(%dma_start3A_365 : memref<20x128xf32, #tpu.memory_space<hbm>>) target(%arg16 : memref<20x128xf32, #tpu.memory_space<vmem>>) target_semaphore(%arg31 : memref<!tpu.dma_semaphore, #tpu.memory_space<semaphore_mem>>)
      } else {
      }
      %dma_wait3A_221 = arith.constant 0 : i32
      %dma_wait3A_222 = arith.constant 0 : i32
      %dma_wait3A_223 = tpu.memref_slice %arg2[%dma_wait3A_221, %dma_wait3A_222] : memref<10000x256xi32, #tpu.memory_space<hbm>> -> memref<10000x256xi32, #tpu.memory_space<hbm>>
      tpu.wait_indirect_dma semaphore(%arg34 : memref<!tpu.dma_semaphore, #tpu.memory_space<semaphore_mem>>) src(%dma_wait3A_223 : memref<10000x256xi32, #tpu.memory_space<hbm>>) dst(%arg19 : memref<40x256xi32, #tpu.memory_space<vmem>>)
      %add3A_224 = arith.addi %mul3A_6, %add3A_201 : i32
      %dma_wait3A_225 = arith.constant 0 : i32
      %dma_wait3A_226 = arith.constant 0 : i32
      %dma_wait3A_227 = tpu.memref_slice %arg5[%add3A_224, %dma_wait3A_225, %dma_wait3A_226] : memref<8000x20x128xf32, #tpu.memory_space<hbm>> -> memref<1x20x128xf32, #tpu.memory_space<hbm>>
      %dma_wait3A_228 = tpu.memref_squeeze %dma_wait3A_227 : memref<1x20x128xf32, #tpu.memory_space<hbm>> -> memref<20x128xf32, #tpu.memory_space<hbm>>
      %dma_wait3A_229 = arith.constant 0 : i32
      %dma_wait3A_230 = arith.constant 0 : i32
      %dma_wait3A_231 = tpu.memref_slice %arg5[%add3A_224, %dma_wait3A_229, %dma_wait3A_230] : memref<8000x20x128xf32, #tpu.memory_space<hbm>> -> memref<1x20x128xf32, #tpu.memory_space<hbm>>
      %dma_wait3A_232 = tpu.memref_squeeze %dma_wait3A_231 : memref<1x20x128xf32, #tpu.memory_space<hbm>> -> memref<20x128xf32, #tpu.memory_space<hbm>>
      tpu.wait_dma2 semaphore(%arg32 : memref<!tpu.dma_semaphore, #tpu.memory_space<semaphore_mem>>) src(%dma_wait3A_232 : memref<20x128xf32, #tpu.memory_space<hbm>>) dst(%arg17 : memref<20x128xf32, #tpu.memory_space<vmem>>)
      %mul3A_233 = arith.constant 40 : i32
      %mul3A_234 = arith.muli %add3A_201, %mul3A_233 : i32
      %add3A_235 = arith.addi %mul3A_8, %mul3A_234 : i32
      %dma_wait3A_236 = tpu.memref_slice %arg4[%add3A_235] : memref<320000xi32, #tpu.memory_space<hbm>> -> memref<40xi32, #tpu.memory_space<hbm>>
      %dma_wait3A_237 = tpu.memref_slice %arg4[%add3A_235] : memref<320000xi32, #tpu.memory_space<hbm>> -> memref<40xi32, #tpu.memory_space<hbm>>
      tpu.wait_dma2 semaphore(%arg28 : memref<!tpu.dma_semaphore, #tpu.memory_space<semaphore_mem>>) src(%dma_wait3A_237 : memref<40xi32, #tpu.memory_space<hbm>>) dst(%arg13 : memref<40xi32, #tpu.memory_space<vmem>>)
      %scan3A_238 = arith.constant 0 : i32
      %scan3A_239 = arith.constant 0 : i32
      %scan3A_240 = arith.constant 40 : i32
      %scan3A_241 = arith.addi %scan3A_239, %scan3A_240 : i32
      %scan3A_242 = arith.constant 2 : i32
      scf.for %scan3A_345 = %scan3A_239 to %scan3A_241 step %scan3A_242  : i32 {
        %jit3A = arith.constant 2 : i32
        %div3A = arith.divsi %scan3A_345, %jit3A : i32
        %sign3A = arith.constant 0 : i32
        %sign3A_346 = arith.cmpi sgt, %scan3A_345, %sign3A : i32
        %sign3A_347 = arith.extui %sign3A_346 : i1 to i32
        %sign3A_348 = arith.constant 0 : i32
        %sign3A_349 = arith.cmpi slt, %scan3A_345, %sign3A_348 : i32
        %sign3A_350 = arith.extui %sign3A_349 : i1 to i32
        %sign3A_351 = arith.subi %sign3A_347, %sign3A_350 : i32
        %sign3A_352 = arith.constant 0 : i32
        %sign3A_353 = arith.cmpi sgt, %jit3A, %sign3A_352 : i32
        %sign3A_354 = arith.extui %sign3A_353 : i1 to i32
        %sign3A_355 = arith.constant 0 : i32
        %sign3A_356 = arith.cmpi slt, %jit3A, %sign3A_355 : i32
        %sign3A_357 = arith.extui %sign3A_356 : i1 to i32
        %sign3A_358 = arith.subi %sign3A_354, %sign3A_357 : i32
        %ne3A = arith.cmpi ne, %sign3A_351, %sign3A_358 : i32
        %rem3A = arith.remsi %scan3A_345, %jit3A : i32
        %ne3A_359 = arith.constant 0 : i32
        %ne3A_360 = arith.cmpi ne, %rem3A, %ne3A_359 : i32
        %and3A = arith.andi %ne3A, %ne3A_360 : i1
        %sub3A = arith.constant 1 : i32
        %sub3A_361 = arith.subi %div3A, %sub3A : i32
        %select_n3A = arith.select %and3A, %sub3A_361, %div3A : i32
        %jit3A_362 = arith.constant 2 : i32
        %eq3A = arith.constant 0 : i32
        %eq3A_363 = arith.cmpi eq, %jit3A_362, %eq3A : i32
        %jit3A_364 = arith.constant 1 : i32
        %select_n3A_365 = arith.select %eq3A_363, %jit3A_364, %jit3A_362 : i32
        %rem3A_366 = arith.remsi %scan3A_345, %select_n3A_365 : i32
        %ne3A_367 = arith.constant 0 : i32
        %ne3A_368 = arith.cmpi ne, %rem3A_366, %ne3A_367 : i32
        %lt3A_369 = arith.constant 0 : i32
        %lt3A_370 = arith.cmpi slt, %rem3A_366, %lt3A_369 : i32
        %lt3A_371 = arith.constant 0 : i32
        %lt3A_372 = arith.cmpi slt, %select_n3A_365, %lt3A_371 : i32
        %ne3A_373 = arith.xori %lt3A_370, %lt3A_372 : i1
        %and3A_374 = arith.andi %ne3A_373, %ne3A_368 : i1
        %add3A_375 = arith.addi %rem3A_366, %select_n3A_365 : i32
        %select_n3A_376 = arith.select %and3A_374, %add3A_375, %rem3A_366 : i32
        %mul3A_377 = arith.constant 64 : i32
        %mul3A_378 = arith.muli %select_n3A_376, %mul3A_377 : i32
        %get3A = arith.index_cast %select_n3A : i32 to index
        %get3A_379 = arith.index_cast %mul3A_378 : i32 to index
        %get3A_380 = tpu.vector_load %arg17[%get3A, %get3A_379] {strides = array<i32>} : memref<20x128xf32, #tpu.memory_space<vmem>>, vector<16xf32>,
        %add3A_381 = arith.constant 16 : i32
        %add3A_382 = arith.addi %mul3A_378, %add3A_381 : i32
        %get3A_383 = arith.index_cast %select_n3A : i32 to index
        %get3A_384 = arith.index_cast %add3A_382 : i32 to index
        %get3A_385 = tpu.vector_load %arg17[%get3A_383, %get3A_384] {strides = array<i32>} : memref<20x128xf32, #tpu.memory_space<vmem>>, vector<16xf32>,
        %add3A_386 = arith.constant 32 : i32
        %add3A_387 = arith.addi %mul3A_378, %add3A_386 : i32
        %get3A_388 = arith.index_cast %select_n3A : i32 to index
        %get3A_389 = arith.index_cast %add3A_387 : i32 to index
        %get3A_390 = tpu.vector_load %arg17[%get3A_388, %get3A_389] {strides = array<i32>} : memref<20x128xf32, #tpu.memory_space<vmem>>, vector<16xf32>,
        %add3A_391 = arith.constant 48 : i32
        %add3A_392 = arith.addi %mul3A_378, %add3A_391 : i32
        %get3A_393 = arith.index_cast %select_n3A : i32 to index
        %get3A_394 = arith.index_cast %add3A_392 : i32 to index
        %get3A_395 = tpu.vector_load %arg17[%get3A_393, %get3A_394] {strides = array<i32>} : memref<20x128xf32, #tpu.memory_space<vmem>>, vector<16xf32>,
        %get3A_396 = arith.index_cast %scan3A_345 : i32 to index
        %get3A_397 = arith.constant 0 : index
        %get3A_398 = tpu.vector_load %arg19[%get3A_396, %get3A_397] {strides = array<i32>} : memref<40x256xi32, #tpu.memory_space<vmem>>, vector<16xi32>,
        %bitcast3A = vector.bitcast %get3A_398 : vector<16xi32> to vector<32xbf16>
        %unpack3A = tpu.unpack_subelements %bitcast3A, 0 {pack_format = #tpu.pack_format<interleaved>} : vector<32xbf16> -> vector<16xf32>
        %unpack3A_399 = tpu.unpack_subelements %bitcast3A, 1 {pack_format = #tpu.pack_format<interleaved>} : vector<32xbf16> -> vector<16xf32>
        %get3A_400 = arith.index_cast %scan3A_345 : i32 to index
        %get3A_401 = arith.constant 64 : index
        %get3A_402 = tpu.vector_load %arg19[%get3A_400, %get3A_401] {strides = array<i32>} : memref<40x256xi32, #tpu.memory_space<vmem>>, vector<16xi32>,
        %bitcast3A_403 = vector.bitcast %get3A_402 : vector<16xi32> to vector<32xbf16>
        %unpack3A_404 = tpu.unpack_subelements %bitcast3A_403, 0 {pack_format = #tpu.pack_format<interleaved>} : vector<32xbf16> -> vector<16xf32>
        %unpack3A_405 = tpu.unpack_subelements %bitcast3A_403, 1 {pack_format = #tpu.pack_format<interleaved>} : vector<32xbf16> -> vector<16xf32>
        %get3A_406 = arith.index_cast %scan3A_345 : i32 to index
        %get3A_407 = arith.constant 128 : index
        %get3A_408 = tpu.vector_load %arg19[%get3A_406, %get3A_407] {strides = array<i32>} : memref<40x256xi32, #tpu.memory_space<vmem>>, vector<16xi32>,
        %bitcast3A_409 = vector.bitcast %get3A_408 : vector<16xi32> to vector<32xbf16>
        %unpack3A_410 = tpu.unpack_subelements %bitcast3A_409, 0 {pack_format = #tpu.pack_format<interleaved>} : vector<32xbf16> -> vector<16xf32>
        %unpack3A_411 = tpu.unpack_subelements %bitcast3A_409, 1 {pack_format = #tpu.pack_format<interleaved>} : vector<32xbf16> -> vector<16xf32>
        %get3A_412 = arith.index_cast %scan3A_345 : i32 to index
        %get3A_413 = arith.constant 192 : index
        %get3A_414 = tpu.vector_load %arg19[%get3A_412, %get3A_413] {strides = array<i32>} : memref<40x256xi32, #tpu.memory_space<vmem>>, vector<16xi32>,
        %bitcast3A_415 = vector.bitcast %get3A_414 : vector<16xi32> to vector<32xbf16>
        %unpack3A_416 = tpu.unpack_subelements %bitcast3A_415, 0 {pack_format = #tpu.pack_format<interleaved>} : vector<32xbf16> -> vector<16xf32>
        %unpack3A_417 = tpu.unpack_subelements %bitcast3A_415, 1 {pack_format = #tpu.pack_format<interleaved>} : vector<32xbf16> -> vector<16xf32>
        %mul3A_418 = arith.mulf %get3A_380, %unpack3A : vector<16xf32>
        %mul3A_419 = arith.mulf %get3A_385, %unpack3A_404 : vector<16xf32>
        %add3A_420 = arith.addf %mul3A_418, %mul3A_419 : vector<16xf32>
        %mul3A_421 = arith.mulf %get3A_390, %unpack3A_410 : vector<16xf32>
        %add3A_422 = arith.addf %add3A_420, %mul3A_421 : vector<16xf32>
        %mul3A_423 = arith.mulf %get3A_395, %unpack3A_416 : vector<16xf32>
        %add3A_424 = arith.addf %add3A_422, %mul3A_423 : vector<16xf32>
        %mul3A_425 = arith.mulf %get3A_380, %unpack3A_399 : vector<16xf32>
        %mul3A_426 = arith.mulf %get3A_385, %unpack3A_405 : vector<16xf32>
        %add3A_427 = arith.addf %mul3A_425, %mul3A_426 : vector<16xf32>
        %mul3A_428 = arith.mulf %get3A_390, %unpack3A_411 : vector<16xf32>
        %add3A_429 = arith.addf %add3A_427, %mul3A_428 : vector<16xf32>
        %mul3A_430 = arith.mulf %get3A_395, %unpack3A_417 : vector<16xf32>
        %add3A_431 = arith.addf %add3A_429, %mul3A_430 : vector<16xf32>
        %swap3A = arith.index_cast %scan3A_345 : i32 to index
        %swap3A_432 = arith.constant 0 : index
        %swap3A_433 = tpu.vector_load %arg21[%swap3A, %swap3A_432] {strides = array<i32>} : memref<40x128xf32, #tpu.memory_space<vmem>>, vector<16xf32>,
        tpu.vector_store %arg21[%swap3A, %swap3A_432], %add3A_424 {strides = array<i32>} : memref<40x128xf32, #tpu.memory_space<vmem>>, vector<16xf32>,
        %swap3A_434 = arith.index_cast %scan3A_345 : i32 to index
        %swap3A_435 = arith.constant 16 : index
        %swap3A_436 = tpu.vector_load %arg21[%swap3A_434, %swap3A_435] {strides = array<i32>} : memref<40x128xf32, #tpu.memory_space<vmem>>, vector<16xf32>,
        tpu.vector_store %arg21[%swap3A_434, %swap3A_435], %add3A_431 {strides = array<i32>} : memref<40x128xf32, #tpu.memory_space<vmem>>, vector<16xf32>,
        %get3A_437 = arith.index_cast %scan3A_345 : i32 to index
        %get3A_438 = arith.constant 16 : index
        %get3A_439 = tpu.vector_load %arg19[%get3A_437, %get3A_438] {strides = array<i32>} : memref<40x256xi32, #tpu.memory_space<vmem>>, vector<16xi32>,
        %bitcast3A_440 = vector.bitcast %get3A_439 : vector<16xi32> to vector<32xbf16>
        %unpack3A_441 = tpu.unpack_subelements %bitcast3A_440, 0 {pack_format = #tpu.pack_format<interleaved>} : vector<32xbf16> -> vector<16xf32>
        %unpack3A_442 = tpu.unpack_subelements %bitcast3A_440, 1 {pack_format = #tpu.pack_format<interleaved>} : vector<32xbf16> -> vector<16xf32>
        %get3A_443 = arith.index_cast %scan3A_345 : i32 to index
        %get3A_444 = arith.constant 80 : index
        %get3A_445 = tpu.vector_load %arg19[%get3A_443, %get3A_444] {strides = array<i32>} : memref<40x256xi32, #tpu.memory_space<vmem>>, vector<16xi32>,
        %bitcast3A_446 = vector.bitcast %get3A_445 : vector<16xi32> to vector<32xbf16>
        %unpack3A_447 = tpu.unpack_subelements %bitcast3A_446, 0 {pack_format = #tpu.pack_format<interleaved>} : vector<32xbf16> -> vector<16xf32>
        %unpack3A_448 = tpu.unpack_subelements %bitcast3A_446, 1 {pack_format = #tpu.pack_format<interleaved>} : vector<32xbf16> -> vector<16xf32>
        %get3A_449 = arith.index_cast %scan3A_345 : i32 to index
        %get3A_450 = arith.constant 144 : index
        %get3A_451 = tpu.vector_load %arg19[%get3A_449, %get3A_450] {strides = array<i32>} : memref<40x256xi32, #tpu.memory_space<vmem>>, vector<16xi32>,
        %bitcast3A_452 = vector.bitcast %get3A_451 : vector<16xi32> to vector<32xbf16>
        %unpack3A_453 = tpu.unpack_subelements %bitcast3A_452, 0 {pack_format = #tpu.pack_format<interleaved>} : vector<32xbf16> -> vector<16xf32>
        %unpack3A_454 = tpu.unpack_subelements %bitcast3A_452, 1 {pack_format = #tpu.pack_format<interleaved>} : vector<32xbf16> -> vector<16xf32>
        %get3A_455 = arith.index_cast %scan3A_345 : i32 to index
        %get3A_456 = arith.constant 208 : index
        %get3A_457 = tpu.vector_load %arg19[%get3A_455, %get3A_456] {strides = array<i32>} : memref<40x256xi32, #tpu.memory_space<vmem>>, vector<16xi32>,
        %bitcast3A_458 = vector.bitcast %get3A_457 : vector<16xi32> to vector<32xbf16>
        %unpack3A_459 = tpu.unpack_subelements %bitcast3A_458, 0 {pack_format = #tpu.pack_format<interleaved>} : vector<32xbf16> -> vector<16xf32>
        %unpack3A_460 = tpu.unpack_subelements %bitcast3A_458, 1 {pack_format = #tpu.pack_format<interleaved>} : vector<32xbf16> -> vector<16xf32>
        %mul3A_461 = arith.mulf %get3A_380, %unpack3A_441 : vector<16xf32>
        %mul3A_462 = arith.mulf %get3A_385, %unpack3A_447 : vector<16xf32>
        %add3A_463 = arith.addf %mul3A_461, %mul3A_462 : vector<16xf32>
        %mul3A_464 = arith.mulf %get3A_390, %unpack3A_453 : vector<16xf32>
        %add3A_465 = arith.addf %add3A_463, %mul3A_464 : vector<16xf32>
        %mul3A_466 = arith.mulf %get3A_395, %unpack3A_459 : vector<16xf32>
        %add3A_467 = arith.addf %add3A_465, %mul3A_466 : vector<16xf32>
        %mul3A_468 = arith.mulf %get3A_380, %unpack3A_442 : vector<16xf32>
        %mul3A_469 = arith.mulf %get3A_385, %unpack3A_448 : vector<16xf32>
        %add3A_470 = arith.addf %mul3A_468, %mul3A_469 : vector<16xf32>
        %mul3A_471 = arith.mulf %get3A_390, %unpack3A_454 : vector<16xf32>
        %add3A_472 = arith.addf %add3A_470, %mul3A_471 : vector<16xf32>
        %mul3A_473 = arith.mulf %get3A_395, %unpack3A_460 : vector<16xf32>
        %add3A_474 = arith.addf %add3A_472, %mul3A_473 : vector<16xf32>
        %swap3A_475 = arith.index_cast %scan3A_345 : i32 to index
        %swap3A_476 = arith.constant 32 : index
        %swap3A_477 = tpu.vector_load %arg21[%swap3A_475, %swap3A_476] {strides = array<i32>} : memref<40x128xf32, #tpu.memory_space<vmem>>, vector<16xf32>,
        tpu.vector_store %arg21[%swap3A_475, %swap3A_476], %add3A_467 {strides = array<i32>} : memref<40x128xf32, #tpu.memory_space<vmem>>, vector<16xf32>,
        %swap3A_478 = arith.index_cast %scan3A_345 : i32 to index
        %swap3A_479 = arith.constant 48 : index
        %swap3A_480 = tpu.vector_load %arg21[%swap3A_478, %swap3A_479] {strides = array<i32>} : memref<40x128xf32, #tpu.memory_space<vmem>>, vector<16xf32>,
        tpu.vector_store %arg21[%swap3A_478, %swap3A_479], %add3A_474 {strides = array<i32>} : memref<40x128xf32, #tpu.memory_space<vmem>>, vector<16xf32>,
        %get3A_481 = arith.index_cast %scan3A_345 : i32 to index
        %get3A_482 = arith.constant 32 : index
        %get3A_483 = tpu.vector_load %arg19[%get3A_481, %get3A_482] {strides = array<i32>} : memref<40x256xi32, #tpu.memory_space<vmem>>, vector<16xi32>,
        %bitcast3A_484 = vector.bitcast %get3A_483 : vector<16xi32> to vector<32xbf16>
        %unpack3A_485 = tpu.unpack_subelements %bitcast3A_484, 0 {pack_format = #tpu.pack_format<interleaved>} : vector<32xbf16> -> vector<16xf32>
        %unpack3A_486 = tpu.unpack_subelements %bitcast3A_484, 1 {pack_format = #tpu.pack_format<interleaved>} : vector<32xbf16> -> vector<16xf32>
        %get3A_487 = arith.index_cast %scan3A_345 : i32 to index
        %get3A_488 = arith.constant 96 : index
        %get3A_489 = tpu.vector_load %arg19[%get3A_487, %get3A_488] {strides = array<i32>} : memref<40x256xi32, #tpu.memory_space<vmem>>, vector<16xi32>,
        %bitcast3A_490 = vector.bitcast %get3A_489 : vector<16xi32> to vector<32xbf16>
        %unpack3A_491 = tpu.unpack_subelements %bitcast3A_490, 0 {pack_format = #tpu.pack_format<interleaved>} : vector<32xbf16> -> vector<16xf32>
        %unpack3A_492 = tpu.unpack_subelements %bitcast3A_490, 1 {pack_format = #tpu.pack_format<interleaved>} : vector<32xbf16> -> vector<16xf32>
        %get3A_493 = arith.index_cast %scan3A_345 : i32 to index
        %get3A_494 = arith.constant 160 : index
        %get3A_495 = tpu.vector_load %arg19[%get3A_493, %get3A_494] {strides = array<i32>} : memref<40x256xi32, #tpu.memory_space<vmem>>, vector<16xi32>,
        %bitcast3A_496 = vector.bitcast %get3A_495 : vector<16xi32> to vector<32xbf16>
        %unpack3A_497 = tpu.unpack_subelements %bitcast3A_496, 0 {pack_format = #tpu.pack_format<interleaved>} : vector<32xbf16> -> vector<16xf32>
        %unpack3A_498 = tpu.unpack_subelements %bitcast3A_496, 1 {pack_format = #tpu.pack_format<interleaved>} : vector<32xbf16> -> vector<16xf32>
        %get3A_499 = arith.index_cast %scan3A_345 : i32 to index
        %get3A_500 = arith.constant 224 : index
        %get3A_501 = tpu.vector_load %arg19[%get3A_499, %get3A_500] {strides = array<i32>} : memref<40x256xi32, #tpu.memory_space<vmem>>, vector<16xi32>,
        %bitcast3A_502 = vector.bitcast %get3A_501 : vector<16xi32> to vector<32xbf16>
        %unpack3A_503 = tpu.unpack_subelements %bitcast3A_502, 0 {pack_format = #tpu.pack_format<interleaved>} : vector<32xbf16> -> vector<16xf32>
        %unpack3A_504 = tpu.unpack_subelements %bitcast3A_502, 1 {pack_format = #tpu.pack_format<interleaved>} : vector<32xbf16> -> vector<16xf32>
        %mul3A_505 = arith.mulf %get3A_380, %unpack3A_485 : vector<16xf32>
        %mul3A_506 = arith.mulf %get3A_385, %unpack3A_491 : vector<16xf32>
        %add3A_507 = arith.addf %mul3A_505, %mul3A_506 : vector<16xf32>
        %mul3A_508 = arith.mulf %get3A_390, %unpack3A_497 : vector<16xf32>
        %add3A_509 = arith.addf %add3A_507, %mul3A_508 : vector<16xf32>
        %mul3A_510 = arith.mulf %get3A_395, %unpack3A_503 : vector<16xf32>
        %add3A_511 = arith.addf %add3A_509, %mul3A_510 : vector<16xf32>
        %mul3A_512 = arith.mulf %get3A_380, %unpack3A_486 : vector<16xf32>
        %mul3A_513 = arith.mulf %get3A_385, %unpack3A_492 : vector<16xf32>
        %add3A_514 = arith.addf %mul3A_512, %mul3A_513 : vector<16xf32>
        %mul3A_515 = arith.mulf %get3A_390, %unpack3A_498 : vector<16xf32>
        %add3A_516 = arith.addf %add3A_514, %mul3A_515 : vector<16xf32>
        %mul3A_517 = arith.mulf %get3A_395, %unpack3A_504 : vector<16xf32>
        %add3A_518 = arith.addf %add3A_516, %mul3A_517 : vector<16xf32>
        %swap3A_519 = arith.index_cast %scan3A_345 : i32 to index
        %swap3A_520 = arith.constant 64 : index
        %swap3A_521 = tpu.vector_load %arg21[%swap3A_519, %swap3A_520] {strides = array<i32>} : memref<40x128xf32, #tpu.memory_space<vmem>>, vector<16xf32>,
        tpu.vector_store %arg21[%swap3A_519, %swap3A_520], %add3A_511 {strides = array<i32>} : memref<40x128xf32, #tpu.memory_space<vmem>>, vector<16xf32>,
        %swap3A_522 = arith.index_cast %scan3A_345 : i32 to index
        %swap3A_523 = arith.constant 80 : index
        %swap3A_524 = tpu.vector_load %arg21[%swap3A_522, %swap3A_523] {strides = array<i32>} : memref<40x128xf32, #tpu.memory_space<vmem>>, vector<16xf32>,
        tpu.vector_store %arg21[%swap3A_522, %swap3A_523], %add3A_518 {strides = array<i32>} : memref<40x128xf32, #tpu.memory_space<vmem>>, vector<16xf32>,
        %get3A_525 = arith.index_cast %scan3A_345 : i32 to index
        %get3A_526 = arith.constant 48 : index
        %get3A_527 = tpu.vector_load %arg19[%get3A_525, %get3A_526] {strides = array<i32>} : memref<40x256xi32, #tpu.memory_space<vmem>>, vector<16xi32>,
        %bitcast3A_528 = vector.bitcast %get3A_527 : vector<16xi32> to vector<32xbf16>
        %unpack3A_529 = tpu.unpack_subelements %bitcast3A_528, 0 {pack_format = #tpu.pack_format<interleaved>} : vector<32xbf16> -> vector<16xf32>
        %unpack3A_530 = tpu.unpack_subelements %bitcast3A_528, 1 {pack_format = #tpu.pack_format<interleaved>} : vector<32xbf16> -> vector<16xf32>
        %get3A_531 = arith.index_cast %scan3A_345 : i32 to index
        %get3A_532 = arith.constant 112 : index
        %get3A_533 = tpu.vector_load %arg19[%get3A_531, %get3A_532] {strides = array<i32>} : memref<40x256xi32, #tpu.memory_space<vmem>>, vector<16xi32>,
        %bitcast3A_534 = vector.bitcast %get3A_533 : vector<16xi32> to vector<32xbf16>
        %unpack3A_535 = tpu.unpack_subelements %bitcast3A_534, 0 {pack_format = #tpu.pack_format<interleaved>} : vector<32xbf16> -> vector<16xf32>
        %unpack3A_536 = tpu.unpack_subelements %bitcast3A_534, 1 {pack_format = #tpu.pack_format<interleaved>} : vector<32xbf16> -> vector<16xf32>
        %get3A_537 = arith.index_cast %scan3A_345 : i32 to index
        %get3A_538 = arith.constant 176 : index
        %get3A_539 = tpu.vector_load %arg19[%get3A_537, %get3A_538] {strides = array<i32>} : memref<40x256xi32, #tpu.memory_space<vmem>>, vector<16xi32>,
        %bitcast3A_540 = vector.bitcast %get3A_539 : vector<16xi32> to vector<32xbf16>
        %unpack3A_541 = tpu.unpack_subelements %bitcast3A_540, 0 {pack_format = #tpu.pack_format<interleaved>} : vector<32xbf16> -> vector<16xf32>
        %unpack3A_542 = tpu.unpack_subelements %bitcast3A_540, 1 {pack_format = #tpu.pack_format<interleaved>} : vector<32xbf16> -> vector<16xf32>
        %get3A_543 = arith.index_cast %scan3A_345 : i32 to index
        %get3A_544 = arith.constant 240 : index
        %get3A_545 = tpu.vector_load %arg19[%get3A_543, %get3A_544] {strides = array<i32>} : memref<40x256xi32, #tpu.memory_space<vmem>>, vector<16xi32>,
        %bitcast3A_546 = vector.bitcast %get3A_545 : vector<16xi32> to vector<32xbf16>
        %unpack3A_547 = tpu.unpack_subelements %bitcast3A_546, 0 {pack_format = #tpu.pack_format<interleaved>} : vector<32xbf16> -> vector<16xf32>
        %unpack3A_548 = tpu.unpack_subelements %bitcast3A_546, 1 {pack_format = #tpu.pack_format<interleaved>} : vector<32xbf16> -> vector<16xf32>
        %mul3A_549 = arith.mulf %get3A_380, %unpack3A_529 : vector<16xf32>
        %mul3A_550 = arith.mulf %get3A_385, %unpack3A_535 : vector<16xf32>
        %add3A_551 = arith.addf %mul3A_549, %mul3A_550 : vector<16xf32>
        %mul3A_552 = arith.mulf %get3A_390, %unpack3A_541 : vector<16xf32>
        %add3A_553 = arith.addf %add3A_551, %mul3A_552 : vector<16xf32>
        %mul3A_554 = arith.mulf %get3A_395, %unpack3A_547 : vector<16xf32>
        %add3A_555 = arith.addf %add3A_553, %mul3A_554 : vector<16xf32>
        %mul3A_556 = arith.mulf %get3A_380, %unpack3A_530 : vector<16xf32>
        %mul3A_557 = arith.mulf %get3A_385, %unpack3A_536 : vector<16xf32>
        %add3A_558 = arith.addf %mul3A_556, %mul3A_557 : vector<16xf32>
        %mul3A_559 = arith.mulf %get3A_390, %unpack3A_542 : vector<16xf32>
        %add3A_560 = arith.addf %add3A_558, %mul3A_559 : vector<16xf32>
        %mul3A_561 = arith.mulf %get3A_395, %unpack3A_548 : vector<16xf32>
        %add3A_562 = arith.addf %add3A_560, %mul3A_561 : vector<16xf32>
        %swap3A_563 = arith.index_cast %scan3A_345 : i32 to index
        %swap3A_564 = arith.constant 96 : index
        %swap3A_565 = tpu.vector_load %arg21[%swap3A_563, %swap3A_564] {strides = array<i32>} : memref<40x128xf32, #tpu.memory_space<vmem>>, vector<16xf32>,
        tpu.vector_store %arg21[%swap3A_563, %swap3A_564], %add3A_555 {strides = array<i32>} : memref<40x128xf32, #tpu.memory_space<vmem>>, vector<16xf32>,
        %swap3A_566 = arith.index_cast %scan3A_345 : i32 to index
        %swap3A_567 = arith.constant 112 : index
        %swap3A_568 = tpu.vector_load %arg21[%swap3A_566, %swap3A_567] {strides = array<i32>} : memref<40x128xf32, #tpu.memory_space<vmem>>, vector<16xf32>,
        tpu.vector_store %arg21[%swap3A_566, %swap3A_567], %add3A_562 {strides = array<i32>} : memref<40x128xf32, #tpu.memory_space<vmem>>, vector<16xf32>,
        %scan3A_569 = arith.constant 1 : i32
        %scan3A_570 = arith.addi %scan3A_345, %scan3A_569 : i32
        %jit3A_571 = arith.constant 2 : i32
        %div3A_572 = arith.divsi %scan3A_570, %jit3A_571 : i32
        %sign3A_573 = arith.constant 0 : i32
        %sign3A_574 = arith.cmpi sgt, %scan3A_570, %sign3A_573 : i32
        %sign3A_575 = arith.extui %sign3A_574 : i1 to i32
        %sign3A_576 = arith.constant 0 : i32
        %sign3A_577 = arith.cmpi slt, %scan3A_570, %sign3A_576 : i32
        %sign3A_578 = arith.extui %sign3A_577 : i1 to i32
        %sign3A_579 = arith.subi %sign3A_575, %sign3A_578 : i32
        %sign3A_580 = arith.constant 0 : i32
        %sign3A_581 = arith.cmpi sgt, %jit3A_571, %sign3A_580 : i32
        %sign3A_582 = arith.extui %sign3A_581 : i1 to i32
        %sign3A_583 = arith.constant 0 : i32
        %sign3A_584 = arith.cmpi slt, %jit3A_571, %sign3A_583 : i32
        %sign3A_585 = arith.extui %sign3A_584 : i1 to i32
        %sign3A_586 = arith.subi %sign3A_582, %sign3A_585 : i32
        %ne3A_587 = arith.cmpi ne, %sign3A_579, %sign3A_586 : i32
        %rem3A_588 = arith.remsi %scan3A_570, %jit3A_571 : i32
        %ne3A_589 = arith.constant 0 : i32
        %ne3A_590 = arith.cmpi ne, %rem3A_588, %ne3A_589 : i32
        %and3A_591 = arith.andi %ne3A_587, %ne3A_590 : i1
        %sub3A_592 = arith.constant 1 : i32
        %sub3A_593 = arith.subi %div3A_572, %sub3A_592 : i32
        %select_n3A_594 = arith.select %and3A_591, %sub3A_593, %div3A_572 : i32
        %jit3A_595 = arith.constant 2 : i32
        %eq3A_596 = arith.constant 0 : i32
        %eq3A_597 = arith.cmpi eq, %jit3A_595, %eq3A_596 : i32
        %jit3A_598 = arith.constant 1 : i32
        %select_n3A_599 = arith.select %eq3A_597, %jit3A_598, %jit3A_595 : i32
        %rem3A_600 = arith.remsi %scan3A_570, %select_n3A_599 : i32
        %ne3A_601 = arith.constant 0 : i32
        %ne3A_602 = arith.cmpi ne, %rem3A_600, %ne3A_601 : i32
        %lt3A_603 = arith.constant 0 : i32
        %lt3A_604 = arith.cmpi slt, %rem3A_600, %lt3A_603 : i32
        %lt3A_605 = arith.constant 0 : i32
        %lt3A_606 = arith.cmpi slt, %select_n3A_599, %lt3A_605 : i32
        %ne3A_607 = arith.xori %lt3A_604, %lt3A_606 : i1
        %and3A_608 = arith.andi %ne3A_607, %ne3A_602 : i1
        %add3A_609 = arith.addi %rem3A_600, %select_n3A_599 : i32
        %select_n3A_610 = arith.select %and3A_608, %add3A_609, %rem3A_600 : i32
        %mul3A_611 = arith.constant 64 : i32
        %mul3A_612 = arith.muli %select_n3A_610, %mul3A_611 : i32
        %get3A_613 = arith.index_cast %select_n3A_594 : i32 to index
        %get3A_614 = arith.index_cast %mul3A_612 : i32 to index
        %get3A_615 = tpu.vector_load %arg17[%get3A_613, %get3A_614] {strides = array<i32>} : memref<20x128xf32, #tpu.memory_space<vmem>>, vector<16xf32>,
        %add3A_616 = arith.constant 16 : i32
        %add3A_617 = arith.addi %mul3A_612, %add3A_616 : i32
        %get3A_618 = arith.index_cast %select_n3A_594 : i32 to index
        %get3A_619 = arith.index_cast %add3A_617 : i32 to index
        %get3A_620 = tpu.vector_load %arg17[%get3A_618, %get3A_619] {strides = array<i32>} : memref<20x128xf32, #tpu.memory_space<vmem>>, vector<16xf32>,
        %add3A_621 = arith.constant 32 : i32
        %add3A_622 = arith.addi %mul3A_612, %add3A_621 : i32
        %get3A_623 = arith.index_cast %select_n3A_594 : i32 to index
        %get3A_624 = arith.index_cast %add3A_622 : i32 to index
        %get3A_625 = tpu.vector_load %arg17[%get3A_623, %get3A_624] {strides = array<i32>} : memref<20x128xf32, #tpu.memory_space<vmem>>, vector<16xf32>,
        %add3A_626 = arith.constant 48 : i32
        %add3A_627 = arith.addi %mul3A_612, %add3A_626 : i32
        %get3A_628 = arith.index_cast %select_n3A_594 : i32 to index
        %get3A_629 = arith.index_cast %add3A_627 : i32 to index
        %get3A_630 = tpu.vector_load %arg17[%get3A_628, %get3A_629] {strides = array<i32>} : memref<20x128xf32, #tpu.memory_space<vmem>>, vector<16xf32>,
        %get3A_631 = arith.index_cast %scan3A_570 : i32 to index
        %get3A_632 = arith.constant 0 : index
        %get3A_633 = tpu.vector_load %arg19[%get3A_631, %get3A_632] {strides = array<i32>} : memref<40x256xi32, #tpu.memory_space<vmem>>, vector<16xi32>,
        %bitcast3A_634 = vector.bitcast %get3A_633 : vector<16xi32> to vector<32xbf16>
        %unpack3A_635 = tpu.unpack_subelements %bitcast3A_634, 0 {pack_format = #tpu.pack_format<interleaved>} : vector<32xbf16> -> vector<16xf32>
        %unpack3A_636 = tpu.unpack_subelements %bitcast3A_634, 1 {pack_format = #tpu.pack_format<interleaved>} : vector<32xbf16> -> vector<16xf32>
        %get3A_637 = arith.index_cast %scan3A_570 : i32 to index
        %get3A_638 = arith.constant 64 : index
        %get3A_639 = tpu.vector_load %arg19[%get3A_637, %get3A_638] {strides = array<i32>} : memref<40x256xi32, #tpu.memory_space<vmem>>, vector<16xi32>,
        %bitcast3A_640 = vector.bitcast %get3A_639 : vector<16xi32> to vector<32xbf16>
        %unpack3A_641 = tpu.unpack_subelements %bitcast3A_640, 0 {pack_format = #tpu.pack_format<interleaved>} : vector<32xbf16> -> vector<16xf32>
        %unpack3A_642 = tpu.unpack_subelements %bitcast3A_640, 1 {pack_format = #tpu.pack_format<interleaved>} : vector<32xbf16> -> vector<16xf32>
        %get3A_643 = arith.index_cast %scan3A_570 : i32 to index
        %get3A_644 = arith.constant 128 : index
        %get3A_645 = tpu.vector_load %arg19[%get3A_643, %get3A_644] {strides = array<i32>} : memref<40x256xi32, #tpu.memory_space<vmem>>, vector<16xi32>,
        %bitcast3A_646 = vector.bitcast %get3A_645 : vector<16xi32> to vector<32xbf16>
        %unpack3A_647 = tpu.unpack_subelements %bitcast3A_646, 0 {pack_format = #tpu.pack_format<interleaved>} : vector<32xbf16> -> vector<16xf32>
        %unpack3A_648 = tpu.unpack_subelements %bitcast3A_646, 1 {pack_format = #tpu.pack_format<interleaved>} : vector<32xbf16> -> vector<16xf32>
        %get3A_649 = arith.index_cast %scan3A_570 : i32 to index
        %get3A_650 = arith.constant 192 : index
        %get3A_651 = tpu.vector_load %arg19[%get3A_649, %get3A_650] {strides = array<i32>} : memref<40x256xi32, #tpu.memory_space<vmem>>, vector<16xi32>,
        %bitcast3A_652 = vector.bitcast %get3A_651 : vector<16xi32> to vector<32xbf16>
        %unpack3A_653 = tpu.unpack_subelements %bitcast3A_652, 0 {pack_format = #tpu.pack_format<interleaved>} : vector<32xbf16> -> vector<16xf32>
        %unpack3A_654 = tpu.unpack_subelements %bitcast3A_652, 1 {pack_format = #tpu.pack_format<interleaved>} : vector<32xbf16> -> vector<16xf32>
        %mul3A_655 = arith.mulf %get3A_615, %unpack3A_635 : vector<16xf32>
        %mul3A_656 = arith.mulf %get3A_620, %unpack3A_641 : vector<16xf32>
        %add3A_657 = arith.addf %mul3A_655, %mul3A_656 : vector<16xf32>
        %mul3A_658 = arith.mulf %get3A_625, %unpack3A_647 : vector<16xf32>
        %add3A_659 = arith.addf %add3A_657, %mul3A_658 : vector<16xf32>
        %mul3A_660 = arith.mulf %get3A_630, %unpack3A_653 : vector<16xf32>
        %add3A_661 = arith.addf %add3A_659, %mul3A_660 : vector<16xf32>
        %mul3A_662 = arith.mulf %get3A_615, %unpack3A_636 : vector<16xf32>
        %mul3A_663 = arith.mulf %get3A_620, %unpack3A_642 : vector<16xf32>
        %add3A_664 = arith.addf %mul3A_662, %mul3A_663 : vector<16xf32>
        %mul3A_665 = arith.mulf %get3A_625, %unpack3A_648 : vector<16xf32>
        %add3A_666 = arith.addf %add3A_664, %mul3A_665 : vector<16xf32>
        %mul3A_667 = arith.mulf %get3A_630, %unpack3A_654 : vector<16xf32>
        %add3A_668 = arith.addf %add3A_666, %mul3A_667 : vector<16xf32>
        %swap3A_669 = arith.index_cast %scan3A_570 : i32 to index
        %swap3A_670 = arith.constant 0 : index
        %swap3A_671 = tpu.vector_load %arg21[%swap3A_669, %swap3A_670] {strides = array<i32>} : memref<40x128xf32, #tpu.memory_space<vmem>>, vector<16xf32>,
        tpu.vector_store %arg21[%swap3A_669, %swap3A_670], %add3A_661 {strides = array<i32>} : memref<40x128xf32, #tpu.memory_space<vmem>>, vector<16xf32>,
        %swap3A_672 = arith.index_cast %scan3A_570 : i32 to index
        %swap3A_673 = arith.constant 16 : index
        %swap3A_674 = tpu.vector_load %arg21[%swap3A_672, %swap3A_673] {strides = array<i32>} : memref<40x128xf32, #tpu.memory_space<vmem>>, vector<16xf32>,
        tpu.vector_store %arg21[%swap3A_672, %swap3A_673], %add3A_668 {strides = array<i32>} : memref<40x128xf32, #tpu.memory_space<vmem>>, vector<16xf32>,
        %get3A_675 = arith.index_cast %scan3A_570 : i32 to index
        %get3A_676 = arith.constant 16 : index
        %get3A_677 = tpu.vector_load %arg19[%get3A_675, %get3A_676] {strides = array<i32>} : memref<40x256xi32, #tpu.memory_space<vmem>>, vector<16xi32>,
        %bitcast3A_678 = vector.bitcast %get3A_677 : vector<16xi32> to vector<32xbf16>
        %unpack3A_679 = tpu.unpack_subelements %bitcast3A_678, 0 {pack_format = #tpu.pack_format<interleaved>} : vector<32xbf16> -> vector<16xf32>
        %unpack3A_680 = tpu.unpack_subelements %bitcast3A_678, 1 {pack_format = #tpu.pack_format<interleaved>} : vector<32xbf16> -> vector<16xf32>
        %get3A_681 = arith.index_cast %scan3A_570 : i32 to index
        %get3A_682 = arith.constant 80 : index
        %get3A_683 = tpu.vector_load %arg19[%get3A_681, %get3A_682] {strides = array<i32>} : memref<40x256xi32, #tpu.memory_space<vmem>>, vector<16xi32>,
        %bitcast3A_684 = vector.bitcast %get3A_683 : vector<16xi32> to vector<32xbf16>
        %unpack3A_685 = tpu.unpack_subelements %bitcast3A_684, 0 {pack_format = #tpu.pack_format<interleaved>} : vector<32xbf16> -> vector<16xf32>
        %unpack3A_686 = tpu.unpack_subelements %bitcast3A_684, 1 {pack_format = #tpu.pack_format<interleaved>} : vector<32xbf16> -> vector<16xf32>
        %get3A_687 = arith.index_cast %scan3A_570 : i32 to index
        %get3A_688 = arith.constant 144 : index
        %get3A_689 = tpu.vector_load %arg19[%get3A_687, %get3A_688] {strides = array<i32>} : memref<40x256xi32, #tpu.memory_space<vmem>>, vector<16xi32>,
        %bitcast3A_690 = vector.bitcast %get3A_689 : vector<16xi32> to vector<32xbf16>
        %unpack3A_691 = tpu.unpack_subelements %bitcast3A_690, 0 {pack_format = #tpu.pack_format<interleaved>} : vector<32xbf16> -> vector<16xf32>
        %unpack3A_692 = tpu.unpack_subelements %bitcast3A_690, 1 {pack_format = #tpu.pack_format<interleaved>} : vector<32xbf16> -> vector<16xf32>
        %get3A_693 = arith.index_cast %scan3A_570 : i32 to index
        %get3A_694 = arith.constant 208 : index
        %get3A_695 = tpu.vector_load %arg19[%get3A_693, %get3A_694] {strides = array<i32>} : memref<40x256xi32, #tpu.memory_space<vmem>>, vector<16xi32>,
        %bitcast3A_696 = vector.bitcast %get3A_695 : vector<16xi32> to vector<32xbf16>
        %unpack3A_697 = tpu.unpack_subelements %bitcast3A_696, 0 {pack_format = #tpu.pack_format<interleaved>} : vector<32xbf16> -> vector<16xf32>
        %unpack3A_698 = tpu.unpack_subelements %bitcast3A_696, 1 {pack_format = #tpu.pack_format<interleaved>} : vector<32xbf16> -> vector<16xf32>
        %mul3A_699 = arith.mulf %get3A_615, %unpack3A_679 : vector<16xf32>
        %mul3A_700 = arith.mulf %get3A_620, %unpack3A_685 : vector<16xf32>
        %add3A_701 = arith.addf %mul3A_699, %mul3A_700 : vector<16xf32>
        %mul3A_702 = arith.mulf %get3A_625, %unpack3A_691 : vector<16xf32>
        %add3A_703 = arith.addf %add3A_701, %mul3A_702 : vector<16xf32>
        %mul3A_704 = arith.mulf %get3A_630, %unpack3A_697 : vector<16xf32>
        %add3A_705 = arith.addf %add3A_703, %mul3A_704 : vector<16xf32>
        %mul3A_706 = arith.mulf %get3A_615, %unpack3A_680 : vector<16xf32>
        %mul3A_707 = arith.mulf %get3A_620, %unpack3A_686 : vector<16xf32>
        %add3A_708 = arith.addf %mul3A_706, %mul3A_707 : vector<16xf32>
        %mul3A_709 = arith.mulf %get3A_625, %unpack3A_692 : vector<16xf32>
        %add3A_710 = arith.addf %add3A_708, %mul3A_709 : vector<16xf32>
        %mul3A_711 = arith.mulf %get3A_630, %unpack3A_698 : vector<16xf32>
        %add3A_712 = arith.addf %add3A_710, %mul3A_711 : vector<16xf32>
        %swap3A_713 = arith.index_cast %scan3A_570 : i32 to index
        %swap3A_714 = arith.constant 32 : index
        %swap3A_715 = tpu.vector_load %arg21[%swap3A_713, %swap3A_714] {strides = array<i32>} : memref<40x128xf32, #tpu.memory_space<vmem>>, vector<16xf32>,
        tpu.vector_store %arg21[%swap3A_713, %swap3A_714], %add3A_705 {strides = array<i32>} : memref<40x128xf32, #tpu.memory_space<vmem>>, vector<16xf32>,
        %swap3A_716 = arith.index_cast %scan3A_570 : i32 to index
        %swap3A_717 = arith.constant 48 : index
        %swap3A_718 = tpu.vector_load %arg21[%swap3A_716, %swap3A_717] {strides = array<i32>} : memref<40x128xf32, #tpu.memory_space<vmem>>, vector<16xf32>,
        tpu.vector_store %arg21[%swap3A_716, %swap3A_717], %add3A_712 {strides = array<i32>} : memref<40x128xf32, #tpu.memory_space<vmem>>, vector<16xf32>,
        %get3A_719 = arith.index_cast %scan3A_570 : i32 to index
        %get3A_720 = arith.constant 32 : index
        %get3A_721 = tpu.vector_load %arg19[%get3A_719, %get3A_720] {strides = array<i32>} : memref<40x256xi32, #tpu.memory_space<vmem>>, vector<16xi32>,
        %bitcast3A_722 = vector.bitcast %get3A_721 : vector<16xi32> to vector<32xbf16>
        %unpack3A_723 = tpu.unpack_subelements %bitcast3A_722, 0 {pack_format = #tpu.pack_format<interleaved>} : vector<32xbf16> -> vector<16xf32>
        %unpack3A_724 = tpu.unpack_subelements %bitcast3A_722, 1 {pack_format = #tpu.pack_format<interleaved>} : vector<32xbf16> -> vector<16xf32>
        %get3A_725 = arith.index_cast %scan3A_570 : i32 to index
        %get3A_726 = arith.constant 96 : index
        %get3A_727 = tpu.vector_load %arg19[%get3A_725, %get3A_726] {strides = array<i32>} : memref<40x256xi32, #tpu.memory_space<vmem>>, vector<16xi32>,
        %bitcast3A_728 = vector.bitcast %get3A_727 : vector<16xi32> to vector<32xbf16>
        %unpack3A_729 = tpu.unpack_subelements %bitcast3A_728, 0 {pack_format = #tpu.pack_format<interleaved>} : vector<32xbf16> -> vector<16xf32>
        %unpack3A_730 = tpu.unpack_subelements %bitcast3A_728, 1 {pack_format = #tpu.pack_format<interleaved>} : vector<32xbf16> -> vector<16xf32>
        %get3A_731 = arith.index_cast %scan3A_570 : i32 to index
        %get3A_732 = arith.constant 160 : index
        %get3A_733 = tpu.vector_load %arg19[%get3A_731, %get3A_732] {strides = array<i32>} : memref<40x256xi32, #tpu.memory_space<vmem>>, vector<16xi32>,
        %bitcast3A_734 = vector.bitcast %get3A_733 : vector<16xi32> to vector<32xbf16>
        %unpack3A_735 = tpu.unpack_subelements %bitcast3A_734, 0 {pack_format = #tpu.pack_format<interleaved>} : vector<32xbf16> -> vector<16xf32>
        %unpack3A_736 = tpu.unpack_subelements %bitcast3A_734, 1 {pack_format = #tpu.pack_format<interleaved>} : vector<32xbf16> -> vector<16xf32>
        %get3A_737 = arith.index_cast %scan3A_570 : i32 to index
        %get3A_738 = arith.constant 224 : index
        %get3A_739 = tpu.vector_load %arg19[%get3A_737, %get3A_738] {strides = array<i32>} : memref<40x256xi32, #tpu.memory_space<vmem>>, vector<16xi32>,
        %bitcast3A_740 = vector.bitcast %get3A_739 : vector<16xi32> to vector<32xbf16>
        %unpack3A_741 = tpu.unpack_subelements %bitcast3A_740, 0 {pack_format = #tpu.pack_format<interleaved>} : vector<32xbf16> -> vector<16xf32>
        %unpack3A_742 = tpu.unpack_subelements %bitcast3A_740, 1 {pack_format = #tpu.pack_format<interleaved>} : vector<32xbf16> -> vector<16xf32>
        %mul3A_743 = arith.mulf %get3A_615, %unpack3A_723 : vector<16xf32>
        %mul3A_744 = arith.mulf %get3A_620, %unpack3A_729 : vector<16xf32>
        %add3A_745 = arith.addf %mul3A_743, %mul3A_744 : vector<16xf32>
        %mul3A_746 = arith.mulf %get3A_625, %unpack3A_735 : vector<16xf32>
        %add3A_747 = arith.addf %add3A_745, %mul3A_746 : vector<16xf32>
        %mul3A_748 = arith.mulf %get3A_630, %unpack3A_741 : vector<16xf32>
        %add3A_749 = arith.addf %add3A_747, %mul3A_748 : vector<16xf32>
        %mul3A_750 = arith.mulf %get3A_615, %unpack3A_724 : vector<16xf32>
        %mul3A_751 = arith.mulf %get3A_620, %unpack3A_730 : vector<16xf32>
        %add3A_752 = arith.addf %mul3A_750, %mul3A_751 : vector<16xf32>
        %mul3A_753 = arith.mulf %get3A_625, %unpack3A_736 : vector<16xf32>
        %add3A_754 = arith.addf %add3A_752, %mul3A_753 : vector<16xf32>
        %mul3A_755 = arith.mulf %get3A_630, %unpack3A_742 : vector<16xf32>
        %add3A_756 = arith.addf %add3A_754, %mul3A_755 : vector<16xf32>
        %swap3A_757 = arith.index_cast %scan3A_570 : i32 to index
        %swap3A_758 = arith.constant 64 : index
        %swap3A_759 = tpu.vector_load %arg21[%swap3A_757, %swap3A_758] {strides = array<i32>} : memref<40x128xf32, #tpu.memory_space<vmem>>, vector<16xf32>,
        tpu.vector_store %arg21[%swap3A_757, %swap3A_758], %add3A_749 {strides = array<i32>} : memref<40x128xf32, #tpu.memory_space<vmem>>, vector<16xf32>,
        %swap3A_760 = arith.index_cast %scan3A_570 : i32 to index
        %swap3A_761 = arith.constant 80 : index
        %swap3A_762 = tpu.vector_load %arg21[%swap3A_760, %swap3A_761] {strides = array<i32>} : memref<40x128xf32, #tpu.memory_space<vmem>>, vector<16xf32>,
        tpu.vector_store %arg21[%swap3A_760, %swap3A_761], %add3A_756 {strides = array<i32>} : memref<40x128xf32, #tpu.memory_space<vmem>>, vector<16xf32>,
        %get3A_763 = arith.index_cast %scan3A_570 : i32 to index
        %get3A_764 = arith.constant 48 : index
        %get3A_765 = tpu.vector_load %arg19[%get3A_763, %get3A_764] {strides = array<i32>} : memref<40x256xi32, #tpu.memory_space<vmem>>, vector<16xi32>,
        %bitcast3A_766 = vector.bitcast %get3A_765 : vector<16xi32> to vector<32xbf16>
        %unpack3A_767 = tpu.unpack_subelements %bitcast3A_766, 0 {pack_format = #tpu.pack_format<interleaved>} : vector<32xbf16> -> vector<16xf32>
        %unpack3A_768 = tpu.unpack_subelements %bitcast3A_766, 1 {pack_format = #tpu.pack_format<interleaved>} : vector<32xbf16> -> vector<16xf32>
        %get3A_769 = arith.index_cast %scan3A_570 : i32 to index
        %get3A_770 = arith.constant 112 : index
        %get3A_771 = tpu.vector_load %arg19[%get3A_769, %get3A_770] {strides = array<i32>} : memref<40x256xi32, #tpu.memory_space<vmem>>, vector<16xi32>,
        %bitcast3A_772 = vector.bitcast %get3A_771 : vector<16xi32> to vector<32xbf16>
        %unpack3A_773 = tpu.unpack_subelements %bitcast3A_772, 0 {pack_format = #tpu.pack_format<interleaved>} : vector<32xbf16> -> vector<16xf32>
        %unpack3A_774 = tpu.unpack_subelements %bitcast3A_772, 1 {pack_format = #tpu.pack_format<interleaved>} : vector<32xbf16> -> vector<16xf32>
        %get3A_775 = arith.index_cast %scan3A_570 : i32 to index
        %get3A_776 = arith.constant 176 : index
        %get3A_777 = tpu.vector_load %arg19[%get3A_775, %get3A_776] {strides = array<i32>} : memref<40x256xi32, #tpu.memory_space<vmem>>, vector<16xi32>,
        %bitcast3A_778 = vector.bitcast %get3A_777 : vector<16xi32> to vector<32xbf16>
        %unpack3A_779 = tpu.unpack_subelements %bitcast3A_778, 0 {pack_format = #tpu.pack_format<interleaved>} : vector<32xbf16> -> vector<16xf32>
        %unpack3A_780 = tpu.unpack_subelements %bitcast3A_778, 1 {pack_format = #tpu.pack_format<interleaved>} : vector<32xbf16> -> vector<16xf32>
        %get3A_781 = arith.index_cast %scan3A_570 : i32 to index
        %get3A_782 = arith.constant 240 : index
        %get3A_783 = tpu.vector_load %arg19[%get3A_781, %get3A_782] {strides = array<i32>} : memref<40x256xi32, #tpu.memory_space<vmem>>, vector<16xi32>,
        %bitcast3A_784 = vector.bitcast %get3A_783 : vector<16xi32> to vector<32xbf16>
        %unpack3A_785 = tpu.unpack_subelements %bitcast3A_784, 0 {pack_format = #tpu.pack_format<interleaved>} : vector<32xbf16> -> vector<16xf32>
        %unpack3A_786 = tpu.unpack_subelements %bitcast3A_784, 1 {pack_format = #tpu.pack_format<interleaved>} : vector<32xbf16> -> vector<16xf32>
        %mul3A_787 = arith.mulf %get3A_615, %unpack3A_767 : vector<16xf32>
        %mul3A_788 = arith.mulf %get3A_620, %unpack3A_773 : vector<16xf32>
        %add3A_789 = arith.addf %mul3A_787, %mul3A_788 : vector<16xf32>
        %mul3A_790 = arith.mulf %get3A_625, %unpack3A_779 : vector<16xf32>
        %add3A_791 = arith.addf %add3A_789, %mul3A_790 : vector<16xf32>
        %mul3A_792 = arith.mulf %get3A_630, %unpack3A_785 : vector<16xf32>
        %add3A_793 = arith.addf %add3A_791, %mul3A_792 : vector<16xf32>
        %mul3A_794 = arith.mulf %get3A_615, %unpack3A_768 : vector<16xf32>
        %mul3A_795 = arith.mulf %get3A_620, %unpack3A_774 : vector<16xf32>
        %add3A_796 = arith.addf %mul3A_794, %mul3A_795 : vector<16xf32>
        %mul3A_797 = arith.mulf %get3A_625, %unpack3A_780 : vector<16xf32>
        %add3A_798 = arith.addf %add3A_796, %mul3A_797 : vector<16xf32>
        %mul3A_799 = arith.mulf %get3A_630, %unpack3A_786 : vector<16xf32>
        %add3A_800 = arith.addf %add3A_798, %mul3A_799 : vector<16xf32>
        %swap3A_801 = arith.index_cast %scan3A_570 : i32 to index
        %swap3A_802 = arith.constant 96 : index
        %swap3A_803 = tpu.vector_load %arg21[%swap3A_801, %swap3A_802] {strides = array<i32>} : memref<40x128xf32, #tpu.memory_space<vmem>>, vector<16xf32>,
        tpu.vector_store %arg21[%swap3A_801, %swap3A_802], %add3A_793 {strides = array<i32>} : memref<40x128xf32, #tpu.memory_space<vmem>>, vector<16xf32>,
        %swap3A_804 = arith.index_cast %scan3A_570 : i32 to index
        %swap3A_805 = arith.constant 112 : index
        %swap3A_806 = tpu.vector_load %arg21[%swap3A_804, %swap3A_805] {strides = array<i32>} : memref<40x128xf32, #tpu.memory_space<vmem>>, vector<16xf32>,
        tpu.vector_store %arg21[%swap3A_804, %swap3A_805], %add3A_800 {strides = array<i32>} : memref<40x128xf32, #tpu.memory_space<vmem>>, vector<16xf32>,
      }
      %scan3A_243 = arith.constant 40 : i32
      %dma_start3A_244 = arith.constant 0 : i32
      %dma_start3A_245 = arith.constant 0 : i32
      %dma_start3A_246 = tpu.memref_slice %arg22[%dma_start3A_244, %dma_start3A_245] : memref<10112x128xf32, #tpu.memory_space<vmem_shared>> -> memref<10112x128xf32, #tpu.memory_space<vmem_shared>>
      tpu.enqueue_indirect_dma source(%arg21 : memref<40x128xf32, #tpu.memory_space<vmem>>) target(%dma_start3A_246 : memref<10112x128xf32, #tpu.memory_space<vmem_shared>>) offsets(%arg13 : memref<40xi32, #tpu.memory_space<vmem>>) semaphore(%arg36 : memref<!tpu.dma_semaphore, #tpu.memory_space<semaphore_mem>>) {add = true}
      %mul3A_247 = arith.constant 4 : i32
      %mul3A_248 = arith.muli %scan3A_148, %mul3A_247 : i32
      %add3A_249 = arith.constant 2 : i32
      %add3A_250 = arith.addi %mul3A_248, %add3A_249 : i32
      %ge3A_251 = arith.constant 2 : i32
      %ge3A_252 = arith.cmpi sge, %add3A_250, %ge3A_251 : i32
      %convert_element_type3A_253 = arith.extui %ge3A_252 : i1 to i32
      %cond3A_254 = arith.constant 0 : i32
      %cond3A_255 = arith.cmpi ne, %convert_element_type3A_253, %cond3A_254 : i32
      scf.if %cond3A_255 {
        %dma_wait3A_345 = arith.constant 0 : i32
        %dma_wait3A_346 = arith.constant 0 : i32
        %dma_wait3A_347 = tpu.memref_slice %arg22[%dma_wait3A_345, %dma_wait3A_346] : memref<10112x128xf32, #tpu.memory_space<vmem_shared>> -> memref<10112x128xf32, #tpu.memory_space<vmem_shared>>
        tpu.wait_indirect_dma semaphore(%arg35 : memref<!tpu.dma_semaphore, #tpu.memory_space<semaphore_mem>>) src(%arg20 : memref<40x128xf32, #tpu.memory_space<vmem>>) dst(%dma_wait3A_347 : memref<10112x128xf32, #tpu.memory_space<vmem_shared>>)
      } else {
      }
      %add3A_256 = arith.constant 2 : i32
      %add3A_257 = arith.addi %add3A_250, %add3A_256 : i32
      %lt3A_258 = arith.constant 250 : i32
      %lt3A_259 = arith.cmpi slt, %add3A_257, %lt3A_258 : i32
      %convert_element_type3A_260 = arith.extui %lt3A_259 : i1 to i32
      %cond3A_261 = arith.constant 0 : i32
      %cond3A_262 = arith.cmpi ne, %convert_element_type3A_260, %cond3A_261 : i32
      scf.if %cond3A_262 {
        %add3A_345 = arith.constant 2 : i32
        %add3A_346 = arith.addi %add3A_250, %add3A_345 : i32
        %mul3A_347 = arith.constant 40 : i32
        %mul3A_348 = arith.muli %add3A_346, %mul3A_347 : i32
        %add3A_349 = arith.addi %mul3A_8, %mul3A_348 : i32
        %dma_start3A_350 = tpu.memref_slice %arg3[%add3A_349] : memref<320000xi32, #tpu.memory_space<hbm>> -> memref<40xi32, #tpu.memory_space<hbm>>
        %dma_start3A_351 = tpu.memref_slice %arg3[%add3A_349] : memref<320000xi32, #tpu.memory_space<hbm>> -> memref<40xi32, #tpu.memory_space<hbm>>
        tpu.enqueue_dma source(%dma_start3A_351 : memref<40xi32, #tpu.memory_space<hbm>>) target(%arg8 : memref<40xi32, #tpu.memory_space<vmem>>) target_semaphore(%arg23 : memref<!tpu.dma_semaphore, #tpu.memory_space<semaphore_mem>>)
        %dma_start3A_352 = tpu.memref_slice %arg4[%add3A_349] : memref<320000xi32, #tpu.memory_space<hbm>> -> memref<40xi32, #tpu.memory_space<hbm>>
        %dma_start3A_353 = tpu.memref_slice %arg4[%add3A_349] : memref<320000xi32, #tpu.memory_space<hbm>> -> memref<40xi32, #tpu.memory_space<hbm>>
        tpu.enqueue_dma source(%dma_start3A_353 : memref<40xi32, #tpu.memory_space<hbm>>) target(%arg12 : memref<40xi32, #tpu.memory_space<vmem>>) target_semaphore(%arg27 : memref<!tpu.dma_semaphore, #tpu.memory_space<semaphore_mem>>)
      } else {
      }
      %add3A_263 = arith.constant 1 : i32
      %add3A_264 = arith.addi %add3A_250, %add3A_263 : i32
      %lt3A_265 = arith.constant 250 : i32
      %lt3A_266 = arith.cmpi slt, %add3A_264, %lt3A_265 : i32
      %convert_element_type3A_267 = arith.extui %lt3A_266 : i1 to i32
      %cond3A_268 = arith.constant 0 : i32
      %cond3A_269 = arith.cmpi ne, %convert_element_type3A_267, %cond3A_268 : i32
      scf.if %cond3A_269 {
        %add3A_345 = arith.constant 1 : i32
        %add3A_346 = arith.addi %add3A_250, %add3A_345 : i32
        %mul3A_347 = arith.constant 40 : i32
        %mul3A_348 = arith.muli %add3A_346, %mul3A_347 : i32
        %add3A_349 = arith.addi %mul3A_8, %mul3A_348 : i32
        %dma_wait3A_350 = tpu.memref_slice %arg3[%add3A_349] : memref<320000xi32, #tpu.memory_space<hbm>> -> memref<40xi32, #tpu.memory_space<hbm>>
        %dma_wait3A_351 = tpu.memref_slice %arg3[%add3A_349] : memref<320000xi32, #tpu.memory_space<hbm>> -> memref<40xi32, #tpu.memory_space<hbm>>
        tpu.wait_dma2 semaphore(%arg26 : memref<!tpu.dma_semaphore, #tpu.memory_space<semaphore_mem>>) src(%dma_wait3A_351 : memref<40xi32, #tpu.memory_space<hbm>>) dst(%arg11 : memref<40xi32, #tpu.memory_space<vmem>>)
        %dma_start3A_352 = arith.constant 0 : i32
        %dma_start3A_353 = arith.constant 0 : i32
        %dma_start3A_354 = tpu.memref_slice %arg2[%dma_start3A_352, %dma_start3A_353] : memref<10000x256xi32, #tpu.memory_space<hbm>> -> memref<10000x256xi32, #tpu.memory_space<hbm>>
        tpu.enqueue_indirect_dma source(%dma_start3A_354 : memref<10000x256xi32, #tpu.memory_space<hbm>>) target(%arg19 : memref<40x256xi32, #tpu.memory_space<vmem>>) offsets(%arg11 : memref<40xi32, #tpu.memory_space<vmem>>) semaphore(%arg34 : memref<!tpu.dma_semaphore, #tpu.memory_space<semaphore_mem>>)
        %add3A_355 = arith.addi %mul3A_6, %add3A_250 : i32
        %add3A_356 = arith.constant 1 : i32
        %add3A_357 = arith.addi %add3A_355, %add3A_356 : i32
        %dma_start3A_358 = arith.constant 0 : i32
        %dma_start3A_359 = arith.constant 0 : i32
        %dma_start3A_360 = tpu.memref_slice %arg5[%add3A_357, %dma_start3A_358, %dma_start3A_359] : memref<8000x20x128xf32, #tpu.memory_space<hbm>> -> memref<1x20x128xf32, #tpu.memory_space<hbm>>
        %dma_start3A_361 = tpu.memref_squeeze %dma_start3A_360 : memref<1x20x128xf32, #tpu.memory_space<hbm>> -> memref<20x128xf32, #tpu.memory_space<hbm>>
        %dma_start3A_362 = arith.constant 0 : i32
        %dma_start3A_363 = arith.constant 0 : i32
        %dma_start3A_364 = tpu.memref_slice %arg5[%add3A_357, %dma_start3A_362, %dma_start3A_363] : memref<8000x20x128xf32, #tpu.memory_space<hbm>> -> memref<1x20x128xf32, #tpu.memory_space<hbm>>
        %dma_start3A_365 = tpu.memref_squeeze %dma_start3A_364 : memref<1x20x128xf32, #tpu.memory_space<hbm>> -> memref<20x128xf32, #tpu.memory_space<hbm>>
        tpu.enqueue_dma source(%dma_start3A_365 : memref<20x128xf32, #tpu.memory_space<hbm>>) target(%arg17 : memref<20x128xf32, #tpu.memory_space<vmem>>) target_semaphore(%arg32 : memref<!tpu.dma_semaphore, #tpu.memory_space<semaphore_mem>>)
      } else {
      }
      %dma_wait3A_270 = arith.constant 0 : i32
      %dma_wait3A_271 = arith.constant 0 : i32
      %dma_wait3A_272 = tpu.memref_slice %arg2[%dma_wait3A_270, %dma_wait3A_271] : memref<10000x256xi32, #tpu.memory_space<hbm>> -> memref<10000x256xi32, #tpu.memory_space<hbm>>
      tpu.wait_indirect_dma semaphore(%arg33 : memref<!tpu.dma_semaphore, #tpu.memory_space<semaphore_mem>>) src(%dma_wait3A_272 : memref<10000x256xi32, #tpu.memory_space<hbm>>) dst(%arg18 : memref<40x256xi32, #tpu.memory_space<vmem>>)
      %add3A_273 = arith.addi %mul3A_6, %add3A_250 : i32
      %dma_wait3A_274 = arith.constant 0 : i32
      %dma_wait3A_275 = arith.constant 0 : i32
      %dma_wait3A_276 = tpu.memref_slice %arg5[%add3A_273, %dma_wait3A_274, %dma_wait3A_275] : memref<8000x20x128xf32, #tpu.memory_space<hbm>> -> memref<1x20x128xf32, #tpu.memory_space<hbm>>
      %dma_wait3A_277 = tpu.memref_squeeze %dma_wait3A_276 : memref<1x20x128xf32, #tpu.memory_space<hbm>> -> memref<20x128xf32, #tpu.memory_space<hbm>>
      %dma_wait3A_278 = arith.constant 0 : i32
      %dma_wait3A_279 = arith.constant 0 : i32
      %dma_wait3A_280 = tpu.memref_slice %arg5[%add3A_273, %dma_wait3A_278, %dma_wait3A_279] : memref<8000x20x128xf32, #tpu.memory_space<hbm>> -> memref<1x20x128xf32, #tpu.memory_space<hbm>>
      %dma_wait3A_281 = tpu.memref_squeeze %dma_wait3A_280 : memref<1x20x128xf32, #tpu.memory_space<hbm>> -> memref<20x128xf32, #tpu.memory_space<hbm>>
      tpu.wait_dma2 semaphore(%arg31 : memref<!tpu.dma_semaphore, #tpu.memory_space<semaphore_mem>>) src(%dma_wait3A_281 : memref<20x128xf32, #tpu.memory_space<hbm>>) dst(%arg16 : memref<20x128xf32, #tpu.memory_space<vmem>>)
      %mul3A_282 = arith.constant 40 : i32
      %mul3A_283 = arith.muli %add3A_250, %mul3A_282 : i32
      %add3A_284 = arith.addi %mul3A_8, %mul3A_283 : i32
      %dma_wait3A_285 = tpu.memref_slice %arg4[%add3A_284] : memref<320000xi32, #tpu.memory_space<hbm>> -> memref<40xi32, #tpu.memory_space<hbm>>
      %dma_wait3A_286 = tpu.memref_slice %arg4[%add3A_284] : memref<320000xi32, #tpu.memory_space<hbm>> -> memref<40xi32, #tpu.memory_space<hbm>>
      tpu.wait_dma2 semaphore(%arg29 : memref<!tpu.dma_semaphore, #tpu.memory_space<semaphore_mem>>) src(%dma_wait3A_286 : memref<40xi32, #tpu.memory_space<hbm>>) dst(%arg14 : memref<40xi32, #tpu.memory_space<vmem>>)
      %scan3A_287 = arith.constant 0 : i32
      %scan3A_288 = arith.constant 0 : i32
      %scan3A_289 = arith.constant 40 : i32
      %scan3A_290 = arith.addi %scan3A_288, %scan3A_289 : i32
      %scan3A_291 = arith.constant 2 : i32
      scf.for %scan3A_345 = %scan3A_288 to %scan3A_290 step %scan3A_291  : i32 {
        %jit3A = arith.constant 2 : i32
        %div3A = arith.divsi %scan3A_345, %jit3A : i32
        %sign3A = arith.constant 0 : i32
        %sign3A_346 = arith.cmpi sgt, %scan3A_345, %sign3A : i32
        %sign3A_347 = arith.extui %sign3A_346 : i1 to i32
        %sign3A_348 = arith.constant 0 : i32
        %sign3A_349 = arith.cmpi slt, %scan3A_345, %sign3A_348 : i32
        %sign3A_350 = arith.extui %sign3A_349 : i1 to i32
        %sign3A_351 = arith.subi %sign3A_347, %sign3A_350 : i32
        %sign3A_352 = arith.constant 0 : i32
        %sign3A_353 = arith.cmpi sgt, %jit3A, %sign3A_352 : i32
        %sign3A_354 = arith.extui %sign3A_353 : i1 to i32
        %sign3A_355 = arith.constant 0 : i32
        %sign3A_356 = arith.cmpi slt, %jit3A, %sign3A_355 : i32
        %sign3A_357 = arith.extui %sign3A_356 : i1 to i32
        %sign3A_358 = arith.subi %sign3A_354, %sign3A_357 : i32
        %ne3A = arith.cmpi ne, %sign3A_351, %sign3A_358 : i32
        %rem3A = arith.remsi %scan3A_345, %jit3A : i32
        %ne3A_359 = arith.constant 0 : i32
        %ne3A_360 = arith.cmpi ne, %rem3A, %ne3A_359 : i32
        %and3A = arith.andi %ne3A, %ne3A_360 : i1
        %sub3A = arith.constant 1 : i32
        %sub3A_361 = arith.subi %div3A, %sub3A : i32
        %select_n3A = arith.select %and3A, %sub3A_361, %div3A : i32
        %jit3A_362 = arith.constant 2 : i32
        %eq3A = arith.constant 0 : i32
        %eq3A_363 = arith.cmpi eq, %jit3A_362, %eq3A : i32
        %jit3A_364 = arith.constant 1 : i32
        %select_n3A_365 = arith.select %eq3A_363, %jit3A_364, %jit3A_362 : i32
        %rem3A_366 = arith.remsi %scan3A_345, %select_n3A_365 : i32
        %ne3A_367 = arith.constant 0 : i32
        %ne3A_368 = arith.cmpi ne, %rem3A_366, %ne3A_367 : i32
        %lt3A_369 = arith.constant 0 : i32
        %lt3A_370 = arith.cmpi slt, %rem3A_366, %lt3A_369 : i32
        %lt3A_371 = arith.constant 0 : i32
        %lt3A_372 = arith.cmpi slt, %select_n3A_365, %lt3A_371 : i32
        %ne3A_373 = arith.xori %lt3A_370, %lt3A_372 : i1
        %and3A_374 = arith.andi %ne3A_373, %ne3A_368 : i1
        %add3A_375 = arith.addi %rem3A_366, %select_n3A_365 : i32
        %select_n3A_376 = arith.select %and3A_374, %add3A_375, %rem3A_366 : i32
        %mul3A_377 = arith.constant 64 : i32
        %mul3A_378 = arith.muli %select_n3A_376, %mul3A_377 : i32
        %get3A = arith.index_cast %select_n3A : i32 to index
        %get3A_379 = arith.index_cast %mul3A_378 : i32 to index
        %get3A_380 = tpu.vector_load %arg16[%get3A, %get3A_379] {strides = array<i32>} : memref<20x128xf32, #tpu.memory_space<vmem>>, vector<16xf32>,
        %add3A_381 = arith.constant 16 : i32
        %add3A_382 = arith.addi %mul3A_378, %add3A_381 : i32
        %get3A_383 = arith.index_cast %select_n3A : i32 to index
        %get3A_384 = arith.index_cast %add3A_382 : i32 to index
        %get3A_385 = tpu.vector_load %arg16[%get3A_383, %get3A_384] {strides = array<i32>} : memref<20x128xf32, #tpu.memory_space<vmem>>, vector<16xf32>,
        %add3A_386 = arith.constant 32 : i32
        %add3A_387 = arith.addi %mul3A_378, %add3A_386 : i32
        %get3A_388 = arith.index_cast %select_n3A : i32 to index
        %get3A_389 = arith.index_cast %add3A_387 : i32 to index
        %get3A_390 = tpu.vector_load %arg16[%get3A_388, %get3A_389] {strides = array<i32>} : memref<20x128xf32, #tpu.memory_space<vmem>>, vector<16xf32>,
        %add3A_391 = arith.constant 48 : i32
        %add3A_392 = arith.addi %mul3A_378, %add3A_391 : i32
        %get3A_393 = arith.index_cast %select_n3A : i32 to index
        %get3A_394 = arith.index_cast %add3A_392 : i32 to index
        %get3A_395 = tpu.vector_load %arg16[%get3A_393, %get3A_394] {strides = array<i32>} : memref<20x128xf32, #tpu.memory_space<vmem>>, vector<16xf32>,
        %get3A_396 = arith.index_cast %scan3A_345 : i32 to index
        %get3A_397 = arith.constant 0 : index
        %get3A_398 = tpu.vector_load %arg18[%get3A_396, %get3A_397] {strides = array<i32>} : memref<40x256xi32, #tpu.memory_space<vmem>>, vector<16xi32>,
        %bitcast3A = vector.bitcast %get3A_398 : vector<16xi32> to vector<32xbf16>
        %unpack3A = tpu.unpack_subelements %bitcast3A, 0 {pack_format = #tpu.pack_format<interleaved>} : vector<32xbf16> -> vector<16xf32>
        %unpack3A_399 = tpu.unpack_subelements %bitcast3A, 1 {pack_format = #tpu.pack_format<interleaved>} : vector<32xbf16> -> vector<16xf32>
        %get3A_400 = arith.index_cast %scan3A_345 : i32 to index
        %get3A_401 = arith.constant 64 : index
        %get3A_402 = tpu.vector_load %arg18[%get3A_400, %get3A_401] {strides = array<i32>} : memref<40x256xi32, #tpu.memory_space<vmem>>, vector<16xi32>,
        %bitcast3A_403 = vector.bitcast %get3A_402 : vector<16xi32> to vector<32xbf16>
        %unpack3A_404 = tpu.unpack_subelements %bitcast3A_403, 0 {pack_format = #tpu.pack_format<interleaved>} : vector<32xbf16> -> vector<16xf32>
        %unpack3A_405 = tpu.unpack_subelements %bitcast3A_403, 1 {pack_format = #tpu.pack_format<interleaved>} : vector<32xbf16> -> vector<16xf32>
        %get3A_406 = arith.index_cast %scan3A_345 : i32 to index
        %get3A_407 = arith.constant 128 : index
        %get3A_408 = tpu.vector_load %arg18[%get3A_406, %get3A_407] {strides = array<i32>} : memref<40x256xi32, #tpu.memory_space<vmem>>, vector<16xi32>,
        %bitcast3A_409 = vector.bitcast %get3A_408 : vector<16xi32> to vector<32xbf16>
        %unpack3A_410 = tpu.unpack_subelements %bitcast3A_409, 0 {pack_format = #tpu.pack_format<interleaved>} : vector<32xbf16> -> vector<16xf32>
        %unpack3A_411 = tpu.unpack_subelements %bitcast3A_409, 1 {pack_format = #tpu.pack_format<interleaved>} : vector<32xbf16> -> vector<16xf32>
        %get3A_412 = arith.index_cast %scan3A_345 : i32 to index
        %get3A_413 = arith.constant 192 : index
        %get3A_414 = tpu.vector_load %arg18[%get3A_412, %get3A_413] {strides = array<i32>} : memref<40x256xi32, #tpu.memory_space<vmem>>, vector<16xi32>,
        %bitcast3A_415 = vector.bitcast %get3A_414 : vector<16xi32> to vector<32xbf16>
        %unpack3A_416 = tpu.unpack_subelements %bitcast3A_415, 0 {pack_format = #tpu.pack_format<interleaved>} : vector<32xbf16> -> vector<16xf32>
        %unpack3A_417 = tpu.unpack_subelements %bitcast3A_415, 1 {pack_format = #tpu.pack_format<interleaved>} : vector<32xbf16> -> vector<16xf32>
        %mul3A_418 = arith.mulf %get3A_380, %unpack3A : vector<16xf32>
        %mul3A_419 = arith.mulf %get3A_385, %unpack3A_404 : vector<16xf32>
        %add3A_420 = arith.addf %mul3A_418, %mul3A_419 : vector<16xf32>
        %mul3A_421 = arith.mulf %get3A_390, %unpack3A_410 : vector<16xf32>
        %add3A_422 = arith.addf %add3A_420, %mul3A_421 : vector<16xf32>
        %mul3A_423 = arith.mulf %get3A_395, %unpack3A_416 : vector<16xf32>
        %add3A_424 = arith.addf %add3A_422, %mul3A_423 : vector<16xf32>
        %mul3A_425 = arith.mulf %get3A_380, %unpack3A_399 : vector<16xf32>
        %mul3A_426 = arith.mulf %get3A_385, %unpack3A_405 : vector<16xf32>
        %add3A_427 = arith.addf %mul3A_425, %mul3A_426 : vector<16xf32>
        %mul3A_428 = arith.mulf %get3A_390, %unpack3A_411 : vector<16xf32>
        %add3A_429 = arith.addf %add3A_427, %mul3A_428 : vector<16xf32>
        %mul3A_430 = arith.mulf %get3A_395, %unpack3A_417 : vector<16xf32>
        %add3A_431 = arith.addf %add3A_429, %mul3A_430 : vector<16xf32>
        %swap3A = arith.index_cast %scan3A_345 : i32 to index
        %swap3A_432 = arith.constant 0 : index
        %swap3A_433 = tpu.vector_load %arg20[%swap3A, %swap3A_432] {strides = array<i32>} : memref<40x128xf32, #tpu.memory_space<vmem>>, vector<16xf32>,
        tpu.vector_store %arg20[%swap3A, %swap3A_432], %add3A_424 {strides = array<i32>} : memref<40x128xf32, #tpu.memory_space<vmem>>, vector<16xf32>,
        %swap3A_434 = arith.index_cast %scan3A_345 : i32 to index
        %swap3A_435 = arith.constant 16 : index
        %swap3A_436 = tpu.vector_load %arg20[%swap3A_434, %swap3A_435] {strides = array<i32>} : memref<40x128xf32, #tpu.memory_space<vmem>>, vector<16xf32>,
        tpu.vector_store %arg20[%swap3A_434, %swap3A_435], %add3A_431 {strides = array<i32>} : memref<40x128xf32, #tpu.memory_space<vmem>>, vector<16xf32>,
        %get3A_437 = arith.index_cast %scan3A_345 : i32 to index
        %get3A_438 = arith.constant 16 : index
        %get3A_439 = tpu.vector_load %arg18[%get3A_437, %get3A_438] {strides = array<i32>} : memref<40x256xi32, #tpu.memory_space<vmem>>, vector<16xi32>,
        %bitcast3A_440 = vector.bitcast %get3A_439 : vector<16xi32> to vector<32xbf16>
        %unpack3A_441 = tpu.unpack_subelements %bitcast3A_440, 0 {pack_format = #tpu.pack_format<interleaved>} : vector<32xbf16> -> vector<16xf32>
        %unpack3A_442 = tpu.unpack_subelements %bitcast3A_440, 1 {pack_format = #tpu.pack_format<interleaved>} : vector<32xbf16> -> vector<16xf32>
        %get3A_443 = arith.index_cast %scan3A_345 : i32 to index
        %get3A_444 = arith.constant 80 : index
        %get3A_445 = tpu.vector_load %arg18[%get3A_443, %get3A_444] {strides = array<i32>} : memref<40x256xi32, #tpu.memory_space<vmem>>, vector<16xi32>,
        %bitcast3A_446 = vector.bitcast %get3A_445 : vector<16xi32> to vector<32xbf16>
        %unpack3A_447 = tpu.unpack_subelements %bitcast3A_446, 0 {pack_format = #tpu.pack_format<interleaved>} : vector<32xbf16> -> vector<16xf32>
        %unpack3A_448 = tpu.unpack_subelements %bitcast3A_446, 1 {pack_format = #tpu.pack_format<interleaved>} : vector<32xbf16> -> vector<16xf32>
        %get3A_449 = arith.index_cast %scan3A_345 : i32 to index
        %get3A_450 = arith.constant 144 : index
        %get3A_451 = tpu.vector_load %arg18[%get3A_449, %get3A_450] {strides = array<i32>} : memref<40x256xi32, #tpu.memory_space<vmem>>, vector<16xi32>,
        %bitcast3A_452 = vector.bitcast %get3A_451 : vector<16xi32> to vector<32xbf16>
        %unpack3A_453 = tpu.unpack_subelements %bitcast3A_452, 0 {pack_format = #tpu.pack_format<interleaved>} : vector<32xbf16> -> vector<16xf32>
        %unpack3A_454 = tpu.unpack_subelements %bitcast3A_452, 1 {pack_format = #tpu.pack_format<interleaved>} : vector<32xbf16> -> vector<16xf32>
        %get3A_455 = arith.index_cast %scan3A_345 : i32 to index
        %get3A_456 = arith.constant 208 : index
        %get3A_457 = tpu.vector_load %arg18[%get3A_455, %get3A_456] {strides = array<i32>} : memref<40x256xi32, #tpu.memory_space<vmem>>, vector<16xi32>,
        %bitcast3A_458 = vector.bitcast %get3A_457 : vector<16xi32> to vector<32xbf16>
        %unpack3A_459 = tpu.unpack_subelements %bitcast3A_458, 0 {pack_format = #tpu.pack_format<interleaved>} : vector<32xbf16> -> vector<16xf32>
        %unpack3A_460 = tpu.unpack_subelements %bitcast3A_458, 1 {pack_format = #tpu.pack_format<interleaved>} : vector<32xbf16> -> vector<16xf32>
        %mul3A_461 = arith.mulf %get3A_380, %unpack3A_441 : vector<16xf32>
        %mul3A_462 = arith.mulf %get3A_385, %unpack3A_447 : vector<16xf32>
        %add3A_463 = arith.addf %mul3A_461, %mul3A_462 : vector<16xf32>
        %mul3A_464 = arith.mulf %get3A_390, %unpack3A_453 : vector<16xf32>
        %add3A_465 = arith.addf %add3A_463, %mul3A_464 : vector<16xf32>
        %mul3A_466 = arith.mulf %get3A_395, %unpack3A_459 : vector<16xf32>
        %add3A_467 = arith.addf %add3A_465, %mul3A_466 : vector<16xf32>
        %mul3A_468 = arith.mulf %get3A_380, %unpack3A_442 : vector<16xf32>
        %mul3A_469 = arith.mulf %get3A_385, %unpack3A_448 : vector<16xf32>
        %add3A_470 = arith.addf %mul3A_468, %mul3A_469 : vector<16xf32>
        %mul3A_471 = arith.mulf %get3A_390, %unpack3A_454 : vector<16xf32>
        %add3A_472 = arith.addf %add3A_470, %mul3A_471 : vector<16xf32>
        %mul3A_473 = arith.mulf %get3A_395, %unpack3A_460 : vector<16xf32>
        %add3A_474 = arith.addf %add3A_472, %mul3A_473 : vector<16xf32>
        %swap3A_475 = arith.index_cast %scan3A_345 : i32 to index
        %swap3A_476 = arith.constant 32 : index
        %swap3A_477 = tpu.vector_load %arg20[%swap3A_475, %swap3A_476] {strides = array<i32>} : memref<40x128xf32, #tpu.memory_space<vmem>>, vector<16xf32>,
        tpu.vector_store %arg20[%swap3A_475, %swap3A_476], %add3A_467 {strides = array<i32>} : memref<40x128xf32, #tpu.memory_space<vmem>>, vector<16xf32>,
        %swap3A_478 = arith.index_cast %scan3A_345 : i32 to index
        %swap3A_479 = arith.constant 48 : index
        %swap3A_480 = tpu.vector_load %arg20[%swap3A_478, %swap3A_479] {strides = array<i32>} : memref<40x128xf32, #tpu.memory_space<vmem>>, vector<16xf32>,
        tpu.vector_store %arg20[%swap3A_478, %swap3A_479], %add3A_474 {strides = array<i32>} : memref<40x128xf32, #tpu.memory_space<vmem>>, vector<16xf32>,
        %get3A_481 = arith.index_cast %scan3A_345 : i32 to index
        %get3A_482 = arith.constant 32 : index
        %get3A_483 = tpu.vector_load %arg18[%get3A_481, %get3A_482] {strides = array<i32>} : memref<40x256xi32, #tpu.memory_space<vmem>>, vector<16xi32>,
        %bitcast3A_484 = vector.bitcast %get3A_483 : vector<16xi32> to vector<32xbf16>
        %unpack3A_485 = tpu.unpack_subelements %bitcast3A_484, 0 {pack_format = #tpu.pack_format<interleaved>} : vector<32xbf16> -> vector<16xf32>
        %unpack3A_486 = tpu.unpack_subelements %bitcast3A_484, 1 {pack_format = #tpu.pack_format<interleaved>} : vector<32xbf16> -> vector<16xf32>
        %get3A_487 = arith.index_cast %scan3A_345 : i32 to index
        %get3A_488 = arith.constant 96 : index
        %get3A_489 = tpu.vector_load %arg18[%get3A_487, %get3A_488] {strides = array<i32>} : memref<40x256xi32, #tpu.memory_space<vmem>>, vector<16xi32>,
        %bitcast3A_490 = vector.bitcast %get3A_489 : vector<16xi32> to vector<32xbf16>
        %unpack3A_491 = tpu.unpack_subelements %bitcast3A_490, 0 {pack_format = #tpu.pack_format<interleaved>} : vector<32xbf16> -> vector<16xf32>
        %unpack3A_492 = tpu.unpack_subelements %bitcast3A_490, 1 {pack_format = #tpu.pack_format<interleaved>} : vector<32xbf16> -> vector<16xf32>
        %get3A_493 = arith.index_cast %scan3A_345 : i32 to index
        %get3A_494 = arith.constant 160 : index
        %get3A_495 = tpu.vector_load %arg18[%get3A_493, %get3A_494] {strides = array<i32>} : memref<40x256xi32, #tpu.memory_space<vmem>>, vector<16xi32>,
        %bitcast3A_496 = vector.bitcast %get3A_495 : vector<16xi32> to vector<32xbf16>
        %unpack3A_497 = tpu.unpack_subelements %bitcast3A_496, 0 {pack_format = #tpu.pack_format<interleaved>} : vector<32xbf16> -> vector<16xf32>
        %unpack3A_498 = tpu.unpack_subelements %bitcast3A_496, 1 {pack_format = #tpu.pack_format<interleaved>} : vector<32xbf16> -> vector<16xf32>
        %get3A_499 = arith.index_cast %scan3A_345 : i32 to index
        %get3A_500 = arith.constant 224 : index
        %get3A_501 = tpu.vector_load %arg18[%get3A_499, %get3A_500] {strides = array<i32>} : memref<40x256xi32, #tpu.memory_space<vmem>>, vector<16xi32>,
        %bitcast3A_502 = vector.bitcast %get3A_501 : vector<16xi32> to vector<32xbf16>
        %unpack3A_503 = tpu.unpack_subelements %bitcast3A_502, 0 {pack_format = #tpu.pack_format<interleaved>} : vector<32xbf16> -> vector<16xf32>
        %unpack3A_504 = tpu.unpack_subelements %bitcast3A_502, 1 {pack_format = #tpu.pack_format<interleaved>} : vector<32xbf16> -> vector<16xf32>
        %mul3A_505 = arith.mulf %get3A_380, %unpack3A_485 : vector<16xf32>
        %mul3A_506 = arith.mulf %get3A_385, %unpack3A_491 : vector<16xf32>
        %add3A_507 = arith.addf %mul3A_505, %mul3A_506 : vector<16xf32>
        %mul3A_508 = arith.mulf %get3A_390, %unpack3A_497 : vector<16xf32>
        %add3A_509 = arith.addf %add3A_507, %mul3A_508 : vector<16xf32>
        %mul3A_510 = arith.mulf %get3A_395, %unpack3A_503 : vector<16xf32>
        %add3A_511 = arith.addf %add3A_509, %mul3A_510 : vector<16xf32>
        %mul3A_512 = arith.mulf %get3A_380, %unpack3A_486 : vector<16xf32>
        %mul3A_513 = arith.mulf %get3A_385, %unpack3A_492 : vector<16xf32>
        %add3A_514 = arith.addf %mul3A_512, %mul3A_513 : vector<16xf32>
        %mul3A_515 = arith.mulf %get3A_390, %unpack3A_498 : vector<16xf32>
        %add3A_516 = arith.addf %add3A_514, %mul3A_515 : vector<16xf32>
        %mul3A_517 = arith.mulf %get3A_395, %unpack3A_504 : vector<16xf32>
        %add3A_518 = arith.addf %add3A_516, %mul3A_517 : vector<16xf32>
        %swap3A_519 = arith.index_cast %scan3A_345 : i32 to index
        %swap3A_520 = arith.constant 64 : index
        %swap3A_521 = tpu.vector_load %arg20[%swap3A_519, %swap3A_520] {strides = array<i32>} : memref<40x128xf32, #tpu.memory_space<vmem>>, vector<16xf32>,
        tpu.vector_store %arg20[%swap3A_519, %swap3A_520], %add3A_511 {strides = array<i32>} : memref<40x128xf32, #tpu.memory_space<vmem>>, vector<16xf32>,
        %swap3A_522 = arith.index_cast %scan3A_345 : i32 to index
        %swap3A_523 = arith.constant 80 : index
        %swap3A_524 = tpu.vector_load %arg20[%swap3A_522, %swap3A_523] {strides = array<i32>} : memref<40x128xf32, #tpu.memory_space<vmem>>, vector<16xf32>,
        tpu.vector_store %arg20[%swap3A_522, %swap3A_523], %add3A_518 {strides = array<i32>} : memref<40x128xf32, #tpu.memory_space<vmem>>, vector<16xf32>,
        %get3A_525 = arith.index_cast %scan3A_345 : i32 to index
        %get3A_526 = arith.constant 48 : index
        %get3A_527 = tpu.vector_load %arg18[%get3A_525, %get3A_526] {strides = array<i32>} : memref<40x256xi32, #tpu.memory_space<vmem>>, vector<16xi32>,
        %bitcast3A_528 = vector.bitcast %get3A_527 : vector<16xi32> to vector<32xbf16>
        %unpack3A_529 = tpu.unpack_subelements %bitcast3A_528, 0 {pack_format = #tpu.pack_format<interleaved>} : vector<32xbf16> -> vector<16xf32>
        %unpack3A_530 = tpu.unpack_subelements %bitcast3A_528, 1 {pack_format = #tpu.pack_format<interleaved>} : vector<32xbf16> -> vector<16xf32>
        %get3A_531 = arith.index_cast %scan3A_345 : i32 to index
        %get3A_532 = arith.constant 112 : index
        %get3A_533 = tpu.vector_load %arg18[%get3A_531, %get3A_532] {strides = array<i32>} : memref<40x256xi32, #tpu.memory_space<vmem>>, vector<16xi32>,
        %bitcast3A_534 = vector.bitcast %get3A_533 : vector<16xi32> to vector<32xbf16>
        %unpack3A_535 = tpu.unpack_subelements %bitcast3A_534, 0 {pack_format = #tpu.pack_format<interleaved>} : vector<32xbf16> -> vector<16xf32>
        %unpack3A_536 = tpu.unpack_subelements %bitcast3A_534, 1 {pack_format = #tpu.pack_format<interleaved>} : vector<32xbf16> -> vector<16xf32>
        %get3A_537 = arith.index_cast %scan3A_345 : i32 to index
        %get3A_538 = arith.constant 176 : index
        %get3A_539 = tpu.vector_load %arg18[%get3A_537, %get3A_538] {strides = array<i32>} : memref<40x256xi32, #tpu.memory_space<vmem>>, vector<16xi32>,
        %bitcast3A_540 = vector.bitcast %get3A_539 : vector<16xi32> to vector<32xbf16>
        %unpack3A_541 = tpu.unpack_subelements %bitcast3A_540, 0 {pack_format = #tpu.pack_format<interleaved>} : vector<32xbf16> -> vector<16xf32>
        %unpack3A_542 = tpu.unpack_subelements %bitcast3A_540, 1 {pack_format = #tpu.pack_format<interleaved>} : vector<32xbf16> -> vector<16xf32>
        %get3A_543 = arith.index_cast %scan3A_345 : i32 to index
        %get3A_544 = arith.constant 240 : index
        %get3A_545 = tpu.vector_load %arg18[%get3A_543, %get3A_544] {strides = array<i32>} : memref<40x256xi32, #tpu.memory_space<vmem>>, vector<16xi32>,
        %bitcast3A_546 = vector.bitcast %get3A_545 : vector<16xi32> to vector<32xbf16>
        %unpack3A_547 = tpu.unpack_subelements %bitcast3A_546, 0 {pack_format = #tpu.pack_format<interleaved>} : vector<32xbf16> -> vector<16xf32>
        %unpack3A_548 = tpu.unpack_subelements %bitcast3A_546, 1 {pack_format = #tpu.pack_format<interleaved>} : vector<32xbf16> -> vector<16xf32>
        %mul3A_549 = arith.mulf %get3A_380, %unpack3A_529 : vector<16xf32>
        %mul3A_550 = arith.mulf %get3A_385, %unpack3A_535 : vector<16xf32>
        %add3A_551 = arith.addf %mul3A_549, %mul3A_550 : vector<16xf32>
        %mul3A_552 = arith.mulf %get3A_390, %unpack3A_541 : vector<16xf32>
        %add3A_553 = arith.addf %add3A_551, %mul3A_552 : vector<16xf32>
        %mul3A_554 = arith.mulf %get3A_395, %unpack3A_547 : vector<16xf32>
        %add3A_555 = arith.addf %add3A_553, %mul3A_554 : vector<16xf32>
        %mul3A_556 = arith.mulf %get3A_380, %unpack3A_530 : vector<16xf32>
        %mul3A_557 = arith.mulf %get3A_385, %unpack3A_536 : vector<16xf32>
        %add3A_558 = arith.addf %mul3A_556, %mul3A_557 : vector<16xf32>
        %mul3A_559 = arith.mulf %get3A_390, %unpack3A_542 : vector<16xf32>
        %add3A_560 = arith.addf %add3A_558, %mul3A_559 : vector<16xf32>
        %mul3A_561 = arith.mulf %get3A_395, %unpack3A_548 : vector<16xf32>
        %add3A_562 = arith.addf %add3A_560, %mul3A_561 : vector<16xf32>
        %swap3A_563 = arith.index_cast %scan3A_345 : i32 to index
        %swap3A_564 = arith.constant 96 : index
        %swap3A_565 = tpu.vector_load %arg20[%swap3A_563, %swap3A_564] {strides = array<i32>} : memref<40x128xf32, #tpu.memory_space<vmem>>, vector<16xf32>,
        tpu.vector_store %arg20[%swap3A_563, %swap3A_564], %add3A_555 {strides = array<i32>} : memref<40x128xf32, #tpu.memory_space<vmem>>, vector<16xf32>,
        %swap3A_566 = arith.index_cast %scan3A_345 : i32 to index
        %swap3A_567 = arith.constant 112 : index
        %swap3A_568 = tpu.vector_load %arg20[%swap3A_566, %swap3A_567] {strides = array<i32>} : memref<40x128xf32, #tpu.memory_space<vmem>>, vector<16xf32>,
        tpu.vector_store %arg20[%swap3A_566, %swap3A_567], %add3A_562 {strides = array<i32>} : memref<40x128xf32, #tpu.memory_space<vmem>>, vector<16xf32>,
        %scan3A_569 = arith.constant 1 : i32
        %scan3A_570 = arith.addi %scan3A_345, %scan3A_569 : i32
        %jit3A_571 = arith.constant 2 : i32
        %div3A_572 = arith.divsi %scan3A_570, %jit3A_571 : i32
        %sign3A_573 = arith.constant 0 : i32
        %sign3A_574 = arith.cmpi sgt, %scan3A_570, %sign3A_573 : i32
        %sign3A_575 = arith.extui %sign3A_574 : i1 to i32
        %sign3A_576 = arith.constant 0 : i32
        %sign3A_577 = arith.cmpi slt, %scan3A_570, %sign3A_576 : i32
        %sign3A_578 = arith.extui %sign3A_577 : i1 to i32
        %sign3A_579 = arith.subi %sign3A_575, %sign3A_578 : i32
        %sign3A_580 = arith.constant 0 : i32
        %sign3A_581 = arith.cmpi sgt, %jit3A_571, %sign3A_580 : i32
        %sign3A_582 = arith.extui %sign3A_581 : i1 to i32
        %sign3A_583 = arith.constant 0 : i32
        %sign3A_584 = arith.cmpi slt, %jit3A_571, %sign3A_583 : i32
        %sign3A_585 = arith.extui %sign3A_584 : i1 to i32
        %sign3A_586 = arith.subi %sign3A_582, %sign3A_585 : i32
        %ne3A_587 = arith.cmpi ne, %sign3A_579, %sign3A_586 : i32
        %rem3A_588 = arith.remsi %scan3A_570, %jit3A_571 : i32
        %ne3A_589 = arith.constant 0 : i32
        %ne3A_590 = arith.cmpi ne, %rem3A_588, %ne3A_589 : i32
        %and3A_591 = arith.andi %ne3A_587, %ne3A_590 : i1
        %sub3A_592 = arith.constant 1 : i32
        %sub3A_593 = arith.subi %div3A_572, %sub3A_592 : i32
        %select_n3A_594 = arith.select %and3A_591, %sub3A_593, %div3A_572 : i32
        %jit3A_595 = arith.constant 2 : i32
        %eq3A_596 = arith.constant 0 : i32
        %eq3A_597 = arith.cmpi eq, %jit3A_595, %eq3A_596 : i32
        %jit3A_598 = arith.constant 1 : i32
        %select_n3A_599 = arith.select %eq3A_597, %jit3A_598, %jit3A_595 : i32
        %rem3A_600 = arith.remsi %scan3A_570, %select_n3A_599 : i32
        %ne3A_601 = arith.constant 0 : i32
        %ne3A_602 = arith.cmpi ne, %rem3A_600, %ne3A_601 : i32
        %lt3A_603 = arith.constant 0 : i32
        %lt3A_604 = arith.cmpi slt, %rem3A_600, %lt3A_603 : i32
        %lt3A_605 = arith.constant 0 : i32
        %lt3A_606 = arith.cmpi slt, %select_n3A_599, %lt3A_605 : i32
        %ne3A_607 = arith.xori %lt3A_604, %lt3A_606 : i1
        %and3A_608 = arith.andi %ne3A_607, %ne3A_602 : i1
        %add3A_609 = arith.addi %rem3A_600, %select_n3A_599 : i32
        %select_n3A_610 = arith.select %and3A_608, %add3A_609, %rem3A_600 : i32
        %mul3A_611 = arith.constant 64 : i32
        %mul3A_612 = arith.muli %select_n3A_610, %mul3A_611 : i32
        %get3A_613 = arith.index_cast %select_n3A_594 : i32 to index
        %get3A_614 = arith.index_cast %mul3A_612 : i32 to index
        %get3A_615 = tpu.vector_load %arg16[%get3A_613, %get3A_614] {strides = array<i32>} : memref<20x128xf32, #tpu.memory_space<vmem>>, vector<16xf32>,
        %add3A_616 = arith.constant 16 : i32
        %add3A_617 = arith.addi %mul3A_612, %add3A_616 : i32
        %get3A_618 = arith.index_cast %select_n3A_594 : i32 to index
        %get3A_619 = arith.index_cast %add3A_617 : i32 to index
        %get3A_620 = tpu.vector_load %arg16[%get3A_618, %get3A_619] {strides = array<i32>} : memref<20x128xf32, #tpu.memory_space<vmem>>, vector<16xf32>,
        %add3A_621 = arith.constant 32 : i32
        %add3A_622 = arith.addi %mul3A_612, %add3A_621 : i32
        %get3A_623 = arith.index_cast %select_n3A_594 : i32 to index
        %get3A_624 = arith.index_cast %add3A_622 : i32 to index
        %get3A_625 = tpu.vector_load %arg16[%get3A_623, %get3A_624] {strides = array<i32>} : memref<20x128xf32, #tpu.memory_space<vmem>>, vector<16xf32>,
        %add3A_626 = arith.constant 48 : i32
        %add3A_627 = arith.addi %mul3A_612, %add3A_626 : i32
        %get3A_628 = arith.index_cast %select_n3A_594 : i32 to index
        %get3A_629 = arith.index_cast %add3A_627 : i32 to index
        %get3A_630 = tpu.vector_load %arg16[%get3A_628, %get3A_629] {strides = array<i32>} : memref<20x128xf32, #tpu.memory_space<vmem>>, vector<16xf32>,
        %get3A_631 = arith.index_cast %scan3A_570 : i32 to index
        %get3A_632 = arith.constant 0 : index
        %get3A_633 = tpu.vector_load %arg18[%get3A_631, %get3A_632] {strides = array<i32>} : memref<40x256xi32, #tpu.memory_space<vmem>>, vector<16xi32>,
        %bitcast3A_634 = vector.bitcast %get3A_633 : vector<16xi32> to vector<32xbf16>
        %unpack3A_635 = tpu.unpack_subelements %bitcast3A_634, 0 {pack_format = #tpu.pack_format<interleaved>} : vector<32xbf16> -> vector<16xf32>
        %unpack3A_636 = tpu.unpack_subelements %bitcast3A_634, 1 {pack_format = #tpu.pack_format<interleaved>} : vector<32xbf16> -> vector<16xf32>
        %get3A_637 = arith.index_cast %scan3A_570 : i32 to index
        %get3A_638 = arith.constant 64 : index
        %get3A_639 = tpu.vector_load %arg18[%get3A_637, %get3A_638] {strides = array<i32>} : memref<40x256xi32, #tpu.memory_space<vmem>>, vector<16xi32>,
        %bitcast3A_640 = vector.bitcast %get3A_639 : vector<16xi32> to vector<32xbf16>
        %unpack3A_641 = tpu.unpack_subelements %bitcast3A_640, 0 {pack_format = #tpu.pack_format<interleaved>} : vector<32xbf16> -> vector<16xf32>
        %unpack3A_642 = tpu.unpack_subelements %bitcast3A_640, 1 {pack_format = #tpu.pack_format<interleaved>} : vector<32xbf16> -> vector<16xf32>
        %get3A_643 = arith.index_cast %scan3A_570 : i32 to index
        %get3A_644 = arith.constant 128 : index
        %get3A_645 = tpu.vector_load %arg18[%get3A_643, %get3A_644] {strides = array<i32>} : memref<40x256xi32, #tpu.memory_space<vmem>>, vector<16xi32>,
        %bitcast3A_646 = vector.bitcast %get3A_645 : vector<16xi32> to vector<32xbf16>
        %unpack3A_647 = tpu.unpack_subelements %bitcast3A_646, 0 {pack_format = #tpu.pack_format<interleaved>} : vector<32xbf16> -> vector<16xf32>
        %unpack3A_648 = tpu.unpack_subelements %bitcast3A_646, 1 {pack_format = #tpu.pack_format<interleaved>} : vector<32xbf16> -> vector<16xf32>
        %get3A_649 = arith.index_cast %scan3A_570 : i32 to index
        %get3A_650 = arith.constant 192 : index
        %get3A_651 = tpu.vector_load %arg18[%get3A_649, %get3A_650] {strides = array<i32>} : memref<40x256xi32, #tpu.memory_space<vmem>>, vector<16xi32>,
        %bitcast3A_652 = vector.bitcast %get3A_651 : vector<16xi32> to vector<32xbf16>
        %unpack3A_653 = tpu.unpack_subelements %bitcast3A_652, 0 {pack_format = #tpu.pack_format<interleaved>} : vector<32xbf16> -> vector<16xf32>
        %unpack3A_654 = tpu.unpack_subelements %bitcast3A_652, 1 {pack_format = #tpu.pack_format<interleaved>} : vector<32xbf16> -> vector<16xf32>
        %mul3A_655 = arith.mulf %get3A_615, %unpack3A_635 : vector<16xf32>
        %mul3A_656 = arith.mulf %get3A_620, %unpack3A_641 : vector<16xf32>
        %add3A_657 = arith.addf %mul3A_655, %mul3A_656 : vector<16xf32>
        %mul3A_658 = arith.mulf %get3A_625, %unpack3A_647 : vector<16xf32>
        %add3A_659 = arith.addf %add3A_657, %mul3A_658 : vector<16xf32>
        %mul3A_660 = arith.mulf %get3A_630, %unpack3A_653 : vector<16xf32>
        %add3A_661 = arith.addf %add3A_659, %mul3A_660 : vector<16xf32>
        %mul3A_662 = arith.mulf %get3A_615, %unpack3A_636 : vector<16xf32>
        %mul3A_663 = arith.mulf %get3A_620, %unpack3A_642 : vector<16xf32>
        %add3A_664 = arith.addf %mul3A_662, %mul3A_663 : vector<16xf32>
        %mul3A_665 = arith.mulf %get3A_625, %unpack3A_648 : vector<16xf32>
        %add3A_666 = arith.addf %add3A_664, %mul3A_665 : vector<16xf32>
        %mul3A_667 = arith.mulf %get3A_630, %unpack3A_654 : vector<16xf32>
        %add3A_668 = arith.addf %add3A_666, %mul3A_667 : vector<16xf32>
        %swap3A_669 = arith.index_cast %scan3A_570 : i32 to index
        %swap3A_670 = arith.constant 0 : index
        %swap3A_671 = tpu.vector_load %arg20[%swap3A_669, %swap3A_670] {strides = array<i32>} : memref<40x128xf32, #tpu.memory_space<vmem>>, vector<16xf32>,
        tpu.vector_store %arg20[%swap3A_669, %swap3A_670], %add3A_661 {strides = array<i32>} : memref<40x128xf32, #tpu.memory_space<vmem>>, vector<16xf32>,
        %swap3A_672 = arith.index_cast %scan3A_570 : i32 to index
        %swap3A_673 = arith.constant 16 : index
        %swap3A_674 = tpu.vector_load %arg20[%swap3A_672, %swap3A_673] {strides = array<i32>} : memref<40x128xf32, #tpu.memory_space<vmem>>, vector<16xf32>,
        tpu.vector_store %arg20[%swap3A_672, %swap3A_673], %add3A_668 {strides = array<i32>} : memref<40x128xf32, #tpu.memory_space<vmem>>, vector<16xf32>,
        %get3A_675 = arith.index_cast %scan3A_570 : i32 to index
        %get3A_676 = arith.constant 16 : index
        %get3A_677 = tpu.vector_load %arg18[%get3A_675, %get3A_676] {strides = array<i32>} : memref<40x256xi32, #tpu.memory_space<vmem>>, vector<16xi32>,
        %bitcast3A_678 = vector.bitcast %get3A_677 : vector<16xi32> to vector<32xbf16>
        %unpack3A_679 = tpu.unpack_subelements %bitcast3A_678, 0 {pack_format = #tpu.pack_format<interleaved>} : vector<32xbf16> -> vector<16xf32>
        %unpack3A_680 = tpu.unpack_subelements %bitcast3A_678, 1 {pack_format = #tpu.pack_format<interleaved>} : vector<32xbf16> -> vector<16xf32>
        %get3A_681 = arith.index_cast %scan3A_570 : i32 to index
        %get3A_682 = arith.constant 80 : index
        %get3A_683 = tpu.vector_load %arg18[%get3A_681, %get3A_682] {strides = array<i32>} : memref<40x256xi32, #tpu.memory_space<vmem>>, vector<16xi32>,
        %bitcast3A_684 = vector.bitcast %get3A_683 : vector<16xi32> to vector<32xbf16>
        %unpack3A_685 = tpu.unpack_subelements %bitcast3A_684, 0 {pack_format = #tpu.pack_format<interleaved>} : vector<32xbf16> -> vector<16xf32>
        %unpack3A_686 = tpu.unpack_subelements %bitcast3A_684, 1 {pack_format = #tpu.pack_format<interleaved>} : vector<32xbf16> -> vector<16xf32>
        %get3A_687 = arith.index_cast %scan3A_570 : i32 to index
        %get3A_688 = arith.constant 144 : index
        %get3A_689 = tpu.vector_load %arg18[%get3A_687, %get3A_688] {strides = array<i32>} : memref<40x256xi32, #tpu.memory_space<vmem>>, vector<16xi32>,
        %bitcast3A_690 = vector.bitcast %get3A_689 : vector<16xi32> to vector<32xbf16>
        %unpack3A_691 = tpu.unpack_subelements %bitcast3A_690, 0 {pack_format = #tpu.pack_format<interleaved>} : vector<32xbf16> -> vector<16xf32>
        %unpack3A_692 = tpu.unpack_subelements %bitcast3A_690, 1 {pack_format = #tpu.pack_format<interleaved>} : vector<32xbf16> -> vector<16xf32>
        %get3A_693 = arith.index_cast %scan3A_570 : i32 to index
        %get3A_694 = arith.constant 208 : index
        %get3A_695 = tpu.vector_load %arg18[%get3A_693, %get3A_694] {strides = array<i32>} : memref<40x256xi32, #tpu.memory_space<vmem>>, vector<16xi32>,
        %bitcast3A_696 = vector.bitcast %get3A_695 : vector<16xi32> to vector<32xbf16>
        %unpack3A_697 = tpu.unpack_subelements %bitcast3A_696, 0 {pack_format = #tpu.pack_format<interleaved>} : vector<32xbf16> -> vector<16xf32>
        %unpack3A_698 = tpu.unpack_subelements %bitcast3A_696, 1 {pack_format = #tpu.pack_format<interleaved>} : vector<32xbf16> -> vector<16xf32>
        %mul3A_699 = arith.mulf %get3A_615, %unpack3A_679 : vector<16xf32>
        %mul3A_700 = arith.mulf %get3A_620, %unpack3A_685 : vector<16xf32>
        %add3A_701 = arith.addf %mul3A_699, %mul3A_700 : vector<16xf32>
        %mul3A_702 = arith.mulf %get3A_625, %unpack3A_691 : vector<16xf32>
        %add3A_703 = arith.addf %add3A_701, %mul3A_702 : vector<16xf32>
        %mul3A_704 = arith.mulf %get3A_630, %unpack3A_697 : vector<16xf32>
        %add3A_705 = arith.addf %add3A_703, %mul3A_704 : vector<16xf32>
        %mul3A_706 = arith.mulf %get3A_615, %unpack3A_680 : vector<16xf32>
        %mul3A_707 = arith.mulf %get3A_620, %unpack3A_686 : vector<16xf32>
        %add3A_708 = arith.addf %mul3A_706, %mul3A_707 : vector<16xf32>
        %mul3A_709 = arith.mulf %get3A_625, %unpack3A_692 : vector<16xf32>
        %add3A_710 = arith.addf %add3A_708, %mul3A_709 : vector<16xf32>
        %mul3A_711 = arith.mulf %get3A_630, %unpack3A_698 : vector<16xf32>
        %add3A_712 = arith.addf %add3A_710, %mul3A_711 : vector<16xf32>
        %swap3A_713 = arith.index_cast %scan3A_570 : i32 to index
        %swap3A_714 = arith.constant 32 : index
        %swap3A_715 = tpu.vector_load %arg20[%swap3A_713, %swap3A_714] {strides = array<i32>} : memref<40x128xf32, #tpu.memory_space<vmem>>, vector<16xf32>,
        tpu.vector_store %arg20[%swap3A_713, %swap3A_714], %add3A_705 {strides = array<i32>} : memref<40x128xf32, #tpu.memory_space<vmem>>, vector<16xf32>,
        %swap3A_716 = arith.index_cast %scan3A_570 : i32 to index
        %swap3A_717 = arith.constant 48 : index
        %swap3A_718 = tpu.vector_load %arg20[%swap3A_716, %swap3A_717] {strides = array<i32>} : memref<40x128xf32, #tpu.memory_space<vmem>>, vector<16xf32>,
        tpu.vector_store %arg20[%swap3A_716, %swap3A_717], %add3A_712 {strides = array<i32>} : memref<40x128xf32, #tpu.memory_space<vmem>>, vector<16xf32>,
        %get3A_719 = arith.index_cast %scan3A_570 : i32 to index
        %get3A_720 = arith.constant 32 : index
        %get3A_721 = tpu.vector_load %arg18[%get3A_719, %get3A_720] {strides = array<i32>} : memref<40x256xi32, #tpu.memory_space<vmem>>, vector<16xi32>,
        %bitcast3A_722 = vector.bitcast %get3A_721 : vector<16xi32> to vector<32xbf16>
        %unpack3A_723 = tpu.unpack_subelements %bitcast3A_722, 0 {pack_format = #tpu.pack_format<interleaved>} : vector<32xbf16> -> vector<16xf32>
        %unpack3A_724 = tpu.unpack_subelements %bitcast3A_722, 1 {pack_format = #tpu.pack_format<interleaved>} : vector<32xbf16> -> vector<16xf32>
        %get3A_725 = arith.index_cast %scan3A_570 : i32 to index
        %get3A_726 = arith.constant 96 : index
        %get3A_727 = tpu.vector_load %arg18[%get3A_725, %get3A_726] {strides = array<i32>} : memref<40x256xi32, #tpu.memory_space<vmem>>, vector<16xi32>,
        %bitcast3A_728 = vector.bitcast %get3A_727 : vector<16xi32> to vector<32xbf16>
        %unpack3A_729 = tpu.unpack_subelements %bitcast3A_728, 0 {pack_format = #tpu.pack_format<interleaved>} : vector<32xbf16> -> vector<16xf32>
        %unpack3A_730 = tpu.unpack_subelements %bitcast3A_728, 1 {pack_format = #tpu.pack_format<interleaved>} : vector<32xbf16> -> vector<16xf32>
        %get3A_731 = arith.index_cast %scan3A_570 : i32 to index
        %get3A_732 = arith.constant 160 : index
        %get3A_733 = tpu.vector_load %arg18[%get3A_731, %get3A_732] {strides = array<i32>} : memref<40x256xi32, #tpu.memory_space<vmem>>, vector<16xi32>,
        %bitcast3A_734 = vector.bitcast %get3A_733 : vector<16xi32> to vector<32xbf16>
        %unpack3A_735 = tpu.unpack_subelements %bitcast3A_734, 0 {pack_format = #tpu.pack_format<interleaved>} : vector<32xbf16> -> vector<16xf32>
        %unpack3A_736 = tpu.unpack_subelements %bitcast3A_734, 1 {pack_format = #tpu.pack_format<interleaved>} : vector<32xbf16> -> vector<16xf32>
        %get3A_737 = arith.index_cast %scan3A_570 : i32 to index
        %get3A_738 = arith.constant 224 : index
        %get3A_739 = tpu.vector_load %arg18[%get3A_737, %get3A_738] {strides = array<i32>} : memref<40x256xi32, #tpu.memory_space<vmem>>, vector<16xi32>,
        %bitcast3A_740 = vector.bitcast %get3A_739 : vector<16xi32> to vector<32xbf16>
        %unpack3A_741 = tpu.unpack_subelements %bitcast3A_740, 0 {pack_format = #tpu.pack_format<interleaved>} : vector<32xbf16> -> vector<16xf32>
        %unpack3A_742 = tpu.unpack_subelements %bitcast3A_740, 1 {pack_format = #tpu.pack_format<interleaved>} : vector<32xbf16> -> vector<16xf32>
        %mul3A_743 = arith.mulf %get3A_615, %unpack3A_723 : vector<16xf32>
        %mul3A_744 = arith.mulf %get3A_620, %unpack3A_729 : vector<16xf32>
        %add3A_745 = arith.addf %mul3A_743, %mul3A_744 : vector<16xf32>
        %mul3A_746 = arith.mulf %get3A_625, %unpack3A_735 : vector<16xf32>
        %add3A_747 = arith.addf %add3A_745, %mul3A_746 : vector<16xf32>
        %mul3A_748 = arith.mulf %get3A_630, %unpack3A_741 : vector<16xf32>
        %add3A_749 = arith.addf %add3A_747, %mul3A_748 : vector<16xf32>
        %mul3A_750 = arith.mulf %get3A_615, %unpack3A_724 : vector<16xf32>
        %mul3A_751 = arith.mulf %get3A_620, %unpack3A_730 : vector<16xf32>
        %add3A_752 = arith.addf %mul3A_750, %mul3A_751 : vector<16xf32>
        %mul3A_753 = arith.mulf %get3A_625, %unpack3A_736 : vector<16xf32>
        %add3A_754 = arith.addf %add3A_752, %mul3A_753 : vector<16xf32>
        %mul3A_755 = arith.mulf %get3A_630, %unpack3A_742 : vector<16xf32>
        %add3A_756 = arith.addf %add3A_754, %mul3A_755 : vector<16xf32>
        %swap3A_757 = arith.index_cast %scan3A_570 : i32 to index
        %swap3A_758 = arith.constant 64 : index
        %swap3A_759 = tpu.vector_load %arg20[%swap3A_757, %swap3A_758] {strides = array<i32>} : memref<40x128xf32, #tpu.memory_space<vmem>>, vector<16xf32>,
        tpu.vector_store %arg20[%swap3A_757, %swap3A_758], %add3A_749 {strides = array<i32>} : memref<40x128xf32, #tpu.memory_space<vmem>>, vector<16xf32>,
        %swap3A_760 = arith.index_cast %scan3A_570 : i32 to index
        %swap3A_761 = arith.constant 80 : index
        %swap3A_762 = tpu.vector_load %arg20[%swap3A_760, %swap3A_761] {strides = array<i32>} : memref<40x128xf32, #tpu.memory_space<vmem>>, vector<16xf32>,
        tpu.vector_store %arg20[%swap3A_760, %swap3A_761], %add3A_756 {strides = array<i32>} : memref<40x128xf32, #tpu.memory_space<vmem>>, vector<16xf32>,
        %get3A_763 = arith.index_cast %scan3A_570 : i32 to index
        %get3A_764 = arith.constant 48 : index
        %get3A_765 = tpu.vector_load %arg18[%get3A_763, %get3A_764] {strides = array<i32>} : memref<40x256xi32, #tpu.memory_space<vmem>>, vector<16xi32>,
        %bitcast3A_766 = vector.bitcast %get3A_765 : vector<16xi32> to vector<32xbf16>
        %unpack3A_767 = tpu.unpack_subelements %bitcast3A_766, 0 {pack_format = #tpu.pack_format<interleaved>} : vector<32xbf16> -> vector<16xf32>
        %unpack3A_768 = tpu.unpack_subelements %bitcast3A_766, 1 {pack_format = #tpu.pack_format<interleaved>} : vector<32xbf16> -> vector<16xf32>
        %get3A_769 = arith.index_cast %scan3A_570 : i32 to index
        %get3A_770 = arith.constant 112 : index
        %get3A_771 = tpu.vector_load %arg18[%get3A_769, %get3A_770] {strides = array<i32>} : memref<40x256xi32, #tpu.memory_space<vmem>>, vector<16xi32>,
        %bitcast3A_772 = vector.bitcast %get3A_771 : vector<16xi32> to vector<32xbf16>
        %unpack3A_773 = tpu.unpack_subelements %bitcast3A_772, 0 {pack_format = #tpu.pack_format<interleaved>} : vector<32xbf16> -> vector<16xf32>
        %unpack3A_774 = tpu.unpack_subelements %bitcast3A_772, 1 {pack_format = #tpu.pack_format<interleaved>} : vector<32xbf16> -> vector<16xf32>
        %get3A_775 = arith.index_cast %scan3A_570 : i32 to index
        %get3A_776 = arith.constant 176 : index
        %get3A_777 = tpu.vector_load %arg18[%get3A_775, %get3A_776] {strides = array<i32>} : memref<40x256xi32, #tpu.memory_space<vmem>>, vector<16xi32>,
        %bitcast3A_778 = vector.bitcast %get3A_777 : vector<16xi32> to vector<32xbf16>
        %unpack3A_779 = tpu.unpack_subelements %bitcast3A_778, 0 {pack_format = #tpu.pack_format<interleaved>} : vector<32xbf16> -> vector<16xf32>
        %unpack3A_780 = tpu.unpack_subelements %bitcast3A_778, 1 {pack_format = #tpu.pack_format<interleaved>} : vector<32xbf16> -> vector<16xf32>
        %get3A_781 = arith.index_cast %scan3A_570 : i32 to index
        %get3A_782 = arith.constant 240 : index
        %get3A_783 = tpu.vector_load %arg18[%get3A_781, %get3A_782] {strides = array<i32>} : memref<40x256xi32, #tpu.memory_space<vmem>>, vector<16xi32>,
        %bitcast3A_784 = vector.bitcast %get3A_783 : vector<16xi32> to vector<32xbf16>
        %unpack3A_785 = tpu.unpack_subelements %bitcast3A_784, 0 {pack_format = #tpu.pack_format<interleaved>} : vector<32xbf16> -> vector<16xf32>
        %unpack3A_786 = tpu.unpack_subelements %bitcast3A_784, 1 {pack_format = #tpu.pack_format<interleaved>} : vector<32xbf16> -> vector<16xf32>
        %mul3A_787 = arith.mulf %get3A_615, %unpack3A_767 : vector<16xf32>
        %mul3A_788 = arith.mulf %get3A_620, %unpack3A_773 : vector<16xf32>
        %add3A_789 = arith.addf %mul3A_787, %mul3A_788 : vector<16xf32>
        %mul3A_790 = arith.mulf %get3A_625, %unpack3A_779 : vector<16xf32>
        %add3A_791 = arith.addf %add3A_789, %mul3A_790 : vector<16xf32>
        %mul3A_792 = arith.mulf %get3A_630, %unpack3A_785 : vector<16xf32>
        %add3A_793 = arith.addf %add3A_791, %mul3A_792 : vector<16xf32>
        %mul3A_794 = arith.mulf %get3A_615, %unpack3A_768 : vector<16xf32>
        %mul3A_795 = arith.mulf %get3A_620, %unpack3A_774 : vector<16xf32>
        %add3A_796 = arith.addf %mul3A_794, %mul3A_795 : vector<16xf32>
        %mul3A_797 = arith.mulf %get3A_625, %unpack3A_780 : vector<16xf32>
        %add3A_798 = arith.addf %add3A_796, %mul3A_797 : vector<16xf32>
        %mul3A_799 = arith.mulf %get3A_630, %unpack3A_786 : vector<16xf32>
        %add3A_800 = arith.addf %add3A_798, %mul3A_799 : vector<16xf32>
        %swap3A_801 = arith.index_cast %scan3A_570 : i32 to index
        %swap3A_802 = arith.constant 96 : index
        %swap3A_803 = tpu.vector_load %arg20[%swap3A_801, %swap3A_802] {strides = array<i32>} : memref<40x128xf32, #tpu.memory_space<vmem>>, vector<16xf32>,
        tpu.vector_store %arg20[%swap3A_801, %swap3A_802], %add3A_793 {strides = array<i32>} : memref<40x128xf32, #tpu.memory_space<vmem>>, vector<16xf32>,
        %swap3A_804 = arith.index_cast %scan3A_570 : i32 to index
        %swap3A_805 = arith.constant 112 : index
        %swap3A_806 = tpu.vector_load %arg20[%swap3A_804, %swap3A_805] {strides = array<i32>} : memref<40x128xf32, #tpu.memory_space<vmem>>, vector<16xf32>,
        tpu.vector_store %arg20[%swap3A_804, %swap3A_805], %add3A_800 {strides = array<i32>} : memref<40x128xf32, #tpu.memory_space<vmem>>, vector<16xf32>,
      }
      %scan3A_292 = arith.constant 40 : i32
      %dma_start3A_293 = arith.constant 0 : i32
      %dma_start3A_294 = arith.constant 0 : i32
      %dma_start3A_295 = tpu.memref_slice %arg22[%dma_start3A_293, %dma_start3A_294] : memref<10112x128xf32, #tpu.memory_space<vmem_shared>> -> memref<10112x128xf32, #tpu.memory_space<vmem_shared>>
      tpu.enqueue_indirect_dma source(%arg20 : memref<40x128xf32, #tpu.memory_space<vmem>>) target(%dma_start3A_295 : memref<10112x128xf32, #tpu.memory_space<vmem_shared>>) offsets(%arg14 : memref<40xi32, #tpu.memory_space<vmem>>) semaphore(%arg35 : memref<!tpu.dma_semaphore, #tpu.memory_space<semaphore_mem>>) {add = true}
      %mul3A_296 = arith.constant 4 : i32
      %mul3A_297 = arith.muli %scan3A_148, %mul3A_296 : i32
      %add3A_298 = arith.constant 3 : i32
      %add3A_299 = arith.addi %mul3A_297, %add3A_298 : i32
      %ge3A_300 = arith.constant 2 : i32
      %ge3A_301 = arith.cmpi sge, %add3A_299, %ge3A_300 : i32
      %convert_element_type3A_302 = arith.extui %ge3A_301 : i1 to i32
      %cond3A_303 = arith.constant 0 : i32
      %cond3A_304 = arith.cmpi ne, %convert_element_type3A_302, %cond3A_303 : i32
      scf.if %cond3A_304 {
        %dma_wait3A_345 = arith.constant 0 : i32
        %dma_wait3A_346 = arith.constant 0 : i32
        %dma_wait3A_347 = tpu.memref_slice %arg22[%dma_wait3A_345, %dma_wait3A_346] : memref<10112x128xf32, #tpu.memory_space<vmem_shared>> -> memref<10112x128xf32, #tpu.memory_space<vmem_shared>>
        tpu.wait_indirect_dma semaphore(%arg36 : memref<!tpu.dma_semaphore, #tpu.memory_space<semaphore_mem>>) src(%arg21 : memref<40x128xf32, #tpu.memory_space<vmem>>) dst(%dma_wait3A_347 : memref<10112x128xf32, #tpu.memory_space<vmem_shared>>)
      } else {
      }
      %add3A_305 = arith.constant 2 : i32
      %add3A_306 = arith.addi %add3A_299, %add3A_305 : i32
      %lt3A_307 = arith.constant 250 : i32
      %lt3A_308 = arith.cmpi slt, %add3A_306, %lt3A_307 : i32
      %convert_element_type3A_309 = arith.extui %lt3A_308 : i1 to i32
      %cond3A_310 = arith.constant 0 : i32
      %cond3A_311 = arith.cmpi ne, %convert_element_type3A_309, %cond3A_310 : i32
      scf.if %cond3A_311 {
        %add3A_345 = arith.constant 2 : i32
        %add3A_346 = arith.addi %add3A_299, %add3A_345 : i32
        %mul3A_347 = arith.constant 40 : i32
        %mul3A_348 = arith.muli %add3A_346, %mul3A_347 : i32
        %add3A_349 = arith.addi %mul3A_8, %mul3A_348 : i32
        %dma_start3A_350 = tpu.memref_slice %arg3[%add3A_349] : memref<320000xi32, #tpu.memory_space<hbm>> -> memref<40xi32, #tpu.memory_space<hbm>>
        %dma_start3A_351 = tpu.memref_slice %arg3[%add3A_349] : memref<320000xi32, #tpu.memory_space<hbm>> -> memref<40xi32, #tpu.memory_space<hbm>>
        tpu.enqueue_dma source(%dma_start3A_351 : memref<40xi32, #tpu.memory_space<hbm>>) target(%arg9 : memref<40xi32, #tpu.memory_space<vmem>>) target_semaphore(%arg24 : memref<!tpu.dma_semaphore, #tpu.memory_space<semaphore_mem>>)
        %dma_start3A_352 = tpu.memref_slice %arg4[%add3A_349] : memref<320000xi32, #tpu.memory_space<hbm>> -> memref<40xi32, #tpu.memory_space<hbm>>
        %dma_start3A_353 = tpu.memref_slice %arg4[%add3A_349] : memref<320000xi32, #tpu.memory_space<hbm>> -> memref<40xi32, #tpu.memory_space<hbm>>
        tpu.enqueue_dma source(%dma_start3A_353 : memref<40xi32, #tpu.memory_space<hbm>>) target(%arg13 : memref<40xi32, #tpu.memory_space<vmem>>) target_semaphore(%arg28 : memref<!tpu.dma_semaphore, #tpu.memory_space<semaphore_mem>>)
      } else {
      }
      %add3A_312 = arith.constant 1 : i32
      %add3A_313 = arith.addi %add3A_299, %add3A_312 : i32
      %lt3A_314 = arith.constant 250 : i32
      %lt3A_315 = arith.cmpi slt, %add3A_313, %lt3A_314 : i32
      %convert_element_type3A_316 = arith.extui %lt3A_315 : i1 to i32
      %cond3A_317 = arith.constant 0 : i32
      %cond3A_318 = arith.cmpi ne, %convert_element_type3A_316, %cond3A_317 : i32
      scf.if %cond3A_318 {
        %add3A_345 = arith.constant 1 : i32
        %add3A_346 = arith.addi %add3A_299, %add3A_345 : i32
        %mul3A_347 = arith.constant 40 : i32
        %mul3A_348 = arith.muli %add3A_346, %mul3A_347 : i32
        %add3A_349 = arith.addi %mul3A_8, %mul3A_348 : i32
        %dma_wait3A_350 = tpu.memref_slice %arg3[%add3A_349] : memref<320000xi32, #tpu.memory_space<hbm>> -> memref<40xi32, #tpu.memory_space<hbm>>
        %dma_wait3A_351 = tpu.memref_slice %arg3[%add3A_349] : memref<320000xi32, #tpu.memory_space<hbm>> -> memref<40xi32, #tpu.memory_space<hbm>>
        tpu.wait_dma2 semaphore(%arg23 : memref<!tpu.dma_semaphore, #tpu.memory_space<semaphore_mem>>) src(%dma_wait3A_351 : memref<40xi32, #tpu.memory_space<hbm>>) dst(%arg8 : memref<40xi32, #tpu.memory_space<vmem>>)
        %dma_start3A_352 = arith.constant 0 : i32
        %dma_start3A_353 = arith.constant 0 : i32
        %dma_start3A_354 = tpu.memref_slice %arg2[%dma_start3A_352, %dma_start3A_353] : memref<10000x256xi32, #tpu.memory_space<hbm>> -> memref<10000x256xi32, #tpu.memory_space<hbm>>
        tpu.enqueue_indirect_dma source(%dma_start3A_354 : memref<10000x256xi32, #tpu.memory_space<hbm>>) target(%arg18 : memref<40x256xi32, #tpu.memory_space<vmem>>) offsets(%arg8 : memref<40xi32, #tpu.memory_space<vmem>>) semaphore(%arg33 : memref<!tpu.dma_semaphore, #tpu.memory_space<semaphore_mem>>)
        %add3A_355 = arith.addi %mul3A_6, %add3A_299 : i32
        %add3A_356 = arith.constant 1 : i32
        %add3A_357 = arith.addi %add3A_355, %add3A_356 : i32
        %dma_start3A_358 = arith.constant 0 : i32
        %dma_start3A_359 = arith.constant 0 : i32
        %dma_start3A_360 = tpu.memref_slice %arg5[%add3A_357, %dma_start3A_358, %dma_start3A_359] : memref<8000x20x128xf32, #tpu.memory_space<hbm>> -> memref<1x20x128xf32, #tpu.memory_space<hbm>>
        %dma_start3A_361 = tpu.memref_squeeze %dma_start3A_360 : memref<1x20x128xf32, #tpu.memory_space<hbm>> -> memref<20x128xf32, #tpu.memory_space<hbm>>
        %dma_start3A_362 = arith.constant 0 : i32
        %dma_start3A_363 = arith.constant 0 : i32
        %dma_start3A_364 = tpu.memref_slice %arg5[%add3A_357, %dma_start3A_362, %dma_start3A_363] : memref<8000x20x128xf32, #tpu.memory_space<hbm>> -> memref<1x20x128xf32, #tpu.memory_space<hbm>>
        %dma_start3A_365 = tpu.memref_squeeze %dma_start3A_364 : memref<1x20x128xf32, #tpu.memory_space<hbm>> -> memref<20x128xf32, #tpu.memory_space<hbm>>
        tpu.enqueue_dma source(%dma_start3A_365 : memref<20x128xf32, #tpu.memory_space<hbm>>) target(%arg16 : memref<20x128xf32, #tpu.memory_space<vmem>>) target_semaphore(%arg31 : memref<!tpu.dma_semaphore, #tpu.memory_space<semaphore_mem>>)
      } else {
      }
      %dma_wait3A_319 = arith.constant 0 : i32
      %dma_wait3A_320 = arith.constant 0 : i32
      %dma_wait3A_321 = tpu.memref_slice %arg2[%dma_wait3A_319, %dma_wait3A_320] : memref<10000x256xi32, #tpu.memory_space<hbm>> -> memref<10000x256xi32, #tpu.memory_space<hbm>>
      tpu.wait_indirect_dma semaphore(%arg34 : memref<!tpu.dma_semaphore, #tpu.memory_space<semaphore_mem>>) src(%dma_wait3A_321 : memref<10000x256xi32, #tpu.memory_space<hbm>>) dst(%arg19 : memref<40x256xi32, #tpu.memory_space<vmem>>)
      %add3A_322 = arith.addi %mul3A_6, %add3A_299 : i32
      %dma_wait3A_323 = arith.constant 0 : i32
      %dma_wait3A_324 = arith.constant 0 : i32
      %dma_wait3A_325 = tpu.memref_slice %arg5[%add3A_322, %dma_wait3A_323, %dma_wait3A_324] : memref<8000x20x128xf32, #tpu.memory_space<hbm>> -> memref<1x20x128xf32, #tpu.memory_space<hbm>>
      %dma_wait3A_326 = tpu.memref_squeeze %dma_wait3A_325 : memref<1x20x128xf32, #tpu.memory_space<hbm>> -> memref<20x128xf32, #tpu.memory_space<hbm>>
      %dma_wait3A_327 = arith.constant 0 : i32
      %dma_wait3A_328 = arith.constant 0 : i32
      %dma_wait3A_329 = tpu.memref_slice %arg5[%add3A_322, %dma_wait3A_327, %dma_wait3A_328] : memref<8000x20x128xf32, #tpu.memory_space<hbm>> -> memref<1x20x128xf32, #tpu.memory_space<hbm>>
      %dma_wait3A_330 = tpu.memref_squeeze %dma_wait3A_329 : memref<1x20x128xf32, #tpu.memory_space<hbm>> -> memref<20x128xf32, #tpu.memory_space<hbm>>
      tpu.wait_dma2 semaphore(%arg32 : memref<!tpu.dma_semaphore, #tpu.memory_space<semaphore_mem>>) src(%dma_wait3A_330 : memref<20x128xf32, #tpu.memory_space<hbm>>) dst(%arg17 : memref<20x128xf32, #tpu.memory_space<vmem>>)
      %mul3A_331 = arith.constant 40 : i32
      %mul3A_332 = arith.muli %add3A_299, %mul3A_331 : i32
      %add3A_333 = arith.addi %mul3A_8, %mul3A_332 : i32
      %dma_wait3A_334 = tpu.memref_slice %arg4[%add3A_333] : memref<320000xi32, #tpu.memory_space<hbm>> -> memref<40xi32, #tpu.memory_space<hbm>>
      %dma_wait3A_335 = tpu.memref_slice %arg4[%add3A_333] : memref<320000xi32, #tpu.memory_space<hbm>> -> memref<40xi32, #tpu.memory_space<hbm>>
      tpu.wait_dma2 semaphore(%arg30 : memref<!tpu.dma_semaphore, #tpu.memory_space<semaphore_mem>>) src(%dma_wait3A_335 : memref<40xi32, #tpu.memory_space<hbm>>) dst(%arg15 : memref<40xi32, #tpu.memory_space<vmem>>)
      %scan3A_336 = arith.constant 0 : i32
      %scan3A_337 = arith.constant 0 : i32
      %scan3A_338 = arith.constant 40 : i32
      %scan3A_339 = arith.addi %scan3A_337, %scan3A_338 : i32
      %scan3A_340 = arith.constant 2 : i32
      scf.for %scan3A_345 = %scan3A_337 to %scan3A_339 step %scan3A_340  : i32 {
        %jit3A = arith.constant 2 : i32
        %div3A = arith.divsi %scan3A_345, %jit3A : i32
        %sign3A = arith.constant 0 : i32
        %sign3A_346 = arith.cmpi sgt, %scan3A_345, %sign3A : i32
        %sign3A_347 = arith.extui %sign3A_346 : i1 to i32
        %sign3A_348 = arith.constant 0 : i32
        %sign3A_349 = arith.cmpi slt, %scan3A_345, %sign3A_348 : i32
        %sign3A_350 = arith.extui %sign3A_349 : i1 to i32
        %sign3A_351 = arith.subi %sign3A_347, %sign3A_350 : i32
        %sign3A_352 = arith.constant 0 : i32
        %sign3A_353 = arith.cmpi sgt, %jit3A, %sign3A_352 : i32
        %sign3A_354 = arith.extui %sign3A_353 : i1 to i32
        %sign3A_355 = arith.constant 0 : i32
        %sign3A_356 = arith.cmpi slt, %jit3A, %sign3A_355 : i32
        %sign3A_357 = arith.extui %sign3A_356 : i1 to i32
        %sign3A_358 = arith.subi %sign3A_354, %sign3A_357 : i32
        %ne3A = arith.cmpi ne, %sign3A_351, %sign3A_358 : i32
        %rem3A = arith.remsi %scan3A_345, %jit3A : i32
        %ne3A_359 = arith.constant 0 : i32
        %ne3A_360 = arith.cmpi ne, %rem3A, %ne3A_359 : i32
        %and3A = arith.andi %ne3A, %ne3A_360 : i1
        %sub3A = arith.constant 1 : i32
        %sub3A_361 = arith.subi %div3A, %sub3A : i32
        %select_n3A = arith.select %and3A, %sub3A_361, %div3A : i32
        %jit3A_362 = arith.constant 2 : i32
        %eq3A = arith.constant 0 : i32
        %eq3A_363 = arith.cmpi eq, %jit3A_362, %eq3A : i32
        %jit3A_364 = arith.constant 1 : i32
        %select_n3A_365 = arith.select %eq3A_363, %jit3A_364, %jit3A_362 : i32
        %rem3A_366 = arith.remsi %scan3A_345, %select_n3A_365 : i32
        %ne3A_367 = arith.constant 0 : i32
        %ne3A_368 = arith.cmpi ne, %rem3A_366, %ne3A_367 : i32
        %lt3A_369 = arith.constant 0 : i32
        %lt3A_370 = arith.cmpi slt, %rem3A_366, %lt3A_369 : i32
        %lt3A_371 = arith.constant 0 : i32
        %lt3A_372 = arith.cmpi slt, %select_n3A_365, %lt3A_371 : i32
        %ne3A_373 = arith.xori %lt3A_370, %lt3A_372 : i1
        %and3A_374 = arith.andi %ne3A_373, %ne3A_368 : i1
        %add3A_375 = arith.addi %rem3A_366, %select_n3A_365 : i32
        %select_n3A_376 = arith.select %and3A_374, %add3A_375, %rem3A_366 : i32
        %mul3A_377 = arith.constant 64 : i32
        %mul3A_378 = arith.muli %select_n3A_376, %mul3A_377 : i32
        %get3A = arith.index_cast %select_n3A : i32 to index
        %get3A_379 = arith.index_cast %mul3A_378 : i32 to index
        %get3A_380 = tpu.vector_load %arg17[%get3A, %get3A_379] {strides = array<i32>} : memref<20x128xf32, #tpu.memory_space<vmem>>, vector<16xf32>,
        %add3A_381 = arith.constant 16 : i32
        %add3A_382 = arith.addi %mul3A_378, %add3A_381 : i32
        %get3A_383 = arith.index_cast %select_n3A : i32 to index
        %get3A_384 = arith.index_cast %add3A_382 : i32 to index
        %get3A_385 = tpu.vector_load %arg17[%get3A_383, %get3A_384] {strides = array<i32>} : memref<20x128xf32, #tpu.memory_space<vmem>>, vector<16xf32>,
        %add3A_386 = arith.constant 32 : i32
        %add3A_387 = arith.addi %mul3A_378, %add3A_386 : i32
        %get3A_388 = arith.index_cast %select_n3A : i32 to index
        %get3A_389 = arith.index_cast %add3A_387 : i32 to index
        %get3A_390 = tpu.vector_load %arg17[%get3A_388, %get3A_389] {strides = array<i32>} : memref<20x128xf32, #tpu.memory_space<vmem>>, vector<16xf32>,
        %add3A_391 = arith.constant 48 : i32
        %add3A_392 = arith.addi %mul3A_378, %add3A_391 : i32
        %get3A_393 = arith.index_cast %select_n3A : i32 to index
        %get3A_394 = arith.index_cast %add3A_392 : i32 to index
        %get3A_395 = tpu.vector_load %arg17[%get3A_393, %get3A_394] {strides = array<i32>} : memref<20x128xf32, #tpu.memory_space<vmem>>, vector<16xf32>,
        %get3A_396 = arith.index_cast %scan3A_345 : i32 to index
        %get3A_397 = arith.constant 0 : index
        %get3A_398 = tpu.vector_load %arg19[%get3A_396, %get3A_397] {strides = array<i32>} : memref<40x256xi32, #tpu.memory_space<vmem>>, vector<16xi32>,
        %bitcast3A = vector.bitcast %get3A_398 : vector<16xi32> to vector<32xbf16>
        %unpack3A = tpu.unpack_subelements %bitcast3A, 0 {pack_format = #tpu.pack_format<interleaved>} : vector<32xbf16> -> vector<16xf32>
        %unpack3A_399 = tpu.unpack_subelements %bitcast3A, 1 {pack_format = #tpu.pack_format<interleaved>} : vector<32xbf16> -> vector<16xf32>
        %get3A_400 = arith.index_cast %scan3A_345 : i32 to index
        %get3A_401 = arith.constant 64 : index
        %get3A_402 = tpu.vector_load %arg19[%get3A_400, %get3A_401] {strides = array<i32>} : memref<40x256xi32, #tpu.memory_space<vmem>>, vector<16xi32>,
        %bitcast3A_403 = vector.bitcast %get3A_402 : vector<16xi32> to vector<32xbf16>
        %unpack3A_404 = tpu.unpack_subelements %bitcast3A_403, 0 {pack_format = #tpu.pack_format<interleaved>} : vector<32xbf16> -> vector<16xf32>
        %unpack3A_405 = tpu.unpack_subelements %bitcast3A_403, 1 {pack_format = #tpu.pack_format<interleaved>} : vector<32xbf16> -> vector<16xf32>
        %get3A_406 = arith.index_cast %scan3A_345 : i32 to index
        %get3A_407 = arith.constant 128 : index
        %get3A_408 = tpu.vector_load %arg19[%get3A_406, %get3A_407] {strides = array<i32>} : memref<40x256xi32, #tpu.memory_space<vmem>>, vector<16xi32>,
        %bitcast3A_409 = vector.bitcast %get3A_408 : vector<16xi32> to vector<32xbf16>
        %unpack3A_410 = tpu.unpack_subelements %bitcast3A_409, 0 {pack_format = #tpu.pack_format<interleaved>} : vector<32xbf16> -> vector<16xf32>
        %unpack3A_411 = tpu.unpack_subelements %bitcast3A_409, 1 {pack_format = #tpu.pack_format<interleaved>} : vector<32xbf16> -> vector<16xf32>
        %get3A_412 = arith.index_cast %scan3A_345 : i32 to index
        %get3A_413 = arith.constant 192 : index
        %get3A_414 = tpu.vector_load %arg19[%get3A_412, %get3A_413] {strides = array<i32>} : memref<40x256xi32, #tpu.memory_space<vmem>>, vector<16xi32>,
        %bitcast3A_415 = vector.bitcast %get3A_414 : vector<16xi32> to vector<32xbf16>
        %unpack3A_416 = tpu.unpack_subelements %bitcast3A_415, 0 {pack_format = #tpu.pack_format<interleaved>} : vector<32xbf16> -> vector<16xf32>
        %unpack3A_417 = tpu.unpack_subelements %bitcast3A_415, 1 {pack_format = #tpu.pack_format<interleaved>} : vector<32xbf16> -> vector<16xf32>
        %mul3A_418 = arith.mulf %get3A_380, %unpack3A : vector<16xf32>
        %mul3A_419 = arith.mulf %get3A_385, %unpack3A_404 : vector<16xf32>
        %add3A_420 = arith.addf %mul3A_418, %mul3A_419 : vector<16xf32>
        %mul3A_421 = arith.mulf %get3A_390, %unpack3A_410 : vector<16xf32>
        %add3A_422 = arith.addf %add3A_420, %mul3A_421 : vector<16xf32>
        %mul3A_423 = arith.mulf %get3A_395, %unpack3A_416 : vector<16xf32>
        %add3A_424 = arith.addf %add3A_422, %mul3A_423 : vector<16xf32>
        %mul3A_425 = arith.mulf %get3A_380, %unpack3A_399 : vector<16xf32>
        %mul3A_426 = arith.mulf %get3A_385, %unpack3A_405 : vector<16xf32>
        %add3A_427 = arith.addf %mul3A_425, %mul3A_426 : vector<16xf32>
        %mul3A_428 = arith.mulf %get3A_390, %unpack3A_411 : vector<16xf32>
        %add3A_429 = arith.addf %add3A_427, %mul3A_428 : vector<16xf32>
        %mul3A_430 = arith.mulf %get3A_395, %unpack3A_417 : vector<16xf32>
        %add3A_431 = arith.addf %add3A_429, %mul3A_430 : vector<16xf32>
        %swap3A = arith.index_cast %scan3A_345 : i32 to index
        %swap3A_432 = arith.constant 0 : index
        %swap3A_433 = tpu.vector_load %arg21[%swap3A, %swap3A_432] {strides = array<i32>} : memref<40x128xf32, #tpu.memory_space<vmem>>, vector<16xf32>,
        tpu.vector_store %arg21[%swap3A, %swap3A_432], %add3A_424 {strides = array<i32>} : memref<40x128xf32, #tpu.memory_space<vmem>>, vector<16xf32>,
        %swap3A_434 = arith.index_cast %scan3A_345 : i32 to index
        %swap3A_435 = arith.constant 16 : index
        %swap3A_436 = tpu.vector_load %arg21[%swap3A_434, %swap3A_435] {strides = array<i32>} : memref<40x128xf32, #tpu.memory_space<vmem>>, vector<16xf32>,
        tpu.vector_store %arg21[%swap3A_434, %swap3A_435], %add3A_431 {strides = array<i32>} : memref<40x128xf32, #tpu.memory_space<vmem>>, vector<16xf32>,
        %get3A_437 = arith.index_cast %scan3A_345 : i32 to index
        %get3A_438 = arith.constant 16 : index
        %get3A_439 = tpu.vector_load %arg19[%get3A_437, %get3A_438] {strides = array<i32>} : memref<40x256xi32, #tpu.memory_space<vmem>>, vector<16xi32>,
        %bitcast3A_440 = vector.bitcast %get3A_439 : vector<16xi32> to vector<32xbf16>
        %unpack3A_441 = tpu.unpack_subelements %bitcast3A_440, 0 {pack_format = #tpu.pack_format<interleaved>} : vector<32xbf16> -> vector<16xf32>
        %unpack3A_442 = tpu.unpack_subelements %bitcast3A_440, 1 {pack_format = #tpu.pack_format<interleaved>} : vector<32xbf16> -> vector<16xf32>
        %get3A_443 = arith.index_cast %scan3A_345 : i32 to index
        %get3A_444 = arith.constant 80 : index
        %get3A_445 = tpu.vector_load %arg19[%get3A_443, %get3A_444] {strides = array<i32>} : memref<40x256xi32, #tpu.memory_space<vmem>>, vector<16xi32>,
        %bitcast3A_446 = vector.bitcast %get3A_445 : vector<16xi32> to vector<32xbf16>
        %unpack3A_447 = tpu.unpack_subelements %bitcast3A_446, 0 {pack_format = #tpu.pack_format<interleaved>} : vector<32xbf16> -> vector<16xf32>
        %unpack3A_448 = tpu.unpack_subelements %bitcast3A_446, 1 {pack_format = #tpu.pack_format<interleaved>} : vector<32xbf16> -> vector<16xf32>
        %get3A_449 = arith.index_cast %scan3A_345 : i32 to index
        %get3A_450 = arith.constant 144 : index
        %get3A_451 = tpu.vector_load %arg19[%get3A_449, %get3A_450] {strides = array<i32>} : memref<40x256xi32, #tpu.memory_space<vmem>>, vector<16xi32>,
        %bitcast3A_452 = vector.bitcast %get3A_451 : vector<16xi32> to vector<32xbf16>
        %unpack3A_453 = tpu.unpack_subelements %bitcast3A_452, 0 {pack_format = #tpu.pack_format<interleaved>} : vector<32xbf16> -> vector<16xf32>
        %unpack3A_454 = tpu.unpack_subelements %bitcast3A_452, 1 {pack_format = #tpu.pack_format<interleaved>} : vector<32xbf16> -> vector<16xf32>
        %get3A_455 = arith.index_cast %scan3A_345 : i32 to index
        %get3A_456 = arith.constant 208 : index
        %get3A_457 = tpu.vector_load %arg19[%get3A_455, %get3A_456] {strides = array<i32>} : memref<40x256xi32, #tpu.memory_space<vmem>>, vector<16xi32>,
        %bitcast3A_458 = vector.bitcast %get3A_457 : vector<16xi32> to vector<32xbf16>
        %unpack3A_459 = tpu.unpack_subelements %bitcast3A_458, 0 {pack_format = #tpu.pack_format<interleaved>} : vector<32xbf16> -> vector<16xf32>
        %unpack3A_460 = tpu.unpack_subelements %bitcast3A_458, 1 {pack_format = #tpu.pack_format<interleaved>} : vector<32xbf16> -> vector<16xf32>
        %mul3A_461 = arith.mulf %get3A_380, %unpack3A_441 : vector<16xf32>
        %mul3A_462 = arith.mulf %get3A_385, %unpack3A_447 : vector<16xf32>
        %add3A_463 = arith.addf %mul3A_461, %mul3A_462 : vector<16xf32>
        %mul3A_464 = arith.mulf %get3A_390, %unpack3A_453 : vector<16xf32>
        %add3A_465 = arith.addf %add3A_463, %mul3A_464 : vector<16xf32>
        %mul3A_466 = arith.mulf %get3A_395, %unpack3A_459 : vector<16xf32>
        %add3A_467 = arith.addf %add3A_465, %mul3A_466 : vector<16xf32>
        %mul3A_468 = arith.mulf %get3A_380, %unpack3A_442 : vector<16xf32>
        %mul3A_469 = arith.mulf %get3A_385, %unpack3A_448 : vector<16xf32>
        %add3A_470 = arith.addf %mul3A_468, %mul3A_469 : vector<16xf32>
        %mul3A_471 = arith.mulf %get3A_390, %unpack3A_454 : vector<16xf32>
        %add3A_472 = arith.addf %add3A_470, %mul3A_471 : vector<16xf32>
        %mul3A_473 = arith.mulf %get3A_395, %unpack3A_460 : vector<16xf32>
        %add3A_474 = arith.addf %add3A_472, %mul3A_473 : vector<16xf32>
        %swap3A_475 = arith.index_cast %scan3A_345 : i32 to index
        %swap3A_476 = arith.constant 32 : index
        %swap3A_477 = tpu.vector_load %arg21[%swap3A_475, %swap3A_476] {strides = array<i32>} : memref<40x128xf32, #tpu.memory_space<vmem>>, vector<16xf32>,
        tpu.vector_store %arg21[%swap3A_475, %swap3A_476], %add3A_467 {strides = array<i32>} : memref<40x128xf32, #tpu.memory_space<vmem>>, vector<16xf32>,
        %swap3A_478 = arith.index_cast %scan3A_345 : i32 to index
        %swap3A_479 = arith.constant 48 : index
        %swap3A_480 = tpu.vector_load %arg21[%swap3A_478, %swap3A_479] {strides = array<i32>} : memref<40x128xf32, #tpu.memory_space<vmem>>, vector<16xf32>,
        tpu.vector_store %arg21[%swap3A_478, %swap3A_479], %add3A_474 {strides = array<i32>} : memref<40x128xf32, #tpu.memory_space<vmem>>, vector<16xf32>,
        %get3A_481 = arith.index_cast %scan3A_345 : i32 to index
        %get3A_482 = arith.constant 32 : index
        %get3A_483 = tpu.vector_load %arg19[%get3A_481, %get3A_482] {strides = array<i32>} : memref<40x256xi32, #tpu.memory_space<vmem>>, vector<16xi32>,
        %bitcast3A_484 = vector.bitcast %get3A_483 : vector<16xi32> to vector<32xbf16>
        %unpack3A_485 = tpu.unpack_subelements %bitcast3A_484, 0 {pack_format = #tpu.pack_format<interleaved>} : vector<32xbf16> -> vector<16xf32>
        %unpack3A_486 = tpu.unpack_subelements %bitcast3A_484, 1 {pack_format = #tpu.pack_format<interleaved>} : vector<32xbf16> -> vector<16xf32>
        %get3A_487 = arith.index_cast %scan3A_345 : i32 to index
        %get3A_488 = arith.constant 96 : index
        %get3A_489 = tpu.vector_load %arg19[%get3A_487, %get3A_488] {strides = array<i32>} : memref<40x256xi32, #tpu.memory_space<vmem>>, vector<16xi32>,
        %bitcast3A_490 = vector.bitcast %get3A_489 : vector<16xi32> to vector<32xbf16>
        %unpack3A_491 = tpu.unpack_subelements %bitcast3A_490, 0 {pack_format = #tpu.pack_format<interleaved>} : vector<32xbf16> -> vector<16xf32>
        %unpack3A_492 = tpu.unpack_subelements %bitcast3A_490, 1 {pack_format = #tpu.pack_format<interleaved>} : vector<32xbf16> -> vector<16xf32>
        %get3A_493 = arith.index_cast %scan3A_345 : i32 to index
        %get3A_494 = arith.constant 160 : index
        %get3A_495 = tpu.vector_load %arg19[%get3A_493, %get3A_494] {strides = array<i32>} : memref<40x256xi32, #tpu.memory_space<vmem>>, vector<16xi32>,
        %bitcast3A_496 = vector.bitcast %get3A_495 : vector<16xi32> to vector<32xbf16>
        %unpack3A_497 = tpu.unpack_subelements %bitcast3A_496, 0 {pack_format = #tpu.pack_format<interleaved>} : vector<32xbf16> -> vector<16xf32>
        %unpack3A_498 = tpu.unpack_subelements %bitcast3A_496, 1 {pack_format = #tpu.pack_format<interleaved>} : vector<32xbf16> -> vector<16xf32>
        %get3A_499 = arith.index_cast %scan3A_345 : i32 to index
        %get3A_500 = arith.constant 224 : index
        %get3A_501 = tpu.vector_load %arg19[%get3A_499, %get3A_500] {strides = array<i32>} : memref<40x256xi32, #tpu.memory_space<vmem>>, vector<16xi32>,
        %bitcast3A_502 = vector.bitcast %get3A_501 : vector<16xi32> to vector<32xbf16>
        %unpack3A_503 = tpu.unpack_subelements %bitcast3A_502, 0 {pack_format = #tpu.pack_format<interleaved>} : vector<32xbf16> -> vector<16xf32>
        %unpack3A_504 = tpu.unpack_subelements %bitcast3A_502, 1 {pack_format = #tpu.pack_format<interleaved>} : vector<32xbf16> -> vector<16xf32>
        %mul3A_505 = arith.mulf %get3A_380, %unpack3A_485 : vector<16xf32>
        %mul3A_506 = arith.mulf %get3A_385, %unpack3A_491 : vector<16xf32>
        %add3A_507 = arith.addf %mul3A_505, %mul3A_506 : vector<16xf32>
        %mul3A_508 = arith.mulf %get3A_390, %unpack3A_497 : vector<16xf32>
        %add3A_509 = arith.addf %add3A_507, %mul3A_508 : vector<16xf32>
        %mul3A_510 = arith.mulf %get3A_395, %unpack3A_503 : vector<16xf32>
        %add3A_511 = arith.addf %add3A_509, %mul3A_510 : vector<16xf32>
        %mul3A_512 = arith.mulf %get3A_380, %unpack3A_486 : vector<16xf32>
        %mul3A_513 = arith.mulf %get3A_385, %unpack3A_492 : vector<16xf32>
        %add3A_514 = arith.addf %mul3A_512, %mul3A_513 : vector<16xf32>
        %mul3A_515 = arith.mulf %get3A_390, %unpack3A_498 : vector<16xf32>
        %add3A_516 = arith.addf %add3A_514, %mul3A_515 : vector<16xf32>
        %mul3A_517 = arith.mulf %get3A_395, %unpack3A_504 : vector<16xf32>
        %add3A_518 = arith.addf %add3A_516, %mul3A_517 : vector<16xf32>
        %swap3A_519 = arith.index_cast %scan3A_345 : i32 to index
        %swap3A_520 = arith.constant 64 : index
        %swap3A_521 = tpu.vector_load %arg21[%swap3A_519, %swap3A_520] {strides = array<i32>} : memref<40x128xf32, #tpu.memory_space<vmem>>, vector<16xf32>,
        tpu.vector_store %arg21[%swap3A_519, %swap3A_520], %add3A_511 {strides = array<i32>} : memref<40x128xf32, #tpu.memory_space<vmem>>, vector<16xf32>,
        %swap3A_522 = arith.index_cast %scan3A_345 : i32 to index
        %swap3A_523 = arith.constant 80 : index
        %swap3A_524 = tpu.vector_load %arg21[%swap3A_522, %swap3A_523] {strides = array<i32>} : memref<40x128xf32, #tpu.memory_space<vmem>>, vector<16xf32>,
        tpu.vector_store %arg21[%swap3A_522, %swap3A_523], %add3A_518 {strides = array<i32>} : memref<40x128xf32, #tpu.memory_space<vmem>>, vector<16xf32>,
        %get3A_525 = arith.index_cast %scan3A_345 : i32 to index
        %get3A_526 = arith.constant 48 : index
        %get3A_527 = tpu.vector_load %arg19[%get3A_525, %get3A_526] {strides = array<i32>} : memref<40x256xi32, #tpu.memory_space<vmem>>, vector<16xi32>,
        %bitcast3A_528 = vector.bitcast %get3A_527 : vector<16xi32> to vector<32xbf16>
        %unpack3A_529 = tpu.unpack_subelements %bitcast3A_528, 0 {pack_format = #tpu.pack_format<interleaved>} : vector<32xbf16> -> vector<16xf32>
        %unpack3A_530 = tpu.unpack_subelements %bitcast3A_528, 1 {pack_format = #tpu.pack_format<interleaved>} : vector<32xbf16> -> vector<16xf32>
        %get3A_531 = arith.index_cast %scan3A_345 : i32 to index
        %get3A_532 = arith.constant 112 : index
        %get3A_533 = tpu.vector_load %arg19[%get3A_531, %get3A_532] {strides = array<i32>} : memref<40x256xi32, #tpu.memory_space<vmem>>, vector<16xi32>,
        %bitcast3A_534 = vector.bitcast %get3A_533 : vector<16xi32> to vector<32xbf16>
        %unpack3A_535 = tpu.unpack_subelements %bitcast3A_534, 0 {pack_format = #tpu.pack_format<interleaved>} : vector<32xbf16> -> vector<16xf32>
        %unpack3A_536 = tpu.unpack_subelements %bitcast3A_534, 1 {pack_format = #tpu.pack_format<interleaved>} : vector<32xbf16> -> vector<16xf32>
        %get3A_537 = arith.index_cast %scan3A_345 : i32 to index
        %get3A_538 = arith.constant 176 : index
        %get3A_539 = tpu.vector_load %arg19[%get3A_537, %get3A_538] {strides = array<i32>} : memref<40x256xi32, #tpu.memory_space<vmem>>, vector<16xi32>,
        %bitcast3A_540 = vector.bitcast %get3A_539 : vector<16xi32> to vector<32xbf16>
        %unpack3A_541 = tpu.unpack_subelements %bitcast3A_540, 0 {pack_format = #tpu.pack_format<interleaved>} : vector<32xbf16> -> vector<16xf32>
        %unpack3A_542 = tpu.unpack_subelements %bitcast3A_540, 1 {pack_format = #tpu.pack_format<interleaved>} : vector<32xbf16> -> vector<16xf32>
        %get3A_543 = arith.index_cast %scan3A_345 : i32 to index
        %get3A_544 = arith.constant 240 : index
        %get3A_545 = tpu.vector_load %arg19[%get3A_543, %get3A_544] {strides = array<i32>} : memref<40x256xi32, #tpu.memory_space<vmem>>, vector<16xi32>,
        %bitcast3A_546 = vector.bitcast %get3A_545 : vector<16xi32> to vector<32xbf16>
        %unpack3A_547 = tpu.unpack_subelements %bitcast3A_546, 0 {pack_format = #tpu.pack_format<interleaved>} : vector<32xbf16> -> vector<16xf32>
        %unpack3A_548 = tpu.unpack_subelements %bitcast3A_546, 1 {pack_format = #tpu.pack_format<interleaved>} : vector<32xbf16> -> vector<16xf32>
        %mul3A_549 = arith.mulf %get3A_380, %unpack3A_529 : vector<16xf32>
        %mul3A_550 = arith.mulf %get3A_385, %unpack3A_535 : vector<16xf32>
        %add3A_551 = arith.addf %mul3A_549, %mul3A_550 : vector<16xf32>
        %mul3A_552 = arith.mulf %get3A_390, %unpack3A_541 : vector<16xf32>
        %add3A_553 = arith.addf %add3A_551, %mul3A_552 : vector<16xf32>
        %mul3A_554 = arith.mulf %get3A_395, %unpack3A_547 : vector<16xf32>
        %add3A_555 = arith.addf %add3A_553, %mul3A_554 : vector<16xf32>
        %mul3A_556 = arith.mulf %get3A_380, %unpack3A_530 : vector<16xf32>
        %mul3A_557 = arith.mulf %get3A_385, %unpack3A_536 : vector<16xf32>
        %add3A_558 = arith.addf %mul3A_556, %mul3A_557 : vector<16xf32>
        %mul3A_559 = arith.mulf %get3A_390, %unpack3A_542 : vector<16xf32>
        %add3A_560 = arith.addf %add3A_558, %mul3A_559 : vector<16xf32>
        %mul3A_561 = arith.mulf %get3A_395, %unpack3A_548 : vector<16xf32>
        %add3A_562 = arith.addf %add3A_560, %mul3A_561 : vector<16xf32>
        %swap3A_563 = arith.index_cast %scan3A_345 : i32 to index
        %swap3A_564 = arith.constant 96 : index
        %swap3A_565 = tpu.vector_load %arg21[%swap3A_563, %swap3A_564] {strides = array<i32>} : memref<40x128xf32, #tpu.memory_space<vmem>>, vector<16xf32>,
        tpu.vector_store %arg21[%swap3A_563, %swap3A_564], %add3A_555 {strides = array<i32>} : memref<40x128xf32, #tpu.memory_space<vmem>>, vector<16xf32>,
        %swap3A_566 = arith.index_cast %scan3A_345 : i32 to index
        %swap3A_567 = arith.constant 112 : index
        %swap3A_568 = tpu.vector_load %arg21[%swap3A_566, %swap3A_567] {strides = array<i32>} : memref<40x128xf32, #tpu.memory_space<vmem>>, vector<16xf32>,
        tpu.vector_store %arg21[%swap3A_566, %swap3A_567], %add3A_562 {strides = array<i32>} : memref<40x128xf32, #tpu.memory_space<vmem>>, vector<16xf32>,
        %scan3A_569 = arith.constant 1 : i32
        %scan3A_570 = arith.addi %scan3A_345, %scan3A_569 : i32
        %jit3A_571 = arith.constant 2 : i32
        %div3A_572 = arith.divsi %scan3A_570, %jit3A_571 : i32
        %sign3A_573 = arith.constant 0 : i32
        %sign3A_574 = arith.cmpi sgt, %scan3A_570, %sign3A_573 : i32
        %sign3A_575 = arith.extui %sign3A_574 : i1 to i32
        %sign3A_576 = arith.constant 0 : i32
        %sign3A_577 = arith.cmpi slt, %scan3A_570, %sign3A_576 : i32
        %sign3A_578 = arith.extui %sign3A_577 : i1 to i32
        %sign3A_579 = arith.subi %sign3A_575, %sign3A_578 : i32
        %sign3A_580 = arith.constant 0 : i32
        %sign3A_581 = arith.cmpi sgt, %jit3A_571, %sign3A_580 : i32
        %sign3A_582 = arith.extui %sign3A_581 : i1 to i32
        %sign3A_583 = arith.constant 0 : i32
        %sign3A_584 = arith.cmpi slt, %jit3A_571, %sign3A_583 : i32
        %sign3A_585 = arith.extui %sign3A_584 : i1 to i32
        %sign3A_586 = arith.subi %sign3A_582, %sign3A_585 : i32
        %ne3A_587 = arith.cmpi ne, %sign3A_579, %sign3A_586 : i32
        %rem3A_588 = arith.remsi %scan3A_570, %jit3A_571 : i32
        %ne3A_589 = arith.constant 0 : i32
        %ne3A_590 = arith.cmpi ne, %rem3A_588, %ne3A_589 : i32
        %and3A_591 = arith.andi %ne3A_587, %ne3A_590 : i1
        %sub3A_592 = arith.constant 1 : i32
        %sub3A_593 = arith.subi %div3A_572, %sub3A_592 : i32
        %select_n3A_594 = arith.select %and3A_591, %sub3A_593, %div3A_572 : i32
        %jit3A_595 = arith.constant 2 : i32
        %eq3A_596 = arith.constant 0 : i32
        %eq3A_597 = arith.cmpi eq, %jit3A_595, %eq3A_596 : i32
        %jit3A_598 = arith.constant 1 : i32
        %select_n3A_599 = arith.select %eq3A_597, %jit3A_598, %jit3A_595 : i32
        %rem3A_600 = arith.remsi %scan3A_570, %select_n3A_599 : i32
        %ne3A_601 = arith.constant 0 : i32
        %ne3A_602 = arith.cmpi ne, %rem3A_600, %ne3A_601 : i32
        %lt3A_603 = arith.constant 0 : i32
        %lt3A_604 = arith.cmpi slt, %rem3A_600, %lt3A_603 : i32
        %lt3A_605 = arith.constant 0 : i32
        %lt3A_606 = arith.cmpi slt, %select_n3A_599, %lt3A_605 : i32
        %ne3A_607 = arith.xori %lt3A_604, %lt3A_606 : i1
        %and3A_608 = arith.andi %ne3A_607, %ne3A_602 : i1
        %add3A_609 = arith.addi %rem3A_600, %select_n3A_599 : i32
        %select_n3A_610 = arith.select %and3A_608, %add3A_609, %rem3A_600 : i32
        %mul3A_611 = arith.constant 64 : i32
        %mul3A_612 = arith.muli %select_n3A_610, %mul3A_611 : i32
        %get3A_613 = arith.index_cast %select_n3A_594 : i32 to index
        %get3A_614 = arith.index_cast %mul3A_612 : i32 to index
        %get3A_615 = tpu.vector_load %arg17[%get3A_613, %get3A_614] {strides = array<i32>} : memref<20x128xf32, #tpu.memory_space<vmem>>, vector<16xf32>,
        %add3A_616 = arith.constant 16 : i32
        %add3A_617 = arith.addi %mul3A_612, %add3A_616 : i32
        %get3A_618 = arith.index_cast %select_n3A_594 : i32 to index
        %get3A_619 = arith.index_cast %add3A_617 : i32 to index
        %get3A_620 = tpu.vector_load %arg17[%get3A_618, %get3A_619] {strides = array<i32>} : memref<20x128xf32, #tpu.memory_space<vmem>>, vector<16xf32>,
        %add3A_621 = arith.constant 32 : i32
        %add3A_622 = arith.addi %mul3A_612, %add3A_621 : i32
        %get3A_623 = arith.index_cast %select_n3A_594 : i32 to index
        %get3A_624 = arith.index_cast %add3A_622 : i32 to index
        %get3A_625 = tpu.vector_load %arg17[%get3A_623, %get3A_624] {strides = array<i32>} : memref<20x128xf32, #tpu.memory_space<vmem>>, vector<16xf32>,
        %add3A_626 = arith.constant 48 : i32
        %add3A_627 = arith.addi %mul3A_612, %add3A_626 : i32
        %get3A_628 = arith.index_cast %select_n3A_594 : i32 to index
        %get3A_629 = arith.index_cast %add3A_627 : i32 to index
        %get3A_630 = tpu.vector_load %arg17[%get3A_628, %get3A_629] {strides = array<i32>} : memref<20x128xf32, #tpu.memory_space<vmem>>, vector<16xf32>,
        %get3A_631 = arith.index_cast %scan3A_570 : i32 to index
        %get3A_632 = arith.constant 0 : index
        %get3A_633 = tpu.vector_load %arg19[%get3A_631, %get3A_632] {strides = array<i32>} : memref<40x256xi32, #tpu.memory_space<vmem>>, vector<16xi32>,
        %bitcast3A_634 = vector.bitcast %get3A_633 : vector<16xi32> to vector<32xbf16>
        %unpack3A_635 = tpu.unpack_subelements %bitcast3A_634, 0 {pack_format = #tpu.pack_format<interleaved>} : vector<32xbf16> -> vector<16xf32>
        %unpack3A_636 = tpu.unpack_subelements %bitcast3A_634, 1 {pack_format = #tpu.pack_format<interleaved>} : vector<32xbf16> -> vector<16xf32>
        %get3A_637 = arith.index_cast %scan3A_570 : i32 to index
        %get3A_638 = arith.constant 64 : index
        %get3A_639 = tpu.vector_load %arg19[%get3A_637, %get3A_638] {strides = array<i32>} : memref<40x256xi32, #tpu.memory_space<vmem>>, vector<16xi32>,
        %bitcast3A_640 = vector.bitcast %get3A_639 : vector<16xi32> to vector<32xbf16>
        %unpack3A_641 = tpu.unpack_subelements %bitcast3A_640, 0 {pack_format = #tpu.pack_format<interleaved>} : vector<32xbf16> -> vector<16xf32>
        %unpack3A_642 = tpu.unpack_subelements %bitcast3A_640, 1 {pack_format = #tpu.pack_format<interleaved>} : vector<32xbf16> -> vector<16xf32>
        %get3A_643 = arith.index_cast %scan3A_570 : i32 to index
        %get3A_644 = arith.constant 128 : index
        %get3A_645 = tpu.vector_load %arg19[%get3A_643, %get3A_644] {strides = array<i32>} : memref<40x256xi32, #tpu.memory_space<vmem>>, vector<16xi32>,
        %bitcast3A_646 = vector.bitcast %get3A_645 : vector<16xi32> to vector<32xbf16>
        %unpack3A_647 = tpu.unpack_subelements %bitcast3A_646, 0 {pack_format = #tpu.pack_format<interleaved>} : vector<32xbf16> -> vector<16xf32>
        %unpack3A_648 = tpu.unpack_subelements %bitcast3A_646, 1 {pack_format = #tpu.pack_format<interleaved>} : vector<32xbf16> -> vector<16xf32>
        %get3A_649 = arith.index_cast %scan3A_570 : i32 to index
        %get3A_650 = arith.constant 192 : index
        %get3A_651 = tpu.vector_load %arg19[%get3A_649, %get3A_650] {strides = array<i32>} : memref<40x256xi32, #tpu.memory_space<vmem>>, vector<16xi32>,
        %bitcast3A_652 = vector.bitcast %get3A_651 : vector<16xi32> to vector<32xbf16>
        %unpack3A_653 = tpu.unpack_subelements %bitcast3A_652, 0 {pack_format = #tpu.pack_format<interleaved>} : vector<32xbf16> -> vector<16xf32>
        %unpack3A_654 = tpu.unpack_subelements %bitcast3A_652, 1 {pack_format = #tpu.pack_format<interleaved>} : vector<32xbf16> -> vector<16xf32>
        %mul3A_655 = arith.mulf %get3A_615, %unpack3A_635 : vector<16xf32>
        %mul3A_656 = arith.mulf %get3A_620, %unpack3A_641 : vector<16xf32>
        %add3A_657 = arith.addf %mul3A_655, %mul3A_656 : vector<16xf32>
        %mul3A_658 = arith.mulf %get3A_625, %unpack3A_647 : vector<16xf32>
        %add3A_659 = arith.addf %add3A_657, %mul3A_658 : vector<16xf32>
        %mul3A_660 = arith.mulf %get3A_630, %unpack3A_653 : vector<16xf32>
        %add3A_661 = arith.addf %add3A_659, %mul3A_660 : vector<16xf32>
        %mul3A_662 = arith.mulf %get3A_615, %unpack3A_636 : vector<16xf32>
        %mul3A_663 = arith.mulf %get3A_620, %unpack3A_642 : vector<16xf32>
        %add3A_664 = arith.addf %mul3A_662, %mul3A_663 : vector<16xf32>
        %mul3A_665 = arith.mulf %get3A_625, %unpack3A_648 : vector<16xf32>
        %add3A_666 = arith.addf %add3A_664, %mul3A_665 : vector<16xf32>
        %mul3A_667 = arith.mulf %get3A_630, %unpack3A_654 : vector<16xf32>
        %add3A_668 = arith.addf %add3A_666, %mul3A_667 : vector<16xf32>
        %swap3A_669 = arith.index_cast %scan3A_570 : i32 to index
        %swap3A_670 = arith.constant 0 : index
        %swap3A_671 = tpu.vector_load %arg21[%swap3A_669, %swap3A_670] {strides = array<i32>} : memref<40x128xf32, #tpu.memory_space<vmem>>, vector<16xf32>,
        tpu.vector_store %arg21[%swap3A_669, %swap3A_670], %add3A_661 {strides = array<i32>} : memref<40x128xf32, #tpu.memory_space<vmem>>, vector<16xf32>,
        %swap3A_672 = arith.index_cast %scan3A_570 : i32 to index
        %swap3A_673 = arith.constant 16 : index
        %swap3A_674 = tpu.vector_load %arg21[%swap3A_672, %swap3A_673] {strides = array<i32>} : memref<40x128xf32, #tpu.memory_space<vmem>>, vector<16xf32>,
        tpu.vector_store %arg21[%swap3A_672, %swap3A_673], %add3A_668 {strides = array<i32>} : memref<40x128xf32, #tpu.memory_space<vmem>>, vector<16xf32>,
        %get3A_675 = arith.index_cast %scan3A_570 : i32 to index
        %get3A_676 = arith.constant 16 : index
        %get3A_677 = tpu.vector_load %arg19[%get3A_675, %get3A_676] {strides = array<i32>} : memref<40x256xi32, #tpu.memory_space<vmem>>, vector<16xi32>,
        %bitcast3A_678 = vector.bitcast %get3A_677 : vector<16xi32> to vector<32xbf16>
        %unpack3A_679 = tpu.unpack_subelements %bitcast3A_678, 0 {pack_format = #tpu.pack_format<interleaved>} : vector<32xbf16> -> vector<16xf32>
        %unpack3A_680 = tpu.unpack_subelements %bitcast3A_678, 1 {pack_format = #tpu.pack_format<interleaved>} : vector<32xbf16> -> vector<16xf32>
        %get3A_681 = arith.index_cast %scan3A_570 : i32 to index
        %get3A_682 = arith.constant 80 : index
        %get3A_683 = tpu.vector_load %arg19[%get3A_681, %get3A_682] {strides = array<i32>} : memref<40x256xi32, #tpu.memory_space<vmem>>, vector<16xi32>,
        %bitcast3A_684 = vector.bitcast %get3A_683 : vector<16xi32> to vector<32xbf16>
        %unpack3A_685 = tpu.unpack_subelements %bitcast3A_684, 0 {pack_format = #tpu.pack_format<interleaved>} : vector<32xbf16> -> vector<16xf32>
        %unpack3A_686 = tpu.unpack_subelements %bitcast3A_684, 1 {pack_format = #tpu.pack_format<interleaved>} : vector<32xbf16> -> vector<16xf32>
        %get3A_687 = arith.index_cast %scan3A_570 : i32 to index
        %get3A_688 = arith.constant 144 : index
        %get3A_689 = tpu.vector_load %arg19[%get3A_687, %get3A_688] {strides = array<i32>} : memref<40x256xi32, #tpu.memory_space<vmem>>, vector<16xi32>,
        %bitcast3A_690 = vector.bitcast %get3A_689 : vector<16xi32> to vector<32xbf16>
        %unpack3A_691 = tpu.unpack_subelements %bitcast3A_690, 0 {pack_format = #tpu.pack_format<interleaved>} : vector<32xbf16> -> vector<16xf32>
        %unpack3A_692 = tpu.unpack_subelements %bitcast3A_690, 1 {pack_format = #tpu.pack_format<interleaved>} : vector<32xbf16> -> vector<16xf32>
        %get3A_693 = arith.index_cast %scan3A_570 : i32 to index
        %get3A_694 = arith.constant 208 : index
        %get3A_695 = tpu.vector_load %arg19[%get3A_693, %get3A_694] {strides = array<i32>} : memref<40x256xi32, #tpu.memory_space<vmem>>, vector<16xi32>,
        %bitcast3A_696 = vector.bitcast %get3A_695 : vector<16xi32> to vector<32xbf16>
        %unpack3A_697 = tpu.unpack_subelements %bitcast3A_696, 0 {pack_format = #tpu.pack_format<interleaved>} : vector<32xbf16> -> vector<16xf32>
        %unpack3A_698 = tpu.unpack_subelements %bitcast3A_696, 1 {pack_format = #tpu.pack_format<interleaved>} : vector<32xbf16> -> vector<16xf32>
        %mul3A_699 = arith.mulf %get3A_615, %unpack3A_679 : vector<16xf32>
        %mul3A_700 = arith.mulf %get3A_620, %unpack3A_685 : vector<16xf32>
        %add3A_701 = arith.addf %mul3A_699, %mul3A_700 : vector<16xf32>
        %mul3A_702 = arith.mulf %get3A_625, %unpack3A_691 : vector<16xf32>
        %add3A_703 = arith.addf %add3A_701, %mul3A_702 : vector<16xf32>
        %mul3A_704 = arith.mulf %get3A_630, %unpack3A_697 : vector<16xf32>
        %add3A_705 = arith.addf %add3A_703, %mul3A_704 : vector<16xf32>
        %mul3A_706 = arith.mulf %get3A_615, %unpack3A_680 : vector<16xf32>
        %mul3A_707 = arith.mulf %get3A_620, %unpack3A_686 : vector<16xf32>
        %add3A_708 = arith.addf %mul3A_706, %mul3A_707 : vector<16xf32>
        %mul3A_709 = arith.mulf %get3A_625, %unpack3A_692 : vector<16xf32>
        %add3A_710 = arith.addf %add3A_708, %mul3A_709 : vector<16xf32>
        %mul3A_711 = arith.mulf %get3A_630, %unpack3A_698 : vector<16xf32>
        %add3A_712 = arith.addf %add3A_710, %mul3A_711 : vector<16xf32>
        %swap3A_713 = arith.index_cast %scan3A_570 : i32 to index
        %swap3A_714 = arith.constant 32 : index
        %swap3A_715 = tpu.vector_load %arg21[%swap3A_713, %swap3A_714] {strides = array<i32>} : memref<40x128xf32, #tpu.memory_space<vmem>>, vector<16xf32>,
        tpu.vector_store %arg21[%swap3A_713, %swap3A_714], %add3A_705 {strides = array<i32>} : memref<40x128xf32, #tpu.memory_space<vmem>>, vector<16xf32>,
        %swap3A_716 = arith.index_cast %scan3A_570 : i32 to index
        %swap3A_717 = arith.constant 48 : index
        %swap3A_718 = tpu.vector_load %arg21[%swap3A_716, %swap3A_717] {strides = array<i32>} : memref<40x128xf32, #tpu.memory_space<vmem>>, vector<16xf32>,
        tpu.vector_store %arg21[%swap3A_716, %swap3A_717], %add3A_712 {strides = array<i32>} : memref<40x128xf32, #tpu.memory_space<vmem>>, vector<16xf32>,
        %get3A_719 = arith.index_cast %scan3A_570 : i32 to index
        %get3A_720 = arith.constant 32 : index
        %get3A_721 = tpu.vector_load %arg19[%get3A_719, %get3A_720] {strides = array<i32>} : memref<40x256xi32, #tpu.memory_space<vmem>>, vector<16xi32>,
        %bitcast3A_722 = vector.bitcast %get3A_721 : vector<16xi32> to vector<32xbf16>
        %unpack3A_723 = tpu.unpack_subelements %bitcast3A_722, 0 {pack_format = #tpu.pack_format<interleaved>} : vector<32xbf16> -> vector<16xf32>
        %unpack3A_724 = tpu.unpack_subelements %bitcast3A_722, 1 {pack_format = #tpu.pack_format<interleaved>} : vector<32xbf16> -> vector<16xf32>
        %get3A_725 = arith.index_cast %scan3A_570 : i32 to index
        %get3A_726 = arith.constant 96 : index
        %get3A_727 = tpu.vector_load %arg19[%get3A_725, %get3A_726] {strides = array<i32>} : memref<40x256xi32, #tpu.memory_space<vmem>>, vector<16xi32>,
        %bitcast3A_728 = vector.bitcast %get3A_727 : vector<16xi32> to vector<32xbf16>
        %unpack3A_729 = tpu.unpack_subelements %bitcast3A_728, 0 {pack_format = #tpu.pack_format<interleaved>} : vector<32xbf16> -> vector<16xf32>
        %unpack3A_730 = tpu.unpack_subelements %bitcast3A_728, 1 {pack_format = #tpu.pack_format<interleaved>} : vector<32xbf16> -> vector<16xf32>
        %get3A_731 = arith.index_cast %scan3A_570 : i32 to index
        %get3A_732 = arith.constant 160 : index
        %get3A_733 = tpu.vector_load %arg19[%get3A_731, %get3A_732] {strides = array<i32>} : memref<40x256xi32, #tpu.memory_space<vmem>>, vector<16xi32>,
        %bitcast3A_734 = vector.bitcast %get3A_733 : vector<16xi32> to vector<32xbf16>
        %unpack3A_735 = tpu.unpack_subelements %bitcast3A_734, 0 {pack_format = #tpu.pack_format<interleaved>} : vector<32xbf16> -> vector<16xf32>
        %unpack3A_736 = tpu.unpack_subelements %bitcast3A_734, 1 {pack_format = #tpu.pack_format<interleaved>} : vector<32xbf16> -> vector<16xf32>
        %get3A_737 = arith.index_cast %scan3A_570 : i32 to index
        %get3A_738 = arith.constant 224 : index
        %get3A_739 = tpu.vector_load %arg19[%get3A_737, %get3A_738] {strides = array<i32>} : memref<40x256xi32, #tpu.memory_space<vmem>>, vector<16xi32>,
        %bitcast3A_740 = vector.bitcast %get3A_739 : vector<16xi32> to vector<32xbf16>
        %unpack3A_741 = tpu.unpack_subelements %bitcast3A_740, 0 {pack_format = #tpu.pack_format<interleaved>} : vector<32xbf16> -> vector<16xf32>
        %unpack3A_742 = tpu.unpack_subelements %bitcast3A_740, 1 {pack_format = #tpu.pack_format<interleaved>} : vector<32xbf16> -> vector<16xf32>
        %mul3A_743 = arith.mulf %get3A_615, %unpack3A_723 : vector<16xf32>
        %mul3A_744 = arith.mulf %get3A_620, %unpack3A_729 : vector<16xf32>
        %add3A_745 = arith.addf %mul3A_743, %mul3A_744 : vector<16xf32>
        %mul3A_746 = arith.mulf %get3A_625, %unpack3A_735 : vector<16xf32>
        %add3A_747 = arith.addf %add3A_745, %mul3A_746 : vector<16xf32>
        %mul3A_748 = arith.mulf %get3A_630, %unpack3A_741 : vector<16xf32>
        %add3A_749 = arith.addf %add3A_747, %mul3A_748 : vector<16xf32>
        %mul3A_750 = arith.mulf %get3A_615, %unpack3A_724 : vector<16xf32>
        %mul3A_751 = arith.mulf %get3A_620, %unpack3A_730 : vector<16xf32>
        %add3A_752 = arith.addf %mul3A_750, %mul3A_751 : vector<16xf32>
        %mul3A_753 = arith.mulf %get3A_625, %unpack3A_736 : vector<16xf32>
        %add3A_754 = arith.addf %add3A_752, %mul3A_753 : vector<16xf32>
        %mul3A_755 = arith.mulf %get3A_630, %unpack3A_742 : vector<16xf32>
        %add3A_756 = arith.addf %add3A_754, %mul3A_755 : vector<16xf32>
        %swap3A_757 = arith.index_cast %scan3A_570 : i32 to index
        %swap3A_758 = arith.constant 64 : index
        %swap3A_759 = tpu.vector_load %arg21[%swap3A_757, %swap3A_758] {strides = array<i32>} : memref<40x128xf32, #tpu.memory_space<vmem>>, vector<16xf32>,
        tpu.vector_store %arg21[%swap3A_757, %swap3A_758], %add3A_749 {strides = array<i32>} : memref<40x128xf32, #tpu.memory_space<vmem>>, vector<16xf32>,
        %swap3A_760 = arith.index_cast %scan3A_570 : i32 to index
        %swap3A_761 = arith.constant 80 : index
        %swap3A_762 = tpu.vector_load %arg21[%swap3A_760, %swap3A_761] {strides = array<i32>} : memref<40x128xf32, #tpu.memory_space<vmem>>, vector<16xf32>,
        tpu.vector_store %arg21[%swap3A_760, %swap3A_761], %add3A_756 {strides = array<i32>} : memref<40x128xf32, #tpu.memory_space<vmem>>, vector<16xf32>,
        %get3A_763 = arith.index_cast %scan3A_570 : i32 to index
        %get3A_764 = arith.constant 48 : index
        %get3A_765 = tpu.vector_load %arg19[%get3A_763, %get3A_764] {strides = array<i32>} : memref<40x256xi32, #tpu.memory_space<vmem>>, vector<16xi32>,
        %bitcast3A_766 = vector.bitcast %get3A_765 : vector<16xi32> to vector<32xbf16>
        %unpack3A_767 = tpu.unpack_subelements %bitcast3A_766, 0 {pack_format = #tpu.pack_format<interleaved>} : vector<32xbf16> -> vector<16xf32>
        %unpack3A_768 = tpu.unpack_subelements %bitcast3A_766, 1 {pack_format = #tpu.pack_format<interleaved>} : vector<32xbf16> -> vector<16xf32>
        %get3A_769 = arith.index_cast %scan3A_570 : i32 to index
        %get3A_770 = arith.constant 112 : index
        %get3A_771 = tpu.vector_load %arg19[%get3A_769, %get3A_770] {strides = array<i32>} : memref<40x256xi32, #tpu.memory_space<vmem>>, vector<16xi32>,
        %bitcast3A_772 = vector.bitcast %get3A_771 : vector<16xi32> to vector<32xbf16>
        %unpack3A_773 = tpu.unpack_subelements %bitcast3A_772, 0 {pack_format = #tpu.pack_format<interleaved>} : vector<32xbf16> -> vector<16xf32>
        %unpack3A_774 = tpu.unpack_subelements %bitcast3A_772, 1 {pack_format = #tpu.pack_format<interleaved>} : vector<32xbf16> -> vector<16xf32>
        %get3A_775 = arith.index_cast %scan3A_570 : i32 to index
        %get3A_776 = arith.constant 176 : index
        %get3A_777 = tpu.vector_load %arg19[%get3A_775, %get3A_776] {strides = array<i32>} : memref<40x256xi32, #tpu.memory_space<vmem>>, vector<16xi32>,
        %bitcast3A_778 = vector.bitcast %get3A_777 : vector<16xi32> to vector<32xbf16>
        %unpack3A_779 = tpu.unpack_subelements %bitcast3A_778, 0 {pack_format = #tpu.pack_format<interleaved>} : vector<32xbf16> -> vector<16xf32>
        %unpack3A_780 = tpu.unpack_subelements %bitcast3A_778, 1 {pack_format = #tpu.pack_format<interleaved>} : vector<32xbf16> -> vector<16xf32>
        %get3A_781 = arith.index_cast %scan3A_570 : i32 to index
        %get3A_782 = arith.constant 240 : index
        %get3A_783 = tpu.vector_load %arg19[%get3A_781, %get3A_782] {strides = array<i32>} : memref<40x256xi32, #tpu.memory_space<vmem>>, vector<16xi32>,
        %bitcast3A_784 = vector.bitcast %get3A_783 : vector<16xi32> to vector<32xbf16>
        %unpack3A_785 = tpu.unpack_subelements %bitcast3A_784, 0 {pack_format = #tpu.pack_format<interleaved>} : vector<32xbf16> -> vector<16xf32>
        %unpack3A_786 = tpu.unpack_subelements %bitcast3A_784, 1 {pack_format = #tpu.pack_format<interleaved>} : vector<32xbf16> -> vector<16xf32>
        %mul3A_787 = arith.mulf %get3A_615, %unpack3A_767 : vector<16xf32>
        %mul3A_788 = arith.mulf %get3A_620, %unpack3A_773 : vector<16xf32>
        %add3A_789 = arith.addf %mul3A_787, %mul3A_788 : vector<16xf32>
        %mul3A_790 = arith.mulf %get3A_625, %unpack3A_779 : vector<16xf32>
        %add3A_791 = arith.addf %add3A_789, %mul3A_790 : vector<16xf32>
        %mul3A_792 = arith.mulf %get3A_630, %unpack3A_785 : vector<16xf32>
        %add3A_793 = arith.addf %add3A_791, %mul3A_792 : vector<16xf32>
        %mul3A_794 = arith.mulf %get3A_615, %unpack3A_768 : vector<16xf32>
        %mul3A_795 = arith.mulf %get3A_620, %unpack3A_774 : vector<16xf32>
        %add3A_796 = arith.addf %mul3A_794, %mul3A_795 : vector<16xf32>
        %mul3A_797 = arith.mulf %get3A_625, %unpack3A_780 : vector<16xf32>
        %add3A_798 = arith.addf %add3A_796, %mul3A_797 : vector<16xf32>
        %mul3A_799 = arith.mulf %get3A_630, %unpack3A_786 : vector<16xf32>
        %add3A_800 = arith.addf %add3A_798, %mul3A_799 : vector<16xf32>
        %swap3A_801 = arith.index_cast %scan3A_570 : i32 to index
        %swap3A_802 = arith.constant 96 : index
        %swap3A_803 = tpu.vector_load %arg21[%swap3A_801, %swap3A_802] {strides = array<i32>} : memref<40x128xf32, #tpu.memory_space<vmem>>, vector<16xf32>,
        tpu.vector_store %arg21[%swap3A_801, %swap3A_802], %add3A_793 {strides = array<i32>} : memref<40x128xf32, #tpu.memory_space<vmem>>, vector<16xf32>,
        %swap3A_804 = arith.index_cast %scan3A_570 : i32 to index
        %swap3A_805 = arith.constant 112 : index
        %swap3A_806 = tpu.vector_load %arg21[%swap3A_804, %swap3A_805] {strides = array<i32>} : memref<40x128xf32, #tpu.memory_space<vmem>>, vector<16xf32>,
        tpu.vector_store %arg21[%swap3A_804, %swap3A_805], %add3A_800 {strides = array<i32>} : memref<40x128xf32, #tpu.memory_space<vmem>>, vector<16xf32>,
      }
      %scan3A_341 = arith.constant 40 : i32
      %dma_start3A_342 = arith.constant 0 : i32
      %dma_start3A_343 = arith.constant 0 : i32
      %dma_start3A_344 = tpu.memref_slice %arg22[%dma_start3A_342, %dma_start3A_343] : memref<10112x128xf32, #tpu.memory_space<vmem_shared>> -> memref<10112x128xf32, #tpu.memory_space<vmem_shared>>
      tpu.enqueue_indirect_dma source(%arg21 : memref<40x128xf32, #tpu.memory_space<vmem>>) target(%dma_start3A_344 : memref<10112x128xf32, #tpu.memory_space<vmem_shared>>) offsets(%arg15 : memref<40xi32, #tpu.memory_space<vmem>>) semaphore(%arg36 : memref<!tpu.dma_semaphore, #tpu.memory_space<semaphore_mem>>) {add = true}
    }
    %scan3A_36 = arith.constant 62 : i32
    %ge3A = arith.constant 248 : i32
    %ge3A_37 = arith.constant 2 : i32
    %ge3A_38 = arith.cmpi sge, %ge3A, %ge3A_37 : i32
    %convert_element_type3A = arith.extui %ge3A_38 : i1 to i32
    %cond3A = arith.constant 0 : i32
    %cond3A_39 = arith.cmpi ne, %convert_element_type3A, %cond3A : i32
    scf.if %cond3A_39 {
      %dma_wait3A_148 = arith.constant 0 : i32
      %dma_wait3A_149 = arith.constant 0 : i32
      %dma_wait3A_150 = tpu.memref_slice %arg22[%dma_wait3A_148, %dma_wait3A_149] : memref<10112x128xf32, #tpu.memory_space<vmem_shared>> -> memref<10112x128xf32, #tpu.memory_space<vmem_shared>>
      tpu.wait_indirect_dma semaphore(%arg35 : memref<!tpu.dma_semaphore, #tpu.memory_space<semaphore_mem>>) src(%arg20 : memref<40x128xf32, #tpu.memory_space<vmem>>) dst(%dma_wait3A_150 : memref<10112x128xf32, #tpu.memory_space<vmem_shared>>)
    } else {
    }
    %add3A_40 = arith.constant 248 : i32
    %add3A_41 = arith.constant 2 : i32
    %add3A_42 = arith.addi %add3A_40, %add3A_41 : i32
    %lt3A = arith.constant 250 : i32
    %lt3A_43 = arith.cmpi slt, %add3A_42, %lt3A : i32
    %convert_element_type3A_44 = arith.extui %lt3A_43 : i1 to i32
    %cond3A_45 = arith.constant 248 : i32
    %cond3A_46 = arith.constant 0 : i32
    %cond3A_47 = arith.cmpi ne, %convert_element_type3A_44, %cond3A_46 : i32
    scf.if %cond3A_47 {
      %add3A_148 = arith.constant 2 : i32
      %add3A_149 = arith.addi %cond3A_45, %add3A_148 : i32
      %mul3A_150 = arith.constant 40 : i32
      %mul3A_151 = arith.muli %add3A_149, %mul3A_150 : i32
      %add3A_152 = arith.addi %mul3A_8, %mul3A_151 : i32
      %dma_start3A_153 = tpu.memref_slice %arg3[%add3A_152] : memref<320000xi32, #tpu.memory_space<hbm>> -> memref<40xi32, #tpu.memory_space<hbm>>
      %dma_start3A_154 = tpu.memref_slice %arg3[%add3A_152] : memref<320000xi32, #tpu.memory_space<hbm>> -> memref<40xi32, #tpu.memory_space<hbm>>
      tpu.enqueue_dma source(%dma_start3A_154 : memref<40xi32, #tpu.memory_space<hbm>>) target(%arg10 : memref<40xi32, #tpu.memory_space<vmem>>) target_semaphore(%arg25 : memref<!tpu.dma_semaphore, #tpu.memory_space<semaphore_mem>>)
      %dma_start3A_155 = tpu.memref_slice %arg4[%add3A_152] : memref<320000xi32, #tpu.memory_space<hbm>> -> memref<40xi32, #tpu.memory_space<hbm>>
      %dma_start3A_156 = tpu.memref_slice %arg4[%add3A_152] : memref<320000xi32, #tpu.memory_space<hbm>> -> memref<40xi32, #tpu.memory_space<hbm>>
      tpu.enqueue_dma source(%dma_start3A_156 : memref<40xi32, #tpu.memory_space<hbm>>) target(%arg14 : memref<40xi32, #tpu.memory_space<vmem>>) target_semaphore(%arg29 : memref<!tpu.dma_semaphore, #tpu.memory_space<semaphore_mem>>)
    } else {
    }
    %add3A_48 = arith.constant 248 : i32
    %add3A_49 = arith.constant 1 : i32
    %add3A_50 = arith.addi %add3A_48, %add3A_49 : i32
    %lt3A_51 = arith.constant 250 : i32
    %lt3A_52 = arith.cmpi slt, %add3A_50, %lt3A_51 : i32
    %convert_element_type3A_53 = arith.extui %lt3A_52 : i1 to i32
    %cond3A_54 = arith.constant 248 : i32
    %cond3A_55 = arith.constant 0 : i32
    %cond3A_56 = arith.cmpi ne, %convert_element_type3A_53, %cond3A_55 : i32
    scf.if %cond3A_56 {
      %add3A_148 = arith.constant 1 : i32
      %add3A_149 = arith.addi %cond3A_54, %add3A_148 : i32
      %mul3A_150 = arith.constant 40 : i32
      %mul3A_151 = arith.muli %add3A_149, %mul3A_150 : i32
      %add3A_152 = arith.addi %mul3A_8, %mul3A_151 : i32
      %dma_wait3A_153 = tpu.memref_slice %arg3[%add3A_152] : memref<320000xi32, #tpu.memory_space<hbm>> -> memref<40xi32, #tpu.memory_space<hbm>>
      %dma_wait3A_154 = tpu.memref_slice %arg3[%add3A_152] : memref<320000xi32, #tpu.memory_space<hbm>> -> memref<40xi32, #tpu.memory_space<hbm>>
      tpu.wait_dma2 semaphore(%arg24 : memref<!tpu.dma_semaphore, #tpu.memory_space<semaphore_mem>>) src(%dma_wait3A_154 : memref<40xi32, #tpu.memory_space<hbm>>) dst(%arg9 : memref<40xi32, #tpu.memory_space<vmem>>)
      %dma_start3A_155 = arith.constant 0 : i32
      %dma_start3A_156 = arith.constant 0 : i32
      %dma_start3A_157 = tpu.memref_slice %arg2[%dma_start3A_155, %dma_start3A_156] : memref<10000x256xi32, #tpu.memory_space<hbm>> -> memref<10000x256xi32, #tpu.memory_space<hbm>>
      tpu.enqueue_indirect_dma source(%dma_start3A_157 : memref<10000x256xi32, #tpu.memory_space<hbm>>) target(%arg19 : memref<40x256xi32, #tpu.memory_space<vmem>>) offsets(%arg9 : memref<40xi32, #tpu.memory_space<vmem>>) semaphore(%arg34 : memref<!tpu.dma_semaphore, #tpu.memory_space<semaphore_mem>>)
      %add3A_158 = arith.addi %mul3A_6, %cond3A_54 : i32
      %add3A_159 = arith.constant 1 : i32
      %add3A_160 = arith.addi %add3A_158, %add3A_159 : i32
      %dma_start3A_161 = arith.constant 0 : i32
      %dma_start3A_162 = arith.constant 0 : i32
      %dma_start3A_163 = tpu.memref_slice %arg5[%add3A_160, %dma_start3A_161, %dma_start3A_162] : memref<8000x20x128xf32, #tpu.memory_space<hbm>> -> memref<1x20x128xf32, #tpu.memory_space<hbm>>
      %dma_start3A_164 = tpu.memref_squeeze %dma_start3A_163 : memref<1x20x128xf32, #tpu.memory_space<hbm>> -> memref<20x128xf32, #tpu.memory_space<hbm>>
      %dma_start3A_165 = arith.constant 0 : i32
      %dma_start3A_166 = arith.constant 0 : i32
      %dma_start3A_167 = tpu.memref_slice %arg5[%add3A_160, %dma_start3A_165, %dma_start3A_166] : memref<8000x20x128xf32, #tpu.memory_space<hbm>> -> memref<1x20x128xf32, #tpu.memory_space<hbm>>
      %dma_start3A_168 = tpu.memref_squeeze %dma_start3A_167 : memref<1x20x128xf32, #tpu.memory_space<hbm>> -> memref<20x128xf32, #tpu.memory_space<hbm>>
      tpu.enqueue_dma source(%dma_start3A_168 : memref<20x128xf32, #tpu.memory_space<hbm>>) target(%arg17 : memref<20x128xf32, #tpu.memory_space<vmem>>) target_semaphore(%arg32 : memref<!tpu.dma_semaphore, #tpu.memory_space<semaphore_mem>>)
    } else {
    }
    %dma_wait3A_57 = arith.constant 0 : i32
    %dma_wait3A_58 = arith.constant 0 : i32
    %dma_wait3A_59 = tpu.memref_slice %arg2[%dma_wait3A_57, %dma_wait3A_58] : memref<10000x256xi32, #tpu.memory_space<hbm>> -> memref<10000x256xi32, #tpu.memory_space<hbm>>
    tpu.wait_indirect_dma semaphore(%arg33 : memref<!tpu.dma_semaphore, #tpu.memory_space<semaphore_mem>>) src(%dma_wait3A_59 : memref<10000x256xi32, #tpu.memory_space<hbm>>) dst(%arg18 : memref<40x256xi32, #tpu.memory_space<vmem>>)
    %add3A_60 = arith.constant 248 : i32
    %add3A_61 = arith.addi %mul3A_6, %add3A_60 : i32
    %dma_wait3A_62 = arith.constant 0 : i32
    %dma_wait3A_63 = arith.constant 0 : i32
    %dma_wait3A_64 = tpu.memref_slice %arg5[%add3A_61, %dma_wait3A_62, %dma_wait3A_63] : memref<8000x20x128xf32, #tpu.memory_space<hbm>> -> memref<1x20x128xf32, #tpu.memory_space<hbm>>
    %dma_wait3A_65 = tpu.memref_squeeze %dma_wait3A_64 : memref<1x20x128xf32, #tpu.memory_space<hbm>> -> memref<20x128xf32, #tpu.memory_space<hbm>>
    %dma_wait3A_66 = arith.constant 0 : i32
    %dma_wait3A_67 = arith.constant 0 : i32
    %dma_wait3A_68 = tpu.memref_slice %arg5[%add3A_61, %dma_wait3A_66, %dma_wait3A_67] : memref<8000x20x128xf32, #tpu.memory_space<hbm>> -> memref<1x20x128xf32, #tpu.memory_space<hbm>>
    %dma_wait3A_69 = tpu.memref_squeeze %dma_wait3A_68 : memref<1x20x128xf32, #tpu.memory_space<hbm>> -> memref<20x128xf32, #tpu.memory_space<hbm>>
    tpu.wait_dma2 semaphore(%arg31 : memref<!tpu.dma_semaphore, #tpu.memory_space<semaphore_mem>>) src(%dma_wait3A_69 : memref<20x128xf32, #tpu.memory_space<hbm>>) dst(%arg16 : memref<20x128xf32, #tpu.memory_space<vmem>>)
    %mul3A_70 = arith.constant 248 : i32
    %mul3A_71 = arith.constant 40 : i32
    %mul3A_72 = arith.muli %mul3A_70, %mul3A_71 : i32
    %add3A_73 = arith.addi %mul3A_8, %mul3A_72 : i32
    %dma_wait3A_74 = tpu.memref_slice %arg4[%add3A_73] : memref<320000xi32, #tpu.memory_space<hbm>> -> memref<40xi32, #tpu.memory_space<hbm>>
    %dma_wait3A_75 = tpu.memref_slice %arg4[%add3A_73] : memref<320000xi32, #tpu.memory_space<hbm>> -> memref<40xi32, #tpu.memory_space<hbm>>
    tpu.wait_dma2 semaphore(%arg27 : memref<!tpu.dma_semaphore, #tpu.memory_space<semaphore_mem>>) src(%dma_wait3A_75 : memref<40xi32, #tpu.memory_space<hbm>>) dst(%arg12 : memref<40xi32, #tpu.memory_space<vmem>>)
    %scan3A_76 = arith.constant 0 : i32
    %scan3A_77 = arith.constant 0 : i32
    %scan3A_78 = arith.constant 40 : i32
    %scan3A_79 = arith.addi %scan3A_77, %scan3A_78 : i32
    %scan3A_80 = arith.constant 2 : i32
    scf.for %scan3A_148 = %scan3A_77 to %scan3A_79 step %scan3A_80  : i32 {
      %jit3A = arith.constant 2 : i32
      %div3A = arith.divsi %scan3A_148, %jit3A : i32
      %sign3A = arith.constant 0 : i32
      %sign3A_149 = arith.cmpi sgt, %scan3A_148, %sign3A : i32
      %sign3A_150 = arith.extui %sign3A_149 : i1 to i32
      %sign3A_151 = arith.constant 0 : i32
      %sign3A_152 = arith.cmpi slt, %scan3A_148, %sign3A_151 : i32
      %sign3A_153 = arith.extui %sign3A_152 : i1 to i32
      %sign3A_154 = arith.subi %sign3A_150, %sign3A_153 : i32
      %sign3A_155 = arith.constant 0 : i32
      %sign3A_156 = arith.cmpi sgt, %jit3A, %sign3A_155 : i32
      %sign3A_157 = arith.extui %sign3A_156 : i1 to i32
      %sign3A_158 = arith.constant 0 : i32
      %sign3A_159 = arith.cmpi slt, %jit3A, %sign3A_158 : i32
      %sign3A_160 = arith.extui %sign3A_159 : i1 to i32
      %sign3A_161 = arith.subi %sign3A_157, %sign3A_160 : i32
      %ne3A = arith.cmpi ne, %sign3A_154, %sign3A_161 : i32
      %rem3A = arith.remsi %scan3A_148, %jit3A : i32
      %ne3A_162 = arith.constant 0 : i32
      %ne3A_163 = arith.cmpi ne, %rem3A, %ne3A_162 : i32
      %and3A = arith.andi %ne3A, %ne3A_163 : i1
      %sub3A = arith.constant 1 : i32
      %sub3A_164 = arith.subi %div3A, %sub3A : i32
      %select_n3A = arith.select %and3A, %sub3A_164, %div3A : i32
      %jit3A_165 = arith.constant 2 : i32
      %eq3A = arith.constant 0 : i32
      %eq3A_166 = arith.cmpi eq, %jit3A_165, %eq3A : i32
      %jit3A_167 = arith.constant 1 : i32
      %select_n3A_168 = arith.select %eq3A_166, %jit3A_167, %jit3A_165 : i32
      %rem3A_169 = arith.remsi %scan3A_148, %select_n3A_168 : i32
      %ne3A_170 = arith.constant 0 : i32
      %ne3A_171 = arith.cmpi ne, %rem3A_169, %ne3A_170 : i32
      %lt3A_172 = arith.constant 0 : i32
      %lt3A_173 = arith.cmpi slt, %rem3A_169, %lt3A_172 : i32
      %lt3A_174 = arith.constant 0 : i32
      %lt3A_175 = arith.cmpi slt, %select_n3A_168, %lt3A_174 : i32
      %ne3A_176 = arith.xori %lt3A_173, %lt3A_175 : i1
      %and3A_177 = arith.andi %ne3A_176, %ne3A_171 : i1
      %add3A_178 = arith.addi %rem3A_169, %select_n3A_168 : i32
      %select_n3A_179 = arith.select %and3A_177, %add3A_178, %rem3A_169 : i32
      %mul3A_180 = arith.constant 64 : i32
      %mul3A_181 = arith.muli %select_n3A_179, %mul3A_180 : i32
      %get3A = arith.index_cast %select_n3A : i32 to index
      %get3A_182 = arith.index_cast %mul3A_181 : i32 to index
      %get3A_183 = tpu.vector_load %arg16[%get3A, %get3A_182] {strides = array<i32>} : memref<20x128xf32, #tpu.memory_space<vmem>>, vector<16xf32>,
      %add3A_184 = arith.constant 16 : i32
      %add3A_185 = arith.addi %mul3A_181, %add3A_184 : i32
      %get3A_186 = arith.index_cast %select_n3A : i32 to index
      %get3A_187 = arith.index_cast %add3A_185 : i32 to index
      %get3A_188 = tpu.vector_load %arg16[%get3A_186, %get3A_187] {strides = array<i32>} : memref<20x128xf32, #tpu.memory_space<vmem>>, vector<16xf32>,
      %add3A_189 = arith.constant 32 : i32
      %add3A_190 = arith.addi %mul3A_181, %add3A_189 : i32
      %get3A_191 = arith.index_cast %select_n3A : i32 to index
      %get3A_192 = arith.index_cast %add3A_190 : i32 to index
      %get3A_193 = tpu.vector_load %arg16[%get3A_191, %get3A_192] {strides = array<i32>} : memref<20x128xf32, #tpu.memory_space<vmem>>, vector<16xf32>,
      %add3A_194 = arith.constant 48 : i32
      %add3A_195 = arith.addi %mul3A_181, %add3A_194 : i32
      %get3A_196 = arith.index_cast %select_n3A : i32 to index
      %get3A_197 = arith.index_cast %add3A_195 : i32 to index
      %get3A_198 = tpu.vector_load %arg16[%get3A_196, %get3A_197] {strides = array<i32>} : memref<20x128xf32, #tpu.memory_space<vmem>>, vector<16xf32>,
      %get3A_199 = arith.index_cast %scan3A_148 : i32 to index
      %get3A_200 = arith.constant 0 : index
      %get3A_201 = tpu.vector_load %arg18[%get3A_199, %get3A_200] {strides = array<i32>} : memref<40x256xi32, #tpu.memory_space<vmem>>, vector<16xi32>,
      %bitcast3A = vector.bitcast %get3A_201 : vector<16xi32> to vector<32xbf16>
      %unpack3A = tpu.unpack_subelements %bitcast3A, 0 {pack_format = #tpu.pack_format<interleaved>} : vector<32xbf16> -> vector<16xf32>
      %unpack3A_202 = tpu.unpack_subelements %bitcast3A, 1 {pack_format = #tpu.pack_format<interleaved>} : vector<32xbf16> -> vector<16xf32>
      %get3A_203 = arith.index_cast %scan3A_148 : i32 to index
      %get3A_204 = arith.constant 64 : index
      %get3A_205 = tpu.vector_load %arg18[%get3A_203, %get3A_204] {strides = array<i32>} : memref<40x256xi32, #tpu.memory_space<vmem>>, vector<16xi32>,
      %bitcast3A_206 = vector.bitcast %get3A_205 : vector<16xi32> to vector<32xbf16>
      %unpack3A_207 = tpu.unpack_subelements %bitcast3A_206, 0 {pack_format = #tpu.pack_format<interleaved>} : vector<32xbf16> -> vector<16xf32>
      %unpack3A_208 = tpu.unpack_subelements %bitcast3A_206, 1 {pack_format = #tpu.pack_format<interleaved>} : vector<32xbf16> -> vector<16xf32>
      %get3A_209 = arith.index_cast %scan3A_148 : i32 to index
      %get3A_210 = arith.constant 128 : index
      %get3A_211 = tpu.vector_load %arg18[%get3A_209, %get3A_210] {strides = array<i32>} : memref<40x256xi32, #tpu.memory_space<vmem>>, vector<16xi32>,
      %bitcast3A_212 = vector.bitcast %get3A_211 : vector<16xi32> to vector<32xbf16>
      %unpack3A_213 = tpu.unpack_subelements %bitcast3A_212, 0 {pack_format = #tpu.pack_format<interleaved>} : vector<32xbf16> -> vector<16xf32>
      %unpack3A_214 = tpu.unpack_subelements %bitcast3A_212, 1 {pack_format = #tpu.pack_format<interleaved>} : vector<32xbf16> -> vector<16xf32>
      %get3A_215 = arith.index_cast %scan3A_148 : i32 to index
      %get3A_216 = arith.constant 192 : index
      %get3A_217 = tpu.vector_load %arg18[%get3A_215, %get3A_216] {strides = array<i32>} : memref<40x256xi32, #tpu.memory_space<vmem>>, vector<16xi32>,
      %bitcast3A_218 = vector.bitcast %get3A_217 : vector<16xi32> to vector<32xbf16>
      %unpack3A_219 = tpu.unpack_subelements %bitcast3A_218, 0 {pack_format = #tpu.pack_format<interleaved>} : vector<32xbf16> -> vector<16xf32>
      %unpack3A_220 = tpu.unpack_subelements %bitcast3A_218, 1 {pack_format = #tpu.pack_format<interleaved>} : vector<32xbf16> -> vector<16xf32>
      %mul3A_221 = arith.mulf %get3A_183, %unpack3A : vector<16xf32>
      %mul3A_222 = arith.mulf %get3A_188, %unpack3A_207 : vector<16xf32>
      %add3A_223 = arith.addf %mul3A_221, %mul3A_222 : vector<16xf32>
      %mul3A_224 = arith.mulf %get3A_193, %unpack3A_213 : vector<16xf32>
      %add3A_225 = arith.addf %add3A_223, %mul3A_224 : vector<16xf32>
      %mul3A_226 = arith.mulf %get3A_198, %unpack3A_219 : vector<16xf32>
      %add3A_227 = arith.addf %add3A_225, %mul3A_226 : vector<16xf32>
      %mul3A_228 = arith.mulf %get3A_183, %unpack3A_202 : vector<16xf32>
      %mul3A_229 = arith.mulf %get3A_188, %unpack3A_208 : vector<16xf32>
      %add3A_230 = arith.addf %mul3A_228, %mul3A_229 : vector<16xf32>
      %mul3A_231 = arith.mulf %get3A_193, %unpack3A_214 : vector<16xf32>
      %add3A_232 = arith.addf %add3A_230, %mul3A_231 : vector<16xf32>
      %mul3A_233 = arith.mulf %get3A_198, %unpack3A_220 : vector<16xf32>
      %add3A_234 = arith.addf %add3A_232, %mul3A_233 : vector<16xf32>
      %swap3A = arith.index_cast %scan3A_148 : i32 to index
      %swap3A_235 = arith.constant 0 : index
      %swap3A_236 = tpu.vector_load %arg20[%swap3A, %swap3A_235] {strides = array<i32>} : memref<40x128xf32, #tpu.memory_space<vmem>>, vector<16xf32>,
      tpu.vector_store %arg20[%swap3A, %swap3A_235], %add3A_227 {strides = array<i32>} : memref<40x128xf32, #tpu.memory_space<vmem>>, vector<16xf32>,
      %swap3A_237 = arith.index_cast %scan3A_148 : i32 to index
      %swap3A_238 = arith.constant 16 : index
      %swap3A_239 = tpu.vector_load %arg20[%swap3A_237, %swap3A_238] {strides = array<i32>} : memref<40x128xf32, #tpu.memory_space<vmem>>, vector<16xf32>,
      tpu.vector_store %arg20[%swap3A_237, %swap3A_238], %add3A_234 {strides = array<i32>} : memref<40x128xf32, #tpu.memory_space<vmem>>, vector<16xf32>,
      %get3A_240 = arith.index_cast %scan3A_148 : i32 to index
      %get3A_241 = arith.constant 16 : index
      %get3A_242 = tpu.vector_load %arg18[%get3A_240, %get3A_241] {strides = array<i32>} : memref<40x256xi32, #tpu.memory_space<vmem>>, vector<16xi32>,
      %bitcast3A_243 = vector.bitcast %get3A_242 : vector<16xi32> to vector<32xbf16>
      %unpack3A_244 = tpu.unpack_subelements %bitcast3A_243, 0 {pack_format = #tpu.pack_format<interleaved>} : vector<32xbf16> -> vector<16xf32>
      %unpack3A_245 = tpu.unpack_subelements %bitcast3A_243, 1 {pack_format = #tpu.pack_format<interleaved>} : vector<32xbf16> -> vector<16xf32>
      %get3A_246 = arith.index_cast %scan3A_148 : i32 to index
      %get3A_247 = arith.constant 80 : index
      %get3A_248 = tpu.vector_load %arg18[%get3A_246, %get3A_247] {strides = array<i32>} : memref<40x256xi32, #tpu.memory_space<vmem>>, vector<16xi32>,
      %bitcast3A_249 = vector.bitcast %get3A_248 : vector<16xi32> to vector<32xbf16>
      %unpack3A_250 = tpu.unpack_subelements %bitcast3A_249, 0 {pack_format = #tpu.pack_format<interleaved>} : vector<32xbf16> -> vector<16xf32>
      %unpack3A_251 = tpu.unpack_subelements %bitcast3A_249, 1 {pack_format = #tpu.pack_format<interleaved>} : vector<32xbf16> -> vector<16xf32>
      %get3A_252 = arith.index_cast %scan3A_148 : i32 to index
      %get3A_253 = arith.constant 144 : index
      %get3A_254 = tpu.vector_load %arg18[%get3A_252, %get3A_253] {strides = array<i32>} : memref<40x256xi32, #tpu.memory_space<vmem>>, vector<16xi32>,
      %bitcast3A_255 = vector.bitcast %get3A_254 : vector<16xi32> to vector<32xbf16>
      %unpack3A_256 = tpu.unpack_subelements %bitcast3A_255, 0 {pack_format = #tpu.pack_format<interleaved>} : vector<32xbf16> -> vector<16xf32>
      %unpack3A_257 = tpu.unpack_subelements %bitcast3A_255, 1 {pack_format = #tpu.pack_format<interleaved>} : vector<32xbf16> -> vector<16xf32>
      %get3A_258 = arith.index_cast %scan3A_148 : i32 to index
      %get3A_259 = arith.constant 208 : index
      %get3A_260 = tpu.vector_load %arg18[%get3A_258, %get3A_259] {strides = array<i32>} : memref<40x256xi32, #tpu.memory_space<vmem>>, vector<16xi32>,
      %bitcast3A_261 = vector.bitcast %get3A_260 : vector<16xi32> to vector<32xbf16>
      %unpack3A_262 = tpu.unpack_subelements %bitcast3A_261, 0 {pack_format = #tpu.pack_format<interleaved>} : vector<32xbf16> -> vector<16xf32>
      %unpack3A_263 = tpu.unpack_subelements %bitcast3A_261, 1 {pack_format = #tpu.pack_format<interleaved>} : vector<32xbf16> -> vector<16xf32>
      %mul3A_264 = arith.mulf %get3A_183, %unpack3A_244 : vector<16xf32>
      %mul3A_265 = arith.mulf %get3A_188, %unpack3A_250 : vector<16xf32>
      %add3A_266 = arith.addf %mul3A_264, %mul3A_265 : vector<16xf32>
      %mul3A_267 = arith.mulf %get3A_193, %unpack3A_256 : vector<16xf32>
      %add3A_268 = arith.addf %add3A_266, %mul3A_267 : vector<16xf32>
      %mul3A_269 = arith.mulf %get3A_198, %unpack3A_262 : vector<16xf32>
      %add3A_270 = arith.addf %add3A_268, %mul3A_269 : vector<16xf32>
      %mul3A_271 = arith.mulf %get3A_183, %unpack3A_245 : vector<16xf32>
      %mul3A_272 = arith.mulf %get3A_188, %unpack3A_251 : vector<16xf32>
      %add3A_273 = arith.addf %mul3A_271, %mul3A_272 : vector<16xf32>
      %mul3A_274 = arith.mulf %get3A_193, %unpack3A_257 : vector<16xf32>
      %add3A_275 = arith.addf %add3A_273, %mul3A_274 : vector<16xf32>
      %mul3A_276 = arith.mulf %get3A_198, %unpack3A_263 : vector<16xf32>
      %add3A_277 = arith.addf %add3A_275, %mul3A_276 : vector<16xf32>
      %swap3A_278 = arith.index_cast %scan3A_148 : i32 to index
      %swap3A_279 = arith.constant 32 : index
      %swap3A_280 = tpu.vector_load %arg20[%swap3A_278, %swap3A_279] {strides = array<i32>} : memref<40x128xf32, #tpu.memory_space<vmem>>, vector<16xf32>,
      tpu.vector_store %arg20[%swap3A_278, %swap3A_279], %add3A_270 {strides = array<i32>} : memref<40x128xf32, #tpu.memory_space<vmem>>, vector<16xf32>,
      %swap3A_281 = arith.index_cast %scan3A_148 : i32 to index
      %swap3A_282 = arith.constant 48 : index
      %swap3A_283 = tpu.vector_load %arg20[%swap3A_281, %swap3A_282] {strides = array<i32>} : memref<40x128xf32, #tpu.memory_space<vmem>>, vector<16xf32>,
      tpu.vector_store %arg20[%swap3A_281, %swap3A_282], %add3A_277 {strides = array<i32>} : memref<40x128xf32, #tpu.memory_space<vmem>>, vector<16xf32>,
      %get3A_284 = arith.index_cast %scan3A_148 : i32 to index
      %get3A_285 = arith.constant 32 : index
      %get3A_286 = tpu.vector_load %arg18[%get3A_284, %get3A_285] {strides = array<i32>} : memref<40x256xi32, #tpu.memory_space<vmem>>, vector<16xi32>,
      %bitcast3A_287 = vector.bitcast %get3A_286 : vector<16xi32> to vector<32xbf16>
      %unpack3A_288 = tpu.unpack_subelements %bitcast3A_287, 0 {pack_format = #tpu.pack_format<interleaved>} : vector<32xbf16> -> vector<16xf32>
      %unpack3A_289 = tpu.unpack_subelements %bitcast3A_287, 1 {pack_format = #tpu.pack_format<interleaved>} : vector<32xbf16> -> vector<16xf32>
      %get3A_290 = arith.index_cast %scan3A_148 : i32 to index
      %get3A_291 = arith.constant 96 : index
      %get3A_292 = tpu.vector_load %arg18[%get3A_290, %get3A_291] {strides = array<i32>} : memref<40x256xi32, #tpu.memory_space<vmem>>, vector<16xi32>,
      %bitcast3A_293 = vector.bitcast %get3A_292 : vector<16xi32> to vector<32xbf16>
      %unpack3A_294 = tpu.unpack_subelements %bitcast3A_293, 0 {pack_format = #tpu.pack_format<interleaved>} : vector<32xbf16> -> vector<16xf32>
      %unpack3A_295 = tpu.unpack_subelements %bitcast3A_293, 1 {pack_format = #tpu.pack_format<interleaved>} : vector<32xbf16> -> vector<16xf32>
      %get3A_296 = arith.index_cast %scan3A_148 : i32 to index
      %get3A_297 = arith.constant 160 : index
      %get3A_298 = tpu.vector_load %arg18[%get3A_296, %get3A_297] {strides = array<i32>} : memref<40x256xi32, #tpu.memory_space<vmem>>, vector<16xi32>,
      %bitcast3A_299 = vector.bitcast %get3A_298 : vector<16xi32> to vector<32xbf16>
      %unpack3A_300 = tpu.unpack_subelements %bitcast3A_299, 0 {pack_format = #tpu.pack_format<interleaved>} : vector<32xbf16> -> vector<16xf32>
      %unpack3A_301 = tpu.unpack_subelements %bitcast3A_299, 1 {pack_format = #tpu.pack_format<interleaved>} : vector<32xbf16> -> vector<16xf32>
      %get3A_302 = arith.index_cast %scan3A_148 : i32 to index
      %get3A_303 = arith.constant 224 : index
      %get3A_304 = tpu.vector_load %arg18[%get3A_302, %get3A_303] {strides = array<i32>} : memref<40x256xi32, #tpu.memory_space<vmem>>, vector<16xi32>,
      %bitcast3A_305 = vector.bitcast %get3A_304 : vector<16xi32> to vector<32xbf16>
      %unpack3A_306 = tpu.unpack_subelements %bitcast3A_305, 0 {pack_format = #tpu.pack_format<interleaved>} : vector<32xbf16> -> vector<16xf32>
      %unpack3A_307 = tpu.unpack_subelements %bitcast3A_305, 1 {pack_format = #tpu.pack_format<interleaved>} : vector<32xbf16> -> vector<16xf32>
      %mul3A_308 = arith.mulf %get3A_183, %unpack3A_288 : vector<16xf32>
      %mul3A_309 = arith.mulf %get3A_188, %unpack3A_294 : vector<16xf32>
      %add3A_310 = arith.addf %mul3A_308, %mul3A_309 : vector<16xf32>
      %mul3A_311 = arith.mulf %get3A_193, %unpack3A_300 : vector<16xf32>
      %add3A_312 = arith.addf %add3A_310, %mul3A_311 : vector<16xf32>
      %mul3A_313 = arith.mulf %get3A_198, %unpack3A_306 : vector<16xf32>
      %add3A_314 = arith.addf %add3A_312, %mul3A_313 : vector<16xf32>
      %mul3A_315 = arith.mulf %get3A_183, %unpack3A_289 : vector<16xf32>
      %mul3A_316 = arith.mulf %get3A_188, %unpack3A_295 : vector<16xf32>
      %add3A_317 = arith.addf %mul3A_315, %mul3A_316 : vector<16xf32>
      %mul3A_318 = arith.mulf %get3A_193, %unpack3A_301 : vector<16xf32>
      %add3A_319 = arith.addf %add3A_317, %mul3A_318 : vector<16xf32>
      %mul3A_320 = arith.mulf %get3A_198, %unpack3A_307 : vector<16xf32>
      %add3A_321 = arith.addf %add3A_319, %mul3A_320 : vector<16xf32>
      %swap3A_322 = arith.index_cast %scan3A_148 : i32 to index
      %swap3A_323 = arith.constant 64 : index
      %swap3A_324 = tpu.vector_load %arg20[%swap3A_322, %swap3A_323] {strides = array<i32>} : memref<40x128xf32, #tpu.memory_space<vmem>>, vector<16xf32>,
      tpu.vector_store %arg20[%swap3A_322, %swap3A_323], %add3A_314 {strides = array<i32>} : memref<40x128xf32, #tpu.memory_space<vmem>>, vector<16xf32>,
      %swap3A_325 = arith.index_cast %scan3A_148 : i32 to index
      %swap3A_326 = arith.constant 80 : index
      %swap3A_327 = tpu.vector_load %arg20[%swap3A_325, %swap3A_326] {strides = array<i32>} : memref<40x128xf32, #tpu.memory_space<vmem>>, vector<16xf32>,
      tpu.vector_store %arg20[%swap3A_325, %swap3A_326], %add3A_321 {strides = array<i32>} : memref<40x128xf32, #tpu.memory_space<vmem>>, vector<16xf32>,
      %get3A_328 = arith.index_cast %scan3A_148 : i32 to index
      %get3A_329 = arith.constant 48 : index
      %get3A_330 = tpu.vector_load %arg18[%get3A_328, %get3A_329] {strides = array<i32>} : memref<40x256xi32, #tpu.memory_space<vmem>>, vector<16xi32>,
      %bitcast3A_331 = vector.bitcast %get3A_330 : vector<16xi32> to vector<32xbf16>
      %unpack3A_332 = tpu.unpack_subelements %bitcast3A_331, 0 {pack_format = #tpu.pack_format<interleaved>} : vector<32xbf16> -> vector<16xf32>
      %unpack3A_333 = tpu.unpack_subelements %bitcast3A_331, 1 {pack_format = #tpu.pack_format<interleaved>} : vector<32xbf16> -> vector<16xf32>
      %get3A_334 = arith.index_cast %scan3A_148 : i32 to index
      %get3A_335 = arith.constant 112 : index
      %get3A_336 = tpu.vector_load %arg18[%get3A_334, %get3A_335] {strides = array<i32>} : memref<40x256xi32, #tpu.memory_space<vmem>>, vector<16xi32>,
      %bitcast3A_337 = vector.bitcast %get3A_336 : vector<16xi32> to vector<32xbf16>
      %unpack3A_338 = tpu.unpack_subelements %bitcast3A_337, 0 {pack_format = #tpu.pack_format<interleaved>} : vector<32xbf16> -> vector<16xf32>
      %unpack3A_339 = tpu.unpack_subelements %bitcast3A_337, 1 {pack_format = #tpu.pack_format<interleaved>} : vector<32xbf16> -> vector<16xf32>
      %get3A_340 = arith.index_cast %scan3A_148 : i32 to index
      %get3A_341 = arith.constant 176 : index
      %get3A_342 = tpu.vector_load %arg18[%get3A_340, %get3A_341] {strides = array<i32>} : memref<40x256xi32, #tpu.memory_space<vmem>>, vector<16xi32>,
      %bitcast3A_343 = vector.bitcast %get3A_342 : vector<16xi32> to vector<32xbf16>
      %unpack3A_344 = tpu.unpack_subelements %bitcast3A_343, 0 {pack_format = #tpu.pack_format<interleaved>} : vector<32xbf16> -> vector<16xf32>
      %unpack3A_345 = tpu.unpack_subelements %bitcast3A_343, 1 {pack_format = #tpu.pack_format<interleaved>} : vector<32xbf16> -> vector<16xf32>
      %get3A_346 = arith.index_cast %scan3A_148 : i32 to index
      %get3A_347 = arith.constant 240 : index
      %get3A_348 = tpu.vector_load %arg18[%get3A_346, %get3A_347] {strides = array<i32>} : memref<40x256xi32, #tpu.memory_space<vmem>>, vector<16xi32>,
      %bitcast3A_349 = vector.bitcast %get3A_348 : vector<16xi32> to vector<32xbf16>
      %unpack3A_350 = tpu.unpack_subelements %bitcast3A_349, 0 {pack_format = #tpu.pack_format<interleaved>} : vector<32xbf16> -> vector<16xf32>
      %unpack3A_351 = tpu.unpack_subelements %bitcast3A_349, 1 {pack_format = #tpu.pack_format<interleaved>} : vector<32xbf16> -> vector<16xf32>
      %mul3A_352 = arith.mulf %get3A_183, %unpack3A_332 : vector<16xf32>
      %mul3A_353 = arith.mulf %get3A_188, %unpack3A_338 : vector<16xf32>
      %add3A_354 = arith.addf %mul3A_352, %mul3A_353 : vector<16xf32>
      %mul3A_355 = arith.mulf %get3A_193, %unpack3A_344 : vector<16xf32>
      %add3A_356 = arith.addf %add3A_354, %mul3A_355 : vector<16xf32>
      %mul3A_357 = arith.mulf %get3A_198, %unpack3A_350 : vector<16xf32>
      %add3A_358 = arith.addf %add3A_356, %mul3A_357 : vector<16xf32>
      %mul3A_359 = arith.mulf %get3A_183, %unpack3A_333 : vector<16xf32>
      %mul3A_360 = arith.mulf %get3A_188, %unpack3A_339 : vector<16xf32>
      %add3A_361 = arith.addf %mul3A_359, %mul3A_360 : vector<16xf32>
      %mul3A_362 = arith.mulf %get3A_193, %unpack3A_345 : vector<16xf32>
      %add3A_363 = arith.addf %add3A_361, %mul3A_362 : vector<16xf32>
      %mul3A_364 = arith.mulf %get3A_198, %unpack3A_351 : vector<16xf32>
      %add3A_365 = arith.addf %add3A_363, %mul3A_364 : vector<16xf32>
      %swap3A_366 = arith.index_cast %scan3A_148 : i32 to index
      %swap3A_367 = arith.constant 96 : index
      %swap3A_368 = tpu.vector_load %arg20[%swap3A_366, %swap3A_367] {strides = array<i32>} : memref<40x128xf32, #tpu.memory_space<vmem>>, vector<16xf32>,
      tpu.vector_store %arg20[%swap3A_366, %swap3A_367], %add3A_358 {strides = array<i32>} : memref<40x128xf32, #tpu.memory_space<vmem>>, vector<16xf32>,
      %swap3A_369 = arith.index_cast %scan3A_148 : i32 to index
      %swap3A_370 = arith.constant 112 : index
      %swap3A_371 = tpu.vector_load %arg20[%swap3A_369, %swap3A_370] {strides = array<i32>} : memref<40x128xf32, #tpu.memory_space<vmem>>, vector<16xf32>,
      tpu.vector_store %arg20[%swap3A_369, %swap3A_370], %add3A_365 {strides = array<i32>} : memref<40x128xf32, #tpu.memory_space<vmem>>, vector<16xf32>,
      %scan3A_372 = arith.constant 1 : i32
      %scan3A_373 = arith.addi %scan3A_148, %scan3A_372 : i32
      %jit3A_374 = arith.constant 2 : i32
      %div3A_375 = arith.divsi %scan3A_373, %jit3A_374 : i32
      %sign3A_376 = arith.constant 0 : i32
      %sign3A_377 = arith.cmpi sgt, %scan3A_373, %sign3A_376 : i32
      %sign3A_378 = arith.extui %sign3A_377 : i1 to i32
      %sign3A_379 = arith.constant 0 : i32
      %sign3A_380 = arith.cmpi slt, %scan3A_373, %sign3A_379 : i32
      %sign3A_381 = arith.extui %sign3A_380 : i1 to i32
      %sign3A_382 = arith.subi %sign3A_378, %sign3A_381 : i32
      %sign3A_383 = arith.constant 0 : i32
      %sign3A_384 = arith.cmpi sgt, %jit3A_374, %sign3A_383 : i32
      %sign3A_385 = arith.extui %sign3A_384 : i1 to i32
      %sign3A_386 = arith.constant 0 : i32
      %sign3A_387 = arith.cmpi slt, %jit3A_374, %sign3A_386 : i32
      %sign3A_388 = arith.extui %sign3A_387 : i1 to i32
      %sign3A_389 = arith.subi %sign3A_385, %sign3A_388 : i32
      %ne3A_390 = arith.cmpi ne, %sign3A_382, %sign3A_389 : i32
      %rem3A_391 = arith.remsi %scan3A_373, %jit3A_374 : i32
      %ne3A_392 = arith.constant 0 : i32
      %ne3A_393 = arith.cmpi ne, %rem3A_391, %ne3A_392 : i32
      %and3A_394 = arith.andi %ne3A_390, %ne3A_393 : i1
      %sub3A_395 = arith.constant 1 : i32
      %sub3A_396 = arith.subi %div3A_375, %sub3A_395 : i32
      %select_n3A_397 = arith.select %and3A_394, %sub3A_396, %div3A_375 : i32
      %jit3A_398 = arith.constant 2 : i32
      %eq3A_399 = arith.constant 0 : i32
      %eq3A_400 = arith.cmpi eq, %jit3A_398, %eq3A_399 : i32
      %jit3A_401 = arith.constant 1 : i32
      %select_n3A_402 = arith.select %eq3A_400, %jit3A_401, %jit3A_398 : i32
      %rem3A_403 = arith.remsi %scan3A_373, %select_n3A_402 : i32
      %ne3A_404 = arith.constant 0 : i32
      %ne3A_405 = arith.cmpi ne, %rem3A_403, %ne3A_404 : i32
      %lt3A_406 = arith.constant 0 : i32
      %lt3A_407 = arith.cmpi slt, %rem3A_403, %lt3A_406 : i32
      %lt3A_408 = arith.constant 0 : i32
      %lt3A_409 = arith.cmpi slt, %select_n3A_402, %lt3A_408 : i32
      %ne3A_410 = arith.xori %lt3A_407, %lt3A_409 : i1
      %and3A_411 = arith.andi %ne3A_410, %ne3A_405 : i1
      %add3A_412 = arith.addi %rem3A_403, %select_n3A_402 : i32
      %select_n3A_413 = arith.select %and3A_411, %add3A_412, %rem3A_403 : i32
      %mul3A_414 = arith.constant 64 : i32
      %mul3A_415 = arith.muli %select_n3A_413, %mul3A_414 : i32
      %get3A_416 = arith.index_cast %select_n3A_397 : i32 to index
      %get3A_417 = arith.index_cast %mul3A_415 : i32 to index
      %get3A_418 = tpu.vector_load %arg16[%get3A_416, %get3A_417] {strides = array<i32>} : memref<20x128xf32, #tpu.memory_space<vmem>>, vector<16xf32>,
      %add3A_419 = arith.constant 16 : i32
      %add3A_420 = arith.addi %mul3A_415, %add3A_419 : i32
      %get3A_421 = arith.index_cast %select_n3A_397 : i32 to index
      %get3A_422 = arith.index_cast %add3A_420 : i32 to index
      %get3A_423 = tpu.vector_load %arg16[%get3A_421, %get3A_422] {strides = array<i32>} : memref<20x128xf32, #tpu.memory_space<vmem>>, vector<16xf32>,
      %add3A_424 = arith.constant 32 : i32
      %add3A_425 = arith.addi %mul3A_415, %add3A_424 : i32
      %get3A_426 = arith.index_cast %select_n3A_397 : i32 to index
      %get3A_427 = arith.index_cast %add3A_425 : i32 to index
      %get3A_428 = tpu.vector_load %arg16[%get3A_426, %get3A_427] {strides = array<i32>} : memref<20x128xf32, #tpu.memory_space<vmem>>, vector<16xf32>,
      %add3A_429 = arith.constant 48 : i32
      %add3A_430 = arith.addi %mul3A_415, %add3A_429 : i32
      %get3A_431 = arith.index_cast %select_n3A_397 : i32 to index
      %get3A_432 = arith.index_cast %add3A_430 : i32 to index
      %get3A_433 = tpu.vector_load %arg16[%get3A_431, %get3A_432] {strides = array<i32>} : memref<20x128xf32, #tpu.memory_space<vmem>>, vector<16xf32>,
      %get3A_434 = arith.index_cast %scan3A_373 : i32 to index
      %get3A_435 = arith.constant 0 : index
      %get3A_436 = tpu.vector_load %arg18[%get3A_434, %get3A_435] {strides = array<i32>} : memref<40x256xi32, #tpu.memory_space<vmem>>, vector<16xi32>,
      %bitcast3A_437 = vector.bitcast %get3A_436 : vector<16xi32> to vector<32xbf16>
      %unpack3A_438 = tpu.unpack_subelements %bitcast3A_437, 0 {pack_format = #tpu.pack_format<interleaved>} : vector<32xbf16> -> vector<16xf32>
      %unpack3A_439 = tpu.unpack_subelements %bitcast3A_437, 1 {pack_format = #tpu.pack_format<interleaved>} : vector<32xbf16> -> vector<16xf32>
      %get3A_440 = arith.index_cast %scan3A_373 : i32 to index
      %get3A_441 = arith.constant 64 : index
      %get3A_442 = tpu.vector_load %arg18[%get3A_440, %get3A_441] {strides = array<i32>} : memref<40x256xi32, #tpu.memory_space<vmem>>, vector<16xi32>,
      %bitcast3A_443 = vector.bitcast %get3A_442 : vector<16xi32> to vector<32xbf16>
      %unpack3A_444 = tpu.unpack_subelements %bitcast3A_443, 0 {pack_format = #tpu.pack_format<interleaved>} : vector<32xbf16> -> vector<16xf32>
      %unpack3A_445 = tpu.unpack_subelements %bitcast3A_443, 1 {pack_format = #tpu.pack_format<interleaved>} : vector<32xbf16> -> vector<16xf32>
      %get3A_446 = arith.index_cast %scan3A_373 : i32 to index
      %get3A_447 = arith.constant 128 : index
      %get3A_448 = tpu.vector_load %arg18[%get3A_446, %get3A_447] {strides = array<i32>} : memref<40x256xi32, #tpu.memory_space<vmem>>, vector<16xi32>,
      %bitcast3A_449 = vector.bitcast %get3A_448 : vector<16xi32> to vector<32xbf16>
      %unpack3A_450 = tpu.unpack_subelements %bitcast3A_449, 0 {pack_format = #tpu.pack_format<interleaved>} : vector<32xbf16> -> vector<16xf32>
      %unpack3A_451 = tpu.unpack_subelements %bitcast3A_449, 1 {pack_format = #tpu.pack_format<interleaved>} : vector<32xbf16> -> vector<16xf32>
      %get3A_452 = arith.index_cast %scan3A_373 : i32 to index
      %get3A_453 = arith.constant 192 : index
      %get3A_454 = tpu.vector_load %arg18[%get3A_452, %get3A_453] {strides = array<i32>} : memref<40x256xi32, #tpu.memory_space<vmem>>, vector<16xi32>,
      %bitcast3A_455 = vector.bitcast %get3A_454 : vector<16xi32> to vector<32xbf16>
      %unpack3A_456 = tpu.unpack_subelements %bitcast3A_455, 0 {pack_format = #tpu.pack_format<interleaved>} : vector<32xbf16> -> vector<16xf32>
      %unpack3A_457 = tpu.unpack_subelements %bitcast3A_455, 1 {pack_format = #tpu.pack_format<interleaved>} : vector<32xbf16> -> vector<16xf32>
      %mul3A_458 = arith.mulf %get3A_418, %unpack3A_438 : vector<16xf32>
      %mul3A_459 = arith.mulf %get3A_423, %unpack3A_444 : vector<16xf32>
      %add3A_460 = arith.addf %mul3A_458, %mul3A_459 : vector<16xf32>
      %mul3A_461 = arith.mulf %get3A_428, %unpack3A_450 : vector<16xf32>
      %add3A_462 = arith.addf %add3A_460, %mul3A_461 : vector<16xf32>
      %mul3A_463 = arith.mulf %get3A_433, %unpack3A_456 : vector<16xf32>
      %add3A_464 = arith.addf %add3A_462, %mul3A_463 : vector<16xf32>
      %mul3A_465 = arith.mulf %get3A_418, %unpack3A_439 : vector<16xf32>
      %mul3A_466 = arith.mulf %get3A_423, %unpack3A_445 : vector<16xf32>
      %add3A_467 = arith.addf %mul3A_465, %mul3A_466 : vector<16xf32>
      %mul3A_468 = arith.mulf %get3A_428, %unpack3A_451 : vector<16xf32>
      %add3A_469 = arith.addf %add3A_467, %mul3A_468 : vector<16xf32>
      %mul3A_470 = arith.mulf %get3A_433, %unpack3A_457 : vector<16xf32>
      %add3A_471 = arith.addf %add3A_469, %mul3A_470 : vector<16xf32>
      %swap3A_472 = arith.index_cast %scan3A_373 : i32 to index
      %swap3A_473 = arith.constant 0 : index
      %swap3A_474 = tpu.vector_load %arg20[%swap3A_472, %swap3A_473] {strides = array<i32>} : memref<40x128xf32, #tpu.memory_space<vmem>>, vector<16xf32>,
      tpu.vector_store %arg20[%swap3A_472, %swap3A_473], %add3A_464 {strides = array<i32>} : memref<40x128xf32, #tpu.memory_space<vmem>>, vector<16xf32>,
      %swap3A_475 = arith.index_cast %scan3A_373 : i32 to index
      %swap3A_476 = arith.constant 16 : index
      %swap3A_477 = tpu.vector_load %arg20[%swap3A_475, %swap3A_476] {strides = array<i32>} : memref<40x128xf32, #tpu.memory_space<vmem>>, vector<16xf32>,
      tpu.vector_store %arg20[%swap3A_475, %swap3A_476], %add3A_471 {strides = array<i32>} : memref<40x128xf32, #tpu.memory_space<vmem>>, vector<16xf32>,
      %get3A_478 = arith.index_cast %scan3A_373 : i32 to index
      %get3A_479 = arith.constant 16 : index
      %get3A_480 = tpu.vector_load %arg18[%get3A_478, %get3A_479] {strides = array<i32>} : memref<40x256xi32, #tpu.memory_space<vmem>>, vector<16xi32>,
      %bitcast3A_481 = vector.bitcast %get3A_480 : vector<16xi32> to vector<32xbf16>
      %unpack3A_482 = tpu.unpack_subelements %bitcast3A_481, 0 {pack_format = #tpu.pack_format<interleaved>} : vector<32xbf16> -> vector<16xf32>
      %unpack3A_483 = tpu.unpack_subelements %bitcast3A_481, 1 {pack_format = #tpu.pack_format<interleaved>} : vector<32xbf16> -> vector<16xf32>
      %get3A_484 = arith.index_cast %scan3A_373 : i32 to index
      %get3A_485 = arith.constant 80 : index
      %get3A_486 = tpu.vector_load %arg18[%get3A_484, %get3A_485] {strides = array<i32>} : memref<40x256xi32, #tpu.memory_space<vmem>>, vector<16xi32>,
      %bitcast3A_487 = vector.bitcast %get3A_486 : vector<16xi32> to vector<32xbf16>
      %unpack3A_488 = tpu.unpack_subelements %bitcast3A_487, 0 {pack_format = #tpu.pack_format<interleaved>} : vector<32xbf16> -> vector<16xf32>
      %unpack3A_489 = tpu.unpack_subelements %bitcast3A_487, 1 {pack_format = #tpu.pack_format<interleaved>} : vector<32xbf16> -> vector<16xf32>
      %get3A_490 = arith.index_cast %scan3A_373 : i32 to index
      %get3A_491 = arith.constant 144 : index
      %get3A_492 = tpu.vector_load %arg18[%get3A_490, %get3A_491] {strides = array<i32>} : memref<40x256xi32, #tpu.memory_space<vmem>>, vector<16xi32>,
      %bitcast3A_493 = vector.bitcast %get3A_492 : vector<16xi32> to vector<32xbf16>
      %unpack3A_494 = tpu.unpack_subelements %bitcast3A_493, 0 {pack_format = #tpu.pack_format<interleaved>} : vector<32xbf16> -> vector<16xf32>
      %unpack3A_495 = tpu.unpack_subelements %bitcast3A_493, 1 {pack_format = #tpu.pack_format<interleaved>} : vector<32xbf16> -> vector<16xf32>
      %get3A_496 = arith.index_cast %scan3A_373 : i32 to index
      %get3A_497 = arith.constant 208 : index
      %get3A_498 = tpu.vector_load %arg18[%get3A_496, %get3A_497] {strides = array<i32>} : memref<40x256xi32, #tpu.memory_space<vmem>>, vector<16xi32>,
      %bitcast3A_499 = vector.bitcast %get3A_498 : vector<16xi32> to vector<32xbf16>
      %unpack3A_500 = tpu.unpack_subelements %bitcast3A_499, 0 {pack_format = #tpu.pack_format<interleaved>} : vector<32xbf16> -> vector<16xf32>
      %unpack3A_501 = tpu.unpack_subelements %bitcast3A_499, 1 {pack_format = #tpu.pack_format<interleaved>} : vector<32xbf16> -> vector<16xf32>
      %mul3A_502 = arith.mulf %get3A_418, %unpack3A_482 : vector<16xf32>
      %mul3A_503 = arith.mulf %get3A_423, %unpack3A_488 : vector<16xf32>
      %add3A_504 = arith.addf %mul3A_502, %mul3A_503 : vector<16xf32>
      %mul3A_505 = arith.mulf %get3A_428, %unpack3A_494 : vector<16xf32>
      %add3A_506 = arith.addf %add3A_504, %mul3A_505 : vector<16xf32>
      %mul3A_507 = arith.mulf %get3A_433, %unpack3A_500 : vector<16xf32>
      %add3A_508 = arith.addf %add3A_506, %mul3A_507 : vector<16xf32>
      %mul3A_509 = arith.mulf %get3A_418, %unpack3A_483 : vector<16xf32>
      %mul3A_510 = arith.mulf %get3A_423, %unpack3A_489 : vector<16xf32>
      %add3A_511 = arith.addf %mul3A_509, %mul3A_510 : vector<16xf32>
      %mul3A_512 = arith.mulf %get3A_428, %unpack3A_495 : vector<16xf32>
      %add3A_513 = arith.addf %add3A_511, %mul3A_512 : vector<16xf32>
      %mul3A_514 = arith.mulf %get3A_433, %unpack3A_501 : vector<16xf32>
      %add3A_515 = arith.addf %add3A_513, %mul3A_514 : vector<16xf32>
      %swap3A_516 = arith.index_cast %scan3A_373 : i32 to index
      %swap3A_517 = arith.constant 32 : index
      %swap3A_518 = tpu.vector_load %arg20[%swap3A_516, %swap3A_517] {strides = array<i32>} : memref<40x128xf32, #tpu.memory_space<vmem>>, vector<16xf32>,
      tpu.vector_store %arg20[%swap3A_516, %swap3A_517], %add3A_508 {strides = array<i32>} : memref<40x128xf32, #tpu.memory_space<vmem>>, vector<16xf32>,
      %swap3A_519 = arith.index_cast %scan3A_373 : i32 to index
      %swap3A_520 = arith.constant 48 : index
      %swap3A_521 = tpu.vector_load %arg20[%swap3A_519, %swap3A_520] {strides = array<i32>} : memref<40x128xf32, #tpu.memory_space<vmem>>, vector<16xf32>,
      tpu.vector_store %arg20[%swap3A_519, %swap3A_520], %add3A_515 {strides = array<i32>} : memref<40x128xf32, #tpu.memory_space<vmem>>, vector<16xf32>,
      %get3A_522 = arith.index_cast %scan3A_373 : i32 to index
      %get3A_523 = arith.constant 32 : index
      %get3A_524 = tpu.vector_load %arg18[%get3A_522, %get3A_523] {strides = array<i32>} : memref<40x256xi32, #tpu.memory_space<vmem>>, vector<16xi32>,
      %bitcast3A_525 = vector.bitcast %get3A_524 : vector<16xi32> to vector<32xbf16>
      %unpack3A_526 = tpu.unpack_subelements %bitcast3A_525, 0 {pack_format = #tpu.pack_format<interleaved>} : vector<32xbf16> -> vector<16xf32>
      %unpack3A_527 = tpu.unpack_subelements %bitcast3A_525, 1 {pack_format = #tpu.pack_format<interleaved>} : vector<32xbf16> -> vector<16xf32>
      %get3A_528 = arith.index_cast %scan3A_373 : i32 to index
      %get3A_529 = arith.constant 96 : index
      %get3A_530 = tpu.vector_load %arg18[%get3A_528, %get3A_529] {strides = array<i32>} : memref<40x256xi32, #tpu.memory_space<vmem>>, vector<16xi32>,
      %bitcast3A_531 = vector.bitcast %get3A_530 : vector<16xi32> to vector<32xbf16>
      %unpack3A_532 = tpu.unpack_subelements %bitcast3A_531, 0 {pack_format = #tpu.pack_format<interleaved>} : vector<32xbf16> -> vector<16xf32>
      %unpack3A_533 = tpu.unpack_subelements %bitcast3A_531, 1 {pack_format = #tpu.pack_format<interleaved>} : vector<32xbf16> -> vector<16xf32>
      %get3A_534 = arith.index_cast %scan3A_373 : i32 to index
      %get3A_535 = arith.constant 160 : index
      %get3A_536 = tpu.vector_load %arg18[%get3A_534, %get3A_535] {strides = array<i32>} : memref<40x256xi32, #tpu.memory_space<vmem>>, vector<16xi32>,
      %bitcast3A_537 = vector.bitcast %get3A_536 : vector<16xi32> to vector<32xbf16>
      %unpack3A_538 = tpu.unpack_subelements %bitcast3A_537, 0 {pack_format = #tpu.pack_format<interleaved>} : vector<32xbf16> -> vector<16xf32>
      %unpack3A_539 = tpu.unpack_subelements %bitcast3A_537, 1 {pack_format = #tpu.pack_format<interleaved>} : vector<32xbf16> -> vector<16xf32>
      %get3A_540 = arith.index_cast %scan3A_373 : i32 to index
      %get3A_541 = arith.constant 224 : index
      %get3A_542 = tpu.vector_load %arg18[%get3A_540, %get3A_541] {strides = array<i32>} : memref<40x256xi32, #tpu.memory_space<vmem>>, vector<16xi32>,
      %bitcast3A_543 = vector.bitcast %get3A_542 : vector<16xi32> to vector<32xbf16>
      %unpack3A_544 = tpu.unpack_subelements %bitcast3A_543, 0 {pack_format = #tpu.pack_format<interleaved>} : vector<32xbf16> -> vector<16xf32>
      %unpack3A_545 = tpu.unpack_subelements %bitcast3A_543, 1 {pack_format = #tpu.pack_format<interleaved>} : vector<32xbf16> -> vector<16xf32>
      %mul3A_546 = arith.mulf %get3A_418, %unpack3A_526 : vector<16xf32>
      %mul3A_547 = arith.mulf %get3A_423, %unpack3A_532 : vector<16xf32>
      %add3A_548 = arith.addf %mul3A_546, %mul3A_547 : vector<16xf32>
      %mul3A_549 = arith.mulf %get3A_428, %unpack3A_538 : vector<16xf32>
      %add3A_550 = arith.addf %add3A_548, %mul3A_549 : vector<16xf32>
      %mul3A_551 = arith.mulf %get3A_433, %unpack3A_544 : vector<16xf32>
      %add3A_552 = arith.addf %add3A_550, %mul3A_551 : vector<16xf32>
      %mul3A_553 = arith.mulf %get3A_418, %unpack3A_527 : vector<16xf32>
      %mul3A_554 = arith.mulf %get3A_423, %unpack3A_533 : vector<16xf32>
      %add3A_555 = arith.addf %mul3A_553, %mul3A_554 : vector<16xf32>
      %mul3A_556 = arith.mulf %get3A_428, %unpack3A_539 : vector<16xf32>
      %add3A_557 = arith.addf %add3A_555, %mul3A_556 : vector<16xf32>
      %mul3A_558 = arith.mulf %get3A_433, %unpack3A_545 : vector<16xf32>
      %add3A_559 = arith.addf %add3A_557, %mul3A_558 : vector<16xf32>
      %swap3A_560 = arith.index_cast %scan3A_373 : i32 to index
      %swap3A_561 = arith.constant 64 : index
      %swap3A_562 = tpu.vector_load %arg20[%swap3A_560, %swap3A_561] {strides = array<i32>} : memref<40x128xf32, #tpu.memory_space<vmem>>, vector<16xf32>,
      tpu.vector_store %arg20[%swap3A_560, %swap3A_561], %add3A_552 {strides = array<i32>} : memref<40x128xf32, #tpu.memory_space<vmem>>, vector<16xf32>,
      %swap3A_563 = arith.index_cast %scan3A_373 : i32 to index
      %swap3A_564 = arith.constant 80 : index
      %swap3A_565 = tpu.vector_load %arg20[%swap3A_563, %swap3A_564] {strides = array<i32>} : memref<40x128xf32, #tpu.memory_space<vmem>>, vector<16xf32>,
      tpu.vector_store %arg20[%swap3A_563, %swap3A_564], %add3A_559 {strides = array<i32>} : memref<40x128xf32, #tpu.memory_space<vmem>>, vector<16xf32>,
      %get3A_566 = arith.index_cast %scan3A_373 : i32 to index
      %get3A_567 = arith.constant 48 : index
      %get3A_568 = tpu.vector_load %arg18[%get3A_566, %get3A_567] {strides = array<i32>} : memref<40x256xi32, #tpu.memory_space<vmem>>, vector<16xi32>,
      %bitcast3A_569 = vector.bitcast %get3A_568 : vector<16xi32> to vector<32xbf16>
      %unpack3A_570 = tpu.unpack_subelements %bitcast3A_569, 0 {pack_format = #tpu.pack_format<interleaved>} : vector<32xbf16> -> vector<16xf32>
      %unpack3A_571 = tpu.unpack_subelements %bitcast3A_569, 1 {pack_format = #tpu.pack_format<interleaved>} : vector<32xbf16> -> vector<16xf32>
      %get3A_572 = arith.index_cast %scan3A_373 : i32 to index
      %get3A_573 = arith.constant 112 : index
      %get3A_574 = tpu.vector_load %arg18[%get3A_572, %get3A_573] {strides = array<i32>} : memref<40x256xi32, #tpu.memory_space<vmem>>, vector<16xi32>,
      %bitcast3A_575 = vector.bitcast %get3A_574 : vector<16xi32> to vector<32xbf16>
      %unpack3A_576 = tpu.unpack_subelements %bitcast3A_575, 0 {pack_format = #tpu.pack_format<interleaved>} : vector<32xbf16> -> vector<16xf32>
      %unpack3A_577 = tpu.unpack_subelements %bitcast3A_575, 1 {pack_format = #tpu.pack_format<interleaved>} : vector<32xbf16> -> vector<16xf32>
      %get3A_578 = arith.index_cast %scan3A_373 : i32 to index
      %get3A_579 = arith.constant 176 : index
      %get3A_580 = tpu.vector_load %arg18[%get3A_578, %get3A_579] {strides = array<i32>} : memref<40x256xi32, #tpu.memory_space<vmem>>, vector<16xi32>,
      %bitcast3A_581 = vector.bitcast %get3A_580 : vector<16xi32> to vector<32xbf16>
      %unpack3A_582 = tpu.unpack_subelements %bitcast3A_581, 0 {pack_format = #tpu.pack_format<interleaved>} : vector<32xbf16> -> vector<16xf32>
      %unpack3A_583 = tpu.unpack_subelements %bitcast3A_581, 1 {pack_format = #tpu.pack_format<interleaved>} : vector<32xbf16> -> vector<16xf32>
      %get3A_584 = arith.index_cast %scan3A_373 : i32 to index
      %get3A_585 = arith.constant 240 : index
      %get3A_586 = tpu.vector_load %arg18[%get3A_584, %get3A_585] {strides = array<i32>} : memref<40x256xi32, #tpu.memory_space<vmem>>, vector<16xi32>,
      %bitcast3A_587 = vector.bitcast %get3A_586 : vector<16xi32> to vector<32xbf16>
      %unpack3A_588 = tpu.unpack_subelements %bitcast3A_587, 0 {pack_format = #tpu.pack_format<interleaved>} : vector<32xbf16> -> vector<16xf32>
      %unpack3A_589 = tpu.unpack_subelements %bitcast3A_587, 1 {pack_format = #tpu.pack_format<interleaved>} : vector<32xbf16> -> vector<16xf32>
      %mul3A_590 = arith.mulf %get3A_418, %unpack3A_570 : vector<16xf32>
      %mul3A_591 = arith.mulf %get3A_423, %unpack3A_576 : vector<16xf32>
      %add3A_592 = arith.addf %mul3A_590, %mul3A_591 : vector<16xf32>
      %mul3A_593 = arith.mulf %get3A_428, %unpack3A_582 : vector<16xf32>
      %add3A_594 = arith.addf %add3A_592, %mul3A_593 : vector<16xf32>
      %mul3A_595 = arith.mulf %get3A_433, %unpack3A_588 : vector<16xf32>
      %add3A_596 = arith.addf %add3A_594, %mul3A_595 : vector<16xf32>
      %mul3A_597 = arith.mulf %get3A_418, %unpack3A_571 : vector<16xf32>
      %mul3A_598 = arith.mulf %get3A_423, %unpack3A_577 : vector<16xf32>
      %add3A_599 = arith.addf %mul3A_597, %mul3A_598 : vector<16xf32>
      %mul3A_600 = arith.mulf %get3A_428, %unpack3A_583 : vector<16xf32>
      %add3A_601 = arith.addf %add3A_599, %mul3A_600 : vector<16xf32>
      %mul3A_602 = arith.mulf %get3A_433, %unpack3A_589 : vector<16xf32>
      %add3A_603 = arith.addf %add3A_601, %mul3A_602 : vector<16xf32>
      %swap3A_604 = arith.index_cast %scan3A_373 : i32 to index
      %swap3A_605 = arith.constant 96 : index
      %swap3A_606 = tpu.vector_load %arg20[%swap3A_604, %swap3A_605] {strides = array<i32>} : memref<40x128xf32, #tpu.memory_space<vmem>>, vector<16xf32>,
      tpu.vector_store %arg20[%swap3A_604, %swap3A_605], %add3A_596 {strides = array<i32>} : memref<40x128xf32, #tpu.memory_space<vmem>>, vector<16xf32>,
      %swap3A_607 = arith.index_cast %scan3A_373 : i32 to index
      %swap3A_608 = arith.constant 112 : index
      %swap3A_609 = tpu.vector_load %arg20[%swap3A_607, %swap3A_608] {strides = array<i32>} : memref<40x128xf32, #tpu.memory_space<vmem>>, vector<16xf32>,
      tpu.vector_store %arg20[%swap3A_607, %swap3A_608], %add3A_603 {strides = array<i32>} : memref<40x128xf32, #tpu.memory_space<vmem>>, vector<16xf32>,
    }
    %scan3A_81 = arith.constant 40 : i32
    %dma_start3A_82 = arith.constant 0 : i32
    %dma_start3A_83 = arith.constant 0 : i32
    %dma_start3A_84 = tpu.memref_slice %arg22[%dma_start3A_82, %dma_start3A_83] : memref<10112x128xf32, #tpu.memory_space<vmem_shared>> -> memref<10112x128xf32, #tpu.memory_space<vmem_shared>>
    tpu.enqueue_indirect_dma source(%arg20 : memref<40x128xf32, #tpu.memory_space<vmem>>) target(%dma_start3A_84 : memref<10112x128xf32, #tpu.memory_space<vmem_shared>>) offsets(%arg12 : memref<40xi32, #tpu.memory_space<vmem>>) semaphore(%arg35 : memref<!tpu.dma_semaphore, #tpu.memory_space<semaphore_mem>>) {add = true}
    %ge3A_85 = arith.constant 249 : i32
    %ge3A_86 = arith.constant 2 : i32
    %ge3A_87 = arith.cmpi sge, %ge3A_85, %ge3A_86 : i32
    %convert_element_type3A_88 = arith.extui %ge3A_87 : i1 to i32
    %cond3A_89 = arith.constant 0 : i32
    %cond3A_90 = arith.cmpi ne, %convert_element_type3A_88, %cond3A_89 : i32
    scf.if %cond3A_90 {
      %dma_wait3A_148 = arith.constant 0 : i32
      %dma_wait3A_149 = arith.constant 0 : i32
      %dma_wait3A_150 = tpu.memref_slice %arg22[%dma_wait3A_148, %dma_wait3A_149] : memref<10112x128xf32, #tpu.memory_space<vmem_shared>> -> memref<10112x128xf32, #tpu.memory_space<vmem_shared>>
      tpu.wait_indirect_dma semaphore(%arg36 : memref<!tpu.dma_semaphore, #tpu.memory_space<semaphore_mem>>) src(%arg21 : memref<40x128xf32, #tpu.memory_space<vmem>>) dst(%dma_wait3A_150 : memref<10112x128xf32, #tpu.memory_space<vmem_shared>>)
    } else {
    }
    %add3A_91 = arith.constant 249 : i32
    %add3A_92 = arith.constant 2 : i32
    %add3A_93 = arith.addi %add3A_91, %add3A_92 : i32
    %lt3A_94 = arith.constant 250 : i32
    %lt3A_95 = arith.cmpi slt, %add3A_93, %lt3A_94 : i32
    %convert_element_type3A_96 = arith.extui %lt3A_95 : i1 to i32
    %cond3A_97 = arith.constant 249 : i32
    %cond3A_98 = arith.constant 0 : i32
    %cond3A_99 = arith.cmpi ne, %convert_element_type3A_96, %cond3A_98 : i32
    scf.if %cond3A_99 {
      %add3A_148 = arith.constant 2 : i32
      %add3A_149 = arith.addi %cond3A_97, %add3A_148 : i32
      %mul3A_150 = arith.constant 40 : i32
      %mul3A_151 = arith.muli %add3A_149, %mul3A_150 : i32
      %add3A_152 = arith.addi %mul3A_8, %mul3A_151 : i32
      %dma_start3A_153 = tpu.memref_slice %arg3[%add3A_152] : memref<320000xi32, #tpu.memory_space<hbm>> -> memref<40xi32, #tpu.memory_space<hbm>>
      %dma_start3A_154 = tpu.memref_slice %arg3[%add3A_152] : memref<320000xi32, #tpu.memory_space<hbm>> -> memref<40xi32, #tpu.memory_space<hbm>>
      tpu.enqueue_dma source(%dma_start3A_154 : memref<40xi32, #tpu.memory_space<hbm>>) target(%arg11 : memref<40xi32, #tpu.memory_space<vmem>>) target_semaphore(%arg26 : memref<!tpu.dma_semaphore, #tpu.memory_space<semaphore_mem>>)
      %dma_start3A_155 = tpu.memref_slice %arg4[%add3A_152] : memref<320000xi32, #tpu.memory_space<hbm>> -> memref<40xi32, #tpu.memory_space<hbm>>
      %dma_start3A_156 = tpu.memref_slice %arg4[%add3A_152] : memref<320000xi32, #tpu.memory_space<hbm>> -> memref<40xi32, #tpu.memory_space<hbm>>
      tpu.enqueue_dma source(%dma_start3A_156 : memref<40xi32, #tpu.memory_space<hbm>>) target(%arg15 : memref<40xi32, #tpu.memory_space<vmem>>) target_semaphore(%arg30 : memref<!tpu.dma_semaphore, #tpu.memory_space<semaphore_mem>>)
    } else {
    }
    %add3A_100 = arith.constant 249 : i32
    %add3A_101 = arith.constant 1 : i32
    %add3A_102 = arith.addi %add3A_100, %add3A_101 : i32
    %lt3A_103 = arith.constant 250 : i32
    %lt3A_104 = arith.cmpi slt, %add3A_102, %lt3A_103 : i32
    %convert_element_type3A_105 = arith.extui %lt3A_104 : i1 to i32
    %cond3A_106 = arith.constant 249 : i32
    %cond3A_107 = arith.constant 0 : i32
    %cond3A_108 = arith.cmpi ne, %convert_element_type3A_105, %cond3A_107 : i32
    scf.if %cond3A_108 {
      %add3A_148 = arith.constant 1 : i32
      %add3A_149 = arith.addi %cond3A_106, %add3A_148 : i32
      %mul3A_150 = arith.constant 40 : i32
      %mul3A_151 = arith.muli %add3A_149, %mul3A_150 : i32
      %add3A_152 = arith.addi %mul3A_8, %mul3A_151 : i32
      %dma_wait3A_153 = tpu.memref_slice %arg3[%add3A_152] : memref<320000xi32, #tpu.memory_space<hbm>> -> memref<40xi32, #tpu.memory_space<hbm>>
      %dma_wait3A_154 = tpu.memref_slice %arg3[%add3A_152] : memref<320000xi32, #tpu.memory_space<hbm>> -> memref<40xi32, #tpu.memory_space<hbm>>
      tpu.wait_dma2 semaphore(%arg25 : memref<!tpu.dma_semaphore, #tpu.memory_space<semaphore_mem>>) src(%dma_wait3A_154 : memref<40xi32, #tpu.memory_space<hbm>>) dst(%arg10 : memref<40xi32, #tpu.memory_space<vmem>>)
      %dma_start3A_155 = arith.constant 0 : i32
      %dma_start3A_156 = arith.constant 0 : i32
      %dma_start3A_157 = tpu.memref_slice %arg2[%dma_start3A_155, %dma_start3A_156] : memref<10000x256xi32, #tpu.memory_space<hbm>> -> memref<10000x256xi32, #tpu.memory_space<hbm>>
      tpu.enqueue_indirect_dma source(%dma_start3A_157 : memref<10000x256xi32, #tpu.memory_space<hbm>>) target(%arg18 : memref<40x256xi32, #tpu.memory_space<vmem>>) offsets(%arg10 : memref<40xi32, #tpu.memory_space<vmem>>) semaphore(%arg33 : memref<!tpu.dma_semaphore, #tpu.memory_space<semaphore_mem>>)
      %add3A_158 = arith.addi %mul3A_6, %cond3A_106 : i32
      %add3A_159 = arith.constant 1 : i32
      %add3A_160 = arith.addi %add3A_158, %add3A_159 : i32
      %dma_start3A_161 = arith.constant 0 : i32
      %dma_start3A_162 = arith.constant 0 : i32
      %dma_start3A_163 = tpu.memref_slice %arg5[%add3A_160, %dma_start3A_161, %dma_start3A_162] : memref<8000x20x128xf32, #tpu.memory_space<hbm>> -> memref<1x20x128xf32, #tpu.memory_space<hbm>>
      %dma_start3A_164 = tpu.memref_squeeze %dma_start3A_163 : memref<1x20x128xf32, #tpu.memory_space<hbm>> -> memref<20x128xf32, #tpu.memory_space<hbm>>
      %dma_start3A_165 = arith.constant 0 : i32
      %dma_start3A_166 = arith.constant 0 : i32
      %dma_start3A_167 = tpu.memref_slice %arg5[%add3A_160, %dma_start3A_165, %dma_start3A_166] : memref<8000x20x128xf32, #tpu.memory_space<hbm>> -> memref<1x20x128xf32, #tpu.memory_space<hbm>>
      %dma_start3A_168 = tpu.memref_squeeze %dma_start3A_167 : memref<1x20x128xf32, #tpu.memory_space<hbm>> -> memref<20x128xf32, #tpu.memory_space<hbm>>
      tpu.enqueue_dma source(%dma_start3A_168 : memref<20x128xf32, #tpu.memory_space<hbm>>) target(%arg16 : memref<20x128xf32, #tpu.memory_space<vmem>>) target_semaphore(%arg31 : memref<!tpu.dma_semaphore, #tpu.memory_space<semaphore_mem>>)
    } else {
    }
    %dma_wait3A_109 = arith.constant 0 : i32
    %dma_wait3A_110 = arith.constant 0 : i32
    %dma_wait3A_111 = tpu.memref_slice %arg2[%dma_wait3A_109, %dma_wait3A_110] : memref<10000x256xi32, #tpu.memory_space<hbm>> -> memref<10000x256xi32, #tpu.memory_space<hbm>>
    tpu.wait_indirect_dma semaphore(%arg34 : memref<!tpu.dma_semaphore, #tpu.memory_space<semaphore_mem>>) src(%dma_wait3A_111 : memref<10000x256xi32, #tpu.memory_space<hbm>>) dst(%arg19 : memref<40x256xi32, #tpu.memory_space<vmem>>)
    %add3A_112 = arith.constant 249 : i32
    %add3A_113 = arith.addi %mul3A_6, %add3A_112 : i32
    %dma_wait3A_114 = arith.constant 0 : i32
    %dma_wait3A_115 = arith.constant 0 : i32
    %dma_wait3A_116 = tpu.memref_slice %arg5[%add3A_113, %dma_wait3A_114, %dma_wait3A_115] : memref<8000x20x128xf32, #tpu.memory_space<hbm>> -> memref<1x20x128xf32, #tpu.memory_space<hbm>>
    %dma_wait3A_117 = tpu.memref_squeeze %dma_wait3A_116 : memref<1x20x128xf32, #tpu.memory_space<hbm>> -> memref<20x128xf32, #tpu.memory_space<hbm>>
    %dma_wait3A_118 = arith.constant 0 : i32
    %dma_wait3A_119 = arith.constant 0 : i32
    %dma_wait3A_120 = tpu.memref_slice %arg5[%add3A_113, %dma_wait3A_118, %dma_wait3A_119] : memref<8000x20x128xf32, #tpu.memory_space<hbm>> -> memref<1x20x128xf32, #tpu.memory_space<hbm>>
    %dma_wait3A_121 = tpu.memref_squeeze %dma_wait3A_120 : memref<1x20x128xf32, #tpu.memory_space<hbm>> -> memref<20x128xf32, #tpu.memory_space<hbm>>
    tpu.wait_dma2 semaphore(%arg32 : memref<!tpu.dma_semaphore, #tpu.memory_space<semaphore_mem>>) src(%dma_wait3A_121 : memref<20x128xf32, #tpu.memory_space<hbm>>) dst(%arg17 : memref<20x128xf32, #tpu.memory_space<vmem>>)
    %mul3A_122 = arith.constant 249 : i32
    %mul3A_123 = arith.constant 40 : i32
    %mul3A_124 = arith.muli %mul3A_122, %mul3A_123 : i32
    %add3A_125 = arith.addi %mul3A_8, %mul3A_124 : i32
    %dma_wait3A_126 = tpu.memref_slice %arg4[%add3A_125] : memref<320000xi32, #tpu.memory_space<hbm>> -> memref<40xi32, #tpu.memory_space<hbm>>
    %dma_wait3A_127 = tpu.memref_slice %arg4[%add3A_125] : memref<320000xi32, #tpu.memory_space<hbm>> -> memref<40xi32, #tpu.memory_space<hbm>>
    tpu.wait_dma2 semaphore(%arg28 : memref<!tpu.dma_semaphore, #tpu.memory_space<semaphore_mem>>) src(%dma_wait3A_127 : memref<40xi32, #tpu.memory_space<hbm>>) dst(%arg13 : memref<40xi32, #tpu.memory_space<vmem>>)
    %scan3A_128 = arith.constant 0 : i32
    %scan3A_129 = arith.constant 0 : i32
    %scan3A_130 = arith.constant 40 : i32
    %scan3A_131 = arith.addi %scan3A_129, %scan3A_130 : i32
    %scan3A_132 = arith.constant 2 : i32
    scf.for %scan3A_148 = %scan3A_129 to %scan3A_131 step %scan3A_132  : i32 {
      %jit3A = arith.constant 2 : i32
      %div3A = arith.divsi %scan3A_148, %jit3A : i32
      %sign3A = arith.constant 0 : i32
      %sign3A_149 = arith.cmpi sgt, %scan3A_148, %sign3A : i32
      %sign3A_150 = arith.extui %sign3A_149 : i1 to i32
      %sign3A_151 = arith.constant 0 : i32
      %sign3A_152 = arith.cmpi slt, %scan3A_148, %sign3A_151 : i32
      %sign3A_153 = arith.extui %sign3A_152 : i1 to i32
      %sign3A_154 = arith.subi %sign3A_150, %sign3A_153 : i32
      %sign3A_155 = arith.constant 0 : i32
      %sign3A_156 = arith.cmpi sgt, %jit3A, %sign3A_155 : i32
      %sign3A_157 = arith.extui %sign3A_156 : i1 to i32
      %sign3A_158 = arith.constant 0 : i32
      %sign3A_159 = arith.cmpi slt, %jit3A, %sign3A_158 : i32
      %sign3A_160 = arith.extui %sign3A_159 : i1 to i32
      %sign3A_161 = arith.subi %sign3A_157, %sign3A_160 : i32
      %ne3A = arith.cmpi ne, %sign3A_154, %sign3A_161 : i32
      %rem3A = arith.remsi %scan3A_148, %jit3A : i32
      %ne3A_162 = arith.constant 0 : i32
      %ne3A_163 = arith.cmpi ne, %rem3A, %ne3A_162 : i32
      %and3A = arith.andi %ne3A, %ne3A_163 : i1
      %sub3A = arith.constant 1 : i32
      %sub3A_164 = arith.subi %div3A, %sub3A : i32
      %select_n3A = arith.select %and3A, %sub3A_164, %div3A : i32
      %jit3A_165 = arith.constant 2 : i32
      %eq3A = arith.constant 0 : i32
      %eq3A_166 = arith.cmpi eq, %jit3A_165, %eq3A : i32
      %jit3A_167 = arith.constant 1 : i32
      %select_n3A_168 = arith.select %eq3A_166, %jit3A_167, %jit3A_165 : i32
      %rem3A_169 = arith.remsi %scan3A_148, %select_n3A_168 : i32
      %ne3A_170 = arith.constant 0 : i32
      %ne3A_171 = arith.cmpi ne, %rem3A_169, %ne3A_170 : i32
      %lt3A_172 = arith.constant 0 : i32
      %lt3A_173 = arith.cmpi slt, %rem3A_169, %lt3A_172 : i32
      %lt3A_174 = arith.constant 0 : i32
      %lt3A_175 = arith.cmpi slt, %select_n3A_168, %lt3A_174 : i32
      %ne3A_176 = arith.xori %lt3A_173, %lt3A_175 : i1
      %and3A_177 = arith.andi %ne3A_176, %ne3A_171 : i1
      %add3A_178 = arith.addi %rem3A_169, %select_n3A_168 : i32
      %select_n3A_179 = arith.select %and3A_177, %add3A_178, %rem3A_169 : i32
      %mul3A_180 = arith.constant 64 : i32
      %mul3A_181 = arith.muli %select_n3A_179, %mul3A_180 : i32
      %get3A = arith.index_cast %select_n3A : i32 to index
      %get3A_182 = arith.index_cast %mul3A_181 : i32 to index
      %get3A_183 = tpu.vector_load %arg17[%get3A, %get3A_182] {strides = array<i32>} : memref<20x128xf32, #tpu.memory_space<vmem>>, vector<16xf32>,
      %add3A_184 = arith.constant 16 : i32
      %add3A_185 = arith.addi %mul3A_181, %add3A_184 : i32
      %get3A_186 = arith.index_cast %select_n3A : i32 to index
      %get3A_187 = arith.index_cast %add3A_185 : i32 to index
      %get3A_188 = tpu.vector_load %arg17[%get3A_186, %get3A_187] {strides = array<i32>} : memref<20x128xf32, #tpu.memory_space<vmem>>, vector<16xf32>,
      %add3A_189 = arith.constant 32 : i32
      %add3A_190 = arith.addi %mul3A_181, %add3A_189 : i32
      %get3A_191 = arith.index_cast %select_n3A : i32 to index
      %get3A_192 = arith.index_cast %add3A_190 : i32 to index
      %get3A_193 = tpu.vector_load %arg17[%get3A_191, %get3A_192] {strides = array<i32>} : memref<20x128xf32, #tpu.memory_space<vmem>>, vector<16xf32>,
      %add3A_194 = arith.constant 48 : i32
      %add3A_195 = arith.addi %mul3A_181, %add3A_194 : i32
      %get3A_196 = arith.index_cast %select_n3A : i32 to index
      %get3A_197 = arith.index_cast %add3A_195 : i32 to index
      %get3A_198 = tpu.vector_load %arg17[%get3A_196, %get3A_197] {strides = array<i32>} : memref<20x128xf32, #tpu.memory_space<vmem>>, vector<16xf32>,
      %get3A_199 = arith.index_cast %scan3A_148 : i32 to index
      %get3A_200 = arith.constant 0 : index
      %get3A_201 = tpu.vector_load %arg19[%get3A_199, %get3A_200] {strides = array<i32>} : memref<40x256xi32, #tpu.memory_space<vmem>>, vector<16xi32>,
      %bitcast3A = vector.bitcast %get3A_201 : vector<16xi32> to vector<32xbf16>
      %unpack3A = tpu.unpack_subelements %bitcast3A, 0 {pack_format = #tpu.pack_format<interleaved>} : vector<32xbf16> -> vector<16xf32>
      %unpack3A_202 = tpu.unpack_subelements %bitcast3A, 1 {pack_format = #tpu.pack_format<interleaved>} : vector<32xbf16> -> vector<16xf32>
      %get3A_203 = arith.index_cast %scan3A_148 : i32 to index
      %get3A_204 = arith.constant 64 : index
      %get3A_205 = tpu.vector_load %arg19[%get3A_203, %get3A_204] {strides = array<i32>} : memref<40x256xi32, #tpu.memory_space<vmem>>, vector<16xi32>,
      %bitcast3A_206 = vector.bitcast %get3A_205 : vector<16xi32> to vector<32xbf16>
      %unpack3A_207 = tpu.unpack_subelements %bitcast3A_206, 0 {pack_format = #tpu.pack_format<interleaved>} : vector<32xbf16> -> vector<16xf32>
      %unpack3A_208 = tpu.unpack_subelements %bitcast3A_206, 1 {pack_format = #tpu.pack_format<interleaved>} : vector<32xbf16> -> vector<16xf32>
      %get3A_209 = arith.index_cast %scan3A_148 : i32 to index
      %get3A_210 = arith.constant 128 : index
      %get3A_211 = tpu.vector_load %arg19[%get3A_209, %get3A_210] {strides = array<i32>} : memref<40x256xi32, #tpu.memory_space<vmem>>, vector<16xi32>,
      %bitcast3A_212 = vector.bitcast %get3A_211 : vector<16xi32> to vector<32xbf16>
      %unpack3A_213 = tpu.unpack_subelements %bitcast3A_212, 0 {pack_format = #tpu.pack_format<interleaved>} : vector<32xbf16> -> vector<16xf32>
      %unpack3A_214 = tpu.unpack_subelements %bitcast3A_212, 1 {pack_format = #tpu.pack_format<interleaved>} : vector<32xbf16> -> vector<16xf32>
      %get3A_215 = arith.index_cast %scan3A_148 : i32 to index
      %get3A_216 = arith.constant 192 : index
      %get3A_217 = tpu.vector_load %arg19[%get3A_215, %get3A_216] {strides = array<i32>} : memref<40x256xi32, #tpu.memory_space<vmem>>, vector<16xi32>,
      %bitcast3A_218 = vector.bitcast %get3A_217 : vector<16xi32> to vector<32xbf16>
      %unpack3A_219 = tpu.unpack_subelements %bitcast3A_218, 0 {pack_format = #tpu.pack_format<interleaved>} : vector<32xbf16> -> vector<16xf32>
      %unpack3A_220 = tpu.unpack_subelements %bitcast3A_218, 1 {pack_format = #tpu.pack_format<interleaved>} : vector<32xbf16> -> vector<16xf32>
      %mul3A_221 = arith.mulf %get3A_183, %unpack3A : vector<16xf32>
      %mul3A_222 = arith.mulf %get3A_188, %unpack3A_207 : vector<16xf32>
      %add3A_223 = arith.addf %mul3A_221, %mul3A_222 : vector<16xf32>
      %mul3A_224 = arith.mulf %get3A_193, %unpack3A_213 : vector<16xf32>
      %add3A_225 = arith.addf %add3A_223, %mul3A_224 : vector<16xf32>
      %mul3A_226 = arith.mulf %get3A_198, %unpack3A_219 : vector<16xf32>
      %add3A_227 = arith.addf %add3A_225, %mul3A_226 : vector<16xf32>
      %mul3A_228 = arith.mulf %get3A_183, %unpack3A_202 : vector<16xf32>
      %mul3A_229 = arith.mulf %get3A_188, %unpack3A_208 : vector<16xf32>
      %add3A_230 = arith.addf %mul3A_228, %mul3A_229 : vector<16xf32>
      %mul3A_231 = arith.mulf %get3A_193, %unpack3A_214 : vector<16xf32>
      %add3A_232 = arith.addf %add3A_230, %mul3A_231 : vector<16xf32>
      %mul3A_233 = arith.mulf %get3A_198, %unpack3A_220 : vector<16xf32>
      %add3A_234 = arith.addf %add3A_232, %mul3A_233 : vector<16xf32>
      %swap3A = arith.index_cast %scan3A_148 : i32 to index
      %swap3A_235 = arith.constant 0 : index
      %swap3A_236 = tpu.vector_load %arg21[%swap3A, %swap3A_235] {strides = array<i32>} : memref<40x128xf32, #tpu.memory_space<vmem>>, vector<16xf32>,
      tpu.vector_store %arg21[%swap3A, %swap3A_235], %add3A_227 {strides = array<i32>} : memref<40x128xf32, #tpu.memory_space<vmem>>, vector<16xf32>,
      %swap3A_237 = arith.index_cast %scan3A_148 : i32 to index
      %swap3A_238 = arith.constant 16 : index
      %swap3A_239 = tpu.vector_load %arg21[%swap3A_237, %swap3A_238] {strides = array<i32>} : memref<40x128xf32, #tpu.memory_space<vmem>>, vector<16xf32>,
      tpu.vector_store %arg21[%swap3A_237, %swap3A_238], %add3A_234 {strides = array<i32>} : memref<40x128xf32, #tpu.memory_space<vmem>>, vector<16xf32>,
      %get3A_240 = arith.index_cast %scan3A_148 : i32 to index
      %get3A_241 = arith.constant 16 : index
      %get3A_242 = tpu.vector_load %arg19[%get3A_240, %get3A_241] {strides = array<i32>} : memref<40x256xi32, #tpu.memory_space<vmem>>, vector<16xi32>,
      %bitcast3A_243 = vector.bitcast %get3A_242 : vector<16xi32> to vector<32xbf16>
      %unpack3A_244 = tpu.unpack_subelements %bitcast3A_243, 0 {pack_format = #tpu.pack_format<interleaved>} : vector<32xbf16> -> vector<16xf32>
      %unpack3A_245 = tpu.unpack_subelements %bitcast3A_243, 1 {pack_format = #tpu.pack_format<interleaved>} : vector<32xbf16> -> vector<16xf32>
      %get3A_246 = arith.index_cast %scan3A_148 : i32 to index
      %get3A_247 = arith.constant 80 : index
      %get3A_248 = tpu.vector_load %arg19[%get3A_246, %get3A_247] {strides = array<i32>} : memref<40x256xi32, #tpu.memory_space<vmem>>, vector<16xi32>,
      %bitcast3A_249 = vector.bitcast %get3A_248 : vector<16xi32> to vector<32xbf16>
      %unpack3A_250 = tpu.unpack_subelements %bitcast3A_249, 0 {pack_format = #tpu.pack_format<interleaved>} : vector<32xbf16> -> vector<16xf32>
      %unpack3A_251 = tpu.unpack_subelements %bitcast3A_249, 1 {pack_format = #tpu.pack_format<interleaved>} : vector<32xbf16> -> vector<16xf32>
      %get3A_252 = arith.index_cast %scan3A_148 : i32 to index
      %get3A_253 = arith.constant 144 : index
      %get3A_254 = tpu.vector_load %arg19[%get3A_252, %get3A_253] {strides = array<i32>} : memref<40x256xi32, #tpu.memory_space<vmem>>, vector<16xi32>,
      %bitcast3A_255 = vector.bitcast %get3A_254 : vector<16xi32> to vector<32xbf16>
      %unpack3A_256 = tpu.unpack_subelements %bitcast3A_255, 0 {pack_format = #tpu.pack_format<interleaved>} : vector<32xbf16> -> vector<16xf32>
      %unpack3A_257 = tpu.unpack_subelements %bitcast3A_255, 1 {pack_format = #tpu.pack_format<interleaved>} : vector<32xbf16> -> vector<16xf32>
      %get3A_258 = arith.index_cast %scan3A_148 : i32 to index
      %get3A_259 = arith.constant 208 : index
      %get3A_260 = tpu.vector_load %arg19[%get3A_258, %get3A_259] {strides = array<i32>} : memref<40x256xi32, #tpu.memory_space<vmem>>, vector<16xi32>,
      %bitcast3A_261 = vector.bitcast %get3A_260 : vector<16xi32> to vector<32xbf16>
      %unpack3A_262 = tpu.unpack_subelements %bitcast3A_261, 0 {pack_format = #tpu.pack_format<interleaved>} : vector<32xbf16> -> vector<16xf32>
      %unpack3A_263 = tpu.unpack_subelements %bitcast3A_261, 1 {pack_format = #tpu.pack_format<interleaved>} : vector<32xbf16> -> vector<16xf32>
      %mul3A_264 = arith.mulf %get3A_183, %unpack3A_244 : vector<16xf32>
      %mul3A_265 = arith.mulf %get3A_188, %unpack3A_250 : vector<16xf32>
      %add3A_266 = arith.addf %mul3A_264, %mul3A_265 : vector<16xf32>
      %mul3A_267 = arith.mulf %get3A_193, %unpack3A_256 : vector<16xf32>
      %add3A_268 = arith.addf %add3A_266, %mul3A_267 : vector<16xf32>
      %mul3A_269 = arith.mulf %get3A_198, %unpack3A_262 : vector<16xf32>
      %add3A_270 = arith.addf %add3A_268, %mul3A_269 : vector<16xf32>
      %mul3A_271 = arith.mulf %get3A_183, %unpack3A_245 : vector<16xf32>
      %mul3A_272 = arith.mulf %get3A_188, %unpack3A_251 : vector<16xf32>
      %add3A_273 = arith.addf %mul3A_271, %mul3A_272 : vector<16xf32>
      %mul3A_274 = arith.mulf %get3A_193, %unpack3A_257 : vector<16xf32>
      %add3A_275 = arith.addf %add3A_273, %mul3A_274 : vector<16xf32>
      %mul3A_276 = arith.mulf %get3A_198, %unpack3A_263 : vector<16xf32>
      %add3A_277 = arith.addf %add3A_275, %mul3A_276 : vector<16xf32>
      %swap3A_278 = arith.index_cast %scan3A_148 : i32 to index
      %swap3A_279 = arith.constant 32 : index
      %swap3A_280 = tpu.vector_load %arg21[%swap3A_278, %swap3A_279] {strides = array<i32>} : memref<40x128xf32, #tpu.memory_space<vmem>>, vector<16xf32>,
      tpu.vector_store %arg21[%swap3A_278, %swap3A_279], %add3A_270 {strides = array<i32>} : memref<40x128xf32, #tpu.memory_space<vmem>>, vector<16xf32>,
      %swap3A_281 = arith.index_cast %scan3A_148 : i32 to index
      %swap3A_282 = arith.constant 48 : index
      %swap3A_283 = tpu.vector_load %arg21[%swap3A_281, %swap3A_282] {strides = array<i32>} : memref<40x128xf32, #tpu.memory_space<vmem>>, vector<16xf32>,
      tpu.vector_store %arg21[%swap3A_281, %swap3A_282], %add3A_277 {strides = array<i32>} : memref<40x128xf32, #tpu.memory_space<vmem>>, vector<16xf32>,
      %get3A_284 = arith.index_cast %scan3A_148 : i32 to index
      %get3A_285 = arith.constant 32 : index
      %get3A_286 = tpu.vector_load %arg19[%get3A_284, %get3A_285] {strides = array<i32>} : memref<40x256xi32, #tpu.memory_space<vmem>>, vector<16xi32>,
      %bitcast3A_287 = vector.bitcast %get3A_286 : vector<16xi32> to vector<32xbf16>
      %unpack3A_288 = tpu.unpack_subelements %bitcast3A_287, 0 {pack_format = #tpu.pack_format<interleaved>} : vector<32xbf16> -> vector<16xf32>
      %unpack3A_289 = tpu.unpack_subelements %bitcast3A_287, 1 {pack_format = #tpu.pack_format<interleaved>} : vector<32xbf16> -> vector<16xf32>
      %get3A_290 = arith.index_cast %scan3A_148 : i32 to index
      %get3A_291 = arith.constant 96 : index
      %get3A_292 = tpu.vector_load %arg19[%get3A_290, %get3A_291] {strides = array<i32>} : memref<40x256xi32, #tpu.memory_space<vmem>>, vector<16xi32>,
      %bitcast3A_293 = vector.bitcast %get3A_292 : vector<16xi32> to vector<32xbf16>
      %unpack3A_294 = tpu.unpack_subelements %bitcast3A_293, 0 {pack_format = #tpu.pack_format<interleaved>} : vector<32xbf16> -> vector<16xf32>
      %unpack3A_295 = tpu.unpack_subelements %bitcast3A_293, 1 {pack_format = #tpu.pack_format<interleaved>} : vector<32xbf16> -> vector<16xf32>
      %get3A_296 = arith.index_cast %scan3A_148 : i32 to index
      %get3A_297 = arith.constant 160 : index
      %get3A_298 = tpu.vector_load %arg19[%get3A_296, %get3A_297] {strides = array<i32>} : memref<40x256xi32, #tpu.memory_space<vmem>>, vector<16xi32>,
      %bitcast3A_299 = vector.bitcast %get3A_298 : vector<16xi32> to vector<32xbf16>
      %unpack3A_300 = tpu.unpack_subelements %bitcast3A_299, 0 {pack_format = #tpu.pack_format<interleaved>} : vector<32xbf16> -> vector<16xf32>
      %unpack3A_301 = tpu.unpack_subelements %bitcast3A_299, 1 {pack_format = #tpu.pack_format<interleaved>} : vector<32xbf16> -> vector<16xf32>
      %get3A_302 = arith.index_cast %scan3A_148 : i32 to index
      %get3A_303 = arith.constant 224 : index
      %get3A_304 = tpu.vector_load %arg19[%get3A_302, %get3A_303] {strides = array<i32>} : memref<40x256xi32, #tpu.memory_space<vmem>>, vector<16xi32>,
      %bitcast3A_305 = vector.bitcast %get3A_304 : vector<16xi32> to vector<32xbf16>
      %unpack3A_306 = tpu.unpack_subelements %bitcast3A_305, 0 {pack_format = #tpu.pack_format<interleaved>} : vector<32xbf16> -> vector<16xf32>
      %unpack3A_307 = tpu.unpack_subelements %bitcast3A_305, 1 {pack_format = #tpu.pack_format<interleaved>} : vector<32xbf16> -> vector<16xf32>
      %mul3A_308 = arith.mulf %get3A_183, %unpack3A_288 : vector<16xf32>
      %mul3A_309 = arith.mulf %get3A_188, %unpack3A_294 : vector<16xf32>
      %add3A_310 = arith.addf %mul3A_308, %mul3A_309 : vector<16xf32>
      %mul3A_311 = arith.mulf %get3A_193, %unpack3A_300 : vector<16xf32>
      %add3A_312 = arith.addf %add3A_310, %mul3A_311 : vector<16xf32>
      %mul3A_313 = arith.mulf %get3A_198, %unpack3A_306 : vector<16xf32>
      %add3A_314 = arith.addf %add3A_312, %mul3A_313 : vector<16xf32>
      %mul3A_315 = arith.mulf %get3A_183, %unpack3A_289 : vector<16xf32>
      %mul3A_316 = arith.mulf %get3A_188, %unpack3A_295 : vector<16xf32>
      %add3A_317 = arith.addf %mul3A_315, %mul3A_316 : vector<16xf32>
      %mul3A_318 = arith.mulf %get3A_193, %unpack3A_301 : vector<16xf32>
      %add3A_319 = arith.addf %add3A_317, %mul3A_318 : vector<16xf32>
      %mul3A_320 = arith.mulf %get3A_198, %unpack3A_307 : vector<16xf32>
      %add3A_321 = arith.addf %add3A_319, %mul3A_320 : vector<16xf32>
      %swap3A_322 = arith.index_cast %scan3A_148 : i32 to index
      %swap3A_323 = arith.constant 64 : index
      %swap3A_324 = tpu.vector_load %arg21[%swap3A_322, %swap3A_323] {strides = array<i32>} : memref<40x128xf32, #tpu.memory_space<vmem>>, vector<16xf32>,
      tpu.vector_store %arg21[%swap3A_322, %swap3A_323], %add3A_314 {strides = array<i32>} : memref<40x128xf32, #tpu.memory_space<vmem>>, vector<16xf32>,
      %swap3A_325 = arith.index_cast %scan3A_148 : i32 to index
      %swap3A_326 = arith.constant 80 : index
      %swap3A_327 = tpu.vector_load %arg21[%swap3A_325, %swap3A_326] {strides = array<i32>} : memref<40x128xf32, #tpu.memory_space<vmem>>, vector<16xf32>,
      tpu.vector_store %arg21[%swap3A_325, %swap3A_326], %add3A_321 {strides = array<i32>} : memref<40x128xf32, #tpu.memory_space<vmem>>, vector<16xf32>,
      %get3A_328 = arith.index_cast %scan3A_148 : i32 to index
      %get3A_329 = arith.constant 48 : index
      %get3A_330 = tpu.vector_load %arg19[%get3A_328, %get3A_329] {strides = array<i32>} : memref<40x256xi32, #tpu.memory_space<vmem>>, vector<16xi32>,
      %bitcast3A_331 = vector.bitcast %get3A_330 : vector<16xi32> to vector<32xbf16>
      %unpack3A_332 = tpu.unpack_subelements %bitcast3A_331, 0 {pack_format = #tpu.pack_format<interleaved>} : vector<32xbf16> -> vector<16xf32>
      %unpack3A_333 = tpu.unpack_subelements %bitcast3A_331, 1 {pack_format = #tpu.pack_format<interleaved>} : vector<32xbf16> -> vector<16xf32>
      %get3A_334 = arith.index_cast %scan3A_148 : i32 to index
      %get3A_335 = arith.constant 112 : index
      %get3A_336 = tpu.vector_load %arg19[%get3A_334, %get3A_335] {strides = array<i32>} : memref<40x256xi32, #tpu.memory_space<vmem>>, vector<16xi32>,
      %bitcast3A_337 = vector.bitcast %get3A_336 : vector<16xi32> to vector<32xbf16>
      %unpack3A_338 = tpu.unpack_subelements %bitcast3A_337, 0 {pack_format = #tpu.pack_format<interleaved>} : vector<32xbf16> -> vector<16xf32>
      %unpack3A_339 = tpu.unpack_subelements %bitcast3A_337, 1 {pack_format = #tpu.pack_format<interleaved>} : vector<32xbf16> -> vector<16xf32>
      %get3A_340 = arith.index_cast %scan3A_148 : i32 to index
      %get3A_341 = arith.constant 176 : index
      %get3A_342 = tpu.vector_load %arg19[%get3A_340, %get3A_341] {strides = array<i32>} : memref<40x256xi32, #tpu.memory_space<vmem>>, vector<16xi32>,
      %bitcast3A_343 = vector.bitcast %get3A_342 : vector<16xi32> to vector<32xbf16>
      %unpack3A_344 = tpu.unpack_subelements %bitcast3A_343, 0 {pack_format = #tpu.pack_format<interleaved>} : vector<32xbf16> -> vector<16xf32>
      %unpack3A_345 = tpu.unpack_subelements %bitcast3A_343, 1 {pack_format = #tpu.pack_format<interleaved>} : vector<32xbf16> -> vector<16xf32>
      %get3A_346 = arith.index_cast %scan3A_148 : i32 to index
      %get3A_347 = arith.constant 240 : index
      %get3A_348 = tpu.vector_load %arg19[%get3A_346, %get3A_347] {strides = array<i32>} : memref<40x256xi32, #tpu.memory_space<vmem>>, vector<16xi32>,
      %bitcast3A_349 = vector.bitcast %get3A_348 : vector<16xi32> to vector<32xbf16>
      %unpack3A_350 = tpu.unpack_subelements %bitcast3A_349, 0 {pack_format = #tpu.pack_format<interleaved>} : vector<32xbf16> -> vector<16xf32>
      %unpack3A_351 = tpu.unpack_subelements %bitcast3A_349, 1 {pack_format = #tpu.pack_format<interleaved>} : vector<32xbf16> -> vector<16xf32>
      %mul3A_352 = arith.mulf %get3A_183, %unpack3A_332 : vector<16xf32>
      %mul3A_353 = arith.mulf %get3A_188, %unpack3A_338 : vector<16xf32>
      %add3A_354 = arith.addf %mul3A_352, %mul3A_353 : vector<16xf32>
      %mul3A_355 = arith.mulf %get3A_193, %unpack3A_344 : vector<16xf32>
      %add3A_356 = arith.addf %add3A_354, %mul3A_355 : vector<16xf32>
      %mul3A_357 = arith.mulf %get3A_198, %unpack3A_350 : vector<16xf32>
      %add3A_358 = arith.addf %add3A_356, %mul3A_357 : vector<16xf32>
      %mul3A_359 = arith.mulf %get3A_183, %unpack3A_333 : vector<16xf32>
      %mul3A_360 = arith.mulf %get3A_188, %unpack3A_339 : vector<16xf32>
      %add3A_361 = arith.addf %mul3A_359, %mul3A_360 : vector<16xf32>
      %mul3A_362 = arith.mulf %get3A_193, %unpack3A_345 : vector<16xf32>
      %add3A_363 = arith.addf %add3A_361, %mul3A_362 : vector<16xf32>
      %mul3A_364 = arith.mulf %get3A_198, %unpack3A_351 : vector<16xf32>
      %add3A_365 = arith.addf %add3A_363, %mul3A_364 : vector<16xf32>
      %swap3A_366 = arith.index_cast %scan3A_148 : i32 to index
      %swap3A_367 = arith.constant 96 : index
      %swap3A_368 = tpu.vector_load %arg21[%swap3A_366, %swap3A_367] {strides = array<i32>} : memref<40x128xf32, #tpu.memory_space<vmem>>, vector<16xf32>,
      tpu.vector_store %arg21[%swap3A_366, %swap3A_367], %add3A_358 {strides = array<i32>} : memref<40x128xf32, #tpu.memory_space<vmem>>, vector<16xf32>,
      %swap3A_369 = arith.index_cast %scan3A_148 : i32 to index
      %swap3A_370 = arith.constant 112 : index
      %swap3A_371 = tpu.vector_load %arg21[%swap3A_369, %swap3A_370] {strides = array<i32>} : memref<40x128xf32, #tpu.memory_space<vmem>>, vector<16xf32>,
      tpu.vector_store %arg21[%swap3A_369, %swap3A_370], %add3A_365 {strides = array<i32>} : memref<40x128xf32, #tpu.memory_space<vmem>>, vector<16xf32>,
      %scan3A_372 = arith.constant 1 : i32
      %scan3A_373 = arith.addi %scan3A_148, %scan3A_372 : i32
      %jit3A_374 = arith.constant 2 : i32
      %div3A_375 = arith.divsi %scan3A_373, %jit3A_374 : i32
      %sign3A_376 = arith.constant 0 : i32
      %sign3A_377 = arith.cmpi sgt, %scan3A_373, %sign3A_376 : i32
      %sign3A_378 = arith.extui %sign3A_377 : i1 to i32
      %sign3A_379 = arith.constant 0 : i32
      %sign3A_380 = arith.cmpi slt, %scan3A_373, %sign3A_379 : i32
      %sign3A_381 = arith.extui %sign3A_380 : i1 to i32
      %sign3A_382 = arith.subi %sign3A_378, %sign3A_381 : i32
      %sign3A_383 = arith.constant 0 : i32
      %sign3A_384 = arith.cmpi sgt, %jit3A_374, %sign3A_383 : i32
      %sign3A_385 = arith.extui %sign3A_384 : i1 to i32
      %sign3A_386 = arith.constant 0 : i32
      %sign3A_387 = arith.cmpi slt, %jit3A_374, %sign3A_386 : i32
      %sign3A_388 = arith.extui %sign3A_387 : i1 to i32
      %sign3A_389 = arith.subi %sign3A_385, %sign3A_388 : i32
      %ne3A_390 = arith.cmpi ne, %sign3A_382, %sign3A_389 : i32
      %rem3A_391 = arith.remsi %scan3A_373, %jit3A_374 : i32
      %ne3A_392 = arith.constant 0 : i32
      %ne3A_393 = arith.cmpi ne, %rem3A_391, %ne3A_392 : i32
      %and3A_394 = arith.andi %ne3A_390, %ne3A_393 : i1
      %sub3A_395 = arith.constant 1 : i32
      %sub3A_396 = arith.subi %div3A_375, %sub3A_395 : i32
      %select_n3A_397 = arith.select %and3A_394, %sub3A_396, %div3A_375 : i32
      %jit3A_398 = arith.constant 2 : i32
      %eq3A_399 = arith.constant 0 : i32
      %eq3A_400 = arith.cmpi eq, %jit3A_398, %eq3A_399 : i32
      %jit3A_401 = arith.constant 1 : i32
      %select_n3A_402 = arith.select %eq3A_400, %jit3A_401, %jit3A_398 : i32
      %rem3A_403 = arith.remsi %scan3A_373, %select_n3A_402 : i32
      %ne3A_404 = arith.constant 0 : i32
      %ne3A_405 = arith.cmpi ne, %rem3A_403, %ne3A_404 : i32
      %lt3A_406 = arith.constant 0 : i32
      %lt3A_407 = arith.cmpi slt, %rem3A_403, %lt3A_406 : i32
      %lt3A_408 = arith.constant 0 : i32
      %lt3A_409 = arith.cmpi slt, %select_n3A_402, %lt3A_408 : i32
      %ne3A_410 = arith.xori %lt3A_407, %lt3A_409 : i1
      %and3A_411 = arith.andi %ne3A_410, %ne3A_405 : i1
      %add3A_412 = arith.addi %rem3A_403, %select_n3A_402 : i32
      %select_n3A_413 = arith.select %and3A_411, %add3A_412, %rem3A_403 : i32
      %mul3A_414 = arith.constant 64 : i32
      %mul3A_415 = arith.muli %select_n3A_413, %mul3A_414 : i32
      %get3A_416 = arith.index_cast %select_n3A_397 : i32 to index
      %get3A_417 = arith.index_cast %mul3A_415 : i32 to index
      %get3A_418 = tpu.vector_load %arg17[%get3A_416, %get3A_417] {strides = array<i32>} : memref<20x128xf32, #tpu.memory_space<vmem>>, vector<16xf32>,
      %add3A_419 = arith.constant 16 : i32
      %add3A_420 = arith.addi %mul3A_415, %add3A_419 : i32
      %get3A_421 = arith.index_cast %select_n3A_397 : i32 to index
      %get3A_422 = arith.index_cast %add3A_420 : i32 to index
      %get3A_423 = tpu.vector_load %arg17[%get3A_421, %get3A_422] {strides = array<i32>} : memref<20x128xf32, #tpu.memory_space<vmem>>, vector<16xf32>,
      %add3A_424 = arith.constant 32 : i32
      %add3A_425 = arith.addi %mul3A_415, %add3A_424 : i32
      %get3A_426 = arith.index_cast %select_n3A_397 : i32 to index
      %get3A_427 = arith.index_cast %add3A_425 : i32 to index
      %get3A_428 = tpu.vector_load %arg17[%get3A_426, %get3A_427] {strides = array<i32>} : memref<20x128xf32, #tpu.memory_space<vmem>>, vector<16xf32>,
      %add3A_429 = arith.constant 48 : i32
      %add3A_430 = arith.addi %mul3A_415, %add3A_429 : i32
      %get3A_431 = arith.index_cast %select_n3A_397 : i32 to index
      %get3A_432 = arith.index_cast %add3A_430 : i32 to index
      %get3A_433 = tpu.vector_load %arg17[%get3A_431, %get3A_432] {strides = array<i32>} : memref<20x128xf32, #tpu.memory_space<vmem>>, vector<16xf32>,
      %get3A_434 = arith.index_cast %scan3A_373 : i32 to index
      %get3A_435 = arith.constant 0 : index
      %get3A_436 = tpu.vector_load %arg19[%get3A_434, %get3A_435] {strides = array<i32>} : memref<40x256xi32, #tpu.memory_space<vmem>>, vector<16xi32>,
      %bitcast3A_437 = vector.bitcast %get3A_436 : vector<16xi32> to vector<32xbf16>
      %unpack3A_438 = tpu.unpack_subelements %bitcast3A_437, 0 {pack_format = #tpu.pack_format<interleaved>} : vector<32xbf16> -> vector<16xf32>
      %unpack3A_439 = tpu.unpack_subelements %bitcast3A_437, 1 {pack_format = #tpu.pack_format<interleaved>} : vector<32xbf16> -> vector<16xf32>
      %get3A_440 = arith.index_cast %scan3A_373 : i32 to index
      %get3A_441 = arith.constant 64 : index
      %get3A_442 = tpu.vector_load %arg19[%get3A_440, %get3A_441] {strides = array<i32>} : memref<40x256xi32, #tpu.memory_space<vmem>>, vector<16xi32>,
      %bitcast3A_443 = vector.bitcast %get3A_442 : vector<16xi32> to vector<32xbf16>
      %unpack3A_444 = tpu.unpack_subelements %bitcast3A_443, 0 {pack_format = #tpu.pack_format<interleaved>} : vector<32xbf16> -> vector<16xf32>
      %unpack3A_445 = tpu.unpack_subelements %bitcast3A_443, 1 {pack_format = #tpu.pack_format<interleaved>} : vector<32xbf16> -> vector<16xf32>
      %get3A_446 = arith.index_cast %scan3A_373 : i32 to index
      %get3A_447 = arith.constant 128 : index
      %get3A_448 = tpu.vector_load %arg19[%get3A_446, %get3A_447] {strides = array<i32>} : memref<40x256xi32, #tpu.memory_space<vmem>>, vector<16xi32>,
      %bitcast3A_449 = vector.bitcast %get3A_448 : vector<16xi32> to vector<32xbf16>
      %unpack3A_450 = tpu.unpack_subelements %bitcast3A_449, 0 {pack_format = #tpu.pack_format<interleaved>} : vector<32xbf16> -> vector<16xf32>
      %unpack3A_451 = tpu.unpack_subelements %bitcast3A_449, 1 {pack_format = #tpu.pack_format<interleaved>} : vector<32xbf16> -> vector<16xf32>
      %get3A_452 = arith.index_cast %scan3A_373 : i32 to index
      %get3A_453 = arith.constant 192 : index
      %get3A_454 = tpu.vector_load %arg19[%get3A_452, %get3A_453] {strides = array<i32>} : memref<40x256xi32, #tpu.memory_space<vmem>>, vector<16xi32>,
      %bitcast3A_455 = vector.bitcast %get3A_454 : vector<16xi32> to vector<32xbf16>
      %unpack3A_456 = tpu.unpack_subelements %bitcast3A_455, 0 {pack_format = #tpu.pack_format<interleaved>} : vector<32xbf16> -> vector<16xf32>
      %unpack3A_457 = tpu.unpack_subelements %bitcast3A_455, 1 {pack_format = #tpu.pack_format<interleaved>} : vector<32xbf16> -> vector<16xf32>
      %mul3A_458 = arith.mulf %get3A_418, %unpack3A_438 : vector<16xf32>
      %mul3A_459 = arith.mulf %get3A_423, %unpack3A_444 : vector<16xf32>
      %add3A_460 = arith.addf %mul3A_458, %mul3A_459 : vector<16xf32>
      %mul3A_461 = arith.mulf %get3A_428, %unpack3A_450 : vector<16xf32>
      %add3A_462 = arith.addf %add3A_460, %mul3A_461 : vector<16xf32>
      %mul3A_463 = arith.mulf %get3A_433, %unpack3A_456 : vector<16xf32>
      %add3A_464 = arith.addf %add3A_462, %mul3A_463 : vector<16xf32>
      %mul3A_465 = arith.mulf %get3A_418, %unpack3A_439 : vector<16xf32>
      %mul3A_466 = arith.mulf %get3A_423, %unpack3A_445 : vector<16xf32>
      %add3A_467 = arith.addf %mul3A_465, %mul3A_466 : vector<16xf32>
      %mul3A_468 = arith.mulf %get3A_428, %unpack3A_451 : vector<16xf32>
      %add3A_469 = arith.addf %add3A_467, %mul3A_468 : vector<16xf32>
      %mul3A_470 = arith.mulf %get3A_433, %unpack3A_457 : vector<16xf32>
      %add3A_471 = arith.addf %add3A_469, %mul3A_470 : vector<16xf32>
      %swap3A_472 = arith.index_cast %scan3A_373 : i32 to index
      %swap3A_473 = arith.constant 0 : index
      %swap3A_474 = tpu.vector_load %arg21[%swap3A_472, %swap3A_473] {strides = array<i32>} : memref<40x128xf32, #tpu.memory_space<vmem>>, vector<16xf32>,
      tpu.vector_store %arg21[%swap3A_472, %swap3A_473], %add3A_464 {strides = array<i32>} : memref<40x128xf32, #tpu.memory_space<vmem>>, vector<16xf32>,
      %swap3A_475 = arith.index_cast %scan3A_373 : i32 to index
      %swap3A_476 = arith.constant 16 : index
      %swap3A_477 = tpu.vector_load %arg21[%swap3A_475, %swap3A_476] {strides = array<i32>} : memref<40x128xf32, #tpu.memory_space<vmem>>, vector<16xf32>,
      tpu.vector_store %arg21[%swap3A_475, %swap3A_476], %add3A_471 {strides = array<i32>} : memref<40x128xf32, #tpu.memory_space<vmem>>, vector<16xf32>,
      %get3A_478 = arith.index_cast %scan3A_373 : i32 to index
      %get3A_479 = arith.constant 16 : index
      %get3A_480 = tpu.vector_load %arg19[%get3A_478, %get3A_479] {strides = array<i32>} : memref<40x256xi32, #tpu.memory_space<vmem>>, vector<16xi32>,
      %bitcast3A_481 = vector.bitcast %get3A_480 : vector<16xi32> to vector<32xbf16>
      %unpack3A_482 = tpu.unpack_subelements %bitcast3A_481, 0 {pack_format = #tpu.pack_format<interleaved>} : vector<32xbf16> -> vector<16xf32>
      %unpack3A_483 = tpu.unpack_subelements %bitcast3A_481, 1 {pack_format = #tpu.pack_format<interleaved>} : vector<32xbf16> -> vector<16xf32>
      %get3A_484 = arith.index_cast %scan3A_373 : i32 to index
      %get3A_485 = arith.constant 80 : index
      %get3A_486 = tpu.vector_load %arg19[%get3A_484, %get3A_485] {strides = array<i32>} : memref<40x256xi32, #tpu.memory_space<vmem>>, vector<16xi32>,
      %bitcast3A_487 = vector.bitcast %get3A_486 : vector<16xi32> to vector<32xbf16>
      %unpack3A_488 = tpu.unpack_subelements %bitcast3A_487, 0 {pack_format = #tpu.pack_format<interleaved>} : vector<32xbf16> -> vector<16xf32>
      %unpack3A_489 = tpu.unpack_subelements %bitcast3A_487, 1 {pack_format = #tpu.pack_format<interleaved>} : vector<32xbf16> -> vector<16xf32>
      %get3A_490 = arith.index_cast %scan3A_373 : i32 to index
      %get3A_491 = arith.constant 144 : index
      %get3A_492 = tpu.vector_load %arg19[%get3A_490, %get3A_491] {strides = array<i32>} : memref<40x256xi32, #tpu.memory_space<vmem>>, vector<16xi32>,
      %bitcast3A_493 = vector.bitcast %get3A_492 : vector<16xi32> to vector<32xbf16>
      %unpack3A_494 = tpu.unpack_subelements %bitcast3A_493, 0 {pack_format = #tpu.pack_format<interleaved>} : vector<32xbf16> -> vector<16xf32>
      %unpack3A_495 = tpu.unpack_subelements %bitcast3A_493, 1 {pack_format = #tpu.pack_format<interleaved>} : vector<32xbf16> -> vector<16xf32>
      %get3A_496 = arith.index_cast %scan3A_373 : i32 to index
      %get3A_497 = arith.constant 208 : index
      %get3A_498 = tpu.vector_load %arg19[%get3A_496, %get3A_497] {strides = array<i32>} : memref<40x256xi32, #tpu.memory_space<vmem>>, vector<16xi32>,
      %bitcast3A_499 = vector.bitcast %get3A_498 : vector<16xi32> to vector<32xbf16>
      %unpack3A_500 = tpu.unpack_subelements %bitcast3A_499, 0 {pack_format = #tpu.pack_format<interleaved>} : vector<32xbf16> -> vector<16xf32>
      %unpack3A_501 = tpu.unpack_subelements %bitcast3A_499, 1 {pack_format = #tpu.pack_format<interleaved>} : vector<32xbf16> -> vector<16xf32>
      %mul3A_502 = arith.mulf %get3A_418, %unpack3A_482 : vector<16xf32>
      %mul3A_503 = arith.mulf %get3A_423, %unpack3A_488 : vector<16xf32>
      %add3A_504 = arith.addf %mul3A_502, %mul3A_503 : vector<16xf32>
      %mul3A_505 = arith.mulf %get3A_428, %unpack3A_494 : vector<16xf32>
      %add3A_506 = arith.addf %add3A_504, %mul3A_505 : vector<16xf32>
      %mul3A_507 = arith.mulf %get3A_433, %unpack3A_500 : vector<16xf32>
      %add3A_508 = arith.addf %add3A_506, %mul3A_507 : vector<16xf32>
      %mul3A_509 = arith.mulf %get3A_418, %unpack3A_483 : vector<16xf32>
      %mul3A_510 = arith.mulf %get3A_423, %unpack3A_489 : vector<16xf32>
      %add3A_511 = arith.addf %mul3A_509, %mul3A_510 : vector<16xf32>
      %mul3A_512 = arith.mulf %get3A_428, %unpack3A_495 : vector<16xf32>
      %add3A_513 = arith.addf %add3A_511, %mul3A_512 : vector<16xf32>
      %mul3A_514 = arith.mulf %get3A_433, %unpack3A_501 : vector<16xf32>
      %add3A_515 = arith.addf %add3A_513, %mul3A_514 : vector<16xf32>
      %swap3A_516 = arith.index_cast %scan3A_373 : i32 to index
      %swap3A_517 = arith.constant 32 : index
      %swap3A_518 = tpu.vector_load %arg21[%swap3A_516, %swap3A_517] {strides = array<i32>} : memref<40x128xf32, #tpu.memory_space<vmem>>, vector<16xf32>,
      tpu.vector_store %arg21[%swap3A_516, %swap3A_517], %add3A_508 {strides = array<i32>} : memref<40x128xf32, #tpu.memory_space<vmem>>, vector<16xf32>,
      %swap3A_519 = arith.index_cast %scan3A_373 : i32 to index
      %swap3A_520 = arith.constant 48 : index
      %swap3A_521 = tpu.vector_load %arg21[%swap3A_519, %swap3A_520] {strides = array<i32>} : memref<40x128xf32, #tpu.memory_space<vmem>>, vector<16xf32>,
      tpu.vector_store %arg21[%swap3A_519, %swap3A_520], %add3A_515 {strides = array<i32>} : memref<40x128xf32, #tpu.memory_space<vmem>>, vector<16xf32>,
      %get3A_522 = arith.index_cast %scan3A_373 : i32 to index
      %get3A_523 = arith.constant 32 : index
      %get3A_524 = tpu.vector_load %arg19[%get3A_522, %get3A_523] {strides = array<i32>} : memref<40x256xi32, #tpu.memory_space<vmem>>, vector<16xi32>,
      %bitcast3A_525 = vector.bitcast %get3A_524 : vector<16xi32> to vector<32xbf16>
      %unpack3A_526 = tpu.unpack_subelements %bitcast3A_525, 0 {pack_format = #tpu.pack_format<interleaved>} : vector<32xbf16> -> vector<16xf32>
      %unpack3A_527 = tpu.unpack_subelements %bitcast3A_525, 1 {pack_format = #tpu.pack_format<interleaved>} : vector<32xbf16> -> vector<16xf32>
      %get3A_528 = arith.index_cast %scan3A_373 : i32 to index
      %get3A_529 = arith.constant 96 : index
      %get3A_530 = tpu.vector_load %arg19[%get3A_528, %get3A_529] {strides = array<i32>} : memref<40x256xi32, #tpu.memory_space<vmem>>, vector<16xi32>,
      %bitcast3A_531 = vector.bitcast %get3A_530 : vector<16xi32> to vector<32xbf16>
      %unpack3A_532 = tpu.unpack_subelements %bitcast3A_531, 0 {pack_format = #tpu.pack_format<interleaved>} : vector<32xbf16> -> vector<16xf32>
      %unpack3A_533 = tpu.unpack_subelements %bitcast3A_531, 1 {pack_format = #tpu.pack_format<interleaved>} : vector<32xbf16> -> vector<16xf32>
      %get3A_534 = arith.index_cast %scan3A_373 : i32 to index
      %get3A_535 = arith.constant 160 : index
      %get3A_536 = tpu.vector_load %arg19[%get3A_534, %get3A_535] {strides = array<i32>} : memref<40x256xi32, #tpu.memory_space<vmem>>, vector<16xi32>,
      %bitcast3A_537 = vector.bitcast %get3A_536 : vector<16xi32> to vector<32xbf16>
      %unpack3A_538 = tpu.unpack_subelements %bitcast3A_537, 0 {pack_format = #tpu.pack_format<interleaved>} : vector<32xbf16> -> vector<16xf32>
      %unpack3A_539 = tpu.unpack_subelements %bitcast3A_537, 1 {pack_format = #tpu.pack_format<interleaved>} : vector<32xbf16> -> vector<16xf32>
      %get3A_540 = arith.index_cast %scan3A_373 : i32 to index
      %get3A_541 = arith.constant 224 : index
      %get3A_542 = tpu.vector_load %arg19[%get3A_540, %get3A_541] {strides = array<i32>} : memref<40x256xi32, #tpu.memory_space<vmem>>, vector<16xi32>,
      %bitcast3A_543 = vector.bitcast %get3A_542 : vector<16xi32> to vector<32xbf16>
      %unpack3A_544 = tpu.unpack_subelements %bitcast3A_543, 0 {pack_format = #tpu.pack_format<interleaved>} : vector<32xbf16> -> vector<16xf32>
      %unpack3A_545 = tpu.unpack_subelements %bitcast3A_543, 1 {pack_format = #tpu.pack_format<interleaved>} : vector<32xbf16> -> vector<16xf32>
      %mul3A_546 = arith.mulf %get3A_418, %unpack3A_526 : vector<16xf32>
      %mul3A_547 = arith.mulf %get3A_423, %unpack3A_532 : vector<16xf32>
      %add3A_548 = arith.addf %mul3A_546, %mul3A_547 : vector<16xf32>
      %mul3A_549 = arith.mulf %get3A_428, %unpack3A_538 : vector<16xf32>
      %add3A_550 = arith.addf %add3A_548, %mul3A_549 : vector<16xf32>
      %mul3A_551 = arith.mulf %get3A_433, %unpack3A_544 : vector<16xf32>
      %add3A_552 = arith.addf %add3A_550, %mul3A_551 : vector<16xf32>
      %mul3A_553 = arith.mulf %get3A_418, %unpack3A_527 : vector<16xf32>
      %mul3A_554 = arith.mulf %get3A_423, %unpack3A_533 : vector<16xf32>
      %add3A_555 = arith.addf %mul3A_553, %mul3A_554 : vector<16xf32>
      %mul3A_556 = arith.mulf %get3A_428, %unpack3A_539 : vector<16xf32>
      %add3A_557 = arith.addf %add3A_555, %mul3A_556 : vector<16xf32>
      %mul3A_558 = arith.mulf %get3A_433, %unpack3A_545 : vector<16xf32>
      %add3A_559 = arith.addf %add3A_557, %mul3A_558 : vector<16xf32>
      %swap3A_560 = arith.index_cast %scan3A_373 : i32 to index
      %swap3A_561 = arith.constant 64 : index
      %swap3A_562 = tpu.vector_load %arg21[%swap3A_560, %swap3A_561] {strides = array<i32>} : memref<40x128xf32, #tpu.memory_space<vmem>>, vector<16xf32>,
      tpu.vector_store %arg21[%swap3A_560, %swap3A_561], %add3A_552 {strides = array<i32>} : memref<40x128xf32, #tpu.memory_space<vmem>>, vector<16xf32>,
      %swap3A_563 = arith.index_cast %scan3A_373 : i32 to index
      %swap3A_564 = arith.constant 80 : index
      %swap3A_565 = tpu.vector_load %arg21[%swap3A_563, %swap3A_564] {strides = array<i32>} : memref<40x128xf32, #tpu.memory_space<vmem>>, vector<16xf32>,
      tpu.vector_store %arg21[%swap3A_563, %swap3A_564], %add3A_559 {strides = array<i32>} : memref<40x128xf32, #tpu.memory_space<vmem>>, vector<16xf32>,
      %get3A_566 = arith.index_cast %scan3A_373 : i32 to index
      %get3A_567 = arith.constant 48 : index
      %get3A_568 = tpu.vector_load %arg19[%get3A_566, %get3A_567] {strides = array<i32>} : memref<40x256xi32, #tpu.memory_space<vmem>>, vector<16xi32>,
      %bitcast3A_569 = vector.bitcast %get3A_568 : vector<16xi32> to vector<32xbf16>
      %unpack3A_570 = tpu.unpack_subelements %bitcast3A_569, 0 {pack_format = #tpu.pack_format<interleaved>} : vector<32xbf16> -> vector<16xf32>
      %unpack3A_571 = tpu.unpack_subelements %bitcast3A_569, 1 {pack_format = #tpu.pack_format<interleaved>} : vector<32xbf16> -> vector<16xf32>
      %get3A_572 = arith.index_cast %scan3A_373 : i32 to index
      %get3A_573 = arith.constant 112 : index
      %get3A_574 = tpu.vector_load %arg19[%get3A_572, %get3A_573] {strides = array<i32>} : memref<40x256xi32, #tpu.memory_space<vmem>>, vector<16xi32>,
      %bitcast3A_575 = vector.bitcast %get3A_574 : vector<16xi32> to vector<32xbf16>
      %unpack3A_576 = tpu.unpack_subelements %bitcast3A_575, 0 {pack_format = #tpu.pack_format<interleaved>} : vector<32xbf16> -> vector<16xf32>
      %unpack3A_577 = tpu.unpack_subelements %bitcast3A_575, 1 {pack_format = #tpu.pack_format<interleaved>} : vector<32xbf16> -> vector<16xf32>
      %get3A_578 = arith.index_cast %scan3A_373 : i32 to index
      %get3A_579 = arith.constant 176 : index
      %get3A_580 = tpu.vector_load %arg19[%get3A_578, %get3A_579] {strides = array<i32>} : memref<40x256xi32, #tpu.memory_space<vmem>>, vector<16xi32>,
      %bitcast3A_581 = vector.bitcast %get3A_580 : vector<16xi32> to vector<32xbf16>
      %unpack3A_582 = tpu.unpack_subelements %bitcast3A_581, 0 {pack_format = #tpu.pack_format<interleaved>} : vector<32xbf16> -> vector<16xf32>
      %unpack3A_583 = tpu.unpack_subelements %bitcast3A_581, 1 {pack_format = #tpu.pack_format<interleaved>} : vector<32xbf16> -> vector<16xf32>
      %get3A_584 = arith.index_cast %scan3A_373 : i32 to index
      %get3A_585 = arith.constant 240 : index
      %get3A_586 = tpu.vector_load %arg19[%get3A_584, %get3A_585] {strides = array<i32>} : memref<40x256xi32, #tpu.memory_space<vmem>>, vector<16xi32>,
      %bitcast3A_587 = vector.bitcast %get3A_586 : vector<16xi32> to vector<32xbf16>
      %unpack3A_588 = tpu.unpack_subelements %bitcast3A_587, 0 {pack_format = #tpu.pack_format<interleaved>} : vector<32xbf16> -> vector<16xf32>
      %unpack3A_589 = tpu.unpack_subelements %bitcast3A_587, 1 {pack_format = #tpu.pack_format<interleaved>} : vector<32xbf16> -> vector<16xf32>
      %mul3A_590 = arith.mulf %get3A_418, %unpack3A_570 : vector<16xf32>
      %mul3A_591 = arith.mulf %get3A_423, %unpack3A_576 : vector<16xf32>
      %add3A_592 = arith.addf %mul3A_590, %mul3A_591 : vector<16xf32>
      %mul3A_593 = arith.mulf %get3A_428, %unpack3A_582 : vector<16xf32>
      %add3A_594 = arith.addf %add3A_592, %mul3A_593 : vector<16xf32>
      %mul3A_595 = arith.mulf %get3A_433, %unpack3A_588 : vector<16xf32>
      %add3A_596 = arith.addf %add3A_594, %mul3A_595 : vector<16xf32>
      %mul3A_597 = arith.mulf %get3A_418, %unpack3A_571 : vector<16xf32>
      %mul3A_598 = arith.mulf %get3A_423, %unpack3A_577 : vector<16xf32>
      %add3A_599 = arith.addf %mul3A_597, %mul3A_598 : vector<16xf32>
      %mul3A_600 = arith.mulf %get3A_428, %unpack3A_583 : vector<16xf32>
      %add3A_601 = arith.addf %add3A_599, %mul3A_600 : vector<16xf32>
      %mul3A_602 = arith.mulf %get3A_433, %unpack3A_589 : vector<16xf32>
      %add3A_603 = arith.addf %add3A_601, %mul3A_602 : vector<16xf32>
      %swap3A_604 = arith.index_cast %scan3A_373 : i32 to index
      %swap3A_605 = arith.constant 96 : index
      %swap3A_606 = tpu.vector_load %arg21[%swap3A_604, %swap3A_605] {strides = array<i32>} : memref<40x128xf32, #tpu.memory_space<vmem>>, vector<16xf32>,
      tpu.vector_store %arg21[%swap3A_604, %swap3A_605], %add3A_596 {strides = array<i32>} : memref<40x128xf32, #tpu.memory_space<vmem>>, vector<16xf32>,
      %swap3A_607 = arith.index_cast %scan3A_373 : i32 to index
      %swap3A_608 = arith.constant 112 : index
      %swap3A_609 = tpu.vector_load %arg21[%swap3A_607, %swap3A_608] {strides = array<i32>} : memref<40x128xf32, #tpu.memory_space<vmem>>, vector<16xf32>,
      tpu.vector_store %arg21[%swap3A_607, %swap3A_608], %add3A_603 {strides = array<i32>} : memref<40x128xf32, #tpu.memory_space<vmem>>, vector<16xf32>,
    }
    %scan3A_133 = arith.constant 40 : i32
    %dma_start3A_134 = arith.constant 0 : i32
    %dma_start3A_135 = arith.constant 0 : i32
    %dma_start3A_136 = tpu.memref_slice %arg22[%dma_start3A_134, %dma_start3A_135] : memref<10112x128xf32, #tpu.memory_space<vmem_shared>> -> memref<10112x128xf32, #tpu.memory_space<vmem_shared>>
    tpu.enqueue_indirect_dma source(%arg21 : memref<40x128xf32, #tpu.memory_space<vmem>>) target(%dma_start3A_136 : memref<10112x128xf32, #tpu.memory_space<vmem_shared>>) offsets(%arg13 : memref<40xi32, #tpu.memory_space<vmem>>) semaphore(%arg36 : memref<!tpu.dma_semaphore, #tpu.memory_space<semaphore_mem>>) {add = true}
    %dma_wait3A_137 = arith.constant 0 : i32
    %dma_wait3A_138 = arith.constant 0 : i32
    %dma_wait3A_139 = tpu.memref_slice %arg22[%dma_wait3A_137, %dma_wait3A_138] : memref<10112x128xf32, #tpu.memory_space<vmem_shared>> -> memref<10112x128xf32, #tpu.memory_space<vmem_shared>>
    tpu.wait_indirect_dma semaphore(%arg35 : memref<!tpu.dma_semaphore, #tpu.memory_space<semaphore_mem>>) src(%arg20 : memref<40x128xf32, #tpu.memory_space<vmem>>) dst(%dma_wait3A_139 : memref<10112x128xf32, #tpu.memory_space<vmem_shared>>)
    %dma_wait3A_140 = arith.constant 0 : i32
    %dma_wait3A_141 = arith.constant 0 : i32
    %dma_wait3A_142 = tpu.memref_slice %arg22[%dma_wait3A_140, %dma_wait3A_141] : memref<10112x128xf32, #tpu.memory_space<vmem_shared>> -> memref<10112x128xf32, #tpu.memory_space<vmem_shared>>
    tpu.wait_indirect_dma semaphore(%arg36 : memref<!tpu.dma_semaphore, #tpu.memory_space<semaphore_mem>>) src(%arg21 : memref<40x128xf32, #tpu.memory_space<vmem>>) dst(%dma_wait3A_142 : memref<10112x128xf32, #tpu.memory_space<vmem_shared>>)
    %barrier3A_143 = arith.constant 0 : index
    tpu.barrier barrier_id(%barrier3A_143)
    %mul3A_144 = arith.constant 632 : i32
    %mul3A_145 = arith.muli %arg1, %mul3A_144 : i32
    %mul3A_146 = arith.constant 632 : i32
    %mul3A_147 = arith.muli %arg1, %mul3A_146 : i32
    "tpu.region"() ({
      %run_scoped3A = tpu.sem_alloc : memref<!tpu.dma_semaphore, #tpu.memory_space<semaphore_mem>>
      %dma_start3A_148 = arith.constant 0 : i32
      %dma_start3A_149 = tpu.memref_slice %arg7[%arg0, %mul3A_147, %dma_start3A_148] : memref<2x10112x128xf32, #tpu.memory_space<hbm>> -> memref<1x632x128xf32, #tpu.memory_space<hbm>>
      %dma_start3A_150 = tpu.memref_squeeze %dma_start3A_149 : memref<1x632x128xf32, #tpu.memory_space<hbm>> -> memref<632x128xf32, #tpu.memory_space<hbm>>
      %dma_start3A_151 = arith.constant 0 : i32
      %dma_start3A_152 = tpu.memref_slice %arg22[%mul3A_145, %dma_start3A_151] : memref<10112x128xf32, #tpu.memory_space<vmem_shared>> -> memref<632x128xf32, #tpu.memory_space<vmem_shared>>
      tpu.enqueue_dma source(%dma_start3A_152 : memref<632x128xf32, #tpu.memory_space<vmem_shared>>) target(%dma_start3A_150 : memref<632x128xf32, #tpu.memory_space<hbm>>) target_semaphore(%run_scoped3A : memref<!tpu.dma_semaphore, #tpu.memory_space<semaphore_mem>>)
      %dma_wait3A_153 = arith.constant 0 : i32
      %dma_wait3A_154 = tpu.memref_slice %arg7[%arg0, %mul3A_147, %dma_wait3A_153] : memref<2x10112x128xf32, #tpu.memory_space<hbm>> -> memref<1x632x128xf32, #tpu.memory_space<hbm>>
      %dma_wait3A_155 = tpu.memref_squeeze %dma_wait3A_154 : memref<1x632x128xf32, #tpu.memory_space<hbm>> -> memref<632x128xf32, #tpu.memory_space<hbm>>
      %dma_wait3A_156 = arith.constant 0 : i32
      %dma_wait3A_157 = tpu.memref_slice %arg22[%mul3A_145, %dma_wait3A_156] : memref<10112x128xf32, #tpu.memory_space<vmem_shared>> -> memref<632x128xf32, #tpu.memory_space<vmem_shared>>
      tpu.wait_dma2 semaphore(%run_scoped3A : memref<!tpu.dma_semaphore, #tpu.memory_space<semaphore_mem>>) src(%dma_wait3A_157 : memref<632x128xf32, #tpu.memory_space<vmem_shared>>) dst(%dma_wait3A_155 : memref<632x128xf32, #tpu.memory_space<hbm>>)
      tpu.yield
    }) : () -> ()
    return
  }
}

module attributes {stable_mosaic.version = 14 : i64} {
  func.func @_edge_mlp_body(%arg0: i32, %arg1: memref<4000x32xf32, #tpu.memory_space<vmem>>, %arg2: memref<32x192xf32, #tpu.memory_space<vmem>>, %arg3: memref<128x128xf32, #tpu.memory_space<vmem>>, %arg4: memref<4000x128xf32, #tpu.memory_space<vmem>>) attributes {dimension_semantics = [#tpu.dimension_semantics<arbitrary>], iteration_bounds = array<i64: 40>, scalar_prefetch = 0 : i64, scratch_operands = 0 : i64, tpu.core_type = #tpu.core_type<tc>, window_params = [{transform_indices = @transform_0, window_bounds = array<i64: 4000, 32>}, {pipeline_mode = #tpu.pipeline_mode<synchronous>, transform_indices = @transform_1, window_bounds = array<i64: 32, 192>}, {pipeline_mode = #tpu.pipeline_mode<synchronous>, transform_indices = @transform_2, window_bounds = array<i64: 128, 128>}, {transform_indices = @transform_3, window_bounds = array<i64: 4000, 128>}]} {
    %get3A = arith.constant 0 : index
    %get3A_0 = arith.constant 0 : index
    %get3A_1 = vector.load %arg1[%get3A, %get3A_0] : memref<4000x32xf32, #tpu.memory_space<vmem>>, vector<4000x32xf32>
    %get3A_2 = arith.constant 0 : index
    %get3A_3 = arith.constant 0 : index
    %get3A_4 = vector.load %arg2[%get3A_2, %get3A_3] : memref<32x192xf32, #tpu.memory_space<vmem>>, vector<32x192xf32>
    %dot_general3A = arith.constant dense<0.000000e+00> : vector<4000x192xf32>
    %dot_general3A_5 = tpu.matmul %get3A_1, %get3A_4, %dot_general3A {dimension_numbers = #tpu.dot_dimension_numbers<[1], [0], [0], [1], [0, 0, 1, 1], [], []>, transpose_lhs_hint = false} : vector<4000x32xf32>, vector<32x192xf32>, vector<4000x192xf32> -> vector<4000x192xf32>
    %slice3A = vector.extract_strided_slice %dot_general3A_5 {offsets = [0, 0], sizes = [4000, 32], strides = [1, 1]} : vector<4000x192xf32> to vector<4000x32xf32>
    %max3A = arith.constant 0.000000e+00 : f32
    %max3A_6 = vector.broadcast %max3A : f32 to vector<4000x32xf32>
    %max3A_7 = arith.maximumf %slice3A, %max3A_6 : vector<4000x32xf32>
    %slice3A_8 = vector.extract_strided_slice %dot_general3A_5 {offsets = [0, 32], sizes = [4000, 32], strides = [1, 1]} : vector<4000x192xf32> to vector<4000x32xf32>
    %tanh3A = math.tanh %slice3A_8 : vector<4000x32xf32>
    %slice3A_9 = vector.extract_strided_slice %dot_general3A_5 {offsets = [0, 64], sizes = [4000, 32], strides = [1, 1]} : vector<4000x192xf32> to vector<4000x32xf32>
    %tanh3A_10 = math.tanh %slice3A_9 : vector<4000x32xf32>
    %mul3A = arith.mulf %tanh3A, %tanh3A_10 : vector<4000x32xf32>
    %slice3A_11 = vector.extract_strided_slice %dot_general3A_5 {offsets = [0, 96], sizes = [4000, 32], strides = [1, 1]} : vector<4000x192xf32> to vector<4000x32xf32>
    %max3A_12 = arith.constant 0.000000e+00 : f32
    %max3A_13 = vector.broadcast %max3A_12 : f32 to vector<4000x32xf32>
    %max3A_14 = arith.maximumf %slice3A_11, %max3A_13 : vector<4000x32xf32>
    %slice3A_15 = vector.extract_strided_slice %dot_general3A_5 {offsets = [0, 128], sizes = [4000, 32], strides = [1, 1]} : vector<4000x192xf32> to vector<4000x32xf32>
    %tanh3A_16 = math.tanh %slice3A_15 : vector<4000x32xf32>
    %slice3A_17 = vector.extract_strided_slice %dot_general3A_5 {offsets = [0, 160], sizes = [4000, 32], strides = [1, 1]} : vector<4000x192xf32> to vector<4000x32xf32>
    %tanh3A_18 = math.tanh %slice3A_17 : vector<4000x32xf32>
    %mul3A_19 = arith.mulf %tanh3A_16, %tanh3A_18 : vector<4000x32xf32>
    %concatenate3A = tpu.concatenate %max3A_7, %mul3A, %max3A_14, %mul3A_19 in 1 : vector<4000x32xf32>, vector<4000x32xf32>, vector<4000x32xf32>, vector<4000x32xf32> -> vector<4000x128xf32>
    %get3A_20 = arith.constant 0 : index
    %get3A_21 = arith.constant 0 : index
    %get3A_22 = vector.load %arg3[%get3A_20, %get3A_21] : memref<128x128xf32, #tpu.memory_space<vmem>>, vector<128x128xf32>
    %dot_general3A_23 = arith.constant dense<0.000000e+00> : vector<4000x128xf32>
    %dot_general3A_24 = tpu.matmul %concatenate3A, %get3A_22, %dot_general3A_23 {dimension_numbers = #tpu.dot_dimension_numbers<[1], [0], [0], [1], [0, 0, 1, 1], [], []>, transpose_lhs_hint = false} : vector<4000x128xf32>, vector<128x128xf32>, vector<4000x128xf32> -> vector<4000x128xf32>
    %max3A_25 = arith.constant 0.000000e+00 : f32
    %max3A_26 = vector.broadcast %max3A_25 : f32 to vector<4000x128xf32>
    %max3A_27 = arith.maximumf %dot_general3A_24, %max3A_26 : vector<4000x128xf32>
    %swap3A = arith.constant 0 : index
    %swap3A_28 = arith.constant 0 : index
    %swap3A_29 = vector.load %arg4[%swap3A, %swap3A_28] : memref<4000x128xf32, #tpu.memory_space<vmem>>, vector<4000x128xf32>
    tpu.vector_store %arg4[%swap3A, %swap3A_28], %max3A_27 {strides = array<i32>} : memref<4000x128xf32, #tpu.memory_space<vmem>>, vector<4000x128xf32>,
    return
  }
  func.func @transform_0(%arg0: i32) -> (i32, i32) {
    %c0_i32 = arith.constant 0 : i32
    %c0_i32_0 = arith.constant 0 : i32
    return %arg0, %c0_i32 : i32, i32
  }
  func.func @transform_1(%arg0: i32) -> (i32, i32) {
    %c0_i32 = arith.constant 0 : i32
    %c0_i32_0 = arith.constant 0 : i32
    %c0_i32_1 = arith.constant 0 : i32
    return %c0_i32, %c0_i32_0 : i32, i32
  }
  func.func @transform_2(%arg0: i32) -> (i32, i32) {
    %c0_i32 = arith.constant 0 : i32
    %c0_i32_0 = arith.constant 0 : i32
    %c0_i32_1 = arith.constant 0 : i32
    return %c0_i32, %c0_i32_0 : i32, i32
  }
  func.func @transform_3(%arg0: i32) -> (i32, i32) {
    %c0_i32 = arith.constant 0 : i32
    %c0_i32_0 = arith.constant 0 : i32
    return %arg0, %c0_i32 : i32, i32
  }
}

module attributes {stable_mosaic.version = 14 : i64} {
  func.func @_zmm_body(%arg0: i32, %arg1: memref<2000x128xf32, #tpu.memory_space<vmem>>, %arg2: memref<128x512xf32, #tpu.memory_space<vmem>>, %arg3: memref<2000x256xi32, #tpu.memory_space<vmem>>) attributes {dimension_semantics = [#tpu.dimension_semantics<arbitrary>], iteration_bounds = array<i64: 5>, scalar_prefetch = 0 : i64, scratch_operands = 0 : i64, tpu.core_type = #tpu.core_type<tc>, window_params = [{transform_indices = @transform_0, window_bounds = array<i64: 2000, 128>}, {pipeline_mode = #tpu.pipeline_mode<synchronous>, transform_indices = @transform_1, window_bounds = array<i64: 128, 512>}, {transform_indices = @transform_2, window_bounds = array<i64: 2000, 256>}]} {
    %get3A = arith.constant 0 : index
    %get3A_0 = arith.constant 0 : index
    %get3A_1 = vector.load %arg1[%get3A, %get3A_0] : memref<2000x128xf32, #tpu.memory_space<vmem>>, vector<2000x128xf32>
    %get3A_2 = arith.constant 0 : index
    %get3A_3 = arith.constant 0 : index
    %get3A_4 = vector.load %arg2[%get3A_2, %get3A_3] : memref<128x512xf32, #tpu.memory_space<vmem>>, vector<128x512xf32>
    %dot_general3A = arith.constant dense<0.000000e+00> : vector<2000x512xf32>
    %dot_general3A_5 = tpu.matmul %get3A_1, %get3A_4, %dot_general3A {dimension_numbers = #tpu.dot_dimension_numbers<[1], [0], [0], [1], [0, 0, 1, 1], [], []>, transpose_lhs_hint = false} : vector<2000x128xf32>, vector<128x512xf32>, vector<2000x512xf32> -> vector<2000x512xf32>
    %slice3A = vector.extract_strided_slice %dot_general3A_5 {offsets = [0, 0], sizes = [2000, 256], strides = [1, 1]} : vector<2000x512xf32> to vector<2000x256xf32>
    %convert_element_type3A = arith.truncf %slice3A : vector<2000x256xf32> to vector<2000x256xbf16>
    %bitcast_convert_type3A = tpu.bitcast %convert_element_type3A : vector<2000x256xbf16> -> vector<2000x256xi16>
    %convert_element_type3A_6 = arith.extui %bitcast_convert_type3A : vector<2000x256xi16> to vector<2000x256xi32>
    %slice3A_7 = vector.extract_strided_slice %dot_general3A_5 {offsets = [0, 256], sizes = [2000, 256], strides = [1, 1]} : vector<2000x512xf32> to vector<2000x256xf32>
    %convert_element_type3A_8 = arith.truncf %slice3A_7 : vector<2000x256xf32> to vector<2000x256xbf16>
    %bitcast_convert_type3A_9 = tpu.bitcast %convert_element_type3A_8 : vector<2000x256xbf16> -> vector<2000x256xi16>
    %convert_element_type3A_10 = arith.extui %bitcast_convert_type3A_9 : vector<2000x256xi16> to vector<2000x256xi32>
    %shift_left3A = arith.constant 16 : i32
    %shift_left3A_11 = vector.broadcast %shift_left3A : i32 to vector<2000x256xi32>
    %shift_left3A_12 = arith.shli %convert_element_type3A_10, %shift_left3A_11 : vector<2000x256xi32>
    %or3A = arith.ori %convert_element_type3A_6, %shift_left3A_12 : vector<2000x256xi32>
    %swap3A = arith.constant 0 : index
    %swap3A_13 = arith.constant 0 : index
    %swap3A_14 = vector.load %arg3[%swap3A, %swap3A_13] : memref<2000x256xi32, #tpu.memory_space<vmem>>, vector<2000x256xi32>
    tpu.vector_store %arg3[%swap3A, %swap3A_13], %or3A {strides = array<i32>} : memref<2000x256xi32, #tpu.memory_space<vmem>>, vector<2000x256xi32>,
    return
  }
  func.func @transform_0(%arg0: i32) -> (i32, i32) {
    %c0_i32 = arith.constant 0 : i32
    %c0_i32_0 = arith.constant 0 : i32
    return %arg0, %c0_i32 : i32, i32
  }
  func.func @transform_1(%arg0: i32) -> (i32, i32) {
    %c0_i32 = arith.constant 0 : i32
    %c0_i32_0 = arith.constant 0 : i32
    %c0_i32_1 = arith.constant 0 : i32
    return %c0_i32, %c0_i32_0 : i32, i32
  }
  func.func @transform_2(%arg0: i32) -> (i32, i32) {
    %c0_i32 = arith.constant 0 : i32
    %c0_i32_0 = arith.constant 0 : i32
    return %arg0, %c0_i32 : i32, i32
  }
}

module attributes {stable_mosaic.version = 14 : i64} {
  func.func @_final_body(%arg0: i32, %arg1: memref<2x2000x128xf32, #tpu.memory_space<vmem>>, %arg2: memref<1x128xf32, #tpu.memory_space<vmem>>, %arg3: memref<2000x128xf32, #tpu.memory_space<vmem>>) attributes {dimension_semantics = [#tpu.dimension_semantics<arbitrary>], iteration_bounds = array<i64: 5>, scalar_prefetch = 0 : i64, scratch_operands = 0 : i64, tpu.core_type = #tpu.core_type<tc>, window_params = [{transform_indices = @transform_0, window_bounds = array<i64: 2, 2000, 128>}, {pipeline_mode = #tpu.pipeline_mode<synchronous>, transform_indices = @transform_1, window_bounds = array<i64: 1, 128>}, {transform_indices = @transform_2, window_bounds = array<i64: 2000, 128>}]} {
    %get3A = arith.constant 0 : index
    %get3A_0 = arith.constant 0 : index
    %get3A_1 = arith.constant 0 : index
    %get3A_2 = vector.load %arg1[%get3A, %get3A_0, %get3A_1] : memref<2x2000x128xf32, #tpu.memory_space<vmem>>, vector<1x2000x128xf32>
    %get3A_3 = vector.shape_cast %get3A_2 : vector<1x2000x128xf32> to vector<2000x128xf32>
    %get3A_4 = arith.constant 1 : index
    %get3A_5 = arith.constant 0 : index
    %get3A_6 = arith.constant 0 : index
    %get3A_7 = vector.load %arg1[%get3A_4, %get3A_5, %get3A_6] : memref<2x2000x128xf32, #tpu.memory_space<vmem>>, vector<1x2000x128xf32>
    %get3A_8 = vector.shape_cast %get3A_7 : vector<1x2000x128xf32> to vector<2000x128xf32>
    %add3A = arith.addf %get3A_3, %get3A_8 : vector<2000x128xf32>
    %get3A_9 = arith.constant 0 : index
    %get3A_10 = arith.constant 0 : index
    %get3A_11 = vector.load %arg2[%get3A_9, %get3A_10] : memref<1x128xf32, #tpu.memory_space<vmem>>, vector<1x128xf32>
    %add3A_12 = vector.broadcast %get3A_11 : vector<1x128xf32> to vector<2000x128xf32>
    %add3A_13 = arith.addf %add3A, %add3A_12 : vector<2000x128xf32>
    %max3A = arith.constant 0.000000e+00 : f32
    %max3A_14 = vector.broadcast %max3A : f32 to vector<2000x128xf32>
    %max3A_15 = arith.maximumf %add3A_13, %max3A_14 : vector<2000x128xf32>
    %swap3A = arith.constant 0 : index
    %swap3A_16 = arith.constant 0 : index
    %swap3A_17 = vector.load %arg3[%swap3A, %swap3A_16] : memref<2000x128xf32, #tpu.memory_space<vmem>>, vector<2000x128xf32>
    tpu.vector_store %arg3[%swap3A, %swap3A_16], %max3A_15 {strides = array<i32>} : memref<2000x128xf32, #tpu.memory_space<vmem>>, vector<2000x128xf32>,
    return
  }
  func.func @transform_0(%arg0: i32) -> (i32, i32, i32) {
    %c0_i32 = arith.constant 0 : i32
    %c0_i32_0 = arith.constant 0 : i32
    %c0_i32_1 = arith.constant 0 : i32
    return %c0_i32, %arg0, %c0_i32_0 : i32, i32, i32
  }
  func.func @transform_1(%arg0: i32) -> (i32, i32) {
    %c0_i32 = arith.constant 0 : i32
    %c0_i32_0 = arith.constant 0 : i32
    %c0_i32_1 = arith.constant 0 : i32
    return %c0_i32, %c0_i32_0 : i32, i32
  }
  func.func @transform_2(%arg0: i32) -> (i32, i32) {
    %c0_i32 = arith.constant 0 : i32
    %c0_i32_0 = arith.constant 0 : i32
    return %arg0, %c0_i32 : i32, i32
  }
}

</mosaic_0001>

<sc_bundles>
// kernel: kernel.6.cloned.1.call-start
scs
__scs_entry_jumppad:
0x0: {  	(pc) =	sbr.rel $0x88, $3  }
0x1: {  	(tag) =	ssettag $0x0;
	lr =	simm.s32 $0x1  }
0x2: {  	[smem:$0x3F98] =	sst lr;
	_ =	strace $0xD0000000  }
0x3: {  	_ = 	snop  }
0x4: {  	_ = 	snop  }
0x5: {  	_ = 	snop  }
0x6: {  	_ = 	snop  }
0x7: {  	_ = 	snop  }
__scs_overlays_trampoline_lowered:
0x8: {  	[smem:$0x3FA7] =	sst s0  }
0x9: {  	[smem:$0x3FA8] =	sst s1  }
0xa: {  	[smem:$0x3FA9] =	sst s2  }
0xb: {  	[smem:$0x3FAA] =	sst s3  }
0xc: {  	[smem:$0x3FAB] =	sst s4  }
0xd: {  	[smem:$0x3FAC] =	sst s5  }
0xe: {  	[smem:$0x3FAD] =	sst s6  }
0xf: {  	[smem:$0x3FAE] =	sst s7  }
0x10: {  	[smem:$0x3FAF] =	sst s8  }
0x11: {  	[smem:$0x3FB0] =	sst s9;
	s0 =	simm.s32 @!p0 $0x0  }
0x12: {  	s1 =	sld [smem:$0x3F96];
	s0 =	simm.s32 @p0 $0x1  }
0x13: {  	[smem:$0x3FB1] =	sst s0;
	s0 =	simm.s32 @!p1 $0x0  }
0x14: {  	s2 =	sld [smem:$0x3F95];
	s0 =	simm.s32 @p1 $0x1  }
0x15: {  	[smem:$0x3FB2] =	sst s0;
	s0 =	simm.s32 @!p2 $0x0  }
0x16: {  	s3 =	sld [smem:$0x3FDB];
	s0 =	simm.s32 @p2 $0x1  }
0x17: {  	s4 =	simm.s32 $0x1BF5;
	[smem:$0x3FB4] =	sst s0  }
0x18: {  	s0 =	sld [smem:$0x3F97];
	_ =	swait.ge [sflag:s4], $0x0  }
0x19: {  	s7 =	sld [smem:$0x3F98]  }
0x1a: {  	s8 =	sadd.s32 $0xFFFFE003, lr  }
0x1b: {  	s9 =	sadd.s32 $0xFFFFFEF7, lr;
	s5 =	simm.s32 $0xFFFFFFFF;
	p2 =	slt.u32 s8, $0xFFFFF086  }
0x1c: {  	p1 =	slt.u32 s9, $0xF7A;
	s5 =	simm.s32 @!p2 $0x0  }
0x1d: {  	s5 =	simm.s32 @p1 $0x1;
	p0 =	seq.s32 s7, s2  }
0x1e: {  	s7 =	smul.u32 @!p0 $0xF7A, s2;
	p2 =	seq.s32 @!p0 s5, $0x0  }
0x1f: {  	s9 =	smul.u32 $0xF7A, s1;
	s8 =	simm.s32 @!p0 $0x1BF5;
	p2 =	por !p2, p0  }
0x20: {  	[sflag:s8] =	ssyncset.s32 @!p0 $0xFFFFF086;
	s6 =	sadd.s32 @!p0 s3, s7;
	s7 =	simm.s32 @!p0 $0x108  }
0x21: {  	s3 =	sadd.s32 s3, s9;
	s6 =	sadd.s32 @!p0 $0x88, s6;
	s7 =	simm.s32 @p2 $0x1082  }
0x22: {  	[simem:s7], [sflag:s8] =	dma.local @!p0 [hbm:s6], $0xF7A  }
0x23: {  	s9 =	sor.u32 $0xD0000000, s2;
	s6 =	simm.s32 $0x108;
	_ =	swait.ge @!p0 [sflag:s8], $0x0  }
0x24: {  	s3 =	sadd.s32 $0x88, s3;
	s6 =	simm.s32 @!p1 $0x1082;
	[sflag:s4] =	ssyncset.s32 $0xFFFFF086  }
0x25: {  	[simem:s6], [sflag:s4] =	dma.local [hbm:s3], $0xF7A  }
0x26: {  	[smem:$0x3F98] =	sst s1;
	(tag) =	ssettag s2;
	_ =	strace s9  }
0x27: {  	s1 =	sld [smem:$0x3FA8]  }
0x28: {  	s2 =	sld [smem:$0x3FA9]  }
0x29: {  	s4 =	sld [smem:$0x3FAB]  }
0x2a: {  	p0 =	seq.s32 s5, $0x0;
	s5 =	sld [smem:$0x3FAC]  }
0x2b: {  	s6 =	sld [smem:$0x3FAD]  }
0x2c: {  	s7 =	sld [smem:$0x3FAE]  }
0x2d: {  	s3 =	simm.s32 $0x108;
	s8 =	sld [smem:$0x3FAF]  }
0x2e: {  	s3 =	simm.s32 @!p0 $0x1082;
	s9 =	sld [smem:$0x3FB0]  }
0x2f: {  	lr =	sadd.s32 s0, s3;
	s0 =	sld [smem:$0x3FA7]  }
0x30: {  	s3 =	sld [smem:$0x3FAA]  }
0x31: {  	[smem:$0x3FB3] =	sst s10  }
0x32: {  	s10 =	sld [smem:$0x3FB1];
	_ =	sdelay $0x3  }
0x33: {  	p0 =	seq.s32 s10, $0x1;
	s10 =	sld [smem:$0x3FB3];
	_ =	sdelay $0x3  }
0x34: {  	[smem:$0x3FB3] =	sst s10  }
0x35: {  	s10 =	sld [smem:$0x3FB2];
	_ =	sdelay $0x3  }
0x36: {  	p1 =	seq.s32 s10, $0x1;
	s10 =	sld [smem:$0x3FB3];
	_ =	sdelay $0x3  }
0x37: {  	[smem:$0x3FB3] =	sst s10  }
0x38: {  	s10 =	sld [smem:$0x3FB4]  }
0x39: {  	_ = 	snop;
	(pc) =	sbr.ind lr, $3  }
0x3a: {  	_ = 	snop  }
0x3b: {  	_ = 	snop  }
0x3c: {  	p2 =	seq.s32 s10, $0x1;
	s10 =	sld [smem:$0x3FB3]  }
0x3d: {  	_ =	shalt  }
0x3e: {  	_ =	shalt  }
0x3f: {  	_ =	shalt  }
0x40: {  	_ =	shalt  }
0x41: {  	_ =	shalt  }
0x42: {  	_ =	shalt  }
0x43: {  	_ =	shalt  }
0x44: {  	_ =	shalt  }
0x45: {  	_ =	shalt  }
0x46: {  	_ =	shalt  }
0x47: {  	_ =	shalt  }
0x48: {  	_ =	shalt  }
0x49: {  	_ =	shalt  }
0x4a: {  	_ =	shalt  }
0x4b: {  	_ =	shalt  }
0x4c: {  	_ =	shalt  }
0x4d: {  	_ =	shalt  }
0x4e: {  	_ =	shalt  }
0x4f: {  	_ =	shalt  }
0x50: {  	_ =	shalt  }
0x51: {  	_ =	shalt  }
0x52: {  	_ =	shalt  }
0x53: {  	_ =	shalt  }
0x54: {  	_ =	shalt  }
0x55: {  	_ =	shalt  }
0x56: {  	_ =	shalt  }
0x57: {  	_ =	shalt  }
0x58: {  	_ =	shalt  }
0x59: {  	_ =	shalt  }
0x5a: {  	_ =	shalt  }
0x5b: {  	_ =	shalt  }
0x5c: {  	_ =	shalt  }
0x5d: {  	_ =	shalt  }
0x5e: {  	_ =	shalt  }
0x5f: {  	_ =	shalt  }
0x60: {  	_ =	shalt  }
0x61: {  	_ =	shalt  }
0x62: {  	_ =	shalt  }
0x63: {  	_ =	shalt  }
0x64: {  	_ =	shalt  }
0x65: {  	_ =	shalt  }
0x66: {  	_ =	shalt  }
0x67: {  	_ =	shalt  }
0x68: {  	_ =	shalt  }
0x69: {  	_ =	shalt  }
0x6a: {  	_ =	shalt  }
0x6b: {  	_ =	shalt  }
0x6c: {  	_ =	shalt  }
0x6d: {  	_ =	shalt  }
0x6e: {  	_ =	shalt  }
0x6f: {  	_ =	shalt  }
0x70: {  	_ =	shalt  }
0x71: {  	_ =	shalt  }
0x72: {  	_ =	shalt  }
0x73: {  	_ =	shalt  }
0x74: {  	_ =	shalt  }
0x75: {  	_ =	shalt  }
0x76: {  	_ =	shalt  }
0x77: {  	_ =	shalt  }
0x78: {  	_ =	shalt  }
0x79: {  	_ =	shalt  }
0x7a: {  	_ =	shalt  }
0x7b: {  	_ =	shalt  }
0x7c: {  	_ =	shalt  }
0x7d: {  	_ =	shalt  }
0x7e: {  	_ =	shalt  }
0x7f: {  	_ =	shalt  }
0x80: {  	_ =	shalt  }
0x81: {  	_ =	shalt  }
0x82: {  	_ =	shalt  }
0x83: {  	_ =	shalt  }
0x84: {  	_ =	shalt  }
0x85: {  	_ =	shalt  }
0x86: {  	_ =	shalt  }
0x87: {  	_ =	shalt  }
.Lfunc_end0:
.L_simem_size_0:
called_computation_lowered:
.L_overlay_start_0:
0x88: {  	s2 =	sld [smem:$0x3FD9]  }
0x89: {  	s3 =	sld [smem:$0x3FFE];
	_ =	sdelay $0x1  }
0x8a: {  	s1 =	srdreg.scid  }
0x8b: {  	s0 =	sand.u32 $0x1, s1  }
0x8c: {  	s17 =	sshll.u32 s0, $0xA;
	s2 =	sadd.s32 s3, s2  }
0x8d: {  	s2 =	sadd.s32 s2, s17  }
0x8e: {  	[smem:$0x3FBF] =	sst s2  }
0x8f: {  	_ = 	snop  }
0x90: {  	s2 =	sld [smem:$0x3FD0];
	(tm) =	ssettm $0x1  }
0x91: {  	s18 =	sld [smem:$0x3FFB];
	_ =	sdelay $0x3  }
0x92: {  	_ =	strace s18  }
0x93: {  	s3 =	sld [smem:$0x3FFC];
	_ =	sdelay $0x3  }
0x94: {  	_ =	strace s3  }
0x95: {  	s3 =	sld [smem:$0x3FFD];
	_ =	sdelay $0x3  }
0x96: {  	_ =	strace s3  }
0x97: {  	_ =	strace $0x8FFFFFFF  }
0x98: {  	s19 =	sld [smem:$0x3FDB];
	_ =	sdelay $0x1  }
0x99: {  	s4 =	simm.s32 $_scs_section_size  }
0x9a: {  	s5 =	simm.s32 $_size__tile_overlayer_lowered;
	s6 =	simm.s32 $_tile_overlayer_lowered  }
0x9b: {  	s22 =	simm.s32 $0x1BFF;
	s21 =	sshll.u32 s6, $0x1;
	s3 =	sadd.s32 s4, s19  }
0x9c: {  	s7 =	simm.s32 $0x0;
	s20 =	sshll.u32 s5, $0x1;
	s5 =	sadd.s32 s21, s3  }
0x9d: {  	[timem:s7], [sflag:s22] =	dma.local [hbm:s5], s20  }
0x9e: {  	_ =	swait.ge [sflag:s22], s20  }
0x9f: {  	s4 =	ssub.s32 $0x0, s20;
	[sflag:s22] =	ssyncset.done $0x0  }
0xa0: {  	[sflag:s22] =	ssyncadd.s32 s4;
	_ =	sdelay $0x1  }
0xa1: {  	s23 =	simm.s32 $0x1B8B  }
0xa2: {  	_ =	swait.ge [sflag:s23], $0x1  }
0xa3: {  	[sflag:s23] =	ssyncset.done $0x0  }
0xa4: {  	s25 =	simm.s32 $0x1B8E;
	s24 =	sld [smem:$0x3FFE];
	[sflag:s23] =	ssyncadd.s32 $0xFFFFFFFF  }
0xa5: {  	s26 =	simm.s32 $execute0_lowered;
	[smem:$0x3FD2] =	sst s25  }
0xa6: {  	s5 =	sshll.u32 s26, $0x1;
	_ =	strace $0x80000046;
	[dreg:$0x1] =	wrdreg $0xFFFFFFFF  }
0xa7: {  	s28 =	simm.s32 $_size_execute0_lowered;
	s3 =	sadd.s32 s3, s5;
	[dreg:$0x0] =	wrdreg $0x0  }
0xa8: {  	s5 =	sshll.u32 s28, $0x1;
	[dreg:$0x2] =	wrdreg s3  }
0xa9: {  	[dreg:$0x3] =	wrdreg s5  }
0xaa: {  	[dreg:$0x4] =	wrdreg $0xC0  }
0xab: {  	_ =	task [dreg:s7], $0x5FFFF  }
0xac: {  	[dreg:$0x1] =	wrdreg $0xFFFFFFFF  }
0xad: {  	[dreg:$0x0] =	wrdreg $0x60  }
0xae: {  	[dreg:$0x2] =	wrdreg s24  }
0xaf: {  	[dreg:$0x3] =	wrdreg s2  }
0xb0: {  	[dreg:$0x4] =	wrdreg $0x94000  }
0xb1: {  	[dreg:$0x5] =	wrdreg $0x9  }
0xb2: {  	_ =	task.clear_ibuf [dreg:s7], $0x6FFFF;
	_ =	strace $0x90000046  }
0xb3: {  	s29 =	simm.s32 $0x9;
	_ =	strace $0x80000048  }
0xb4: {  	_ =	swait.ge [sflag:s29], $0x1  }
0xb5: {  	[sflag:s29] =	ssyncadd.s32 $0xFFFFFFFF  }
0xb6: {  	_ =	strace $0x90000048  }
0xb7: {  	_ =	sfence  }
0xb8: {  	s30 =	sld [smem:$0x0];
	_ =	sdelay $0x2  }
0xb9: {  	s31 =	sshll.u32 s1, $0xD;
	s1 =	sshrl.u32 s1, $0x2  }
0xba: {  	s3 =	sand.u32 $0x4000, s31;
	s1 =	sadd.s32 s1, s30  }
0xbb: {  	s0 =	sor.u32 s3, s0;
	s1 =	sshll.u32 s1, $0x11  }
0xbc: {  	s0 =	sor.u32 s1, s0  }
0xbd: {  	s0 =	sadd.s32 $0x8F2B, s0  }
0xbe: {  	[sflag:s0] =	ssyncadd.remote.s32 $0x1  }
0xbf: {  	_ =	sfence.sel $0xFFFF  }
0xc0: {  	[dreg:$0x0] =	wrdreg $0xFFFFFFFF;
	(pc) =	sbr.abs _section_cstart, $3  }
0xc1: {  	[dreg:$0x1] =	wrdreg $0xFFFFFFFF  }
0xc2: {  	_ =	task.clear_ibuf [dreg:s7], $0x2FFFF;
	_ =	strace $0x9FFFFFFF  }
0xc3: {  	(tm) =	ssettm $0x7FFFFFFF  }
tec
execute0_lowered:
.L_overlay_start_1:
0x0: {  	(tag) =	ssettag $0x1  }
0x1: {  	s0 =	rddreg [dreg:$0x0]  }
0x2: {  	s2 =	rddreg [dreg:$0x1]  }
0x3: {  	s3 =	rddreg [dreg:$0x2];
	s12 =	stileid.u32  }
0x4: {  	s1 =	srdreg.scid;
	s5 =	simm.s32 $0x0;
	s28 =	simm.s32 $0x280  }
0x5: {  	s30 =	simm.s32 $0x1;
	s31 =	simm.s32 $0x300;
	s14 =	simm.s32 $0xC  }
0x6: {  	s29 =	simm.s32 $0x6;
	s4 =	smul.u32 $0x13C00, s12;
	s1 =	sand.u32 $0x1, s1  }
0x7: {  	[smem:$0x7FF] =	sst s5;
	s5 =	sadd.s32 $0xB400, s0;
	s6 =	sadd.s32 $0x1600, s0  }
0x8: {  	s7 =	sadd.s32 $0x272600, s0;
	s16 =	smul.u32 $0x4F000, s12;
	s10 =	sshll.u32 s12, $0x1  }
0x9: {  	s18 =	sshll.u32 s12, $0x6;
	s8 =	smul.u32 $0x13C000, s1;
	_ =	strace $0x80000047  }
0xa: {  	s17 =	ssub.s32 $0x2, s1;
	s1 =	sor.u32 s1, s10;
	s9 =	sshrl.u32 s4, $0x3  }
0xb: {  	s11 =	sshrl.u32 s17, $0x1;
	s10 =	smul.u32 $0x17700, s1;
	s4 =	sadd.s32 s4, s8  }
0xc: {  	s15 =	sadd.s32 s9, s0;
	s9 =	sshrl.u32 s16, $0x2;
	s16 =	sor.u32 $0x1C0F, s18  }
0xd: {  	s4 =	sshrl.u32 s4, $0x3;
	s9 =	sadd.s32 s9, s3;
	s8 =	sadd.s32 $0x59600, s15  }
0xe: {  	s22 =	sadd.s32 s7, s10;
	s10 =	simm.s32 $0x2;
	[dreg:$0x6] =	wrdreg s16  }
0xf: {  	s0 =	sadd.s32 s4, s0;
	[dreg:$0x4] =	wrdreg s9;
	s9 =	smul.u32 $0x2710, s1  }
0x10: {  	s4 =	ssub.s32 s17, s11;
	[dreg:$0x5] =	wrdreg s8;
	s11 =	smul.u32 $0xFA, s1  }
0x11: {  	s15 =	simm.s32 $0x0;
	s1 =	smul.u32 $0xBB800, s1;
	[dreg:$0xb] =	wrdreg s22  }
0x12: {  	s17 =	simm.s32 $0xF;
	s0 =	sadd.s32 $0x80E00, s0;
	s26 =	smax.u32 s4, $0x1  }
0x13: {  	s4 =	simm.s32 $0x5;
	s19 =	sadd.s32 $0x28, s9;
	[dreg:$0x10] =	wrdreg s0  }
0x14: {  	s20 =	sshrl.u32 s9, $0x3;
	s23 =	sor.u32 $0x1, s11;
	[dreg:$0x11] =	wrdreg s26  }
0x15: {  	s1 =	sshrl.u32 s1, $0x3;
	s24 =	sadd.s32 $0xA0, s9;
	[dreg:$0xc] =	wrdreg s23  }
0x16: {  	s25 =	sadd.s32 $0xC8, s9;
	s0 =	simm.s32 $0xD;
	[dreg:$0xd] =	wrdreg s24  }
0x17: {  	s8 =	sshrl.u32 s19, $0x3;
	s13 =	sadd.s32 s6, s20;
	[dreg:$0xe] =	wrdreg s25  }
0x18: {  	s12 =	sadd.s32 s2, s20;
	s1 =	sadd.s32 s7, s1;
	[dreg:$0x7] =	wrdreg s13  }
0x19: {  	s24 =	simm.s32 $0x9;
	s21 =	sadd.s32 s6, s8;
	[dreg:$0x9] =	wrdreg s12  }
0x1a: {  	v2 =	vlaneseq.u32;
	s20 =	simm.s32 $0xA;
	s8 =	sadd.s32 s2, s8;
	[dreg:$0x8] =	wrdreg s21  }
0x1b: {  	vm0 =	vmmov $0xffff;
	v1 =	vshrl.u32 v2, $0x3;
	s1 =	sadd.s32 $0x17580, s1;
	s12 =	simm.s32 $0xB;
	[dreg:$0xa] =	wrdreg s8  }
0x1c: {  	v0 =	vand.u32 $0x7, v2;
	v2 =	vor.u32 $0x8, v2;
	v1 =	vmul.u32 $0x8, v1;
	s13 =	simm.s32 $0x28;
	[dreg:$0xf] =	wrdreg s1;
	s8 =	simm.s32 $0xE  }
.LBB2_1:
0x1d: {  	[dreg:$0x12] =	wrdreg s15  }
0x1e: {  	s1 =	rddreg [dreg:$0x4]  }
0x1f: {  	s21 =	rddreg [dreg:$0x5];
	s19 =	sshrl.u32 s1, $0x3  }
0x20: {  	[dreg:$0x13] =	wrdreg s19  }
0x21: {  	[spmem:s19], [sflag:s16] =	dma.local [hbm:s21], $0x2780  }
0x22: {  	_ =	swait.ge [sflag:s17], $0x2780  }
0x23: {  	[sflag:s17] =	ssyncset.done $0x0  }
0x24: {  	[sflag:s17] =	ssyncadd.s32 $0xFFFFD880  }
0x25: {  	[bflag:$0x0] =	sbarrier.arrive $0xFFFF  }
0x26: {  	s1 =	simm.s32 $0x0;
	s22 =	rddreg [dreg:$0x7]  }
0x27: {  	[tilespmem:s1], [sflag:$0x1] =	stream.linear.gather [hbm4b:s22+s1], $0x28, $0x38;
	[tilespmem:$0x1D000] =	vst v63  }
0x28: {  	s25 =	simm.s32 $0x80;
	s23 =	rddreg [dreg:$0x8]  }
0x29: {  	[tilespmem:s25], [sflag:$0x2] =	stream.linear.gather [hbm4b:s23+s1], $0x28, $0x38;
	[tilespmem:$0x1D000] =	vst v63  }
0x2a: {  	s15 =	simm.s32 $0x200;
	s26 =	rddreg [dreg:$0x9]  }
0x2b: {  	[tilespmem:s15], [sflag:$0x5] =	stream.linear.gather [hbm4b:s26+s1], $0x28, $0x38;
	[tilespmem:$0x1D000] =	vst v63  }
0x2c: {  	s18 =	rddreg [dreg:$0xa]  }
0x2d: {  	[tilespmem:s28], [sflag:$0x6] =	stream.linear.gather [hbm4b:s18+s1], $0x28, $0x38;
	[tilespmem:$0x1D000] =	vst v63  }
0x2e: {  	s21 =	simm.s32 $0x400;
	s19 =	rddreg [dreg:$0xb]  }
0x2f: {  	[tilespmem:s21], [sflag:$0x9] =	stream.linear.gather [hbm4b:s19+s1], $0xA00, $0x38;
	[tilespmem:$0x1D000] =	vst v63  }
0x30: {  	_ =	swait.ge [sflag:s30], $0x28  }
0x31: {  	[sflag:s30] =	ssyncset.done $0x0  }
0x32: {  	[sflag:s30] =	ssyncadd.s32 $0xFFFFFFD8  }
0x33: {  	v3 =	vld [tilespmem:$0x0];
	_ =	sdelay $0x4  }
0x34: {  	v4 =	vshll.u32 v3, $0x1  }
0x35: {  	v3 =	vand.u32 $0x7, v3;
	v4 =	vand.u32 $0xFFFFFFF0, v4  }
0x36: {  	v3 =	vor.u32 v3, v4  }
0x37: {  	v4 =	vperm.xlane v3, v0;
	_ =	sdelay $0x1  }
0x38: {  	v3 =	vperm.xlane v3, v2;
	v4 =	vadd.s32 v1, v4;
	_ =	sdelay $0x1  }
0x39: {  	v3 =	vadd.s32 v1, v3;
	_ =	sdelay $0x1  }
0x3a: {  	s22 =	simm.s32 $0x1C00  }
0x3b: {  	[tilespmem:s22], [sflag:$0xB] =	stream.indirect_vreg.gather [hbm4b:s5+s1], $0x80, v4, vm0, $0xb8;
	[tilespmem:$0x1D000] =	vst v63  }
0x3c: {  	s23 =	simm.s32 $0x2400  }
0x3d: {  	[tilespmem:s23], [sflag:$0xB] =	stream.indirect_vreg.gather [hbm4b:s5+s1], $0x80, v3, vm0, $0xb8;
	[tilespmem:$0x1D000] =	vst v63  }
0x3e: {  	v3 =	vld [tilespmem:$0x10];
	_ =	sdelay $0x4  }
0x3f: {  	v62 =	vshll.u32 v3, $0x1  }
0x40: {  	v3 =	vand.u32 $0x7, v3;
	v4 =	vand.u32 $0xFFFFFFF0, v62  }
0x41: {  	v3 =	vor.u32 v3, v4  }
0x42: {  	v4 =	vperm.xlane v3, v0;
	_ =	sdelay $0x1  }
0x43: {  	v3 =	vperm.xlane v3, v2;
	v4 =	vadd.s32 v1, v4;
	_ =	sdelay $0x1  }
0x44: {  	v3 =	vadd.s32 v1, v3;
	_ =	sdelay $0x1  }
0x45: {  	s25 =	simm.s32 $0x2C00  }
0x46: {  	[tilespmem:s25], [sflag:$0xB] =	stream.indirect_vreg.gather [hbm4b:s5+s1], $0x80, v4, vm0, $0xb8;
	[tilespmem:$0x1D000] =	vst v63  }
0x47: {  	s26 =	simm.s32 $0x3400  }
0x48: {  	[tilespmem:s26], [sflag:$0xB] =	stream.indirect_vreg.gather [hbm4b:s5+s1], $0x80, v3, vm0, $0xb8;
	[tilespmem:$0x1D000] =	vst v63  }
0x49: {  	v3 =	vld.msk [tilespmem:$0x20], $0xff;
	_ =	sdelay $0x4  }
0x4a: {  	v63 =	vshll.u32 v3, $0x1  }
0x4b: {  	v3 =	vand.u32 $0x7, v3;
	v4 =	vand.u32 $0xFFFFFFF0, v63  }
0x4c: {  	v3 =	vor.u32 v3, v4  }
0x4d: {  	v3 =	vperm.xlane v3, v0;
	_ =	sdelay $0x1  }
0x4e: {  	v3 =	vadd.s32 v1, v3;
	_ =	sdelay $0x3  }
0x4f: {  	s16 =	simm.s32 $0x0;
	s28 =	simm.s32 $0x3C00  }
0x50: {  	[tilespmem:s28], [sflag:$0xB] =	stream.indirect_vreg.gather [hbm4b:s5+s1], $0x80, v3, vm0, $0xb8;
	[tilespmem:$0x1D000] =	vst v63  }
.LBB2_2:
0x51: {  	s22 =	sshll.u32 s16, $0x2;
	p0 =	seq.s32 s16, $0x0  }
0x52: {  	s17 =	sor.u32 @!p0 $0x2, s22  }
0x53: {  	s17 =	simm.s32 @p0 $0x2  }
0x54: {  	s1 =	smul.u32 $0x28, s17  }
0x55: {  	s18 =	simm.s32 @!p0 $0xD  }
0x56: {  	_ =	swait.ge @!p0 [sflag:s18], $0x1400;
	s1 =	sadd.s32 s9, s1  }
0x57: {  	s21 =	simm.s32 $0x0;
	[sflag:s18] =	ssyncset.done @!p0 $0x0;
	s1 =	sshrl.u32 s1, $0x3  }
0x58: {  	s19 =	simm.s32 $0x100;
	[sflag:s18] =	ssyncadd.s32 @!p0 $0xFFFFEC00;
	s26 =	sadd.s32 s6, s1  }
0x59: {  	[tilespmem:s19], [sflag:$0x3] =	stream.linear.gather [hbm4b:s26+s21], $0x28, $0x38;
	[tilespmem:$0x1D000] =	vst v63  }
0x5a: {  	s1 =	sadd.s32 s2, s1  }
0x5b: {  	[tilespmem:s31], [sflag:$0x7] =	stream.linear.gather [hbm4b:s1+s21], $0x28, $0x38;
	[tilespmem:$0x1D000] =	vst v63  }
0x5c: {  	_ =	swait.ge [sflag:s10], $0x28  }
0x5d: {  	[sflag:s10] =	ssyncset.done $0x0  }
0x5e: {  	[sflag:s10] =	ssyncadd.s32 $0xFFFFFFD8  }
0x5f: {  	v3 =	vld [tilespmem:$0x80];
	_ =	sdelay $0x4  }
0x60: {  	v4 =	vshll.u32 v3, $0x1  }
0x61: {  	v3 =	vand.u32 $0x7, v3;
	v4 =	vand.u32 $0xFFFFFFF0, v4  }
0x62: {  	v3 =	vor.u32 v3, v4  }
0x63: {  	v4 =	vperm.xlane v3, v0;
	_ =	sdelay $0x1  }
0x64: {  	v3 =	vperm.xlane v3, v2;
	v4 =	vadd.s32 v1, v4;
	_ =	sdelay $0x1  }
0x65: {  	v3 =	vadd.s32 v1, v3;
	_ =	sdelay $0x1  }
0x66: {  	s23 =	simm.s32 $0x4400  }
0x67: {  	[tilespmem:s23], [sflag:$0xC] =	stream.indirect_vreg.gather [hbm4b:s5+s21], $0x80, v4, vm0, $0xb8;
	[tilespmem:$0x1D000] =	vst v63  }
0x68: {  	s25 =	simm.s32 $0x4C00  }
0x69: {  	[tilespmem:s25], [sflag:$0xC] =	stream.indirect_vreg.gather [hbm4b:s5+s21], $0x80, v3, vm0, $0xb8;
	[tilespmem:$0x1D000] =	vst v63  }
0x6a: {  	v3 =	vld [tilespmem:$0x90];
	_ =	sdelay $0x4  }
0x6b: {  	v4 =	vshll.u32 v3, $0x1  }
0x6c: {  	v3 =	vand.u32 $0x7, v3;
	v4 =	vand.u32 $0xFFFFFFF0, v4  }
0x6d: {  	v3 =	vor.u32 v3, v4  }
0x6e: {  	v4 =	vperm.xlane v3, v0;
	_ =	sdelay $0x1  }
0x6f: {  	v3 =	vperm.xlane v3, v2;
	v4 =	vadd.s32 v1, v4;
	_ =	sdelay $0x1  }
0x70: {  	v3 =	vadd.s32 v1, v3;
	_ =	sdelay $0x1  }
0x71: {  	s26 =	simm.s32 $0x5400  }
0x72: {  	[tilespmem:s26], [sflag:$0xC] =	stream.indirect_vreg.gather [hbm4b:s5+s21], $0x80, v4, vm0, $0xb8;
	[tilespmem:$0x1D000] =	vst v63  }
0x73: {  	s18 =	simm.s32 $0x5C00  }
0x74: {  	[tilespmem:s18], [sflag:$0xC] =	stream.indirect_vreg.gather [hbm4b:s5+s21], $0x80, v3, vm0, $0xb8;
	[tilespmem:$0x1D000] =	vst v63  }
0x75: {  	v3 =	vld.msk [tilespmem:$0xA0], $0xff;
	_ =	sdelay $0x4  }
0x76: {  	v4 =	vshll.u32 v3, $0x1  }
0x77: {  	v3 =	vand.u32 $0x7, v3;
	v4 =	vand.u32 $0xFFFFFFF0, v4  }
0x78: {  	v3 =	vor.u32 v3, v4  }
0x79: {  	v3 =	vperm.xlane v3, v0;
	_ =	sdelay $0x1  }
0x7a: {  	s19 =	sadd.s32 s11, s22;
	v3 =	vadd.s32 v1, v3  }
0x7b: {  	s1 =	smul.u32 $0xC00, s19;
	_ =	sdelay $0x1  }
0x7c: {  	s1 =	sshrl.u32 s1, $0x3  }
0x7d: {  	s1 =	sadd.s32 s7, s1;
	s23 =	simm.s32 $0x6400  }
0x7e: {  	[tilespmem:s23], [sflag:$0xC] =	stream.indirect_vreg.gather [hbm4b:s5+s21], $0x80, v3, vm0, $0xb8;
	[tilespmem:$0x1D000] =	vst v63  }
0x7f: {  	s1 =	sadd.s32 $0x180, s1;
	s25 =	simm.s32 $0x1000  }
0x80: {  	[tilespmem:s25], [sflag:$0xA] =	stream.linear.gather [hbm4b:s1+s21], $0xA00, $0x38;
	[tilespmem:$0x1D000] =	vst v63  }
0x81: {  	_ =	swait.ge [sflag:s12], $0x2800  }
0x82: {  	[sflag:s12] =	ssyncset.done $0x0  }
0x83: {  	[sflag:s12] =	ssyncadd.s32 $0xFFFFD800  }
0x84: {  	_ =	swait.ge [sflag:s24], $0xA00  }
0x85: {  	[sflag:s24] =	ssyncset.done $0x0  }
0x86: {  	[sflag:s24] =	ssyncadd.s32 $0xFFFFF600  }
0x87: {  	s23 =	simm.s32 $0x0;
	_ =	swait.ge [sflag:s4], $0x28  }
0x88: {  	s26 =	sand.u32 $0x3800, s21;
	s23 =	sand.u32 $0x300, s23;
	[sflag:s4] =	ssyncset.done $0x0  }
0x89: {  	s1 =	simm.s32 $0x0;
	s25 =	sadd.s32 $0x1C00, s26;
	[sflag:s4] =	ssyncadd.s32 $0xFFFFFFD8  }
0x8a: {  	s18 =	sor.u32 s23, s25;
	v3 =	vld [tilespmem:s1+$0x400]  }
0x8b: {  	v4 =	vld [tilespmem:s18+$0x0]  }
0x8c: {  	v5 =	vld [tilespmem:s18+$0x40]  }
0x8d: {  	v6 =	vld [tilespmem:s1+$0x410]  }
0x8e: {  	v7 =	vld [tilespmem:s18+$0x400]  }
0x8f: {  	v8 =	vld [tilespmem:s1+$0x420]  }
0x90: {  	v9 =	vld [tilespmem:s18+$0x440]  }
0x91: {  	v11 =	vld [tilespmem:s1+$0x430];
	v10 =	vunpack.i.u.bf16.f32 v4;
	v4 =	vunpack.i.l.bf16.f32 v4;
	v12 =	vunpack.i.l.bf16.f32 v5  }
0x92: {  	v5 =	vunpack.i.u.bf16.f32 v5;
	v4 =	vmul.f32 v4, v3;
	v12 =	vmul.f32 v12, v6  }
0x93: {  	v13 =	vunpack.i.l.bf16.f32 v7;
	v5 =	vmul.f32 v5, v6;
	v10 =	vmul.f32 v10, v3  }
0x94: {  	v7 =	vunpack.i.u.bf16.f32 v7;
	v4 =	vadd.f32 v12, v4;
	v12 =	vmul.f32 v13, v8  }
0x95: {  	v7 =	vmul.f32 v7, v8;
	v13 =	vunpack.i.l.bf16.f32 v9;
	v5 =	vadd.f32 v5, v10  }
0x96: {  	v9 =	vunpack.i.u.bf16.f32 v9;
	v10 =	vmul.f32 v13, v11;
	v4 =	vadd.f32 v12, v4  }
0x97: {  	v5 =	vadd.f32 v7, v5;
	v7 =	vmul.f32 v9, v11  }
0x98: {  	v4 =	vadd.f32 v10, v4  }
0x99: {  	s23 =	simm.s32 $0x6C80;
	v5 =	vadd.f32 v7, v5  }
0x9a: {  	[tilespmem:s23+$0xFFFFFF80] =	vst v4  }
0x9b: {  	[tilespmem:s23+$0xFFFFFF90] =	vst v5  }
0x9c: {  	v4 =	vld [tilespmem:s18+$0x10]  }
0x9d: {  	v5 =	vld [tilespmem:s18+$0x50];
	_ =	sdelay $0x1  }
0x9e: {  	v7 =	vld [tilespmem:s18+$0x410];
	_ =	sdelay $0x1  }
0x9f: {  	v9 =	vld [tilespmem:s18+$0x450]  }
0xa0: {  	v10 =	vunpack.i.u.bf16.f32 v4;
	v4 =	vunpack.i.l.bf16.f32 v4;
	v12 =	vunpack.i.u.bf16.f32 v5  }
0xa1: {  	v5 =	vunpack.i.l.bf16.f32 v5;
	v10 =	vmul.f32 v10, v3;
	v12 =	vmul.f32 v12, v6  }
0xa2: {  	v13 =	vunpack.i.u.bf16.f32 v7;
	v4 =	vmul.f32 v4, v3;
	v5 =	vmul.f32 v5, v6  }
0xa3: {  	v7 =	vunpack.i.l.bf16.f32 v7;
	v10 =	vadd.f32 v12, v10;
	v12 =	vmul.f32 v13, v8  }
0xa4: {  	v13 =	vunpack.i.u.bf16.f32 v9;
	v4 =	vadd.f32 v5, v4;
	v5 =	vmul.f32 v7, v8  }
0xa5: {  	v7 =	vunpack.i.l.bf16.f32 v9;
	v9 =	vadd.f32 v12, v10;
	v10 =	vmul.f32 v13, v11  }
0xa6: {  	v4 =	vadd.f32 v5, v4;
	v5 =	vmul.f32 v7, v11  }
0xa7: {  	v7 =	vadd.f32 v10, v9  }
0xa8: {  	v4 =	vadd.f32 v5, v4  }
0xa9: {  	[tilespmem:s23+$0xFFFFFFB0] =	vst v7  }
0xaa: {  	[tilespmem:s23+$0xFFFFFFA0] =	vst v4  }
0xab: {  	v4 =	vld [tilespmem:s18+$0x20]  }
0xac: {  	v5 =	vld [tilespmem:s18+$0x60];
	_ =	sdelay $0x1  }
0xad: {  	v7 =	vld [tilespmem:s18+$0x420];
	_ =	sdelay $0x1  }
0xae: {  	v9 =	vld [tilespmem:s18+$0x460]  }
0xaf: {  	v10 =	vunpack.i.u.bf16.f32 v4;
	v4 =	vunpack.i.l.bf16.f32 v4;
	v12 =	vunpack.i.l.bf16.f32 v5  }
0xb0: {  	v5 =	vunpack.i.u.bf16.f32 v5;
	v4 =	vmul.f32 v4, v3;
	v12 =	vmul.f32 v12, v6  }
0xb1: {  	v13 =	vunpack.i.l.bf16.f32 v7;
	v5 =	vmul.f32 v5, v6;
	v10 =	vmul.f32 v10, v3  }
0xb2: {  	v7 =	vunpack.i.u.bf16.f32 v7;
	v4 =	vadd.f32 v12, v4;
	v12 =	vmul.f32 v13, v8  }
0xb3: {  	v7 =	vmul.f32 v7, v8;
	v13 =	vunpack.i.l.bf16.f32 v9;
	v5 =	vadd.f32 v5, v10  }
0xb4: {  	v9 =	vunpack.i.u.bf16.f32 v9;
	v10 =	vmul.f32 v13, v11;
	v4 =	vadd.f32 v12, v4  }
0xb5: {  	v5 =	vadd.f32 v7, v5;
	v7 =	vmul.f32 v9, v11  }
0xb6: {  	v4 =	vadd.f32 v10, v4  }
0xb7: {  	v5 =	vadd.f32 v7, v5  }
0xb8: {  	[tilespmem:s23+$0xFFFFFFC0] =	vst v4  }
0xb9: {  	[tilespmem:s23+$0xFFFFFFD0] =	vst v5  }
0xba: {  	v4 =	vld [tilespmem:s18+$0x30]  }
0xbb: {  	v5 =	vld [tilespmem:s18+$0x70];
	_ =	sdelay $0x1  }
0xbc: {  	v7 =	vld [tilespmem:s18+$0x430];
	_ =	sdelay $0x1  }
0xbd: {  	v9 =	vld [tilespmem:s18+$0x470]  }
0xbe: {  	v10 =	vunpack.i.u.bf16.f32 v4;
	v4 =	vunpack.i.l.bf16.f32 v4;
	v12 =	vunpack.i.l.bf16.f32 v5  }
0xbf: {  	v5 =	vunpack.i.u.bf16.f32 v5;
	v4 =	vmul.f32 v4, v3;
	v12 =	vmul.f32 v12, v6  }
0xc0: {  	v13 =	vunpack.i.l.bf16.f32 v7;
	v5 =	vmul.f32 v5, v6;
	v3 =	vmul.f32 v10, v3  }
0xc1: {  	v6 =	vunpack.i.u.bf16.f32 v7;
	v7 =	vmul.f32 v13, v8;
	v4 =	vadd.f32 v12, v4  }
0xc2: {  	v10 =	vunpack.i.l.bf16.f32 v9;
	v3 =	vadd.f32 v5, v3;
	v5 =	vmul.f32 v6, v8  }
0xc3: {  	v6 =	vunpack.i.u.bf16.f32 v9;
	v4 =	vadd.f32 v7, v4;
	v7 =	vmul.f32 v10, v11  }
0xc4: {  	v3 =	vadd.f32 v5, v3;
	v5 =	vmul.f32 v6, v11  }
0xc5: {  	v4 =	vadd.f32 v7, v4  }
0xc6: {  	v3 =	vadd.f32 v5, v3  }
0xc7: {  	s18 =	simm.s32 $0x80;
	[tilespmem:s23+$0xFFFFFFE0] =	vst v4  }
0xc8: {  	s26 =	sand.u32 $0x380, s18;
	[tilespmem:s23+$0xFFFFFFF0] =	vst v3  }
0xc9: {  	s28 =	sor.u32 s26, s25;
	v3 =	vld [tilespmem:s1+$0x440]  }
0xca: {  	v5 =	vld [tilespmem:s28+$0x40]  }
0xcb: {  	v7 =	vld [tilespmem:s28+$0x0]  }
0xcc: {  	v6 =	vld [tilespmem:s1+$0x450]  }
0xcd: {  	v8 =	vld [tilespmem:s28+$0x400]  }
0xce: {  	v4 =	vld [tilespmem:s1+$0x460]  }
0xcf: {  	v9 =	vld [tilespmem:s28+$0x440]  }
0xd0: {  	v10 =	vunpack.i.u.bf16.f32 v5;
	v11 =	vunpack.i.l.bf16.f32 v5;
	v5 =	vld [tilespmem:s1+$0x470];
	v12 =	vunpack.i.l.bf16.f32 v7  }
0xd1: {  	v7 =	vunpack.i.u.bf16.f32 v7;
	v11 =	vmul.f32 v11, v6;
	v12 =	vmul.f32 v12, v3  }
0xd2: {  	v13 =	vunpack.i.l.bf16.f32 v8;
	v10 =	vmul.f32 v10, v6;
	v7 =	vmul.f32 v7, v3  }
0xd3: {  	v8 =	vunpack.i.u.bf16.f32 v8;
	v11 =	vadd.f32 v11, v12;
	v12 =	vmul.f32 v13, v4  }
0xd4: {  	v8 =	vmul.f32 v8, v4;
	v13 =	vunpack.i.l.bf16.f32 v9;
	v7 =	vadd.f32 v10, v7  }
0xd5: {  	v9 =	vunpack.i.u.bf16.f32 v9;
	v10 =	vadd.f32 v12, v11;
	v11 =	vmul.f32 v13, v5  }
0xd6: {  	v7 =	vadd.f32 v8, v7;
	v8 =	vmul.f32 v9, v5  }
0xd7: {  	v9 =	vadd.f32 v11, v10  }
0xd8: {  	v7 =	vadd.f32 v8, v7  }
0xd9: {  	[tilespmem:s23+$0x0] =	vst v9  }
0xda: {  	[tilespmem:s23+$0x10] =	vst v7  }
0xdb: {  	v7 =	vld [tilespmem:s28+$0x10]  }
0xdc: {  	v8 =	vld [tilespmem:s28+$0x50];
	_ =	sdelay $0x1  }
0xdd: {  	v9 =	vld [tilespmem:s28+$0x410];
	_ =	sdelay $0x1  }
0xde: {  	v10 =	vld [tilespmem:s28+$0x450]  }
0xdf: {  	v11 =	vunpack.i.u.bf16.f32 v7;
	v7 =	vunpack.i.l.bf16.f32 v7;
	v12 =	vunpack.i.u.bf16.f32 v8  }
0xe0: {  	v8 =	vunpack.i.l.bf16.f32 v8;
	v11 =	vmul.f32 v11, v3;
	v12 =	vmul.f32 v12, v6  }
0xe1: {  	v13 =	vunpack.i.u.bf16.f32 v9;
	v7 =	vmul.f32 v7, v3;
	v8 =	vmul.f32 v8, v6  }
0xe2: {  	v9 =	vunpack.i.l.bf16.f32 v9;
	v13 =	vmul.f32 v13, v4;
	v11 =	vadd.f32 v12, v11  }
0xe3: {  	v12 =	vunpack.i.u.bf16.f32 v10;
	v7 =	vadd.f32 v8, v7;
	v8 =	vmul.f32 v9, v4  }
0xe4: {  	v9 =	vunpack.i.l.bf16.f32 v10;
	v10 =	vadd.f32 v13, v11;
	v11 =	vmul.f32 v12, v5  }
0xe5: {  	v7 =	vadd.f32 v8, v7;
	v8 =	vmul.f32 v9, v5  }
0xe6: {  	v9 =	vadd.f32 v11, v10  }
0xe7: {  	v7 =	vadd.f32 v8, v7  }
0xe8: {  	[tilespmem:s23+$0x30] =	vst v9  }
0xe9: {  	[tilespmem:s23+$0x20] =	vst v7  }
0xea: {  	v7 =	vld [tilespmem:s28+$0x20]  }
0xeb: {  	v8 =	vld [tilespmem:s28+$0x460]  }
0xec: {  	v9 =	vld [tilespmem:s28+$0x60];
	_ =	sdelay $0x1  }
0xed: {  	v10 =	vld [tilespmem:s28+$0x420];
	_ =	sdelay $0x1  }
0xee: {  	v11 =	vunpack.i.l.bf16.f32 v7  }
0xef: {  	v12 =	vunpack.i.u.bf16.f32 v7;
	v7 =	vunpack.i.u.bf16.f32 v8;
	v13 =	vunpack.i.u.bf16.f32 v9  }
0xf0: {  	v9 =	vunpack.i.l.bf16.f32 v9;
	v11 =	vmul.f32 v11, v3;
	v12 =	vmul.f32 v12, v3  }
0xf1: {  	v14 =	vunpack.i.l.bf16.f32 v10;
	v15 =	vmul.f32 v9, v6;
	v13 =	vmul.f32 v13, v6  }
0xf2: {  	v10 =	vunpack.i.u.bf16.f32 v10;
	v8 =	vunpack.i.l.bf16.f32 v8;
	v9 =	vmul.f32 v14, v4  }
0xf3: {  	s15 =	simm.s32 $0x280;
	s31 =	simm.s32 $0x0;
	s26 =	simm.s32 $0x6D80;
	v10 =	vmul.f32 v10, v4;
	v11 =	vadd.f32 v15, v11;
	v12 =	vadd.f32 v13, v12  }
.LBB2_3:
0xf4: {  	s31 =	sadd.s32 $0x2, s31;
	v7 =	vmul.f32 v7, v5;
	s18 =	sadd.s32 $0x100, s18;
	s21 =	sadd.s32 $0x200, s21  }
0xf5: {  	v9 =	vadd.f32 v9, v11;
	v8 =	vmul.f32 v8, v5;
	p1 =	slt.u32 s31, $0x26;
	v10 =	vadd.f32 v10, v12;
	_ =	sdelay $0x1  }
0xf6: {  	v8 =	vadd.f32 v8, v9;
	v7 =	vadd.f32 v7, v10;
	_ =	sdelay $0x1  }
0xf7: {  	[tilespmem:s23+$0x50] =	vst v7  }
0xf8: {  	[tilespmem:s23+$0x40] =	vst v8  }
0xf9: {  	v7 =	vld [tilespmem:s28+$0x30]  }
0xfa: {  	v8 =	vld [tilespmem:s28+$0x70]  }
0xfb: {  	v9 =	vld [tilespmem:s28+$0x430]  }
0xfc: {  	v10 =	vld [tilespmem:s28+$0x470];
	_ =	sdelay $0x1  }
0xfd: {  	v11 =	vunpack.i.u.bf16.f32 v7;
	v7 =	vunpack.i.l.bf16.f32 v7  }
0xfe: {  	v12 =	vunpack.i.u.bf16.f32 v8;
	v8 =	vunpack.i.l.bf16.f32 v8;
	v7 =	vmul.f32 v7, v3  }
0xff: {  	v13 =	vunpack.i.l.bf16.f32 v9;
	v8 =	vmul.f32 v8, v6;
	v6 =	vmul.f32 v12, v6  }
0x100: {  	v3 =	vmul.f32 v11, v3;
	v9 =	vunpack.i.u.bf16.f32 v9;
	v12 =	vmul.f32 v13, v4  }
0x101: {  	v11 =	vunpack.i.l.bf16.f32 v10;
	v4 =	vmul.f32 v9, v4;
	v7 =	vadd.f32 v8, v7  }
0x102: {  	v8 =	vunpack.i.u.bf16.f32 v10;
	v3 =	vadd.f32 v6, v3  }
0x103: {  	v6 =	vadd.f32 v12, v7;
	v7 =	vmul.f32 v11, v5  }
0x104: {  	v3 =	vadd.f32 v4, v3;
	v4 =	vmul.f32 v8, v5  }
0x105: {  	v5 =	vadd.f32 v7, v6  }
0x106: {  	v3 =	vadd.f32 v4, v3  }
0x107: {  	[tilespmem:s23+$0x60] =	vst v5  }
0x108: {  	s1 =	sand.u32 $0x3800, s21;
	s28 =	sadd.s32 $0xFFFFFF80, s18;
	[tilespmem:s23+$0x70] =	vst v3;
	s23 =	smov.u32 s26  }
0x109: {  	s19 =	sshra.s32 s21, $0x2;
	s25 =	sand.u32 $0x300, s28;
	s28 =	sadd.s32 $0x1C00, s1  }
0x10a: {  	s1 =	sor.u32 s25, s28;
	v3 =	vld [tilespmem:s19+$0x400]  }
0x10b: {  	v5 =	vld [tilespmem:s1+$0x400]  }
0x10c: {  	v7 =	vld [tilespmem:s1+$0x0]  }
0x10d: {  	v8 =	vld [tilespmem:s1+$0x40]  }
0x10e: {  	v6 =	vld [tilespmem:s19+$0x410];
	_ =	sdelay $0x1  }
0x10f: {  	v4 =	vld [tilespmem:s19+$0x420];
	v9 =	vunpack.i.u.bf16.f32 v5;
	v10 =	vunpack.i.l.bf16.f32 v5  }
0x110: {  	v11 =	vunpack.i.u.bf16.f32 v7;
	v7 =	vunpack.i.l.bf16.f32 v7;
	v12 =	vld [tilespmem:s1+$0x440]  }
0x111: {  	v5 =	vld [tilespmem:s19+$0x430];
	v13 =	vunpack.i.u.bf16.f32 v8;
	v8 =	vunpack.i.l.bf16.f32 v8;
	v7 =	vmul.f32 v7, v3  }
0x112: {  	v8 =	vmul.f32 v8, v6;
	v13 =	vmul.f32 v13, v6  }
0x113: {  	v11 =	vmul.f32 v11, v3  }
0x114: {  	v7 =	vadd.f32 v8, v7;
	v8 =	vmul.f32 v10, v4  }
0x115: {  	v11 =	vadd.f32 v13, v11;
	v9 =	vmul.f32 v9, v4;
	v10 =	vunpack.i.l.bf16.f32 v12  }
0x116: {  	v12 =	vunpack.i.u.bf16.f32 v12;
	v7 =	vadd.f32 v8, v7;
	v8 =	vmul.f32 v10, v5  }
0x117: {  	v9 =	vadd.f32 v9, v11;
	v10 =	vmul.f32 v12, v5  }
0x118: {  	v7 =	vadd.f32 v8, v7  }
0x119: {  	v8 =	vadd.f32 v10, v9  }
0x11a: {  	[tilespmem:s26+$0xFFFFFF80] =	vst v7  }
0x11b: {  	[tilespmem:s26+$0xFFFFFF90] =	vst v8  }
0x11c: {  	v7 =	vld [tilespmem:s1+$0x10]  }
0x11d: {  	v8 =	vld [tilespmem:s1+$0x50]  }
0x11e: {  	v9 =	vld [tilespmem:s1+$0x410];
	_ =	sdelay $0x2  }
0x11f: {  	v10 =	vunpack.i.u.bf16.f32 v7;
	v7 =	vunpack.i.l.bf16.f32 v7;
	v11 =	vld [tilespmem:s1+$0x450]  }
0x120: {  	v12 =	vunpack.i.u.bf16.f32 v8;
	v8 =	vunpack.i.l.bf16.f32 v8;
	v10 =	vmul.f32 v10, v3  }
0x121: {  	v7 =	vmul.f32 v7, v3;
	v13 =	vunpack.i.u.bf16.f32 v9;
	v12 =	vmul.f32 v12, v6  }
0x122: {  	v9 =	vunpack.i.l.bf16.f32 v9;
	v8 =	vmul.f32 v8, v6  }
0x123: {  	v10 =	vadd.f32 v12, v10;
	v12 =	vmul.f32 v13, v4  }
0x124: {  	v7 =	vadd.f32 v8, v7;
	v8 =	vmul.f32 v9, v4;
	v13 =	vunpack.i.u.bf16.f32 v11  }
0x125: {  	v9 =	vunpack.i.l.bf16.f32 v11;
	v10 =	vadd.f32 v12, v10;
	v11 =	vmul.f32 v13, v5  }
0x126: {  	v7 =	vadd.f32 v8, v7;
	v8 =	vmul.f32 v9, v5  }
0x127: {  	v9 =	vadd.f32 v11, v10  }
0x128: {  	v7 =	vadd.f32 v8, v7  }
0x129: {  	[tilespmem:s26+$0xFFFFFFB0] =	vst v9  }
0x12a: {  	[tilespmem:s26+$0xFFFFFFA0] =	vst v7  }
0x12b: {  	v7 =	vld [tilespmem:s1+$0x20]  }
0x12c: {  	v8 =	vld [tilespmem:s1+$0x60]  }
0x12d: {  	v9 =	vld [tilespmem:s1+$0x420]  }
0x12e: {  	v10 =	vld [tilespmem:s1+$0x460];
	_ =	sdelay $0x1  }
0x12f: {  	v11 =	vunpack.i.u.bf16.f32 v7;
	v7 =	vunpack.i.l.bf16.f32 v7  }
0x130: {  	v12 =	vunpack.i.u.bf16.f32 v8;
	v8 =	vunpack.i.l.bf16.f32 v8;
	v7 =	vmul.f32 v7, v3  }
0x131: {  	v13 =	vunpack.i.l.bf16.f32 v9;
	v8 =	vmul.f32 v8, v6;
	v12 =	vmul.f32 v12, v6  }
0x132: {  	v11 =	vmul.f32 v11, v3;
	v9 =	vunpack.i.u.bf16.f32 v9;
	v14 =	vunpack.i.l.bf16.f32 v10  }
0x133: {  	v10 =	vunpack.i.u.bf16.f32 v10;
	v7 =	vadd.f32 v8, v7;
	v8 =	vmul.f32 v13, v4  }
0x134: {  	v9 =	vmul.f32 v9, v4;
	v11 =	vadd.f32 v12, v11  }
0x135: {  	v7 =	vadd.f32 v8, v7;
	v8 =	vmul.f32 v14, v5  }
0x136: {  	v10 =	vmul.f32 v10, v5;
	v9 =	vadd.f32 v9, v11  }
0x137: {  	v7 =	vadd.f32 v8, v7  }
0x138: {  	v8 =	vadd.f32 v10, v9  }
0x139: {  	[tilespmem:s26+$0xFFFFFFC0] =	vst v7  }
0x13a: {  	[tilespmem:s26+$0xFFFFFFD0] =	vst v8  }
0x13b: {  	v7 =	vld [tilespmem:s1+$0x30]  }
0x13c: {  	v8 =	vld [tilespmem:s1+$0x70]  }
0x13d: {  	v9 =	vld [tilespmem:s1+$0x430]  }
0x13e: {  	v10 =	vld [tilespmem:s1+$0x470];
	_ =	sdelay $0x1  }
0x13f: {  	v11 =	vunpack.i.u.bf16.f32 v7;
	v7 =	vunpack.i.l.bf16.f32 v7  }
0x140: {  	v12 =	vunpack.i.u.bf16.f32 v8;
	v8 =	vunpack.i.l.bf16.f32 v8;
	v7 =	vmul.f32 v7, v3  }
0x141: {  	v13 =	vunpack.i.l.bf16.f32 v9;
	v8 =	vmul.f32 v8, v6;
	v6 =	vmul.f32 v12, v6  }
0x142: {  	v3 =	vmul.f32 v11, v3;
	v9 =	vunpack.i.u.bf16.f32 v9;
	v12 =	vunpack.i.l.bf16.f32 v10  }
0x143: {  	v10 =	vunpack.i.u.bf16.f32 v10;
	v7 =	vadd.f32 v8, v7;
	v8 =	vmul.f32 v13, v4  }
0x144: {  	v3 =	vadd.f32 v6, v3;
	v4 =	vmul.f32 v9, v4  }
0x145: {  	v6 =	vadd.f32 v8, v7;
	v7 =	vmul.f32 v12, v5  }
0x146: {  	v3 =	vadd.f32 v4, v3;
	v4 =	vmul.f32 v10, v5  }
0x147: {  	v5 =	vadd.f32 v7, v6  }
0x148: {  	v3 =	vadd.f32 v4, v3  }
0x149: {  	[tilespmem:s26+$0xFFFFFFE0] =	vst v5  }
0x14a: {  	s1 =	sand.u32 $0x380, s18;
	[tilespmem:s26+$0xFFFFFFF0] =	vst v3  }
0x14b: {  	s28 =	sor.u32 s1, s28;
	v3 =	vld [tilespmem:s19+$0x440]  }
0x14c: {  	v5 =	vld [tilespmem:s28+$0x40]  }
0x14d: {  	v6 =	vld [tilespmem:s19+$0x450]  }
0x14e: {  	v4 =	vld [tilespmem:s19+$0x460]  }
0x14f: {  	v7 =	vld [tilespmem:s28+$0x0]  }
0x150: {  	v8 =	vld [tilespmem:s28+$0x440]  }
0x151: {  	v9 =	vunpack.i.u.bf16.f32 v5;
	v5 =	vunpack.i.l.bf16.f32 v5;
	v10 =	vld [tilespmem:s28+$0x400]  }
0x152: {  	v11 =	vmul.f32 v5, v6;
	v9 =	vmul.f32 v9, v6;
	_ =	sdelay $0x1  }
0x153: {  	v5 =	vld [tilespmem:s19+$0x470];
	v12 =	vunpack.i.u.bf16.f32 v7;
	v7 =	vunpack.i.l.bf16.f32 v7  }
0x154: {  	v13 =	vunpack.i.l.bf16.f32 v8;
	v7 =	vmul.f32 v7, v3;
	v12 =	vmul.f32 v12, v3  }
0x155: {  	v8 =	vunpack.i.u.bf16.f32 v8;
	v14 =	vunpack.i.u.bf16.f32 v10;
	v10 =	vunpack.i.l.bf16.f32 v10  }
0x156: {  	v7 =	vadd.f32 v11, v7;
	v10 =	vmul.f32 v10, v4;
	v9 =	vadd.f32 v9, v12  }
0x157: {  	v11 =	vmul.f32 v14, v4  }
0x158: {  	v7 =	vadd.f32 v10, v7;
	v10 =	vmul.f32 v13, v5  }
0x159: {  	v9 =	vadd.f32 v11, v9;
	v8 =	vmul.f32 v8, v5  }
0x15a: {  	v7 =	vadd.f32 v10, v7  }
0x15b: {  	v8 =	vadd.f32 v8, v9  }
0x15c: {  	[tilespmem:s26+$0x0] =	vst v7  }
0x15d: {  	[tilespmem:s26+$0x10] =	vst v8  }
0x15e: {  	v7 =	vld [tilespmem:s28+$0x10]  }
0x15f: {  	v8 =	vld [tilespmem:s28+$0x50]  }
0x160: {  	v9 =	vld [tilespmem:s28+$0x410]  }
0x161: {  	v10 =	vld [tilespmem:s28+$0x450];
	_ =	sdelay $0x1  }
0x162: {  	v11 =	vunpack.i.u.bf16.f32 v7;
	v7 =	vunpack.i.l.bf16.f32 v7  }
0x163: {  	v12 =	vunpack.i.u.bf16.f32 v8;
	v8 =	vunpack.i.l.bf16.f32 v8;
	v11 =	vmul.f32 v11, v3  }
0x164: {  	v7 =	vmul.f32 v7, v3;
	v13 =	vunpack.i.u.bf16.f32 v9;
	v12 =	vmul.f32 v12, v6  }
0x165: {  	v8 =	vmul.f32 v8, v6;
	v14 =	vunpack.i.u.bf16.f32 v10;
	v13 =	vmul.f32 v13, v4  }
0x166: {  	v9 =	vunpack.i.l.bf16.f32 v9;
	v10 =	vunpack.i.l.bf16.f32 v10;
	v11 =	vadd.f32 v12, v11  }
0x167: {  	v7 =	vadd.f32 v8, v7;
	v8 =	vmul.f32 v9, v4  }
0x168: {  	v9 =	vadd.f32 v13, v11;
	v11 =	vmul.f32 v14, v5  }
0x169: {  	v7 =	vadd.f32 v8, v7;
	v8 =	vmul.f32 v10, v5  }
0x16a: {  	v9 =	vadd.f32 v11, v9  }
0x16b: {  	v7 =	vadd.f32 v8, v7  }
0x16c: {  	[tilespmem:s26+$0x30] =	vst v9  }
0x16d: {  	[tilespmem:s26+$0x20] =	vst v7  }
0x16e: {  	v7 =	vld [tilespmem:s28+$0x20]  }
0x16f: {  	v8 =	vld [tilespmem:s28+$0x460]  }
0x170: {  	v9 =	vld [tilespmem:s28+$0x420]  }
0x171: {  	v10 =	vld [tilespmem:s28+$0x60];
	_ =	sdelay $0x1  }
0x172: {  	v11 =	vunpack.i.u.bf16.f32 v7;
	v12 =	vunpack.i.l.bf16.f32 v7  }
0x173: {  	v7 =	vunpack.i.u.bf16.f32 v8;
	v12 =	vmul.f32 v12, v3;
	v13 =	vmul.f32 v11, v3  }
0x174: {  	v8 =	vunpack.i.l.bf16.f32 v8;
	v11 =	vunpack.i.u.bf16.f32 v9  }
.Ltmp0:
0x175: {  	v9 =	vunpack.i.l.bf16.f32 v9;
	v14 =	vunpack.i.u.bf16.f32 v10;
	v10 =	vunpack.i.l.bf16.f32 v10;
	(pc) =	sbr.rel @p1 .LBB2_3-.Ltmp0, $4  }
0x176: {  	v9 =	vmul.f32 v9, v4;
	v15 =	vmul.f32 v10, v6  }
0x177: {  	v14 =	vmul.f32 v14, v6;
	v10 =	vmul.f32 v11, v4  }
0x178: {  	v11 =	vadd.f32 v15, v12  }
0x179: {  	s26 =	sadd.s32 $0x100, s26;
	v12 =	vadd.f32 v14, v13  }
0x17a: {  	v9 =	vadd.f32 v9, v11;
	v8 =	vmul.f32 v8, v5  }
0x17b: {  	v7 =	vmul.f32 v7, v5;
	v10 =	vadd.f32 v10, v12  }
0x17c: {  	v8 =	vadd.f32 v8, v9  }
0x17d: {  	v7 =	vadd.f32 v7, v10  }
0x17e: {  	[tilespmem:s23+$0x40] =	vst v8  }
0x17f: {  	[tilespmem:s23+$0x50] =	vst v7  }
0x180: {  	v7 =	vld [tilespmem:s28+$0x30]  }
0x181: {  	v8 =	vld [tilespmem:s28+$0x70];
	_ =	sdelay $0x1  }
0x182: {  	v9 =	vld [tilespmem:s28+$0x430];
	_ =	sdelay $0x1  }
0x183: {  	v10 =	vld [tilespmem:s28+$0x470]  }
0x184: {  	v11 =	vunpack.i.u.bf16.f32 v7;
	v7 =	vunpack.i.l.bf16.f32 v7;
	v12 =	vunpack.i.l.bf16.f32 v8  }
0x185: {  	v8 =	vunpack.i.u.bf16.f32 v8;
	v7 =	vmul.f32 v7, v3;
	v12 =	vmul.f32 v12, v6  }
0x186: {  	v13 =	vunpack.i.l.bf16.f32 v9;
	v6 =	vmul.f32 v8, v6;
	v3 =	vmul.f32 v11, v3  }
0x187: {  	v8 =	vunpack.i.u.bf16.f32 v9;
	v9 =	vmul.f32 v13, v4;
	v7 =	vadd.f32 v12, v7  }
0x188: {  	v11 =	vunpack.i.l.bf16.f32 v10;
	v4 =	vmul.f32 v8, v4;
	v3 =	vadd.f32 v6, v3  }
0x189: {  	v8 =	vmul.f32 v11, v5;
	v6 =	vunpack.i.u.bf16.f32 v10;
	v7 =	vadd.f32 v9, v7  }
0x18a: {  	v3 =	vadd.f32 v4, v3;
	v4 =	vmul.f32 v6, v5  }
0x18b: {  	v5 =	vadd.f32 v8, v7  }
0x18c: {  	s21 =	sor.u32 @!p0 $0x3, s22;
	v3 =	vadd.f32 v4, v3  }
0x18d: {  	s21 =	simm.s32 @p0 $0x3;
	[tilespmem:s23+$0x60] =	vst v5  }
0x18e: {  	s1 =	simm.s32 $0x200;
	s18 =	simm.s32 $0x6C00;
	[tilespmem:s23+$0x70] =	vst v3;
	s23 =	smul.u32 $0x28, s21  }
0x18f: {  	[spmem:s3] =	stream.indirect.scatter.add.f32 [tilespmem:s18], [sflag:$0xD], $0x80, s1, s13, $0xb8;
	[tilespmem:$0x1D000] =	vst v63  }
0x190: {  	s18 =	simm.s32 @!p0 $0xE  }
0x191: {  	_ =	swait.ge @!p0 [sflag:s18], $0x1400;
	s1 =	sadd.s32 s9, s23  }
0x192: {  	s19 =	simm.s32 $0x180;
	[sflag:s18] =	ssyncset.done @!p0 $0x0;
	s1 =	sshrl.u32 s1, $0x3  }
0x193: {  	s23 =	simm.s32 $0x0;
	[sflag:s18] =	ssyncadd.s32 @!p0 $0xFFFFEC00;
	s25 =	sadd.s32 s6, s1  }
0x194: {  	[tilespmem:s19], [sflag:$0x4] =	stream.linear.gather [hbm4b:s25+s23], $0x28, $0x38;
	[tilespmem:$0x1D000] =	vst v63  }
0x195: {  	s26 =	simm.s32 $0x380;
	s1 =	sadd.s32 s2, s1;
	s18 =	simm.s32 $0x3  }
0x196: {  	[tilespmem:s26], [sflag:$0x8] =	stream.linear.gather [hbm4b:s1+s23], $0x28, $0x38;
	[tilespmem:$0x1D000] =	vst v63  }
0x197: {  	_ =	swait.ge [sflag:s18], $0x28  }
0x198: {  	[sflag:s18] =	ssyncset.done $0x0  }
0x199: {  	[sflag:s18] =	ssyncadd.s32 $0xFFFFFFD8  }
0x19a: {  	v3 =	vld [tilespmem:$0x100];
	_ =	sdelay $0x4  }
0x19b: {  	v4 =	vshll.u32 v3, $0x1  }
0x19c: {  	v3 =	vand.u32 $0x7, v3;
	v4 =	vand.u32 $0xFFFFFFF0, v4  }
0x19d: {  	v3 =	vor.u32 v3, v4  }
0x19e: {  	v4 =	vperm.xlane v3, v0;
	_ =	sdelay $0x1  }
0x19f: {  	v3 =	vperm.xlane v3, v2;
	v4 =	vadd.s32 v1, v4;
	_ =	sdelay $0x1  }
0x1a0: {  	v3 =	vadd.s32 v1, v3;
	_ =	sdelay $0x1  }
0x1a1: {  	s19 =	simm.s32 $0x1C00  }
0x1a2: {  	[tilespmem:s19], [sflag:$0xB] =	stream.indirect_vreg.gather [hbm4b:s5+s23], $0x80, v4, vm0, $0xb8;
	[tilespmem:$0x1D000] =	vst v63  }
0x1a3: {  	s25 =	simm.s32 $0x2400  }
0x1a4: {  	[tilespmem:s25], [sflag:$0xB] =	stream.indirect_vreg.gather [hbm4b:s5+s23], $0x80, v3, vm0, $0xb8;
	[tilespmem:$0x1D000] =	vst v63  }
0x1a5: {  	v3 =	vld [tilespmem:$0x110];
	_ =	sdelay $0x4  }
0x1a6: {  	v4 =	vshll.u32 v3, $0x1  }
0x1a7: {  	v3 =	vand.u32 $0x7, v3;
	v4 =	vand.u32 $0xFFFFFFF0, v4  }
0x1a8: {  	v3 =	vor.u32 v3, v4  }
0x1a9: {  	v4 =	vperm.xlane v3, v0;
	_ =	sdelay $0x1  }
0x1aa: {  	v3 =	vperm.xlane v3, v2;
	v4 =	vadd.s32 v1, v4;
	_ =	sdelay $0x1  }
0x1ab: {  	v3 =	vadd.s32 v1, v3;
	_ =	sdelay $0x1  }
0x1ac: {  	s26 =	simm.s32 $0x2C00  }
0x1ad: {  	[tilespmem:s26], [sflag:$0xB] =	stream.indirect_vreg.gather [hbm4b:s5+s23], $0x80, v4, vm0, $0xb8;
	[tilespmem:$0x1D000] =	vst v63  }
0x1ae: {  	s18 =	simm.s32 $0x3400  }
0x1af: {  	[tilespmem:s18], [sflag:$0xB] =	stream.indirect_vreg.gather [hbm4b:s5+s23], $0x80, v3, vm0, $0xb8;
	[tilespmem:$0x1D000] =	vst v63  }
0x1b0: {  	v3 =	vld.msk [tilespmem:$0x120], $0xff;
	_ =	sdelay $0x4  }
0x1b1: {  	v4 =	vshll.u32 v3, $0x1  }
0x1b2: {  	v3 =	vand.u32 $0x7, v3;
	v4 =	vand.u32 $0xFFFFFFF0, v4  }
0x1b3: {  	v3 =	vor.u32 v3, v4  }
0x1b4: {  	v3 =	vperm.xlane v3, v0  }
0x1b5: {  	s19 =	rddreg [dreg:$0xc]  }
0x1b6: {  	s1 =	sadd.s32 s22, s19;
	v3 =	vadd.s32 v1, v3  }
0x1b7: {  	s1 =	smul.u32 $0xC00, s1;
	_ =	sdelay $0x1  }
0x1b8: {  	s1 =	sshrl.u32 s1, $0x3  }
0x1b9: {  	s22 =	simm.s32 $0x3C00;
	s1 =	sadd.s32 s7, s1  }
0x1ba: {  	[tilespmem:s22], [sflag:$0xB] =	stream.indirect_vreg.gather [hbm4b:s5+s23], $0x80, v3, vm0, $0xb8;
	[tilespmem:$0x1D000] =	vst v63  }
0x1bb: {  	s25 =	simm.s32 $0x400;
	s1 =	sadd.s32 $0x180, s1  }
0x1bc: {  	[tilespmem:s25], [sflag:$0x9] =	stream.linear.gather [hbm4b:s1+s23], $0xA00, $0x38;
	[tilespmem:$0x1D000] =	vst v63  }
0x1bd: {  	_ =	swait.ge [sflag:s14], $0x2800  }
0x1be: {  	[sflag:s14] =	ssyncset.done $0x0  }
0x1bf: {  	[sflag:s14] =	ssyncadd.s32 $0xFFFFD800  }
0x1c0: {  	_ =	swait.ge [sflag:s20], $0xA00  }
0x1c1: {  	[sflag:s20] =	ssyncset.done $0x0  }
0x1c2: {  	[sflag:s20] =	ssyncadd.s32 $0xFFFFF600  }
0x1c3: {  	s26 =	sand.u32 $0x3800, s23;
	_ =	swait.ge [sflag:s29], $0x28  }
0x1c4: {  	s26 =	sor.u32 $0x4400, s26;
	s22 =	simm.s32 $0x0;
	[sflag:s29] =	ssyncset.done $0x0  }
0x1c5: {  	s1 =	simm.s32 $0x0;
	s25 =	sand.u32 $0x300, s22;
	[sflag:s29] =	ssyncadd.s32 $0xFFFFFFD8  }
0x1c6: {  	s18 =	sor.u32 s25, s26;
	v3 =	vld [tilespmem:s1+$0x1000]  }
0x1c7: {  	v4 =	vld [tilespmem:s18+$0x0]  }
0x1c8: {  	v5 =	vld [tilespmem:s18+$0x40]  }
0x1c9: {  	v6 =	vld [tilespmem:s1+$0x1010]  }
0x1ca: {  	v7 =	vld [tilespmem:s18+$0x400]  }
0x1cb: {  	v8 =	vld [tilespmem:s1+$0x1020]  }
0x1cc: {  	v9 =	vld [tilespmem:s18+$0x440]  }
0x1cd: {  	v11 =	vld [tilespmem:s1+$0x1030];
	v10 =	vunpack.i.u.bf16.f32 v4;
	v4 =	vunpack.i.l.bf16.f32 v4;
	v12 =	vunpack.i.l.bf16.f32 v5  }
0x1ce: {  	v5 =	vunpack.i.u.bf16.f32 v5;
	v4 =	vmul.f32 v4, v3;
	v12 =	vmul.f32 v12, v6  }
0x1cf: {  	v13 =	vunpack.i.l.bf16.f32 v7;
	v5 =	vmul.f32 v5, v6;
	v10 =	vmul.f32 v10, v3  }
0x1d0: {  	v7 =	vunpack.i.u.bf16.f32 v7;
	v4 =	vadd.f32 v12, v4;
	v12 =	vmul.f32 v13, v8  }
0x1d1: {  	v7 =	vmul.f32 v7, v8;
	v13 =	vunpack.i.l.bf16.f32 v9;
	v5 =	vadd.f32 v5, v10  }
0x1d2: {  	v9 =	vunpack.i.u.bf16.f32 v9;
	v10 =	vmul.f32 v13, v11;
	v4 =	vadd.f32 v12, v4  }
0x1d3: {  	v5 =	vadd.f32 v7, v5;
	v7 =	vmul.f32 v9, v11  }
0x1d4: {  	v4 =	vadd.f32 v10, v4  }
0x1d5: {  	s22 =	simm.s32 $0x8080;
	v5 =	vadd.f32 v7, v5  }
0x1d6: {  	[tilespmem:s22+$0xFFFFFF80] =	vst v4  }
0x1d7: {  	[tilespmem:s22+$0xFFFFFF90] =	vst v5  }
0x1d8: {  	v4 =	vld [tilespmem:s18+$0x10]  }
0x1d9: {  	v5 =	vld [tilespmem:s18+$0x50];
	_ =	sdelay $0x1  }
0x1da: {  	v7 =	vld [tilespmem:s18+$0x410];
	_ =	sdelay $0x1  }
0x1db: {  	v9 =	vld [tilespmem:s18+$0x450]  }
0x1dc: {  	v10 =	vunpack.i.u.bf16.f32 v4;
	v4 =	vunpack.i.l.bf16.f32 v4;
	v12 =	vunpack.i.u.bf16.f32 v5  }
0x1dd: {  	v5 =	vunpack.i.l.bf16.f32 v5;
	v10 =	vmul.f32 v10, v3;
	v12 =	vmul.f32 v12, v6  }
0x1de: {  	v13 =	vunpack.i.u.bf16.f32 v7;
	v4 =	vmul.f32 v4, v3;
	v5 =	vmul.f32 v5, v6  }
0x1df: {  	v7 =	vunpack.i.l.bf16.f32 v7;
	v10 =	vadd.f32 v12, v10;
	v12 =	vmul.f32 v13, v8  }
0x1e0: {  	v13 =	vunpack.i.u.bf16.f32 v9;
	v4 =	vadd.f32 v5, v4;
	v5 =	vmul.f32 v7, v8  }
0x1e1: {  	v7 =	vunpack.i.l.bf16.f32 v9;
	v9 =	vadd.f32 v12, v10;
	v10 =	vmul.f32 v13, v11  }
0x1e2: {  	v4 =	vadd.f32 v5, v4;
	v5 =	vmul.f32 v7, v11  }
0x1e3: {  	v7 =	vadd.f32 v10, v9  }
0x1e4: {  	v4 =	vadd.f32 v5, v4  }
0x1e5: {  	[tilespmem:s22+$0xFFFFFFB0] =	vst v7  }
0x1e6: {  	[tilespmem:s22+$0xFFFFFFA0] =	vst v4  }
0x1e7: {  	v4 =	vld [tilespmem:s18+$0x20]  }
0x1e8: {  	v5 =	vld [tilespmem:s18+$0x60];
	_ =	sdelay $0x1  }
0x1e9: {  	v7 =	vld [tilespmem:s18+$0x420];
	_ =	sdelay $0x1  }
0x1ea: {  	v9 =	vld [tilespmem:s18+$0x460]  }
0x1eb: {  	v10 =	vunpack.i.u.bf16.f32 v4;
	v4 =	vunpack.i.l.bf16.f32 v4;
	v12 =	vunpack.i.l.bf16.f32 v5  }
0x1ec: {  	v5 =	vunpack.i.u.bf16.f32 v5;
	v4 =	vmul.f32 v4, v3;
	v12 =	vmul.f32 v12, v6  }
0x1ed: {  	v13 =	vunpack.i.l.bf16.f32 v7;
	v5 =	vmul.f32 v5, v6;
	v10 =	vmul.f32 v10, v3  }
0x1ee: {  	v7 =	vunpack.i.u.bf16.f32 v7;
	v4 =	vadd.f32 v12, v4;
	v12 =	vmul.f32 v13, v8  }
0x1ef: {  	v7 =	vmul.f32 v7, v8;
	v13 =	vunpack.i.l.bf16.f32 v9;
	v5 =	vadd.f32 v5, v10  }
0x1f0: {  	v9 =	vunpack.i.u.bf16.f32 v9;
	v10 =	vmul.f32 v13, v11;
	v4 =	vadd.f32 v12, v4  }
0x1f1: {  	v5 =	vadd.f32 v7, v5;
	v7 =	vmul.f32 v9, v11  }
0x1f2: {  	v4 =	vadd.f32 v10, v4  }
0x1f3: {  	v5 =	vadd.f32 v7, v5  }
0x1f4: {  	[tilespmem:s22+$0xFFFFFFC0] =	vst v4  }
0x1f5: {  	[tilespmem:s22+$0xFFFFFFD0] =	vst v5  }
0x1f6: {  	v4 =	vld [tilespmem:s18+$0x30]  }
0x1f7: {  	v5 =	vld [tilespmem:s18+$0x70];
	_ =	sdelay $0x1  }
0x1f8: {  	v7 =	vld [tilespmem:s18+$0x430];
	_ =	sdelay $0x1  }
0x1f9: {  	v9 =	vld [tilespmem:s18+$0x470]  }
0x1fa: {  	v10 =	vunpack.i.u.bf16.f32 v4;
	v4 =	vunpack.i.l.bf16.f32 v4;
	v12 =	vunpack.i.l.bf16.f32 v5  }
0x1fb: {  	v5 =	vunpack.i.u.bf16.f32 v5;
	v4 =	vmul.f32 v4, v3;
	v12 =	vmul.f32 v12, v6  }
0x1fc: {  	v13 =	vunpack.i.l.bf16.f32 v7;
	v5 =	vmul.f32 v5, v6;
	v3 =	vmul.f32 v10, v3  }
0x1fd: {  	v6 =	vunpack.i.u.bf16.f32 v7;
	v7 =	vmul.f32 v13, v8;
	v4 =	vadd.f32 v12, v4  }
0x1fe: {  	v10 =	vunpack.i.l.bf16.f32 v9;
	v3 =	vadd.f32 v5, v3;
	v5 =	vmul.f32 v6, v8  }
0x1ff: {  	v6 =	vunpack.i.u.bf16.f32 v9;
	v4 =	vadd.f32 v7, v4;
	v7 =	vmul.f32 v10, v11  }
0x200: {  	v3 =	vadd.f32 v5, v3;
	v5 =	vmul.f32 v6, v11  }
0x201: {  	v4 =	vadd.f32 v7, v4  }
0x202: {  	v3 =	vadd.f32 v5, v3  }
0x203: {  	s18 =	simm.s32 $0x80;
	[tilespmem:s22+$0xFFFFFFE0] =	vst v4  }
0x204: {  	s25 =	sand.u32 $0x380, s18;
	[tilespmem:s22+$0xFFFFFFF0] =	vst v3  }
0x205: {  	s28 =	sor.u32 s25, s26;
	v3 =	vld [tilespmem:s1+$0x1040]  }
0x206: {  	v5 =	vld [tilespmem:s28+$0x40]  }
0x207: {  	v7 =	vld [tilespmem:s28+$0x0]  }
0x208: {  	v6 =	vld [tilespmem:s1+$0x1050]  }
0x209: {  	v8 =	vld [tilespmem:s28+$0x400]  }
0x20a: {  	v4 =	vld [tilespmem:s1+$0x1060]  }
0x20b: {  	v9 =	vld [tilespmem:s28+$0x440]  }
0x20c: {  	v10 =	vunpack.i.u.bf16.f32 v5;
	v11 =	vunpack.i.l.bf16.f32 v5;
	v5 =	vld [tilespmem:s1+$0x1070];
	v12 =	vunpack.i.l.bf16.f32 v7  }
0x20d: {  	v7 =	vunpack.i.u.bf16.f32 v7;
	v11 =	vmul.f32 v11, v6;
	v12 =	vmul.f32 v12, v3  }
0x20e: {  	v13 =	vunpack.i.l.bf16.f32 v8;
	v10 =	vmul.f32 v10, v6;
	v7 =	vmul.f32 v7, v3  }
0x20f: {  	v8 =	vunpack.i.u.bf16.f32 v8;
	v11 =	vadd.f32 v11, v12;
	v12 =	vmul.f32 v13, v4  }
0x210: {  	v8 =	vmul.f32 v8, v4;
	v13 =	vunpack.i.l.bf16.f32 v9;
	v7 =	vadd.f32 v10, v7  }
0x211: {  	v9 =	vunpack.i.u.bf16.f32 v9;
	v10 =	vadd.f32 v12, v11;
	v11 =	vmul.f32 v13, v5  }
0x212: {  	v7 =	vadd.f32 v8, v7;
	v8 =	vmul.f32 v9, v5  }
0x213: {  	v9 =	vadd.f32 v11, v10  }
0x214: {  	v7 =	vadd.f32 v8, v7  }
0x215: {  	[tilespmem:s22+$0x0] =	vst v9  }
0x216: {  	[tilespmem:s22+$0x10] =	vst v7  }
0x217: {  	v7 =	vld [tilespmem:s28+$0x10]  }
0x218: {  	v8 =	vld [tilespmem:s28+$0x50];
	_ =	sdelay $0x1  }
0x219: {  	v9 =	vld [tilespmem:s28+$0x410];
	_ =	sdelay $0x1  }
0x21a: {  	v10 =	vld [tilespmem:s28+$0x450]  }
0x21b: {  	v11 =	vunpack.i.u.bf16.f32 v7;
	v7 =	vunpack.i.l.bf16.f32 v7;
	v12 =	vunpack.i.u.bf16.f32 v8  }
0x21c: {  	v8 =	vunpack.i.l.bf16.f32 v8;
	v11 =	vmul.f32 v11, v3;
	v12 =	vmul.f32 v12, v6  }
0x21d: {  	v13 =	vunpack.i.u.bf16.f32 v9;
	v7 =	vmul.f32 v7, v3;
	v8 =	vmul.f32 v8, v6  }
0x21e: {  	v9 =	vunpack.i.l.bf16.f32 v9;
	v13 =	vmul.f32 v13, v4;
	v11 =	vadd.f32 v12, v11  }
0x21f: {  	v12 =	vunpack.i.u.bf16.f32 v10;
	v7 =	vadd.f32 v8, v7;
	v8 =	vmul.f32 v9, v4  }
0x220: {  	v9 =	vunpack.i.l.bf16.f32 v10;
	v10 =	vadd.f32 v13, v11;
	v11 =	vmul.f32 v12, v5  }
0x221: {  	v7 =	vadd.f32 v8, v7;
	v8 =	vmul.f32 v9, v5  }
0x222: {  	v9 =	vadd.f32 v11, v10  }
0x223: {  	v7 =	vadd.f32 v8, v7  }
0x224: {  	[tilespmem:s22+$0x30] =	vst v9  }
0x225: {  	[tilespmem:s22+$0x20] =	vst v7  }
0x226: {  	v7 =	vld [tilespmem:s28+$0x20]  }
0x227: {  	v8 =	vld [tilespmem:s28+$0x460]  }
0x228: {  	v9 =	vld [tilespmem:s28+$0x60];
	_ =	sdelay $0x1  }
0x229: {  	v10 =	vld [tilespmem:s28+$0x420];
	_ =	sdelay $0x1  }
0x22a: {  	v11 =	vunpack.i.l.bf16.f32 v7  }
0x22b: {  	v12 =	vunpack.i.u.bf16.f32 v7;
	v7 =	vunpack.i.u.bf16.f32 v8;
	v13 =	vunpack.i.u.bf16.f32 v9  }
0x22c: {  	v9 =	vunpack.i.l.bf16.f32 v9;
	v11 =	vmul.f32 v11, v3;
	v12 =	vmul.f32 v12, v3  }
0x22d: {  	v14 =	vunpack.i.l.bf16.f32 v10;
	v15 =	vmul.f32 v9, v6;
	v13 =	vmul.f32 v13, v6  }
0x22e: {  	v10 =	vunpack.i.u.bf16.f32 v10;
	v8 =	vunpack.i.l.bf16.f32 v8;
	v9 =	vmul.f32 v14, v4  }
0x22f: {  	s31 =	simm.s32 $0x0;
	s26 =	simm.s32 $0x8180;
	v10 =	vmul.f32 v10, v4;
	v11 =	vadd.f32 v15, v11;
	v12 =	vadd.f32 v13, v12  }
.LBB2_5:
0x230: {  	s31 =	sadd.s32 $0x2, s31;
	v7 =	vmul.f32 v7, v5;
	s18 =	sadd.s32 $0x100, s18;
	s23 =	sadd.s32 $0x200, s23  }
0x231: {  	v9 =	vadd.f32 v9, v11;
	v8 =	vmul.f32 v8, v5;
	p0 =	slt.u32 s31, $0x26;
	v10 =	vadd.f32 v10, v12;
	_ =	sdelay $0x1  }
0x232: {  	v8 =	vadd.f32 v8, v9;
	v7 =	vadd.f32 v7, v10;
	_ =	sdelay $0x1  }
0x233: {  	[tilespmem:s22+$0x50] =	vst v7  }
0x234: {  	[tilespmem:s22+$0x40] =	vst v8  }
0x235: {  	v7 =	vld [tilespmem:s28+$0x30]  }
0x236: {  	v8 =	vld [tilespmem:s28+$0x70]  }
0x237: {  	v9 =	vld [tilespmem:s28+$0x430]  }
0x238: {  	v10 =	vld [tilespmem:s28+$0x470];
	_ =	sdelay $0x1  }
0x239: {  	v11 =	vunpack.i.u.bf16.f32 v7;
	v7 =	vunpack.i.l.bf16.f32 v7  }
0x23a: {  	v12 =	vunpack.i.u.bf16.f32 v8;
	v8 =	vunpack.i.l.bf16.f32 v8;
	v7 =	vmul.f32 v7, v3  }
0x23b: {  	v13 =	vunpack.i.l.bf16.f32 v9;
	v8 =	vmul.f32 v8, v6;
	v6 =	vmul.f32 v12, v6  }
0x23c: {  	v3 =	vmul.f32 v11, v3;
	v9 =	vunpack.i.u.bf16.f32 v9;
	v12 =	vmul.f32 v13, v4  }
0x23d: {  	v11 =	vunpack.i.l.bf16.f32 v10;
	v4 =	vmul.f32 v9, v4;
	v7 =	vadd.f32 v8, v7  }
0x23e: {  	v8 =	vunpack.i.u.bf16.f32 v10;
	v3 =	vadd.f32 v6, v3  }
0x23f: {  	v6 =	vadd.f32 v12, v7;
	v7 =	vmul.f32 v11, v5  }
0x240: {  	v3 =	vadd.f32 v4, v3;
	v4 =	vmul.f32 v8, v5  }
0x241: {  	v5 =	vadd.f32 v7, v6  }
0x242: {  	v3 =	vadd.f32 v4, v3  }
0x243: {  	[tilespmem:s22+$0x60] =	vst v5  }
0x244: {  	s1 =	sand.u32 $0x3800, s23;
	s25 =	sadd.s32 $0xFFFFFF80, s18;
	[tilespmem:s22+$0x70] =	vst v3;
	s22 =	smov.u32 s26  }
0x245: {  	s19 =	sshra.s32 s23, $0x2;
	s25 =	sand.u32 $0x300, s25;
	s28 =	sor.u32 $0x4400, s1  }
0x246: {  	s1 =	sor.u32 s25, s28;
	v3 =	vld [tilespmem:s19+$0x1000]  }
0x247: {  	v5 =	vld [tilespmem:s1+$0x400]  }
0x248: {  	v7 =	vld [tilespmem:s1+$0x0]  }
0x249: {  	v8 =	vld [tilespmem:s1+$0x40]  }
0x24a: {  	v6 =	vld [tilespmem:s19+$0x1010];
	_ =	sdelay $0x1  }
0x24b: {  	v4 =	vld [tilespmem:s19+$0x1020];
	v9 =	vunpack.i.u.bf16.f32 v5;
	v10 =	vunpack.i.l.bf16.f32 v5  }
0x24c: {  	v11 =	vunpack.i.u.bf16.f32 v7;
	v7 =	vunpack.i.l.bf16.f32 v7;
	v12 =	vld [tilespmem:s1+$0x440]  }
0x24d: {  	v5 =	vld [tilespmem:s19+$0x1030];
	v13 =	vunpack.i.u.bf16.f32 v8;
	v8 =	vunpack.i.l.bf16.f32 v8;
	v7 =	vmul.f32 v7, v3  }
0x24e: {  	v8 =	vmul.f32 v8, v6;
	v13 =	vmul.f32 v13, v6  }
0x24f: {  	v11 =	vmul.f32 v11, v3  }
0x250: {  	v7 =	vadd.f32 v8, v7;
	v8 =	vmul.f32 v10, v4  }
0x251: {  	v11 =	vadd.f32 v13, v11;
	v9 =	vmul.f32 v9, v4;
	v10 =	vunpack.i.l.bf16.f32 v12  }
0x252: {  	v12 =	vunpack.i.u.bf16.f32 v12;
	v7 =	vadd.f32 v8, v7;
	v8 =	vmul.f32 v10, v5  }
0x253: {  	v9 =	vadd.f32 v9, v11;
	v10 =	vmul.f32 v12, v5  }
0x254: {  	v7 =	vadd.f32 v8, v7  }
0x255: {  	v8 =	vadd.f32 v10, v9  }
0x256: {  	[tilespmem:s26+$0xFFFFFF80] =	vst v7  }
0x257: {  	[tilespmem:s26+$0xFFFFFF90] =	vst v8  }
0x258: {  	v7 =	vld [tilespmem:s1+$0x10]  }
0x259: {  	v8 =	vld [tilespmem:s1+$0x50]  }
0x25a: {  	v9 =	vld [tilespmem:s1+$0x410];
	_ =	sdelay $0x2  }
0x25b: {  	v10 =	vunpack.i.u.bf16.f32 v7;
	v7 =	vunpack.i.l.bf16.f32 v7;
	v11 =	vld [tilespmem:s1+$0x450]  }
0x25c: {  	v12 =	vunpack.i.u.bf16.f32 v8;
	v8 =	vunpack.i.l.bf16.f32 v8;
	v10 =	vmul.f32 v10, v3  }
0x25d: {  	v7 =	vmul.f32 v7, v3;
	v13 =	vunpack.i.u.bf16.f32 v9;
	v12 =	vmul.f32 v12, v6  }
0x25e: {  	v9 =	vunpack.i.l.bf16.f32 v9;
	v8 =	vmul.f32 v8, v6  }
0x25f: {  	v10 =	vadd.f32 v12, v10;
	v12 =	vmul.f32 v13, v4  }
0x260: {  	v7 =	vadd.f32 v8, v7;
	v8 =	vmul.f32 v9, v4;
	v13 =	vunpack.i.u.bf16.f32 v11  }
0x261: {  	v9 =	vunpack.i.l.bf16.f32 v11;
	v10 =	vadd.f32 v12, v10;
	v11 =	vmul.f32 v13, v5  }
0x262: {  	v7 =	vadd.f32 v8, v7;
	v8 =	vmul.f32 v9, v5  }
0x263: {  	v9 =	vadd.f32 v11, v10  }
0x264: {  	v7 =	vadd.f32 v8, v7  }
0x265: {  	[tilespmem:s26+$0xFFFFFFB0] =	vst v9  }
0x266: {  	[tilespmem:s26+$0xFFFFFFA0] =	vst v7  }
0x267: {  	v7 =	vld [tilespmem:s1+$0x20]  }
0x268: {  	v8 =	vld [tilespmem:s1+$0x60]  }
0x269: {  	v9 =	vld [tilespmem:s1+$0x420]  }
0x26a: {  	v10 =	vld [tilespmem:s1+$0x460];
	_ =	sdelay $0x1  }
0x26b: {  	v11 =	vunpack.i.u.bf16.f32 v7;
	v7 =	vunpack.i.l.bf16.f32 v7  }
0x26c: {  	v12 =	vunpack.i.u.bf16.f32 v8;
	v8 =	vunpack.i.l.bf16.f32 v8;
	v7 =	vmul.f32 v7, v3  }
0x26d: {  	v13 =	vunpack.i.l.bf16.f32 v9;
	v8 =	vmul.f32 v8, v6;
	v12 =	vmul.f32 v12, v6  }
0x26e: {  	v11 =	vmul.f32 v11, v3;
	v9 =	vunpack.i.u.bf16.f32 v9;
	v14 =	vunpack.i.l.bf16.f32 v10  }
0x26f: {  	v10 =	vunpack.i.u.bf16.f32 v10;
	v7 =	vadd.f32 v8, v7;
	v8 =	vmul.f32 v13, v4  }
0x270: {  	v9 =	vmul.f32 v9, v4;
	v11 =	vadd.f32 v12, v11  }
0x271: {  	v7 =	vadd.f32 v8, v7;
	v8 =	vmul.f32 v14, v5  }
0x272: {  	v10 =	vmul.f32 v10, v5;
	v9 =	vadd.f32 v9, v11  }
0x273: {  	v7 =	vadd.f32 v8, v7  }
0x274: {  	v8 =	vadd.f32 v10, v9  }
0x275: {  	[tilespmem:s26+$0xFFFFFFC0] =	vst v7  }
0x276: {  	[tilespmem:s26+$0xFFFFFFD0] =	vst v8  }
0x277: {  	v7 =	vld [tilespmem:s1+$0x30]  }
0x278: {  	v8 =	vld [tilespmem:s1+$0x70]  }
0x279: {  	v9 =	vld [tilespmem:s1+$0x430]  }
0x27a: {  	v10 =	vld [tilespmem:s1+$0x470];
	_ =	sdelay $0x1  }
0x27b: {  	v11 =	vunpack.i.u.bf16.f32 v7;
	v7 =	vunpack.i.l.bf16.f32 v7  }
0x27c: {  	v12 =	vunpack.i.u.bf16.f32 v8;
	v8 =	vunpack.i.l.bf16.f32 v8;
	v7 =	vmul.f32 v7, v3  }
0x27d: {  	v13 =	vunpack.i.l.bf16.f32 v9;
	v8 =	vmul.f32 v8, v6;
	v6 =	vmul.f32 v12, v6  }
0x27e: {  	v3 =	vmul.f32 v11, v3;
	v9 =	vunpack.i.u.bf16.f32 v9;
	v12 =	vunpack.i.l.bf16.f32 v10  }
0x27f: {  	v10 =	vunpack.i.u.bf16.f32 v10;
	v7 =	vadd.f32 v8, v7;
	v8 =	vmul.f32 v13, v4  }
0x280: {  	v3 =	vadd.f32 v6, v3;
	v4 =	vmul.f32 v9, v4  }
0x281: {  	v6 =	vadd.f32 v8, v7;
	v7 =	vmul.f32 v12, v5  }
0x282: {  	v3 =	vadd.f32 v4, v3;
	v4 =	vmul.f32 v10, v5  }
0x283: {  	v5 =	vadd.f32 v7, v6  }
0x284: {  	v3 =	vadd.f32 v4, v3  }
0x285: {  	[tilespmem:s26+$0xFFFFFFE0] =	vst v5  }
0x286: {  	s1 =	sand.u32 $0x380, s18;
	[tilespmem:s26+$0xFFFFFFF0] =	vst v3  }
0x287: {  	s28 =	sor.u32 s1, s28;
	v3 =	vld [tilespmem:s19+$0x1040]  }
0x288: {  	v5 =	vld [tilespmem:s28+$0x40]  }
0x289: {  	v6 =	vld [tilespmem:s19+$0x1050]  }
0x28a: {  	v4 =	vld [tilespmem:s19+$0x1060]  }
0x28b: {  	v7 =	vld [tilespmem:s28+$0x0]  }
0x28c: {  	v8 =	vld [tilespmem:s28+$0x440]  }
0x28d: {  	v9 =	vunpack.i.u.bf16.f32 v5;
	v5 =	vunpack.i.l.bf16.f32 v5;
	v10 =	vld [tilespmem:s28+$0x400]  }
0x28e: {  	v11 =	vmul.f32 v5, v6;
	v9 =	vmul.f32 v9, v6;
	_ =	sdelay $0x1  }
0x28f: {  	v5 =	vld [tilespmem:s19+$0x1070];
	v12 =	vunpack.i.u.bf16.f32 v7;
	v7 =	vunpack.i.l.bf16.f32 v7  }
0x290: {  	v13 =	vunpack.i.l.bf16.f32 v8;
	v7 =	vmul.f32 v7, v3;
	v12 =	vmul.f32 v12, v3  }
0x291: {  	v8 =	vunpack.i.u.bf16.f32 v8;
	v14 =	vunpack.i.u.bf16.f32 v10;
	v10 =	vunpack.i.l.bf16.f32 v10  }
0x292: {  	v7 =	vadd.f32 v11, v7;
	v10 =	vmul.f32 v10, v4;
	v9 =	vadd.f32 v9, v12  }
0x293: {  	v11 =	vmul.f32 v14, v4  }
0x294: {  	v7 =	vadd.f32 v10, v7;
	v10 =	vmul.f32 v13, v5  }
0x295: {  	v9 =	vadd.f32 v11, v9;
	v8 =	vmul.f32 v8, v5  }
0x296: {  	v7 =	vadd.f32 v10, v7  }
0x297: {  	v8 =	vadd.f32 v8, v9  }
0x298: {  	[tilespmem:s26+$0x0] =	vst v7  }
0x299: {  	[tilespmem:s26+$0x10] =	vst v8  }
0x29a: {  	v7 =	vld [tilespmem:s28+$0x10]  }
0x29b: {  	v8 =	vld [tilespmem:s28+$0x50]  }
0x29c: {  	v9 =	vld [tilespmem:s28+$0x410]  }
0x29d: {  	v10 =	vld [tilespmem:s28+$0x450];
	_ =	sdelay $0x1  }
0x29e: {  	v11 =	vunpack.i.u.bf16.f32 v7;
	v7 =	vunpack.i.l.bf16.f32 v7  }
0x29f: {  	v12 =	vunpack.i.u.bf16.f32 v8;
	v8 =	vunpack.i.l.bf16.f32 v8;
	v11 =	vmul.f32 v11, v3  }
0x2a0: {  	v7 =	vmul.f32 v7, v3;
	v13 =	vunpack.i.u.bf16.f32 v9;
	v12 =	vmul.f32 v12, v6  }
0x2a1: {  	v8 =	vmul.f32 v8, v6;
	v14 =	vunpack.i.u.bf16.f32 v10;
	v13 =	vmul.f32 v13, v4  }
0x2a2: {  	v9 =	vunpack.i.l.bf16.f32 v9;
	v10 =	vunpack.i.l.bf16.f32 v10;
	v11 =	vadd.f32 v12, v11  }
0x2a3: {  	v7 =	vadd.f32 v8, v7;
	v8 =	vmul.f32 v9, v4  }
0x2a4: {  	v9 =	vadd.f32 v13, v11;
	v11 =	vmul.f32 v14, v5  }
0x2a5: {  	v7 =	vadd.f32 v8, v7;
	v8 =	vmul.f32 v10, v5  }
0x2a6: {  	v9 =	vadd.f32 v11, v9  }
0x2a7: {  	v7 =	vadd.f32 v8, v7  }
0x2a8: {  	[tilespmem:s26+$0x30] =	vst v9  }
0x2a9: {  	[tilespmem:s26+$0x20] =	vst v7  }
0x2aa: {  	v7 =	vld [tilespmem:s28+$0x20]  }
0x2ab: {  	v8 =	vld [tilespmem:s28+$0x460]  }
0x2ac: {  	v9 =	vld [tilespmem:s28+$0x420]  }
0x2ad: {  	v10 =	vld [tilespmem:s28+$0x60];
	_ =	sdelay $0x1  }
0x2ae: {  	v11 =	vunpack.i.u.bf16.f32 v7;
	v12 =	vunpack.i.l.bf16.f32 v7  }
0x2af: {  	v7 =	vunpack.i.u.bf16.f32 v8;
	v12 =	vmul.f32 v12, v3;
	v13 =	vmul.f32 v11, v3  }
0x2b0: {  	v8 =	vunpack.i.l.bf16.f32 v8;
	v11 =	vunpack.i.u.bf16.f32 v9  }
.Ltmp1:
0x2b1: {  	v9 =	vunpack.i.l.bf16.f32 v9;
	v14 =	vunpack.i.u.bf16.f32 v10;
	v10 =	vunpack.i.l.bf16.f32 v10;
	(pc) =	sbr.rel @p0 .LBB2_5-.Ltmp1, $4  }
0x2b2: {  	v9 =	vmul.f32 v9, v4;
	v15 =	vmul.f32 v10, v6  }
0x2b3: {  	v14 =	vmul.f32 v14, v6;
	v10 =	vmul.f32 v11, v4  }
0x2b4: {  	v11 =	vadd.f32 v15, v12  }
0x2b5: {  	s26 =	sadd.s32 $0x100, s26;
	v12 =	vadd.f32 v14, v13  }
0x2b6: {  	v9 =	vadd.f32 v9, v11;
	v8 =	vmul.f32 v8, v5  }
0x2b7: {  	v7 =	vmul.f32 v7, v5;
	v10 =	vadd.f32 v10, v12  }
0x2b8: {  	v8 =	vadd.f32 v8, v9  }
0x2b9: {  	v7 =	vadd.f32 v7, v10  }
0x2ba: {  	[tilespmem:s22+$0x40] =	vst v8  }
0x2bb: {  	[tilespmem:s22+$0x50] =	vst v7  }
0x2bc: {  	v7 =	vld [tilespmem:s28+$0x30]  }
0x2bd: {  	v8 =	vld [tilespmem:s28+$0x70];
	_ =	sdelay $0x1  }
0x2be: {  	v9 =	vld [tilespmem:s28+$0x430];
	_ =	sdelay $0x1  }
0x2bf: {  	v10 =	vld [tilespmem:s28+$0x470]  }
0x2c0: {  	v11 =	vunpack.i.u.bf16.f32 v7;
	v7 =	vunpack.i.l.bf16.f32 v7;
	v12 =	vunpack.i.l.bf16.f32 v8  }
0x2c1: {  	v8 =	vunpack.i.u.bf16.f32 v8;
	v7 =	vmul.f32 v7, v3;
	v12 =	vmul.f32 v12, v6  }
0x2c2: {  	v13 =	vunpack.i.l.bf16.f32 v9;
	v6 =	vmul.f32 v8, v6;
	v3 =	vmul.f32 v11, v3  }
0x2c3: {  	v8 =	vunpack.i.u.bf16.f32 v9;
	v9 =	vmul.f32 v13, v4;
	v7 =	vadd.f32 v12, v7  }
0x2c4: {  	v11 =	vunpack.i.l.bf16.f32 v10;
	v4 =	vmul.f32 v8, v4;
	v3 =	vadd.f32 v6, v3  }
0x2c5: {  	v8 =	vmul.f32 v11, v5;
	v6 =	vunpack.i.u.bf16.f32 v10;
	v7 =	vadd.f32 v9, v7  }
0x2c6: {  	v3 =	vadd.f32 v4, v3;
	v4 =	vmul.f32 v6, v5  }
0x2c7: {  	v5 =	vadd.f32 v8, v7  }
0x2c8: {  	v3 =	vadd.f32 v4, v3  }
0x2c9: {  	[tilespmem:s22+$0x60] =	vst v5  }
0x2ca: {  	s1 =	simm.s32 $0x8000;
	[tilespmem:s22+$0x70] =	vst v3  }
0x2cb: {  	[spmem:s3] =	stream.indirect.scatter.add.f32 [tilespmem:s1], [sflag:$0xE], $0x80, s15, s13, $0xb8;
	[tilespmem:$0x1D000] =	vst v63  }
0x2cc: {  	s22 =	smul.u32 $0xA0, s16;
	_ =	swait.ge [sflag:s0], $0x1400  }
0x2cd: {  	s18 =	rddreg [dreg:$0xd]  }
0x2ce: {  	s1 =	sadd.s32 s22, s18  }
0x2cf: {  	[sflag:s0] =	ssyncset.done $0x0;
	s1 =	sshrl.u32 s1, $0x3  }
0x2d0: {  	s23 =	simm.s32 $0x0;
	[sflag:s0] =	ssyncadd.s32 $0xFFFFEC00;
	s18 =	sadd.s32 s6, s1  }
0x2d1: {  	[tilespmem:s23], [sflag:$0x1] =	stream.linear.gather [hbm4b:s18+s23], $0x28, $0x38;
	[tilespmem:$0x1D000] =	vst v63  }
0x2d2: {  	s19 =	simm.s32 $0x200;
	s25 =	simm.s32 $0x4;
	s1 =	sadd.s32 s2, s1  }
0x2d3: {  	[tilespmem:s19], [sflag:$0x5] =	stream.linear.gather [hbm4b:s1+s23], $0x28, $0x38;
	[tilespmem:$0x1D000] =	vst v63  }
0x2d4: {  	_ =	swait.ge [sflag:s25], $0x28  }
0x2d5: {  	[sflag:s25] =	ssyncset.done $0x0  }
0x2d6: {  	[sflag:s25] =	ssyncadd.s32 $0xFFFFFFD8  }
0x2d7: {  	v3 =	vld [tilespmem:$0x180];
	_ =	sdelay $0x4  }
0x2d8: {  	v4 =	vshll.u32 v3, $0x1  }
0x2d9: {  	v3 =	vand.u32 $0x7, v3;
	v4 =	vand.u32 $0xFFFFFFF0, v4  }
0x2da: {  	v3 =	vor.u32 v3, v4  }
0x2db: {  	v4 =	vperm.xlane v3, v0;
	_ =	sdelay $0x1  }
0x2dc: {  	v3 =	vperm.xlane v3, v2;
	v4 =	vadd.s32 v1, v4;
	_ =	sdelay $0x1  }
0x2dd: {  	v3 =	vadd.s32 v1, v3;
	_ =	sdelay $0x1  }
0x2de: {  	s26 =	simm.s32 $0x4400  }
0x2df: {  	[tilespmem:s26], [sflag:$0xC] =	stream.indirect_vreg.gather [hbm4b:s5+s23], $0x80, v4, vm0, $0xb8;
	[tilespmem:$0x1D000] =	vst v63  }
0x2e0: {  	s15 =	simm.s32 $0x4C00  }
0x2e1: {  	[tilespmem:s15], [sflag:$0xC] =	stream.indirect_vreg.gather [hbm4b:s5+s23], $0x80, v3, vm0, $0xb8;
	[tilespmem:$0x1D000] =	vst v63  }
0x2e2: {  	v3 =	vld [tilespmem:$0x190];
	_ =	sdelay $0x4  }
0x2e3: {  	v4 =	vshll.u32 v3, $0x1  }
0x2e4: {  	v3 =	vand.u32 $0x7, v3;
	v4 =	vand.u32 $0xFFFFFFF0, v4  }
0x2e5: {  	v3 =	vor.u32 v3, v4  }
0x2e6: {  	v4 =	vperm.xlane v3, v0;
	_ =	sdelay $0x1  }
0x2e7: {  	v3 =	vperm.xlane v3, v2;
	v4 =	vadd.s32 v1, v4;
	_ =	sdelay $0x1  }
0x2e8: {  	v3 =	vadd.s32 v1, v3;
	_ =	sdelay $0x1  }
0x2e9: {  	s18 =	simm.s32 $0x5400  }
0x2ea: {  	[tilespmem:s18], [sflag:$0xC] =	stream.indirect_vreg.gather [hbm4b:s5+s23], $0x80, v4, vm0, $0xb8;
	[tilespmem:$0x1D000] =	vst v63  }
0x2eb: {  	s19 =	simm.s32 $0x5C00  }
0x2ec: {  	[tilespmem:s19], [sflag:$0xC] =	stream.indirect_vreg.gather [hbm4b:s5+s23], $0x80, v3, vm0, $0xb8;
	[tilespmem:$0x1D000] =	vst v63  }
0x2ed: {  	v3 =	vld.msk [tilespmem:$0x1A0], $0xff;
	_ =	sdelay $0x4  }
0x2ee: {  	v4 =	vshll.u32 v3, $0x1  }
0x2ef: {  	v3 =	vand.u32 $0x7, v3;
	v4 =	vand.u32 $0xFFFFFFF0, v4  }
0x2f0: {  	v3 =	vor.u32 v3, v4  }
0x2f1: {  	v3 =	vperm.xlane v3, v0;
	_ =	sdelay $0x1  }
0x2f2: {  	s25 =	sadd.s32 s11, s17;
	v3 =	vadd.s32 v1, v3  }
0x2f3: {  	s1 =	smul.u32 $0xC00, s25;
	_ =	sdelay $0x1  }
0x2f4: {  	s1 =	sshrl.u32 s1, $0x3  }
0x2f5: {  	s1 =	sadd.s32 s7, s1;
	s26 =	simm.s32 $0x6400  }
0x2f6: {  	[tilespmem:s26], [sflag:$0xC] =	stream.indirect_vreg.gather [hbm4b:s5+s23], $0x80, v3, vm0, $0xb8;
	[tilespmem:$0x1D000] =	vst v63  }
0x2f7: {  	s17 =	simm.s32 $0x1000;
	s1 =	sadd.s32 $0x180, s1  }
0x2f8: {  	[tilespmem:s17], [sflag:$0xA] =	stream.linear.gather [hbm4b:s1+s23], $0xA00, $0x38;
	[tilespmem:$0x1D000] =	vst v63  }
0x2f9: {  	_ =	swait.ge [sflag:s12], $0x2800  }
0x2fa: {  	[sflag:s12] =	ssyncset.done $0x0  }
0x2fb: {  	[sflag:s12] =	ssyncadd.s32 $0xFFFFD800  }
0x2fc: {  	_ =	swait.ge [sflag:s24], $0xA00  }
0x2fd: {  	[sflag:s24] =	ssyncset.done $0x0  }
0x2fe: {  	s18 =	simm.s32 $0x7;
	[sflag:s24] =	ssyncadd.s32 $0xFFFFF600  }
0x2ff: {  	s19 =	sand.u32 $0x3800, s23;
	_ =	swait.ge [sflag:s18], $0x28  }
0x300: {  	s25 =	simm.s32 $0x0;
	s19 =	sadd.s32 $0x1C00, s19;
	[sflag:s18] =	ssyncset.done $0x0  }
0x301: {  	s26 =	simm.s32 $0x0;
	[sflag:s18] =	ssyncadd.s32 $0xFFFFFFD8;
	s18 =	sand.u32 $0x300, s25  }
0x302: {  	v3 =	vld [tilespmem:s26+$0x400];
	s18 =	sor.u32 s18, s19  }
0x303: {  	v4 =	vld [tilespmem:s18+$0x0]  }
0x304: {  	v5 =	vld [tilespmem:s18+$0x40]  }
0x305: {  	v6 =	vld [tilespmem:s26+$0x410]  }
0x306: {  	v7 =	vld [tilespmem:s18+$0x400]  }
0x307: {  	v8 =	vld [tilespmem:s26+$0x420]  }
0x308: {  	v9 =	vld [tilespmem:s18+$0x440]  }
0x309: {  	v11 =	vld [tilespmem:s26+$0x430];
	v10 =	vunpack.i.u.bf16.f32 v4;
	v4 =	vunpack.i.l.bf16.f32 v4;
	v12 =	vunpack.i.l.bf16.f32 v5  }
0x30a: {  	v5 =	vunpack.i.u.bf16.f32 v5;
	v4 =	vmul.f32 v4, v3;
	v12 =	vmul.f32 v12, v6  }
0x30b: {  	v13 =	vunpack.i.l.bf16.f32 v7;
	v5 =	vmul.f32 v5, v6;
	v10 =	vmul.f32 v10, v3  }
0x30c: {  	v7 =	vunpack.i.u.bf16.f32 v7;
	v4 =	vadd.f32 v12, v4;
	v12 =	vmul.f32 v13, v8  }
0x30d: {  	v7 =	vmul.f32 v7, v8;
	v13 =	vunpack.i.l.bf16.f32 v9;
	v5 =	vadd.f32 v5, v10  }
0x30e: {  	v9 =	vunpack.i.u.bf16.f32 v9;
	v10 =	vmul.f32 v13, v11;
	v4 =	vadd.f32 v12, v4  }
0x30f: {  	v5 =	vadd.f32 v7, v5;
	v7 =	vmul.f32 v9, v11  }
0x310: {  	v4 =	vadd.f32 v10, v4  }
0x311: {  	s17 =	simm.s32 $0x6C80;
	v5 =	vadd.f32 v7, v5  }
0x312: {  	[tilespmem:s17+$0xFFFFFF80] =	vst v4  }
0x313: {  	[tilespmem:s17+$0xFFFFFF90] =	vst v5  }
0x314: {  	v4 =	vld [tilespmem:s18+$0x10]  }
0x315: {  	v5 =	vld [tilespmem:s18+$0x50];
	_ =	sdelay $0x1  }
0x316: {  	v7 =	vld [tilespmem:s18+$0x410];
	_ =	sdelay $0x1  }
0x317: {  	v9 =	vld [tilespmem:s18+$0x450]  }
0x318: {  	v10 =	vunpack.i.u.bf16.f32 v4;
	v4 =	vunpack.i.l.bf16.f32 v4;
	v12 =	vunpack.i.u.bf16.f32 v5  }
0x319: {  	v5 =	vunpack.i.l.bf16.f32 v5;
	v10 =	vmul.f32 v10, v3;
	v12 =	vmul.f32 v12, v6  }
0x31a: {  	v13 =	vunpack.i.u.bf16.f32 v7;
	v4 =	vmul.f32 v4, v3;
	v5 =	vmul.f32 v5, v6  }
0x31b: {  	v7 =	vunpack.i.l.bf16.f32 v7;
	v10 =	vadd.f32 v12, v10;
	v12 =	vmul.f32 v13, v8  }
0x31c: {  	v13 =	vunpack.i.u.bf16.f32 v9;
	v4 =	vadd.f32 v5, v4;
	v5 =	vmul.f32 v7, v8  }
0x31d: {  	v7 =	vunpack.i.l.bf16.f32 v9;
	v9 =	vadd.f32 v12, v10;
	v10 =	vmul.f32 v13, v11  }
0x31e: {  	v4 =	vadd.f32 v5, v4;
	v5 =	vmul.f32 v7, v11  }
0x31f: {  	v7 =	vadd.f32 v10, v9  }
0x320: {  	v4 =	vadd.f32 v5, v4  }
0x321: {  	[tilespmem:s17+$0xFFFFFFB0] =	vst v7  }
0x322: {  	[tilespmem:s17+$0xFFFFFFA0] =	vst v4  }
0x323: {  	v4 =	vld [tilespmem:s18+$0x20]  }
0x324: {  	v5 =	vld [tilespmem:s18+$0x60];
	_ =	sdelay $0x1  }
0x325: {  	v7 =	vld [tilespmem:s18+$0x420];
	_ =	sdelay $0x1  }
0x326: {  	v9 =	vld [tilespmem:s18+$0x460]  }
0x327: {  	v10 =	vunpack.i.u.bf16.f32 v4;
	v4 =	vunpack.i.l.bf16.f32 v4;
	v12 =	vunpack.i.l.bf16.f32 v5  }
0x328: {  	v5 =	vunpack.i.u.bf16.f32 v5;
	v4 =	vmul.f32 v4, v3;
	v12 =	vmul.f32 v12, v6  }
0x329: {  	v13 =	vunpack.i.l.bf16.f32 v7;
	v5 =	vmul.f32 v5, v6;
	v10 =	vmul.f32 v10, v3  }
0x32a: {  	v7 =	vunpack.i.u.bf16.f32 v7;
	v4 =	vadd.f32 v12, v4;
	v12 =	vmul.f32 v13, v8  }
0x32b: {  	v7 =	vmul.f32 v7, v8;
	v13 =	vunpack.i.l.bf16.f32 v9;
	v5 =	vadd.f32 v5, v10  }
0x32c: {  	v9 =	vunpack.i.u.bf16.f32 v9;
	v10 =	vmul.f32 v13, v11;
	v4 =	vadd.f32 v12, v4  }
0x32d: {  	v5 =	vadd.f32 v7, v5;
	v7 =	vmul.f32 v9, v11  }
0x32e: {  	v4 =	vadd.f32 v10, v4  }
0x32f: {  	v5 =	vadd.f32 v7, v5  }
0x330: {  	[tilespmem:s17+$0xFFFFFFC0] =	vst v4  }
0x331: {  	[tilespmem:s17+$0xFFFFFFD0] =	vst v5  }
0x332: {  	v4 =	vld [tilespmem:s18+$0x30]  }
0x333: {  	v5 =	vld [tilespmem:s18+$0x70];
	_ =	sdelay $0x1  }
0x334: {  	v7 =	vld [tilespmem:s18+$0x430];
	_ =	sdelay $0x1  }
0x335: {  	v9 =	vld [tilespmem:s18+$0x470]  }
0x336: {  	v10 =	vunpack.i.u.bf16.f32 v4;
	v4 =	vunpack.i.l.bf16.f32 v4;
	v12 =	vunpack.i.l.bf16.f32 v5  }
0x337: {  	v5 =	vunpack.i.u.bf16.f32 v5;
	v4 =	vmul.f32 v4, v3;
	v12 =	vmul.f32 v12, v6  }
0x338: {  	v13 =	vunpack.i.l.bf16.f32 v7;
	v5 =	vmul.f32 v5, v6;
	v3 =	vmul.f32 v10, v3  }
0x339: {  	v6 =	vunpack.i.u.bf16.f32 v7;
	v7 =	vmul.f32 v13, v8;
	v4 =	vadd.f32 v12, v4  }
0x33a: {  	v10 =	vunpack.i.l.bf16.f32 v9;
	v3 =	vadd.f32 v5, v3;
	v5 =	vmul.f32 v6, v8  }
0x33b: {  	v6 =	vunpack.i.u.bf16.f32 v9;
	v4 =	vadd.f32 v7, v4;
	v7 =	vmul.f32 v10, v11  }
0x33c: {  	v3 =	vadd.f32 v5, v3;
	v5 =	vmul.f32 v6, v11  }
0x33d: {  	v4 =	vadd.f32 v7, v4  }
0x33e: {  	v3 =	vadd.f32 v5, v3  }
0x33f: {  	s18 =	simm.s32 $0x80;
	[tilespmem:s17+$0xFFFFFFE0] =	vst v4  }
0x340: {  	s25 =	sand.u32 $0x380, s18;
	[tilespmem:s17+$0xFFFFFFF0] =	vst v3  }
0x341: {  	s28 =	sor.u32 s25, s19;
	v3 =	vld [tilespmem:s26+$0x440]  }
0x342: {  	v5 =	vld [tilespmem:s28+$0x40]  }
0x343: {  	v7 =	vld [tilespmem:s28+$0x0]  }
0x344: {  	v6 =	vld [tilespmem:s26+$0x450]  }
0x345: {  	v8 =	vld [tilespmem:s28+$0x400]  }
0x346: {  	v4 =	vld [tilespmem:s26+$0x460]  }
0x347: {  	v9 =	vld [tilespmem:s28+$0x440]  }
0x348: {  	v10 =	vunpack.i.u.bf16.f32 v5;
	v11 =	vunpack.i.l.bf16.f32 v5;
	v5 =	vld [tilespmem:s26+$0x470];
	v12 =	vunpack.i.l.bf16.f32 v7  }
0x349: {  	v7 =	vunpack.i.u.bf16.f32 v7;
	v11 =	vmul.f32 v11, v6;
	v12 =	vmul.f32 v12, v3  }
0x34a: {  	v13 =	vunpack.i.l.bf16.f32 v8;
	v10 =	vmul.f32 v10, v6;
	v7 =	vmul.f32 v7, v3  }
0x34b: {  	v8 =	vunpack.i.u.bf16.f32 v8;
	v11 =	vadd.f32 v11, v12;
	v12 =	vmul.f32 v13, v4  }
0x34c: {  	v8 =	vmul.f32 v8, v4;
	v13 =	vunpack.i.l.bf16.f32 v9;
	v7 =	vadd.f32 v10, v7  }
0x34d: {  	v9 =	vunpack.i.u.bf16.f32 v9;
	v10 =	vadd.f32 v12, v11;
	v11 =	vmul.f32 v13, v5  }
0x34e: {  	v7 =	vadd.f32 v8, v7;
	v8 =	vmul.f32 v9, v5  }
0x34f: {  	v9 =	vadd.f32 v11, v10  }
0x350: {  	v7 =	vadd.f32 v8, v7  }
0x351: {  	[tilespmem:s17+$0x0] =	vst v9  }
0x352: {  	[tilespmem:s17+$0x10] =	vst v7  }
0x353: {  	v7 =	vld [tilespmem:s28+$0x10]  }
0x354: {  	v8 =	vld [tilespmem:s28+$0x50];
	_ =	sdelay $0x1  }
0x355: {  	v9 =	vld [tilespmem:s28+$0x410];
	_ =	sdelay $0x1  }
0x356: {  	v10 =	vld [tilespmem:s28+$0x450]  }
0x357: {  	v11 =	vunpack.i.u.bf16.f32 v7;
	v7 =	vunpack.i.l.bf16.f32 v7;
	v12 =	vunpack.i.u.bf16.f32 v8  }
0x358: {  	v8 =	vunpack.i.l.bf16.f32 v8;
	v11 =	vmul.f32 v11, v3;
	v12 =	vmul.f32 v12, v6  }
0x359: {  	v13 =	vunpack.i.u.bf16.f32 v9;
	v7 =	vmul.f32 v7, v3;
	v8 =	vmul.f32 v8, v6  }
0x35a: {  	v9 =	vunpack.i.l.bf16.f32 v9;
	v13 =	vmul.f32 v13, v4;
	v11 =	vadd.f32 v12, v11  }
0x35b: {  	v12 =	vunpack.i.u.bf16.f32 v10;
	v7 =	vadd.f32 v8, v7;
	v8 =	vmul.f32 v9, v4  }
0x35c: {  	v9 =	vunpack.i.l.bf16.f32 v10;
	v10 =	vadd.f32 v13, v11;
	v11 =	vmul.f32 v12, v5  }
0x35d: {  	v7 =	vadd.f32 v8, v7;
	v8 =	vmul.f32 v9, v5  }
0x35e: {  	v9 =	vadd.f32 v11, v10  }
0x35f: {  	v7 =	vadd.f32 v8, v7  }
0x360: {  	[tilespmem:s17+$0x30] =	vst v9  }
0x361: {  	[tilespmem:s17+$0x20] =	vst v7  }
0x362: {  	v7 =	vld [tilespmem:s28+$0x20]  }
0x363: {  	v8 =	vld [tilespmem:s28+$0x460]  }
0x364: {  	v9 =	vld [tilespmem:s28+$0x60];
	_ =	sdelay $0x1  }
0x365: {  	v10 =	vld [tilespmem:s28+$0x420];
	_ =	sdelay $0x1  }
0x366: {  	v11 =	vunpack.i.l.bf16.f32 v7  }
0x367: {  	v12 =	vunpack.i.u.bf16.f32 v7;
	v7 =	vunpack.i.u.bf16.f32 v8;
	v13 =	vunpack.i.u.bf16.f32 v9  }
0x368: {  	v9 =	vunpack.i.l.bf16.f32 v9;
	v11 =	vmul.f32 v11, v3;
	v12 =	vmul.f32 v12, v3  }
0x369: {  	v14 =	vunpack.i.l.bf16.f32 v10;
	v15 =	vmul.f32 v9, v6;
	v13 =	vmul.f32 v13, v6  }
0x36a: {  	v10 =	vunpack.i.u.bf16.f32 v10;
	v8 =	vunpack.i.l.bf16.f32 v8;
	v9 =	vmul.f32 v14, v4  }
0x36b: {  	s31 =	simm.s32 $0x0;
	s26 =	simm.s32 $0x6D80;
	v10 =	vmul.f32 v10, v4;
	v11 =	vadd.f32 v15, v11;
	v12 =	vadd.f32 v13, v12  }
.LBB2_7:
0x36c: {  	s31 =	sadd.s32 $0x2, s31;
	v7 =	vmul.f32 v7, v5;
	s18 =	sadd.s32 $0x100, s18;
	s23 =	sadd.s32 $0x200, s23  }
0x36d: {  	v9 =	vadd.f32 v9, v11;
	v8 =	vmul.f32 v8, v5;
	p0 =	slt.u32 s31, $0x26;
	v10 =	vadd.f32 v10, v12;
	_ =	sdelay $0x1  }
0x36e: {  	v8 =	vadd.f32 v8, v9;
	v7 =	vadd.f32 v7, v10;
	_ =	sdelay $0x1  }
0x36f: {  	[tilespmem:s17+$0x50] =	vst v7  }
0x370: {  	[tilespmem:s17+$0x40] =	vst v8  }
0x371: {  	v7 =	vld [tilespmem:s28+$0x30]  }
0x372: {  	v8 =	vld [tilespmem:s28+$0x70]  }
0x373: {  	v9 =	vld [tilespmem:s28+$0x430]  }
0x374: {  	v10 =	vld [tilespmem:s28+$0x470];
	_ =	sdelay $0x1  }
0x375: {  	v11 =	vunpack.i.u.bf16.f32 v7;
	v7 =	vunpack.i.l.bf16.f32 v7  }
0x376: {  	v12 =	vunpack.i.u.bf16.f32 v8;
	v8 =	vunpack.i.l.bf16.f32 v8;
	v7 =	vmul.f32 v7, v3  }
0x377: {  	v13 =	vunpack.i.l.bf16.f32 v9;
	v8 =	vmul.f32 v8, v6;
	v6 =	vmul.f32 v12, v6  }
0x378: {  	v3 =	vmul.f32 v11, v3;
	v9 =	vunpack.i.u.bf16.f32 v9;
	v12 =	vmul.f32 v13, v4  }
0x379: {  	v11 =	vunpack.i.l.bf16.f32 v10;
	v4 =	vmul.f32 v9, v4;
	v7 =	vadd.f32 v8, v7  }
0x37a: {  	v8 =	vunpack.i.u.bf16.f32 v10;
	v3 =	vadd.f32 v6, v3  }
0x37b: {  	v6 =	vadd.f32 v12, v7;
	v7 =	vmul.f32 v11, v5  }
0x37c: {  	v3 =	vadd.f32 v4, v3;
	v4 =	vmul.f32 v8, v5  }
0x37d: {  	v5 =	vadd.f32 v7, v6  }
0x37e: {  	v3 =	vadd.f32 v4, v3  }
0x37f: {  	[tilespmem:s17+$0x60] =	vst v5  }
0x380: {  	s1 =	sand.u32 $0x3800, s23;
	s25 =	sadd.s32 $0xFFFFFF80, s18;
	[tilespmem:s17+$0x70] =	vst v3;
	s17 =	smov.u32 s26  }
0x381: {  	s19 =	sshra.s32 s23, $0x2;
	s25 =	sand.u32 $0x300, s25;
	s28 =	sadd.s32 $0x1C00, s1  }
0x382: {  	s1 =	sor.u32 s25, s28;
	v3 =	vld [tilespmem:s19+$0x400]  }
0x383: {  	v5 =	vld [tilespmem:s1+$0x400]  }
0x384: {  	v7 =	vld [tilespmem:s1+$0x0]  }
0x385: {  	v8 =	vld [tilespmem:s1+$0x40]  }
0x386: {  	v6 =	vld [tilespmem:s19+$0x410];
	_ =	sdelay $0x1  }
0x387: {  	v4 =	vld [tilespmem:s19+$0x420];
	v9 =	vunpack.i.u.bf16.f32 v5;
	v10 =	vunpack.i.l.bf16.f32 v5  }
0x388: {  	v11 =	vunpack.i.u.bf16.f32 v7;
	v7 =	vunpack.i.l.bf16.f32 v7;
	v12 =	vld [tilespmem:s1+$0x440]  }
0x389: {  	v5 =	vld [tilespmem:s19+$0x430];
	v13 =	vunpack.i.u.bf16.f32 v8;
	v8 =	vunpack.i.l.bf16.f32 v8;
	v7 =	vmul.f32 v7, v3  }
0x38a: {  	v8 =	vmul.f32 v8, v6;
	v13 =	vmul.f32 v13, v6  }
0x38b: {  	v11 =	vmul.f32 v11, v3  }
0x38c: {  	v7 =	vadd.f32 v8, v7;
	v8 =	vmul.f32 v10, v4  }
0x38d: {  	v11 =	vadd.f32 v13, v11;
	v9 =	vmul.f32 v9, v4;
	v10 =	vunpack.i.l.bf16.f32 v12  }
0x38e: {  	v12 =	vunpack.i.u.bf16.f32 v12;
	v7 =	vadd.f32 v8, v7;
	v8 =	vmul.f32 v10, v5  }
0x38f: {  	v9 =	vadd.f32 v9, v11;
	v10 =	vmul.f32 v12, v5  }
0x390: {  	v7 =	vadd.f32 v8, v7  }
0x391: {  	v8 =	vadd.f32 v10, v9  }
0x392: {  	[tilespmem:s26+$0xFFFFFF80] =	vst v7  }
0x393: {  	[tilespmem:s26+$0xFFFFFF90] =	vst v8  }
0x394: {  	v7 =	vld [tilespmem:s1+$0x10]  }
0x395: {  	v8 =	vld [tilespmem:s1+$0x50]  }
0x396: {  	v9 =	vld [tilespmem:s1+$0x410];
	_ =	sdelay $0x2  }
0x397: {  	v10 =	vunpack.i.u.bf16.f32 v7;
	v7 =	vunpack.i.l.bf16.f32 v7;
	v11 =	vld [tilespmem:s1+$0x450]  }
0x398: {  	v12 =	vunpack.i.u.bf16.f32 v8;
	v8 =	vunpack.i.l.bf16.f32 v8;
	v10 =	vmul.f32 v10, v3  }
0x399: {  	v7 =	vmul.f32 v7, v3;
	v13 =	vunpack.i.u.bf16.f32 v9;
	v12 =	vmul.f32 v12, v6  }
0x39a: {  	v9 =	vunpack.i.l.bf16.f32 v9;
	v8 =	vmul.f32 v8, v6  }
0x39b: {  	v10 =	vadd.f32 v12, v10;
	v12 =	vmul.f32 v13, v4  }
0x39c: {  	v7 =	vadd.f32 v8, v7;
	v8 =	vmul.f32 v9, v4;
	v13 =	vunpack.i.u.bf16.f32 v11  }
0x39d: {  	v9 =	vunpack.i.l.bf16.f32 v11;
	v10 =	vadd.f32 v12, v10;
	v11 =	vmul.f32 v13, v5  }
0x39e: {  	v7 =	vadd.f32 v8, v7;
	v8 =	vmul.f32 v9, v5  }
0x39f: {  	v9 =	vadd.f32 v11, v10  }
0x3a0: {  	v7 =	vadd.f32 v8, v7  }
0x3a1: {  	[tilespmem:s26+$0xFFFFFFB0] =	vst v9  }
0x3a2: {  	[tilespmem:s26+$0xFFFFFFA0] =	vst v7  }
0x3a3: {  	v7 =	vld [tilespmem:s1+$0x20]  }
0x3a4: {  	v8 =	vld [tilespmem:s1+$0x60]  }
0x3a5: {  	v9 =	vld [tilespmem:s1+$0x420]  }
0x3a6: {  	v10 =	vld [tilespmem:s1+$0x460];
	_ =	sdelay $0x1  }
0x3a7: {  	v11 =	vunpack.i.u.bf16.f32 v7;
	v7 =	vunpack.i.l.bf16.f32 v7  }
0x3a8: {  	v12 =	vunpack.i.u.bf16.f32 v8;
	v8 =	vunpack.i.l.bf16.f32 v8;
	v7 =	vmul.f32 v7, v3  }
0x3a9: {  	v13 =	vunpack.i.l.bf16.f32 v9;
	v8 =	vmul.f32 v8, v6;
	v12 =	vmul.f32 v12, v6  }
0x3aa: {  	v11 =	vmul.f32 v11, v3;
	v9 =	vunpack.i.u.bf16.f32 v9;
	v14 =	vunpack.i.l.bf16.f32 v10  }
0x3ab: {  	v10 =	vunpack.i.u.bf16.f32 v10;
	v7 =	vadd.f32 v8, v7;
	v8 =	vmul.f32 v13, v4  }
0x3ac: {  	v9 =	vmul.f32 v9, v4;
	v11 =	vadd.f32 v12, v11  }
0x3ad: {  	v7 =	vadd.f32 v8, v7;
	v8 =	vmul.f32 v14, v5  }
0x3ae: {  	v10 =	vmul.f32 v10, v5;
	v9 =	vadd.f32 v9, v11  }
0x3af: {  	v7 =	vadd.f32 v8, v7  }
0x3b0: {  	v8 =	vadd.f32 v10, v9  }
0x3b1: {  	[tilespmem:s26+$0xFFFFFFC0] =	vst v7  }
0x3b2: {  	[tilespmem:s26+$0xFFFFFFD0] =	vst v8  }
0x3b3: {  	v7 =	vld [tilespmem:s1+$0x30]  }
0x3b4: {  	v8 =	vld [tilespmem:s1+$0x70]  }
0x3b5: {  	v9 =	vld [tilespmem:s1+$0x430]  }
0x3b6: {  	v10 =	vld [tilespmem:s1+$0x470];
	_ =	sdelay $0x1  }
0x3b7: {  	v11 =	vunpack.i.u.bf16.f32 v7;
	v7 =	vunpack.i.l.bf16.f32 v7  }
0x3b8: {  	v12 =	vunpack.i.u.bf16.f32 v8;
	v8 =	vunpack.i.l.bf16.f32 v8;
	v7 =	vmul.f32 v7, v3  }
0x3b9: {  	v13 =	vunpack.i.l.bf16.f32 v9;
	v8 =	vmul.f32 v8, v6;
	v6 =	vmul.f32 v12, v6  }
0x3ba: {  	v3 =	vmul.f32 v11, v3;
	v9 =	vunpack.i.u.bf16.f32 v9;
	v12 =	vunpack.i.l.bf16.f32 v10  }
0x3bb: {  	v10 =	vunpack.i.u.bf16.f32 v10;
	v7 =	vadd.f32 v8, v7;
	v8 =	vmul.f32 v13, v4  }
0x3bc: {  	v3 =	vadd.f32 v6, v3;
	v4 =	vmul.f32 v9, v4  }
0x3bd: {  	v6 =	vadd.f32 v8, v7;
	v7 =	vmul.f32 v12, v5  }
0x3be: {  	v3 =	vadd.f32 v4, v3;
	v4 =	vmul.f32 v10, v5  }
0x3bf: {  	v5 =	vadd.f32 v7, v6  }
0x3c0: {  	v3 =	vadd.f32 v4, v3  }
0x3c1: {  	[tilespmem:s26+$0xFFFFFFE0] =	vst v5  }
0x3c2: {  	s1 =	sand.u32 $0x380, s18;
	[tilespmem:s26+$0xFFFFFFF0] =	vst v3  }
0x3c3: {  	s28 =	sor.u32 s1, s28;
	v3 =	vld [tilespmem:s19+$0x440]  }
0x3c4: {  	v5 =	vld [tilespmem:s28+$0x40]  }
0x3c5: {  	v6 =	vld [tilespmem:s19+$0x450]  }
0x3c6: {  	v4 =	vld [tilespmem:s19+$0x460]  }
0x3c7: {  	v7 =	vld [tilespmem:s28+$0x0]  }
0x3c8: {  	v8 =	vld [tilespmem:s28+$0x440]  }
0x3c9: {  	v9 =	vunpack.i.u.bf16.f32 v5;
	v5 =	vunpack.i.l.bf16.f32 v5;
	v10 =	vld [tilespmem:s28+$0x400]  }
0x3ca: {  	v11 =	vmul.f32 v5, v6;
	v9 =	vmul.f32 v9, v6;
	_ =	sdelay $0x1  }
0x3cb: {  	v5 =	vld [tilespmem:s19+$0x470];
	v12 =	vunpack.i.u.bf16.f32 v7;
	v7 =	vunpack.i.l.bf16.f32 v7  }
0x3cc: {  	v13 =	vunpack.i.l.bf16.f32 v8;
	v7 =	vmul.f32 v7, v3;
	v12 =	vmul.f32 v12, v3  }
0x3cd: {  	v8 =	vunpack.i.u.bf16.f32 v8;
	v14 =	vunpack.i.u.bf16.f32 v10;
	v10 =	vunpack.i.l.bf16.f32 v10  }
0x3ce: {  	v7 =	vadd.f32 v11, v7;
	v10 =	vmul.f32 v10, v4;
	v9 =	vadd.f32 v9, v12  }
0x3cf: {  	v11 =	vmul.f32 v14, v4  }
0x3d0: {  	v7 =	vadd.f32 v10, v7;
	v10 =	vmul.f32 v13, v5  }
0x3d1: {  	v9 =	vadd.f32 v11, v9;
	v8 =	vmul.f32 v8, v5  }
0x3d2: {  	v7 =	vadd.f32 v10, v7  }
0x3d3: {  	v8 =	vadd.f32 v8, v9  }
0x3d4: {  	[tilespmem:s26+$0x0] =	vst v7  }
0x3d5: {  	[tilespmem:s26+$0x10] =	vst v8  }
0x3d6: {  	v7 =	vld [tilespmem:s28+$0x10]  }
0x3d7: {  	v8 =	vld [tilespmem:s28+$0x50]  }
0x3d8: {  	v9 =	vld [tilespmem:s28+$0x410]  }
0x3d9: {  	v10 =	vld [tilespmem:s28+$0x450];
	_ =	sdelay $0x1  }
0x3da: {  	v11 =	vunpack.i.u.bf16.f32 v7;
	v7 =	vunpack.i.l.bf16.f32 v7  }
0x3db: {  	v12 =	vunpack.i.u.bf16.f32 v8;
	v8 =	vunpack.i.l.bf16.f32 v8;
	v11 =	vmul.f32 v11, v3  }
0x3dc: {  	v7 =	vmul.f32 v7, v3;
	v13 =	vunpack.i.u.bf16.f32 v9;
	v12 =	vmul.f32 v12, v6  }
0x3dd: {  	v8 =	vmul.f32 v8, v6;
	v14 =	vunpack.i.u.bf16.f32 v10;
	v13 =	vmul.f32 v13, v4  }
0x3de: {  	v9 =	vunpack.i.l.bf16.f32 v9;
	v10 =	vunpack.i.l.bf16.f32 v10;
	v11 =	vadd.f32 v12, v11  }
0x3df: {  	v7 =	vadd.f32 v8, v7;
	v8 =	vmul.f32 v9, v4  }
0x3e0: {  	v9 =	vadd.f32 v13, v11;
	v11 =	vmul.f32 v14, v5  }
0x3e1: {  	v7 =	vadd.f32 v8, v7;
	v8 =	vmul.f32 v10, v5  }
0x3e2: {  	v9 =	vadd.f32 v11, v9  }
0x3e3: {  	v7 =	vadd.f32 v8, v7  }
0x3e4: {  	[tilespmem:s26+$0x30] =	vst v9  }
0x3e5: {  	[tilespmem:s26+$0x20] =	vst v7  }
0x3e6: {  	v7 =	vld [tilespmem:s28+$0x20]  }
0x3e7: {  	v8 =	vld [tilespmem:s28+$0x460]  }
0x3e8: {  	v9 =	vld [tilespmem:s28+$0x420]  }
0x3e9: {  	v10 =	vld [tilespmem:s28+$0x60];
	_ =	sdelay $0x1  }
0x3ea: {  	v11 =	vunpack.i.u.bf16.f32 v7;
	v12 =	vunpack.i.l.bf16.f32 v7  }
0x3eb: {  	v7 =	vunpack.i.u.bf16.f32 v8;
	v12 =	vmul.f32 v12, v3;
	v13 =	vmul.f32 v11, v3  }
0x3ec: {  	v8 =	vunpack.i.l.bf16.f32 v8;
	v11 =	vunpack.i.u.bf16.f32 v9  }
.Ltmp2:
0x3ed: {  	v9 =	vunpack.i.l.bf16.f32 v9;
	v14 =	vunpack.i.u.bf16.f32 v10;
	v10 =	vunpack.i.l.bf16.f32 v10;
	(pc) =	sbr.rel @p0 .LBB2_7-.Ltmp2, $4  }
0x3ee: {  	v9 =	vmul.f32 v9, v4;
	v15 =	vmul.f32 v10, v6  }
0x3ef: {  	v14 =	vmul.f32 v14, v6;
	v10 =	vmul.f32 v11, v4  }
0x3f0: {  	v11 =	vadd.f32 v15, v12  }
0x3f1: {  	s26 =	sadd.s32 $0x100, s26;
	v12 =	vadd.f32 v14, v13  }
0x3f2: {  	v9 =	vadd.f32 v9, v11;
	v8 =	vmul.f32 v8, v5  }
0x3f3: {  	v7 =	vmul.f32 v7, v5;
	v10 =	vadd.f32 v10, v12  }
0x3f4: {  	v8 =	vadd.f32 v8, v9  }
0x3f5: {  	v7 =	vadd.f32 v7, v10  }
0x3f6: {  	[tilespmem:s17+$0x40] =	vst v8  }
0x3f7: {  	[tilespmem:s17+$0x50] =	vst v7  }
0x3f8: {  	v7 =	vld [tilespmem:s28+$0x30]  }
0x3f9: {  	v8 =	vld [tilespmem:s28+$0x70];
	_ =	sdelay $0x1  }
0x3fa: {  	v9 =	vld [tilespmem:s28+$0x430];
	_ =	sdelay $0x1  }
0x3fb: {  	v10 =	vld [tilespmem:s28+$0x470]  }
0x3fc: {  	v11 =	vunpack.i.u.bf16.f32 v7;
	v7 =	vunpack.i.l.bf16.f32 v7;
	v12 =	vunpack.i.l.bf16.f32 v8  }
0x3fd: {  	v8 =	vunpack.i.u.bf16.f32 v8;
	v7 =	vmul.f32 v7, v3;
	v12 =	vmul.f32 v12, v6  }
0x3fe: {  	v13 =	vunpack.i.l.bf16.f32 v9;
	v6 =	vmul.f32 v8, v6;
	v3 =	vmul.f32 v11, v3  }
0x3ff: {  	v8 =	vunpack.i.u.bf16.f32 v9;
	v9 =	vmul.f32 v13, v4;
	v7 =	vadd.f32 v12, v7  }
0x400: {  	v11 =	vunpack.i.l.bf16.f32 v10;
	v4 =	vmul.f32 v8, v4;
	v3 =	vadd.f32 v6, v3  }
0x401: {  	v8 =	vmul.f32 v11, v5;
	v6 =	vunpack.i.u.bf16.f32 v10;
	v7 =	vadd.f32 v9, v7  }
0x402: {  	v3 =	vadd.f32 v4, v3;
	v4 =	vmul.f32 v6, v5  }
0x403: {  	v5 =	vadd.f32 v8, v7  }
0x404: {  	v3 =	vadd.f32 v4, v3  }
0x405: {  	[tilespmem:s17+$0x60] =	vst v5  }
0x406: {  	s31 =	simm.s32 $0x300;
	s1 =	simm.s32 $0x6C00;
	[tilespmem:s17+$0x70] =	vst v3  }
0x407: {  	[spmem:s3] =	stream.indirect.scatter.add.f32 [tilespmem:s1], [sflag:$0xD], $0x80, s31, s13, $0xb8;
	[tilespmem:$0x1D000] =	vst v63  }
0x408: {  	_ =	swait.ge [sflag:s8], $0x1400  }
0x409: {  	s19 =	rddreg [dreg:$0xe]  }
0x40a: {  	s1 =	sadd.s32 s22, s19  }
0x40b: {  	s17 =	simm.s32 $0x0;
	[sflag:s8] =	ssyncset.done $0x0;
	s1 =	sshrl.u32 s1, $0x3  }
0x40c: {  	[sflag:s8] =	ssyncadd.s32 $0xFFFFEC00;
	s22 =	simm.s32 $0x80;
	s18 =	sadd.s32 s6, s1  }
0x40d: {  	[tilespmem:s22], [sflag:$0x2] =	stream.linear.gather [hbm4b:s18+s17], $0x28, $0x38;
	[tilespmem:$0x1D000] =	vst v63  }
0x40e: {  	s28 =	simm.s32 $0x280;
	s1 =	sadd.s32 s2, s1  }
0x40f: {  	[tilespmem:s28], [sflag:$0x6] =	stream.linear.gather [hbm4b:s1+s17], $0x28, $0x38;
	[tilespmem:$0x1D000] =	vst v63  }
0x410: {  	_ =	swait.ge [sflag:s30], $0x28  }
0x411: {  	[sflag:s30] =	ssyncset.done $0x0  }
0x412: {  	[sflag:s30] =	ssyncadd.s32 $0xFFFFFFD8  }
0x413: {  	v3 =	vld [tilespmem:$0x0];
	_ =	sdelay $0x4  }
0x414: {  	v4 =	vshll.u32 v3, $0x1  }
0x415: {  	v3 =	vand.u32 $0x7, v3;
	v4 =	vand.u32 $0xFFFFFFF0, v4  }
0x416: {  	v3 =	vor.u32 v3, v4  }
0x417: {  	v4 =	vperm.xlane v3, v0;
	_ =	sdelay $0x1  }
0x418: {  	v3 =	vperm.xlane v3, v2;
	v4 =	vadd.s32 v1, v4;
	_ =	sdelay $0x1  }
0x419: {  	v3 =	vadd.s32 v1, v3;
	_ =	sdelay $0x1  }
0x41a: {  	s23 =	simm.s32 $0x1C00  }
0x41b: {  	[tilespmem:s23], [sflag:$0xB] =	stream.indirect_vreg.gather [hbm4b:s5+s17], $0x80, v4, vm0, $0xb8;
	[tilespmem:$0x1D000] =	vst v63  }
0x41c: {  	s25 =	simm.s32 $0x2400  }
0x41d: {  	[tilespmem:s25], [sflag:$0xB] =	stream.indirect_vreg.gather [hbm4b:s5+s17], $0x80, v3, vm0, $0xb8;
	[tilespmem:$0x1D000] =	vst v63  }
0x41e: {  	v3 =	vld [tilespmem:$0x10];
	_ =	sdelay $0x4  }
0x41f: {  	v4 =	vshll.u32 v3, $0x1  }
0x420: {  	v3 =	vand.u32 $0x7, v3;
	v4 =	vand.u32 $0xFFFFFFF0, v4  }
0x421: {  	v3 =	vor.u32 v3, v4  }
0x422: {  	v4 =	vperm.xlane v3, v0;
	_ =	sdelay $0x1  }
0x423: {  	v3 =	vperm.xlane v3, v2;
	v4 =	vadd.s32 v1, v4;
	_ =	sdelay $0x1  }
0x424: {  	v3 =	vadd.s32 v1, v3;
	_ =	sdelay $0x1  }
0x425: {  	s26 =	simm.s32 $0x2C00  }
0x426: {  	[tilespmem:s26], [sflag:$0xB] =	stream.indirect_vreg.gather [hbm4b:s5+s17], $0x80, v4, vm0, $0xb8;
	[tilespmem:$0x1D000] =	vst v63  }
0x427: {  	s15 =	simm.s32 $0x3400  }
0x428: {  	[tilespmem:s15], [sflag:$0xB] =	stream.indirect_vreg.gather [hbm4b:s5+s17], $0x80, v3, vm0, $0xb8;
	[tilespmem:$0x1D000] =	vst v63  }
0x429: {  	v3 =	vld.msk [tilespmem:$0x20], $0xff;
	_ =	sdelay $0x4  }
0x42a: {  	v4 =	vshll.u32 v3, $0x1  }
0x42b: {  	v3 =	vand.u32 $0x7, v3;
	v4 =	vand.u32 $0xFFFFFFF0, v4  }
0x42c: {  	v3 =	vor.u32 v3, v4  }
0x42d: {  	v3 =	vperm.xlane v3, v0;
	_ =	sdelay $0x1  }
0x42e: {  	s18 =	sadd.s32 s11, s21;
	v3 =	vadd.s32 v1, v3  }
0x42f: {  	s1 =	smul.u32 $0xC00, s18;
	_ =	sdelay $0x1  }
0x430: {  	s1 =	sshrl.u32 s1, $0x3  }
0x431: {  	s1 =	sadd.s32 s7, s1;
	s15 =	simm.s32 $0x3C00  }
0x432: {  	[tilespmem:s15], [sflag:$0xB] =	stream.indirect_vreg.gather [hbm4b:s5+s17], $0x80, v3, vm0, $0xb8;
	[tilespmem:$0x1D000] =	vst v63  }
0x433: {  	s19 =	simm.s32 $0x400;
	s1 =	sadd.s32 $0x180, s1  }
0x434: {  	[tilespmem:s19], [sflag:$0x9] =	stream.linear.gather [hbm4b:s1+s17], $0xA00, $0x38;
	[tilespmem:$0x1D000] =	vst v63  }
0x435: {  	_ =	swait.ge [sflag:s14], $0x2800  }
0x436: {  	[sflag:s14] =	ssyncset.done $0x0  }
0x437: {  	[sflag:s14] =	ssyncadd.s32 $0xFFFFD800  }
0x438: {  	_ =	swait.ge [sflag:s20], $0xA00  }
0x439: {  	[sflag:s20] =	ssyncset.done $0x0  }
0x43a: {  	s21 =	simm.s32 $0x8;
	[sflag:s20] =	ssyncadd.s32 $0xFFFFF600  }
0x43b: {  	s23 =	sand.u32 $0x3800, s17;
	_ =	swait.ge [sflag:s21], $0x28  }
0x43c: {  	s18 =	sor.u32 $0x4400, s23;
	s19 =	simm.s32 $0x0;
	[sflag:s21] =	ssyncset.done $0x0  }
0x43d: {  	s25 =	simm.s32 $0x0;
	s19 =	sand.u32 $0x300, s19;
	[sflag:s21] =	ssyncadd.s32 $0xFFFFFFD8  }
0x43e: {  	s19 =	sor.u32 s19, s18;
	v3 =	vld [tilespmem:s25+$0x1000]  }
0x43f: {  	v4 =	vld [tilespmem:s19+$0x0]  }
0x440: {  	v5 =	vld [tilespmem:s19+$0x40]  }
0x441: {  	v6 =	vld [tilespmem:s25+$0x1010]  }
0x442: {  	v7 =	vld [tilespmem:s19+$0x400]  }
0x443: {  	v8 =	vld [tilespmem:s25+$0x1020]  }
0x444: {  	v9 =	vld [tilespmem:s19+$0x440]  }
0x445: {  	v11 =	vld [tilespmem:s25+$0x1030];
	v10 =	vunpack.i.u.bf16.f32 v4;
	v4 =	vunpack.i.l.bf16.f32 v4;
	v12 =	vunpack.i.l.bf16.f32 v5  }
0x446: {  	v5 =	vunpack.i.u.bf16.f32 v5;
	v4 =	vmul.f32 v4, v3;
	v12 =	vmul.f32 v12, v6  }
0x447: {  	v13 =	vunpack.i.l.bf16.f32 v7;
	v5 =	vmul.f32 v5, v6;
	v10 =	vmul.f32 v10, v3  }
0x448: {  	v7 =	vunpack.i.u.bf16.f32 v7;
	v4 =	vadd.f32 v12, v4;
	v12 =	vmul.f32 v13, v8  }
0x449: {  	v7 =	vmul.f32 v7, v8;
	v13 =	vunpack.i.l.bf16.f32 v9;
	v5 =	vadd.f32 v5, v10  }
0x44a: {  	v9 =	vunpack.i.u.bf16.f32 v9;
	v10 =	vmul.f32 v13, v11;
	v4 =	vadd.f32 v12, v4  }
0x44b: {  	v5 =	vadd.f32 v7, v5;
	v7 =	vmul.f32 v9, v11  }
0x44c: {  	v4 =	vadd.f32 v10, v4  }
0x44d: {  	s21 =	simm.s32 $0x8080;
	v5 =	vadd.f32 v7, v5  }
0x44e: {  	[tilespmem:s21+$0xFFFFFF80] =	vst v4  }
0x44f: {  	[tilespmem:s21+$0xFFFFFF90] =	vst v5  }
0x450: {  	v4 =	vld [tilespmem:s19+$0x10]  }
0x451: {  	v5 =	vld [tilespmem:s19+$0x50];
	_ =	sdelay $0x1  }
0x452: {  	v7 =	vld [tilespmem:s19+$0x410];
	_ =	sdelay $0x1  }
0x453: {  	v9 =	vld [tilespmem:s19+$0x450]  }
0x454: {  	v10 =	vunpack.i.u.bf16.f32 v4;
	v4 =	vunpack.i.l.bf16.f32 v4;
	v12 =	vunpack.i.u.bf16.f32 v5  }
0x455: {  	v5 =	vunpack.i.l.bf16.f32 v5;
	v10 =	vmul.f32 v10, v3;
	v12 =	vmul.f32 v12, v6  }
0x456: {  	v13 =	vunpack.i.u.bf16.f32 v7;
	v4 =	vmul.f32 v4, v3;
	v5 =	vmul.f32 v5, v6  }
0x457: {  	v7 =	vunpack.i.l.bf16.f32 v7;
	v10 =	vadd.f32 v12, v10;
	v12 =	vmul.f32 v13, v8  }
0x458: {  	v13 =	vunpack.i.u.bf16.f32 v9;
	v4 =	vadd.f32 v5, v4;
	v5 =	vmul.f32 v7, v8  }
0x459: {  	v7 =	vunpack.i.l.bf16.f32 v9;
	v9 =	vadd.f32 v12, v10;
	v10 =	vmul.f32 v13, v11  }
0x45a: {  	v4 =	vadd.f32 v5, v4;
	v5 =	vmul.f32 v7, v11  }
0x45b: {  	v7 =	vadd.f32 v10, v9  }
0x45c: {  	v4 =	vadd.f32 v5, v4  }
0x45d: {  	[tilespmem:s21+$0xFFFFFFB0] =	vst v7  }
0x45e: {  	[tilespmem:s21+$0xFFFFFFA0] =	vst v4  }
0x45f: {  	v4 =	vld [tilespmem:s19+$0x20]  }
0x460: {  	v5 =	vld [tilespmem:s19+$0x60];
	_ =	sdelay $0x1  }
0x461: {  	v7 =	vld [tilespmem:s19+$0x420];
	_ =	sdelay $0x1  }
0x462: {  	v9 =	vld [tilespmem:s19+$0x460]  }
0x463: {  	v10 =	vunpack.i.u.bf16.f32 v4;
	v4 =	vunpack.i.l.bf16.f32 v4;
	v12 =	vunpack.i.l.bf16.f32 v5  }
0x464: {  	v5 =	vunpack.i.u.bf16.f32 v5;
	v4 =	vmul.f32 v4, v3;
	v12 =	vmul.f32 v12, v6  }
0x465: {  	v13 =	vunpack.i.l.bf16.f32 v7;
	v5 =	vmul.f32 v5, v6;
	v10 =	vmul.f32 v10, v3  }
0x466: {  	v7 =	vunpack.i.u.bf16.f32 v7;
	v4 =	vadd.f32 v12, v4;
	v12 =	vmul.f32 v13, v8  }
0x467: {  	v7 =	vmul.f32 v7, v8;
	v13 =	vunpack.i.l.bf16.f32 v9;
	v5 =	vadd.f32 v5, v10  }
0x468: {  	v9 =	vunpack.i.u.bf16.f32 v9;
	v10 =	vmul.f32 v13, v11;
	v4 =	vadd.f32 v12, v4  }
0x469: {  	v5 =	vadd.f32 v7, v5;
	v7 =	vmul.f32 v9, v11  }
0x46a: {  	v4 =	vadd.f32 v10, v4  }
0x46b: {  	v5 =	vadd.f32 v7, v5  }
0x46c: {  	[tilespmem:s21+$0xFFFFFFC0] =	vst v4  }
0x46d: {  	[tilespmem:s21+$0xFFFFFFD0] =	vst v5  }
0x46e: {  	v4 =	vld [tilespmem:s19+$0x30]  }
0x46f: {  	v5 =	vld [tilespmem:s19+$0x70];
	_ =	sdelay $0x1  }
0x470: {  	v7 =	vld [tilespmem:s19+$0x430];
	_ =	sdelay $0x1  }
0x471: {  	v9 =	vld [tilespmem:s19+$0x470]  }
0x472: {  	v10 =	vunpack.i.u.bf16.f32 v4;
	v4 =	vunpack.i.l.bf16.f32 v4;
	v12 =	vunpack.i.l.bf16.f32 v5  }
0x473: {  	v5 =	vunpack.i.u.bf16.f32 v5;
	v4 =	vmul.f32 v4, v3;
	v12 =	vmul.f32 v12, v6  }
0x474: {  	v13 =	vunpack.i.l.bf16.f32 v7;
	v5 =	vmul.f32 v5, v6;
	v3 =	vmul.f32 v10, v3  }
0x475: {  	v6 =	vunpack.i.u.bf16.f32 v7;
	v7 =	vmul.f32 v13, v8;
	v4 =	vadd.f32 v12, v4  }
0x476: {  	v10 =	vunpack.i.l.bf16.f32 v9;
	v3 =	vadd.f32 v5, v3;
	v5 =	vmul.f32 v6, v8  }
0x477: {  	v6 =	vunpack.i.u.bf16.f32 v9;
	v4 =	vadd.f32 v7, v4;
	v7 =	vmul.f32 v10, v11  }
0x478: {  	v3 =	vadd.f32 v5, v3;
	v5 =	vmul.f32 v6, v11  }
0x479: {  	v4 =	vadd.f32 v7, v4  }
0x47a: {  	v3 =	vadd.f32 v5, v3  }
0x47b: {  	[tilespmem:s21+$0xFFFFFFE0] =	vst v4  }
0x47c: {  	s26 =	sand.u32 $0x380, s22;
	[tilespmem:s21+$0xFFFFFFF0] =	vst v3  }
0x47d: {  	s26 =	sor.u32 s26, s18;
	v3 =	vld [tilespmem:s25+$0x1040]  }
0x47e: {  	v5 =	vld [tilespmem:s26+$0x40]  }
0x47f: {  	v7 =	vld [tilespmem:s26+$0x0]  }
0x480: {  	v6 =	vld [tilespmem:s25+$0x1050]  }
0x481: {  	v8 =	vld [tilespmem:s26+$0x400]  }
0x482: {  	v4 =	vld [tilespmem:s25+$0x1060]  }
0x483: {  	v9 =	vld [tilespmem:s26+$0x440]  }
0x484: {  	v10 =	vunpack.i.u.bf16.f32 v5;
	v11 =	vunpack.i.l.bf16.f32 v5;
	v5 =	vld [tilespmem:s25+$0x1070];
	v12 =	vunpack.i.l.bf16.f32 v7  }
0x485: {  	v7 =	vunpack.i.u.bf16.f32 v7;
	v11 =	vmul.f32 v11, v6;
	v12 =	vmul.f32 v12, v3  }
0x486: {  	v13 =	vunpack.i.l.bf16.f32 v8;
	v10 =	vmul.f32 v10, v6;
	v7 =	vmul.f32 v7, v3  }
0x487: {  	v8 =	vunpack.i.u.bf16.f32 v8;
	v11 =	vadd.f32 v11, v12;
	v12 =	vmul.f32 v13, v4  }
0x488: {  	v8 =	vmul.f32 v8, v4;
	v13 =	vunpack.i.l.bf16.f32 v9;
	v7 =	vadd.f32 v10, v7  }
0x489: {  	v9 =	vunpack.i.u.bf16.f32 v9;
	v10 =	vadd.f32 v12, v11;
	v11 =	vmul.f32 v13, v5  }
0x48a: {  	v7 =	vadd.f32 v8, v7;
	v8 =	vmul.f32 v9, v5  }
0x48b: {  	v9 =	vadd.f32 v11, v10  }
0x48c: {  	v7 =	vadd.f32 v8, v7  }
0x48d: {  	[tilespmem:s21+$0x0] =	vst v9  }
0x48e: {  	[tilespmem:s21+$0x10] =	vst v7  }
0x48f: {  	v7 =	vld [tilespmem:s26+$0x10]  }
0x490: {  	v8 =	vld [tilespmem:s26+$0x50];
	_ =	sdelay $0x1  }
0x491: {  	v9 =	vld [tilespmem:s26+$0x410];
	_ =	sdelay $0x1  }
0x492: {  	v10 =	vld [tilespmem:s26+$0x450]  }
0x493: {  	v11 =	vunpack.i.u.bf16.f32 v7;
	v7 =	vunpack.i.l.bf16.f32 v7;
	v12 =	vunpack.i.u.bf16.f32 v8  }
0x494: {  	v8 =	vunpack.i.l.bf16.f32 v8;
	v11 =	vmul.f32 v11, v3;
	v12 =	vmul.f32 v12, v6  }
0x495: {  	v13 =	vunpack.i.u.bf16.f32 v9;
	v7 =	vmul.f32 v7, v3;
	v8 =	vmul.f32 v8, v6  }
0x496: {  	v9 =	vunpack.i.l.bf16.f32 v9;
	v13 =	vmul.f32 v13, v4;
	v11 =	vadd.f32 v12, v11  }
0x497: {  	v12 =	vunpack.i.u.bf16.f32 v10;
	v7 =	vadd.f32 v8, v7;
	v8 =	vmul.f32 v9, v4  }
0x498: {  	v9 =	vunpack.i.l.bf16.f32 v10;
	v10 =	vadd.f32 v13, v11;
	v11 =	vmul.f32 v12, v5  }
0x499: {  	v7 =	vadd.f32 v8, v7;
	v8 =	vmul.f32 v9, v5  }
0x49a: {  	v9 =	vadd.f32 v11, v10  }
0x49b: {  	v7 =	vadd.f32 v8, v7  }
0x49c: {  	[tilespmem:s21+$0x30] =	vst v9  }
0x49d: {  	[tilespmem:s21+$0x20] =	vst v7  }
0x49e: {  	v7 =	vld [tilespmem:s26+$0x20]  }
0x49f: {  	v8 =	vld [tilespmem:s26+$0x460]  }
0x4a0: {  	v9 =	vld [tilespmem:s26+$0x60];
	_ =	sdelay $0x1  }
0x4a1: {  	v10 =	vld [tilespmem:s26+$0x420];
	_ =	sdelay $0x1  }
0x4a2: {  	v11 =	vunpack.i.l.bf16.f32 v7  }
0x4a3: {  	v12 =	vunpack.i.u.bf16.f32 v7;
	v7 =	vunpack.i.u.bf16.f32 v8;
	v13 =	vunpack.i.u.bf16.f32 v9  }
0x4a4: {  	v9 =	vunpack.i.l.bf16.f32 v9;
	v11 =	vmul.f32 v11, v3;
	v12 =	vmul.f32 v12, v3  }
0x4a5: {  	v14 =	vunpack.i.l.bf16.f32 v10;
	v15 =	vmul.f32 v9, v6;
	v13 =	vmul.f32 v13, v6  }
0x4a6: {  	v10 =	vunpack.i.u.bf16.f32 v10;
	v8 =	vunpack.i.l.bf16.f32 v8;
	v9 =	vmul.f32 v14, v4  }
0x4a7: {  	s23 =	simm.s32 $0x8180;
	s18 =	simm.s32 $0x0;
	v10 =	vmul.f32 v10, v4;
	v11 =	vadd.f32 v15, v11;
	v12 =	vadd.f32 v13, v12  }
.LBB2_9:
0x4a8: {  	s18 =	sadd.s32 $0x2, s18;
	v7 =	vmul.f32 v7, v5;
	s22 =	sadd.s32 $0x100, s22;
	s17 =	sadd.s32 $0x200, s17  }
0x4a9: {  	v9 =	vadd.f32 v9, v11;
	v8 =	vmul.f32 v8, v5;
	p0 =	slt.u32 s18, $0x26;
	v10 =	vadd.f32 v10, v12;
	_ =	sdelay $0x1  }
0x4aa: {  	v8 =	vadd.f32 v8, v9;
	v7 =	vadd.f32 v7, v10;
	_ =	sdelay $0x1  }
0x4ab: {  	[tilespmem:s21+$0x50] =	vst v7  }
0x4ac: {  	[tilespmem:s21+$0x40] =	vst v8  }
0x4ad: {  	v7 =	vld [tilespmem:s26+$0x30]  }
0x4ae: {  	v8 =	vld [tilespmem:s26+$0x70]  }
0x4af: {  	v9 =	vld [tilespmem:s26+$0x430]  }
0x4b0: {  	v10 =	vld [tilespmem:s26+$0x470];
	_ =	sdelay $0x1  }
0x4b1: {  	v11 =	vunpack.i.u.bf16.f32 v7;
	v7 =	vunpack.i.l.bf16.f32 v7  }
0x4b2: {  	v12 =	vunpack.i.u.bf16.f32 v8;
	v8 =	vunpack.i.l.bf16.f32 v8;
	v7 =	vmul.f32 v7, v3  }
0x4b3: {  	v13 =	vunpack.i.l.bf16.f32 v9;
	v8 =	vmul.f32 v8, v6;
	v6 =	vmul.f32 v12, v6  }
0x4b4: {  	v3 =	vmul.f32 v11, v3;
	v9 =	vunpack.i.u.bf16.f32 v9;
	v12 =	vmul.f32 v13, v4  }
0x4b5: {  	v11 =	vunpack.i.l.bf16.f32 v10;
	v4 =	vmul.f32 v9, v4;
	v7 =	vadd.f32 v8, v7  }
0x4b6: {  	v8 =	vunpack.i.u.bf16.f32 v10;
	v3 =	vadd.f32 v6, v3  }
0x4b7: {  	v6 =	vadd.f32 v12, v7;
	v7 =	vmul.f32 v11, v5  }
0x4b8: {  	v3 =	vadd.f32 v4, v3;
	v4 =	vmul.f32 v8, v5  }
0x4b9: {  	v5 =	vadd.f32 v7, v6  }
0x4ba: {  	v3 =	vadd.f32 v4, v3  }
0x4bb: {  	[tilespmem:s21+$0x60] =	vst v5  }
0x4bc: {  	s1 =	sand.u32 $0x3800, s17;
	s25 =	sadd.s32 $0xFFFFFF80, s22;
	[tilespmem:s21+$0x70] =	vst v3;
	s21 =	smov.u32 s23  }
0x4bd: {  	s19 =	sshra.s32 s17, $0x2;
	s25 =	sand.u32 $0x300, s25;
	s26 =	sor.u32 $0x4400, s1  }
0x4be: {  	s1 =	sor.u32 s25, s26;
	v3 =	vld [tilespmem:s19+$0x1000]  }
0x4bf: {  	v5 =	vld [tilespmem:s1+$0x400]  }
0x4c0: {  	v7 =	vld [tilespmem:s1+$0x0]  }
0x4c1: {  	v8 =	vld [tilespmem:s1+$0x40]  }
0x4c2: {  	v6 =	vld [tilespmem:s19+$0x1010];
	_ =	sdelay $0x1  }
0x4c3: {  	v4 =	vld [tilespmem:s19+$0x1020];
	v9 =	vunpack.i.u.bf16.f32 v5;
	v10 =	vunpack.i.l.bf16.f32 v5  }
0x4c4: {  	v11 =	vunpack.i.u.bf16.f32 v7;
	v7 =	vunpack.i.l.bf16.f32 v7;
	v12 =	vld [tilespmem:s1+$0x440]  }
0x4c5: {  	v5 =	vld [tilespmem:s19+$0x1030];
	v13 =	vunpack.i.u.bf16.f32 v8;
	v8 =	vunpack.i.l.bf16.f32 v8;
	v7 =	vmul.f32 v7, v3  }
0x4c6: {  	v8 =	vmul.f32 v8, v6;
	v13 =	vmul.f32 v13, v6  }
0x4c7: {  	v11 =	vmul.f32 v11, v3  }
0x4c8: {  	v7 =	vadd.f32 v8, v7;
	v8 =	vmul.f32 v10, v4  }
0x4c9: {  	v11 =	vadd.f32 v13, v11;
	v9 =	vmul.f32 v9, v4;
	v10 =	vunpack.i.l.bf16.f32 v12  }
0x4ca: {  	v12 =	vunpack.i.u.bf16.f32 v12;
	v7 =	vadd.f32 v8, v7;
	v8 =	vmul.f32 v10, v5  }
0x4cb: {  	v9 =	vadd.f32 v9, v11;
	v10 =	vmul.f32 v12, v5  }
0x4cc: {  	v7 =	vadd.f32 v8, v7  }
0x4cd: {  	v8 =	vadd.f32 v10, v9  }
0x4ce: {  	[tilespmem:s23+$0xFFFFFF80] =	vst v7  }
0x4cf: {  	[tilespmem:s23+$0xFFFFFF90] =	vst v8  }
0x4d0: {  	v7 =	vld [tilespmem:s1+$0x10]  }
0x4d1: {  	v8 =	vld [tilespmem:s1+$0x50]  }
0x4d2: {  	v9 =	vld [tilespmem:s1+$0x410];
	_ =	sdelay $0x2  }
0x4d3: {  	v10 =	vunpack.i.u.bf16.f32 v7;
	v7 =	vunpack.i.l.bf16.f32 v7;
	v11 =	vld [tilespmem:s1+$0x450]  }
0x4d4: {  	v12 =	vunpack.i.u.bf16.f32 v8;
	v8 =	vunpack.i.l.bf16.f32 v8;
	v10 =	vmul.f32 v10, v3  }
0x4d5: {  	v7 =	vmul.f32 v7, v3;
	v13 =	vunpack.i.u.bf16.f32 v9;
	v12 =	vmul.f32 v12, v6  }
0x4d6: {  	v9 =	vunpack.i.l.bf16.f32 v9;
	v8 =	vmul.f32 v8, v6  }
0x4d7: {  	v10 =	vadd.f32 v12, v10;
	v12 =	vmul.f32 v13, v4  }
0x4d8: {  	v7 =	vadd.f32 v8, v7;
	v8 =	vmul.f32 v9, v4;
	v13 =	vunpack.i.u.bf16.f32 v11  }
0x4d9: {  	v9 =	vunpack.i.l.bf16.f32 v11;
	v10 =	vadd.f32 v12, v10;
	v11 =	vmul.f32 v13, v5  }
0x4da: {  	v7 =	vadd.f32 v8, v7;
	v8 =	vmul.f32 v9, v5  }
0x4db: {  	v9 =	vadd.f32 v11, v10  }
0x4dc: {  	v7 =	vadd.f32 v8, v7  }
0x4dd: {  	[tilespmem:s23+$0xFFFFFFB0] =	vst v9  }
0x4de: {  	[tilespmem:s23+$0xFFFFFFA0] =	vst v7  }
0x4df: {  	v7 =	vld [tilespmem:s1+$0x20]  }
0x4e0: {  	v8 =	vld [tilespmem:s1+$0x60]  }
0x4e1: {  	v9 =	vld [tilespmem:s1+$0x420]  }
0x4e2: {  	v10 =	vld [tilespmem:s1+$0x460];
	_ =	sdelay $0x1  }
0x4e3: {  	v11 =	vunpack.i.u.bf16.f32 v7;
	v7 =	vunpack.i.l.bf16.f32 v7  }
0x4e4: {  	v12 =	vunpack.i.u.bf16.f32 v8;
	v8 =	vunpack.i.l.bf16.f32 v8;
	v7 =	vmul.f32 v7, v3  }
0x4e5: {  	v13 =	vunpack.i.l.bf16.f32 v9;
	v8 =	vmul.f32 v8, v6;
	v12 =	vmul.f32 v12, v6  }
0x4e6: {  	v11 =	vmul.f32 v11, v3;
	v9 =	vunpack.i.u.bf16.f32 v9;
	v14 =	vunpack.i.l.bf16.f32 v10  }
0x4e7: {  	v10 =	vunpack.i.u.bf16.f32 v10;
	v7 =	vadd.f32 v8, v7;
	v8 =	vmul.f32 v13, v4  }
0x4e8: {  	v9 =	vmul.f32 v9, v4;
	v11 =	vadd.f32 v12, v11  }
0x4e9: {  	v7 =	vadd.f32 v8, v7;
	v8 =	vmul.f32 v14, v5  }
0x4ea: {  	v10 =	vmul.f32 v10, v5;
	v9 =	vadd.f32 v9, v11  }
0x4eb: {  	v7 =	vadd.f32 v8, v7  }
0x4ec: {  	v8 =	vadd.f32 v10, v9  }
0x4ed: {  	[tilespmem:s23+$0xFFFFFFC0] =	vst v7  }
0x4ee: {  	[tilespmem:s23+$0xFFFFFFD0] =	vst v8  }
0x4ef: {  	v7 =	vld [tilespmem:s1+$0x30]  }
0x4f0: {  	v8 =	vld [tilespmem:s1+$0x70]  }
0x4f1: {  	v9 =	vld [tilespmem:s1+$0x430]  }
0x4f2: {  	v10 =	vld [tilespmem:s1+$0x470];
	_ =	sdelay $0x1  }
0x4f3: {  	v11 =	vunpack.i.u.bf16.f32 v7;
	v7 =	vunpack.i.l.bf16.f32 v7  }
0x4f4: {  	v12 =	vunpack.i.u.bf16.f32 v8;
	v8 =	vunpack.i.l.bf16.f32 v8;
	v7 =	vmul.f32 v7, v3  }
0x4f5: {  	v13 =	vunpack.i.l.bf16.f32 v9;
	v8 =	vmul.f32 v8, v6;
	v6 =	vmul.f32 v12, v6  }
0x4f6: {  	v3 =	vmul.f32 v11, v3;
	v9 =	vunpack.i.u.bf16.f32 v9;
	v12 =	vunpack.i.l.bf16.f32 v10  }
0x4f7: {  	v10 =	vunpack.i.u.bf16.f32 v10;
	v7 =	vadd.f32 v8, v7;
	v8 =	vmul.f32 v13, v4  }
0x4f8: {  	v3 =	vadd.f32 v6, v3;
	v4 =	vmul.f32 v9, v4  }
0x4f9: {  	v6 =	vadd.f32 v8, v7;
	v7 =	vmul.f32 v12, v5  }
0x4fa: {  	v3 =	vadd.f32 v4, v3;
	v4 =	vmul.f32 v10, v5  }
0x4fb: {  	v5 =	vadd.f32 v7, v6  }
0x4fc: {  	v3 =	vadd.f32 v4, v3  }
0x4fd: {  	[tilespmem:s23+$0xFFFFFFE0] =	vst v5  }
0x4fe: {  	s1 =	sand.u32 $0x380, s22;
	[tilespmem:s23+$0xFFFFFFF0] =	vst v3  }
0x4ff: {  	s26 =	sor.u32 s1, s26;
	v3 =	vld [tilespmem:s19+$0x1040]  }
0x500: {  	v5 =	vld [tilespmem:s26+$0x40]  }
0x501: {  	v6 =	vld [tilespmem:s19+$0x1050]  }
0x502: {  	v4 =	vld [tilespmem:s19+$0x1060]  }
0x503: {  	v7 =	vld [tilespmem:s26+$0x0]  }
0x504: {  	v8 =	vld [tilespmem:s26+$0x440]  }
0x505: {  	v9 =	vunpack.i.u.bf16.f32 v5;
	v5 =	vunpack.i.l.bf16.f32 v5;
	v10 =	vld [tilespmem:s26+$0x400]  }
0x506: {  	v11 =	vmul.f32 v5, v6;
	v9 =	vmul.f32 v9, v6;
	_ =	sdelay $0x1  }
0x507: {  	v5 =	vld [tilespmem:s19+$0x1070];
	v12 =	vunpack.i.u.bf16.f32 v7;
	v7 =	vunpack.i.l.bf16.f32 v7  }
0x508: {  	v13 =	vunpack.i.l.bf16.f32 v8;
	v7 =	vmul.f32 v7, v3;
	v12 =	vmul.f32 v12, v3  }
0x509: {  	v8 =	vunpack.i.u.bf16.f32 v8;
	v14 =	vunpack.i.u.bf16.f32 v10;
	v10 =	vunpack.i.l.bf16.f32 v10  }
0x50a: {  	v7 =	vadd.f32 v11, v7;
	v10 =	vmul.f32 v10, v4;
	v9 =	vadd.f32 v9, v12  }
0x50b: {  	v11 =	vmul.f32 v14, v4  }
0x50c: {  	v7 =	vadd.f32 v10, v7;
	v10 =	vmul.f32 v13, v5  }
0x50d: {  	v9 =	vadd.f32 v11, v9;
	v8 =	vmul.f32 v8, v5  }
0x50e: {  	v7 =	vadd.f32 v10, v7  }
0x50f: {  	v8 =	vadd.f32 v8, v9  }
0x510: {  	[tilespmem:s23+$0x0] =	vst v7  }
0x511: {  	[tilespmem:s23+$0x10] =	vst v8  }
0x512: {  	v7 =	vld [tilespmem:s26+$0x10]  }
0x513: {  	v8 =	vld [tilespmem:s26+$0x50]  }
0x514: {  	v9 =	vld [tilespmem:s26+$0x410]  }
0x515: {  	v10 =	vld [tilespmem:s26+$0x450];
	_ =	sdelay $0x1  }
0x516: {  	v11 =	vunpack.i.u.bf16.f32 v7;
	v7 =	vunpack.i.l.bf16.f32 v7  }
0x517: {  	v12 =	vunpack.i.u.bf16.f32 v8;
	v8 =	vunpack.i.l.bf16.f32 v8;
	v11 =	vmul.f32 v11, v3  }
0x518: {  	v7 =	vmul.f32 v7, v3;
	v13 =	vunpack.i.u.bf16.f32 v9;
	v12 =	vmul.f32 v12, v6  }
0x519: {  	v8 =	vmul.f32 v8, v6;
	v14 =	vunpack.i.u.bf16.f32 v10;
	v13 =	vmul.f32 v13, v4  }
0x51a: {  	v9 =	vunpack.i.l.bf16.f32 v9;
	v10 =	vunpack.i.l.bf16.f32 v10;
	v11 =	vadd.f32 v12, v11  }
0x51b: {  	v7 =	vadd.f32 v8, v7;
	v8 =	vmul.f32 v9, v4  }
0x51c: {  	v9 =	vadd.f32 v13, v11;
	v11 =	vmul.f32 v14, v5  }
0x51d: {  	v7 =	vadd.f32 v8, v7;
	v8 =	vmul.f32 v10, v5  }
0x51e: {  	v9 =	vadd.f32 v11, v9  }
0x51f: {  	v7 =	vadd.f32 v8, v7  }
0x520: {  	[tilespmem:s23+$0x30] =	vst v9  }
0x521: {  	[tilespmem:s23+$0x20] =	vst v7  }
0x522: {  	v7 =	vld [tilespmem:s26+$0x20]  }
0x523: {  	v8 =	vld [tilespmem:s26+$0x460]  }
0x524: {  	v9 =	vld [tilespmem:s26+$0x420]  }
0x525: {  	v10 =	vld [tilespmem:s26+$0x60];
	_ =	sdelay $0x1  }
0x526: {  	v11 =	vunpack.i.u.bf16.f32 v7;
	v12 =	vunpack.i.l.bf16.f32 v7  }
0x527: {  	v7 =	vunpack.i.u.bf16.f32 v8;
	v12 =	vmul.f32 v12, v3;
	v13 =	vmul.f32 v11, v3  }
0x528: {  	v8 =	vunpack.i.l.bf16.f32 v8;
	v11 =	vunpack.i.u.bf16.f32 v9  }
.Ltmp3:
0x529: {  	v9 =	vunpack.i.l.bf16.f32 v9;
	v14 =	vunpack.i.u.bf16.f32 v10;
	v10 =	vunpack.i.l.bf16.f32 v10;
	(pc) =	sbr.rel @p0 .LBB2_9-.Ltmp3, $4  }
0x52a: {  	v9 =	vmul.f32 v9, v4;
	v15 =	vmul.f32 v10, v6  }
0x52b: {  	v14 =	vmul.f32 v14, v6;
	v10 =	vmul.f32 v11, v4  }
0x52c: {  	v11 =	vadd.f32 v15, v12  }
0x52d: {  	s23 =	sadd.s32 $0x100, s23;
	v12 =	vadd.f32 v14, v13  }
0x52e: {  	v9 =	vadd.f32 v9, v11;
	v8 =	vmul.f32 v8, v5  }
0x52f: {  	v7 =	vmul.f32 v7, v5;
	v10 =	vadd.f32 v10, v12  }
0x530: {  	v8 =	vadd.f32 v8, v9  }
0x531: {  	v7 =	vadd.f32 v7, v10  }
0x532: {  	[tilespmem:s21+$0x40] =	vst v8  }
0x533: {  	[tilespmem:s21+$0x50] =	vst v7  }
0x534: {  	v7 =	vld [tilespmem:s26+$0x30]  }
0x535: {  	v8 =	vld [tilespmem:s26+$0x70];
	_ =	sdelay $0x1  }
0x536: {  	v51 =	vld [tilespmem:s26+$0x430];
	_ =	sdelay $0x1  }
0x537: {  	v52 =	vld [tilespmem:s26+$0x470]  }
0x538: {  	v53 =	vunpack.i.u.bf16.f32 v7;
	v7 =	vunpack.i.l.bf16.f32 v7;
	v54 =	vunpack.i.l.bf16.f32 v8  }
0x539: {  	v8 =	vunpack.i.u.bf16.f32 v8;
	v7 =	vmul.f32 v7, v3;
	v12 =	vmul.f32 v54, v6  }
0x53a: {  	v13 =	vunpack.i.l.bf16.f32 v51;
	v55 =	vmul.f32 v8, v6;
	v3 =	vmul.f32 v53, v3  }
0x53b: {  	v56 =	vunpack.i.u.bf16.f32 v51;
	v57 =	vmul.f32 v13, v4;
	v7 =	vadd.f32 v12, v7  }
0x53c: {  	v58 =	vunpack.i.l.bf16.f32 v52;
	v59 =	vmul.f32 v56, v4;
	v3 =	vadd.f32 v55, v3  }
0x53d: {  	s16 =	sadd.s32 $0x1, s16;
	v60 =	vunpack.i.u.bf16.f32 v52;
	v61 =	vmul.f32 v58, v5;
	v7 =	vadd.f32 v57, v7  }
0x53e: {  	p0 =	sne.s32 s16, $0x3E;
	v62 =	vmul.f32 v60, v5;
	v3 =	vadd.f32 v59, v3  }
.Ltmp4:
0x53f: {  	v63 =	vadd.f32 v61, v7;
	(pc) =	sbr.rel @p0 .LBB2_2-.Ltmp4, $4  }
0x540: {  	v3 =	vadd.f32 v62, v3  }
0x541: {  	[tilespmem:s21+$0x60] =	vst v63  }
0x542: {  	s1 =	simm.s32 $0x380;
	s15 =	simm.s32 $0x8000;
	[tilespmem:s21+$0x70] =	vst v3  }
0x543: {  	[spmem:s3] =	stream.indirect.scatter.add.f32 [tilespmem:s15], [sflag:$0xE], $0x80, s1, s13, $0xb8;
	[tilespmem:$0x1D000] =	vst v63  }
0x544: {  	_ =	swait.ge [sflag:s0], $0x1400  }
0x545: {  	[sflag:s0] =	ssyncset.done $0x0  }
0x546: {  	[sflag:s0] =	ssyncadd.s32 $0xFFFFEC00  }
0x547: {  	_ =	swait.ge [sflag:s10], $0x28  }
0x548: {  	[sflag:s10] =	ssyncset.done $0x0  }
0x549: {  	[sflag:s10] =	ssyncadd.s32 $0xFFFFFFD8  }
0x54a: {  	v3 =	vld [tilespmem:$0x80];
	_ =	sdelay $0x4  }
0x54b: {  	v4 =	vshll.u32 v3, $0x1  }
0x54c: {  	v3 =	vand.u32 $0x7, v3;
	v4 =	vand.u32 $0xFFFFFFF0, v4  }
0x54d: {  	v3 =	vor.u32 v3, v4  }
0x54e: {  	v4 =	vperm.xlane v3, v0;
	_ =	sdelay $0x1  }
0x54f: {  	v3 =	vperm.xlane v3, v2;
	v4 =	vadd.s32 v1, v4;
	_ =	sdelay $0x1  }
0x550: {  	v3 =	vadd.s32 v1, v3;
	_ =	sdelay $0x1  }
0x551: {  	s16 =	simm.s32 $0x0;
	s1 =	simm.s32 $0x4400  }
0x552: {  	[tilespmem:s1], [sflag:$0xC] =	stream.indirect_vreg.gather [hbm4b:s5+s16], $0x80, v4, vm0, $0xb8;
	[tilespmem:$0x1D000] =	vst v63  }
0x553: {  	s19 =	simm.s32 $0x4C00  }
0x554: {  	[tilespmem:s19], [sflag:$0xC] =	stream.indirect_vreg.gather [hbm4b:s5+s16], $0x80, v3, vm0, $0xb8;
	[tilespmem:$0x1D000] =	vst v63  }
0x555: {  	v3 =	vld [tilespmem:$0x90];
	_ =	sdelay $0x4  }
0x556: {  	v4 =	vshll.u32 v3, $0x1  }
0x557: {  	v3 =	vand.u32 $0x7, v3;
	v4 =	vand.u32 $0xFFFFFFF0, v4  }
0x558: {  	v3 =	vor.u32 v3, v4  }
0x559: {  	v4 =	vperm.xlane v3, v0;
	_ =	sdelay $0x1  }
0x55a: {  	v3 =	vperm.xlane v3, v2;
	v4 =	vadd.s32 v1, v4;
	_ =	sdelay $0x1  }
0x55b: {  	v3 =	vadd.s32 v1, v3;
	_ =	sdelay $0x1  }
0x55c: {  	s21 =	simm.s32 $0x5400  }
0x55d: {  	[tilespmem:s21], [sflag:$0xC] =	stream.indirect_vreg.gather [hbm4b:s5+s16], $0x80, v4, vm0, $0xb8;
	[tilespmem:$0x1D000] =	vst v63  }
0x55e: {  	s22 =	simm.s32 $0x5C00  }
0x55f: {  	[tilespmem:s22], [sflag:$0xC] =	stream.indirect_vreg.gather [hbm4b:s5+s16], $0x80, v3, vm0, $0xb8;
	[tilespmem:$0x1D000] =	vst v63  }
0x560: {  	v3 =	vld.msk [tilespmem:$0xA0], $0xff;
	_ =	sdelay $0x4  }
0x561: {  	v4 =	vshll.u32 v3, $0x1  }
0x562: {  	v3 =	vand.u32 $0x7, v3;
	v4 =	vand.u32 $0xFFFFFFF0, v4  }
0x563: {  	v3 =	vor.u32 v3, v4  }
0x564: {  	v3 =	vperm.xlane v3, v0;
	_ =	sdelay $0x1  }
0x565: {  	v3 =	vadd.s32 v1, v3;
	_ =	sdelay $0x3  }
0x566: {  	s23 =	simm.s32 $0x6400  }
0x567: {  	[tilespmem:s23], [sflag:$0xC] =	stream.indirect_vreg.gather [hbm4b:s5+s16], $0x80, v3, vm0, $0xb8;
	[tilespmem:$0x1D000] =	vst v63  }
0x568: {  	s15 =	simm.s32 $0x1000;
	s25 =	rddreg [dreg:$0xf]  }
0x569: {  	[tilespmem:s15], [sflag:$0xA] =	stream.linear.gather [hbm4b:s25+s16], $0xA00, $0x38;
	[tilespmem:$0x1D000] =	vst v63  }
0x56a: {  	_ =	swait.ge [sflag:s12], $0x2800  }
0x56b: {  	[sflag:s12] =	ssyncset.done $0x0  }
0x56c: {  	[sflag:s12] =	ssyncadd.s32 $0xFFFFD800  }
0x56d: {  	_ =	swait.ge [sflag:s24], $0xA00  }
0x56e: {  	[sflag:s24] =	ssyncset.done $0x0  }
0x56f: {  	[sflag:s24] =	ssyncadd.s32 $0xFFFFF600  }
0x570: {  	s18 =	simm.s32 $0x0;
	_ =	swait.ge [sflag:s4], $0x28  }
0x571: {  	s26 =	simm.s32 $0x0;
	s17 =	sand.u32 $0x3800, s16;
	[sflag:s4] =	ssyncset.done $0x0  }
0x572: {  	s18 =	sand.u32 $0x300, s18;
	s19 =	sadd.s32 $0x1C00, s17;
	[sflag:s4] =	ssyncadd.s32 $0xFFFFFFD8  }
0x573: {  	s18 =	sor.u32 s18, s19;
	v3 =	vld [tilespmem:s26+$0x400]  }
0x574: {  	v4 =	vld [tilespmem:s18+$0x0]  }
0x575: {  	v5 =	vld [tilespmem:s18+$0x40]  }
0x576: {  	v6 =	vld [tilespmem:s26+$0x410]  }
0x577: {  	v7 =	vld [tilespmem:s18+$0x400]  }
0x578: {  	v8 =	vld [tilespmem:s26+$0x420]  }
0x579: {  	v9 =	vld [tilespmem:s18+$0x440]  }
0x57a: {  	v11 =	vld [tilespmem:s26+$0x430];
	v10 =	vunpack.i.u.bf16.f32 v4;
	v4 =	vunpack.i.l.bf16.f32 v4;
	v12 =	vunpack.i.l.bf16.f32 v5  }
0x57b: {  	v5 =	vunpack.i.u.bf16.f32 v5;
	v4 =	vmul.f32 v4, v3;
	v12 =	vmul.f32 v12, v6  }
0x57c: {  	v13 =	vunpack.i.l.bf16.f32 v7;
	v5 =	vmul.f32 v5, v6;
	v10 =	vmul.f32 v10, v3  }
0x57d: {  	v7 =	vunpack.i.u.bf16.f32 v7;
	v4 =	vadd.f32 v12, v4;
	v12 =	vmul.f32 v13, v8  }
0x57e: {  	v7 =	vmul.f32 v7, v8;
	v13 =	vunpack.i.l.bf16.f32 v9;
	v5 =	vadd.f32 v5, v10  }
0x57f: {  	v9 =	vunpack.i.u.bf16.f32 v9;
	v10 =	vmul.f32 v13, v11;
	v4 =	vadd.f32 v12, v4  }
0x580: {  	v5 =	vadd.f32 v7, v5;
	v7 =	vmul.f32 v9, v11  }
0x581: {  	v4 =	vadd.f32 v10, v4  }
0x582: {  	s17 =	simm.s32 $0x6C80;
	v5 =	vadd.f32 v7, v5  }
0x583: {  	[tilespmem:s17+$0xFFFFFF80] =	vst v4  }
0x584: {  	[tilespmem:s17+$0xFFFFFF90] =	vst v5  }
0x585: {  	v4 =	vld [tilespmem:s18+$0x10]  }
0x586: {  	v5 =	vld [tilespmem:s18+$0x50];
	_ =	sdelay $0x1  }
0x587: {  	v7 =	vld [tilespmem:s18+$0x410];
	_ =	sdelay $0x1  }
0x588: {  	v9 =	vld [tilespmem:s18+$0x450]  }
0x589: {  	v10 =	vunpack.i.u.bf16.f32 v4;
	v4 =	vunpack.i.l.bf16.f32 v4;
	v12 =	vunpack.i.u.bf16.f32 v5  }
0x58a: {  	v5 =	vunpack.i.l.bf16.f32 v5;
	v10 =	vmul.f32 v10, v3;
	v12 =	vmul.f32 v12, v6  }
0x58b: {  	v13 =	vunpack.i.u.bf16.f32 v7;
	v4 =	vmul.f32 v4, v3;
	v5 =	vmul.f32 v5, v6  }
0x58c: {  	v7 =	vunpack.i.l.bf16.f32 v7;
	v10 =	vadd.f32 v12, v10;
	v12 =	vmul.f32 v13, v8  }
0x58d: {  	v13 =	vunpack.i.u.bf16.f32 v9;
	v4 =	vadd.f32 v5, v4;
	v5 =	vmul.f32 v7, v8  }
0x58e: {  	v7 =	vunpack.i.l.bf16.f32 v9;
	v9 =	vadd.f32 v12, v10;
	v10 =	vmul.f32 v13, v11  }
0x58f: {  	v4 =	vadd.f32 v5, v4;
	v5 =	vmul.f32 v7, v11  }
0x590: {  	v7 =	vadd.f32 v10, v9  }
0x591: {  	v4 =	vadd.f32 v5, v4  }
0x592: {  	[tilespmem:s17+$0xFFFFFFB0] =	vst v7  }
0x593: {  	[tilespmem:s17+$0xFFFFFFA0] =	vst v4  }
0x594: {  	v4 =	vld [tilespmem:s18+$0x20]  }
0x595: {  	v5 =	vld [tilespmem:s18+$0x60];
	_ =	sdelay $0x1  }
0x596: {  	v7 =	vld [tilespmem:s18+$0x420];
	_ =	sdelay $0x1  }
0x597: {  	v9 =	vld [tilespmem:s18+$0x460]  }
0x598: {  	v10 =	vunpack.i.u.bf16.f32 v4;
	v4 =	vunpack.i.l.bf16.f32 v4;
	v12 =	vunpack.i.l.bf16.f32 v5  }
0x599: {  	v5 =	vunpack.i.u.bf16.f32 v5;
	v4 =	vmul.f32 v4, v3;
	v12 =	vmul.f32 v12, v6  }
0x59a: {  	v13 =	vunpack.i.l.bf16.f32 v7;
	v5 =	vmul.f32 v5, v6;
	v10 =	vmul.f32 v10, v3  }
0x59b: {  	v7 =	vunpack.i.u.bf16.f32 v7;
	v4 =	vadd.f32 v12, v4;
	v12 =	vmul.f32 v13, v8  }
0x59c: {  	v7 =	vmul.f32 v7, v8;
	v13 =	vunpack.i.l.bf16.f32 v9;
	v5 =	vadd.f32 v5, v10  }
0x59d: {  	v9 =	vunpack.i.u.bf16.f32 v9;
	v10 =	vmul.f32 v13, v11;
	v4 =	vadd.f32 v12, v4  }
0x59e: {  	v5 =	vadd.f32 v7, v5;
	v7 =	vmul.f32 v9, v11  }
0x59f: {  	v4 =	vadd.f32 v10, v4  }
0x5a0: {  	v5 =	vadd.f32 v7, v5  }
0x5a1: {  	[tilespmem:s17+$0xFFFFFFC0] =	vst v4  }
0x5a2: {  	[tilespmem:s17+$0xFFFFFFD0] =	vst v5  }
0x5a3: {  	v4 =	vld [tilespmem:s18+$0x30]  }
0x5a4: {  	v5 =	vld [tilespmem:s18+$0x70];
	_ =	sdelay $0x1  }
0x5a5: {  	v7 =	vld [tilespmem:s18+$0x430];
	_ =	sdelay $0x1  }
0x5a6: {  	v9 =	vld [tilespmem:s18+$0x470]  }
0x5a7: {  	v10 =	vunpack.i.u.bf16.f32 v4;
	v4 =	vunpack.i.l.bf16.f32 v4;
	v12 =	vunpack.i.l.bf16.f32 v5  }
0x5a8: {  	v5 =	vunpack.i.u.bf16.f32 v5;
	v4 =	vmul.f32 v4, v3;
	v12 =	vmul.f32 v12, v6  }
0x5a9: {  	v13 =	vunpack.i.l.bf16.f32 v7;
	v5 =	vmul.f32 v5, v6;
	v3 =	vmul.f32 v10, v3  }
0x5aa: {  	v6 =	vunpack.i.u.bf16.f32 v7;
	v7 =	vmul.f32 v13, v8;
	v4 =	vadd.f32 v12, v4  }
0x5ab: {  	v10 =	vunpack.i.l.bf16.f32 v9;
	v3 =	vadd.f32 v5, v3;
	v5 =	vmul.f32 v6, v8  }
0x5ac: {  	v6 =	vunpack.i.u.bf16.f32 v9;
	v4 =	vadd.f32 v7, v4;
	v7 =	vmul.f32 v10, v11  }
0x5ad: {  	v3 =	vadd.f32 v5, v3;
	v5 =	vmul.f32 v6, v11  }
0x5ae: {  	v4 =	vadd.f32 v7, v4  }
0x5af: {  	v3 =	vadd.f32 v5, v3  }
0x5b0: {  	s18 =	simm.s32 $0x80;
	[tilespmem:s17+$0xFFFFFFE0] =	vst v4  }
0x5b1: {  	s21 =	sand.u32 $0x380, s18;
	[tilespmem:s17+$0xFFFFFFF0] =	vst v3  }
0x5b2: {  	s23 =	sor.u32 s21, s19;
	v3 =	vld [tilespmem:s26+$0x440]  }
0x5b3: {  	v5 =	vld [tilespmem:s23+$0x40]  }
0x5b4: {  	v7 =	vld [tilespmem:s23+$0x0]  }
0x5b5: {  	v6 =	vld [tilespmem:s26+$0x450]  }
0x5b6: {  	v8 =	vld [tilespmem:s23+$0x400]  }
0x5b7: {  	v4 =	vld [tilespmem:s26+$0x460]  }
0x5b8: {  	v9 =	vld [tilespmem:s23+$0x440]  }
0x5b9: {  	v10 =	vunpack.i.u.bf16.f32 v5;
	v11 =	vunpack.i.l.bf16.f32 v5;
	v5 =	vld [tilespmem:s26+$0x470];
	v12 =	vunpack.i.l.bf16.f32 v7  }
0x5ba: {  	v7 =	vunpack.i.u.bf16.f32 v7;
	v11 =	vmul.f32 v11, v6;
	v12 =	vmul.f32 v12, v3  }
0x5bb: {  	v13 =	vunpack.i.l.bf16.f32 v8;
	v10 =	vmul.f32 v10, v6;
	v7 =	vmul.f32 v7, v3  }
0x5bc: {  	v8 =	vunpack.i.u.bf16.f32 v8;
	v11 =	vadd.f32 v11, v12;
	v12 =	vmul.f32 v13, v4  }
0x5bd: {  	v8 =	vmul.f32 v8, v4;
	v13 =	vunpack.i.l.bf16.f32 v9;
	v7 =	vadd.f32 v10, v7  }
0x5be: {  	v9 =	vunpack.i.u.bf16.f32 v9;
	v10 =	vadd.f32 v12, v11;
	v11 =	vmul.f32 v13, v5  }
0x5bf: {  	v7 =	vadd.f32 v8, v7;
	v8 =	vmul.f32 v9, v5  }
0x5c0: {  	v9 =	vadd.f32 v11, v10  }
0x5c1: {  	v7 =	vadd.f32 v8, v7  }
0x5c2: {  	[tilespmem:s17+$0x0] =	vst v9  }
0x5c3: {  	[tilespmem:s17+$0x10] =	vst v7  }
0x5c4: {  	v7 =	vld [tilespmem:s23+$0x10]  }
0x5c5: {  	v8 =	vld [tilespmem:s23+$0x50];
	_ =	sdelay $0x1  }
0x5c6: {  	v9 =	vld [tilespmem:s23+$0x410];
	_ =	sdelay $0x1  }
0x5c7: {  	v10 =	vld [tilespmem:s23+$0x450]  }
0x5c8: {  	v11 =	vunpack.i.u.bf16.f32 v7;
	v7 =	vunpack.i.l.bf16.f32 v7;
	v12 =	vunpack.i.u.bf16.f32 v8  }
0x5c9: {  	v8 =	vunpack.i.l.bf16.f32 v8;
	v11 =	vmul.f32 v11, v3;
	v12 =	vmul.f32 v12, v6  }
0x5ca: {  	v13 =	vunpack.i.u.bf16.f32 v9;
	v7 =	vmul.f32 v7, v3;
	v8 =	vmul.f32 v8, v6  }
0x5cb: {  	v9 =	vunpack.i.l.bf16.f32 v9;
	v13 =	vmul.f32 v13, v4;
	v11 =	vadd.f32 v12, v11  }
0x5cc: {  	v12 =	vunpack.i.u.bf16.f32 v10;
	v7 =	vadd.f32 v8, v7;
	v8 =	vmul.f32 v9, v4  }
0x5cd: {  	v9 =	vunpack.i.l.bf16.f32 v10;
	v10 =	vadd.f32 v13, v11;
	v11 =	vmul.f32 v12, v5  }
0x5ce: {  	v7 =	vadd.f32 v8, v7;
	v8 =	vmul.f32 v9, v5  }
0x5cf: {  	v9 =	vadd.f32 v11, v10  }
0x5d0: {  	v7 =	vadd.f32 v8, v7  }
0x5d1: {  	[tilespmem:s17+$0x30] =	vst v9  }
0x5d2: {  	[tilespmem:s17+$0x20] =	vst v7  }
0x5d3: {  	v7 =	vld [tilespmem:s23+$0x20]  }
0x5d4: {  	v8 =	vld [tilespmem:s23+$0x460]  }
0x5d5: {  	v9 =	vld [tilespmem:s23+$0x60];
	_ =	sdelay $0x1  }
0x5d6: {  	v10 =	vld [tilespmem:s23+$0x420];
	_ =	sdelay $0x1  }
0x5d7: {  	v11 =	vunpack.i.l.bf16.f32 v7  }
0x5d8: {  	v12 =	vunpack.i.u.bf16.f32 v7;
	v7 =	vunpack.i.u.bf16.f32 v8;
	v13 =	vunpack.i.u.bf16.f32 v9  }
0x5d9: {  	v9 =	vunpack.i.l.bf16.f32 v9;
	v11 =	vmul.f32 v11, v3;
	v12 =	vmul.f32 v12, v3  }
0x5da: {  	v14 =	vunpack.i.l.bf16.f32 v10;
	v15 =	vmul.f32 v9, v6;
	v13 =	vmul.f32 v13, v6  }
0x5db: {  	v10 =	vunpack.i.u.bf16.f32 v10;
	v8 =	vunpack.i.l.bf16.f32 v8;
	v9 =	vmul.f32 v14, v4  }
0x5dc: {  	s22 =	simm.s32 $0x6D80;
	s21 =	simm.s32 $0x0;
	v10 =	vmul.f32 v10, v4;
	v11 =	vadd.f32 v15, v11;
	v12 =	vadd.f32 v13, v12  }
.LBB2_12:
0x5dd: {  	s21 =	sadd.s32 $0x2, s21;
	v7 =	vmul.f32 v7, v5;
	s18 =	sadd.s32 $0x100, s18;
	s16 =	sadd.s32 $0x200, s16  }
0x5de: {  	v9 =	vadd.f32 v9, v11;
	v8 =	vmul.f32 v8, v5;
	p0 =	slt.u32 s21, $0x26;
	v10 =	vadd.f32 v10, v12;
	_ =	sdelay $0x1  }
0x5df: {  	v8 =	vadd.f32 v8, v9;
	v7 =	vadd.f32 v7, v10;
	_ =	sdelay $0x1  }
0x5e0: {  	[tilespmem:s17+$0x50] =	vst v7  }
0x5e1: {  	[tilespmem:s17+$0x40] =	vst v8  }
0x5e2: {  	v7 =	vld [tilespmem:s23+$0x30]  }
0x5e3: {  	v8 =	vld [tilespmem:s23+$0x70]  }
0x5e4: {  	v9 =	vld [tilespmem:s23+$0x430]  }
0x5e5: {  	v10 =	vld [tilespmem:s23+$0x470];
	_ =	sdelay $0x1  }
0x5e6: {  	v11 =	vunpack.i.u.bf16.f32 v7;
	v7 =	vunpack.i.l.bf16.f32 v7  }
0x5e7: {  	v12 =	vunpack.i.u.bf16.f32 v8;
	v8 =	vunpack.i.l.bf16.f32 v8;
	v7 =	vmul.f32 v7, v3  }
0x5e8: {  	v13 =	vunpack.i.l.bf16.f32 v9;
	v8 =	vmul.f32 v8, v6;
	v6 =	vmul.f32 v12, v6  }
0x5e9: {  	v3 =	vmul.f32 v11, v3;
	v9 =	vunpack.i.u.bf16.f32 v9;
	v12 =	vmul.f32 v13, v4  }
0x5ea: {  	v11 =	vunpack.i.l.bf16.f32 v10;
	v4 =	vmul.f32 v9, v4;
	v7 =	vadd.f32 v8, v7  }
0x5eb: {  	v8 =	vunpack.i.u.bf16.f32 v10;
	v3 =	vadd.f32 v6, v3  }
0x5ec: {  	v6 =	vadd.f32 v12, v7;
	v7 =	vmul.f32 v11, v5  }
0x5ed: {  	v3 =	vadd.f32 v4, v3;
	v4 =	vmul.f32 v8, v5  }
0x5ee: {  	v5 =	vadd.f32 v7, v6  }
0x5ef: {  	v3 =	vadd.f32 v4, v3  }
0x5f0: {  	[tilespmem:s17+$0x60] =	vst v5  }
0x5f1: {  	s1 =	sand.u32 $0x3800, s16;
	s23 =	sadd.s32 $0xFFFFFF80, s18;
	[tilespmem:s17+$0x70] =	vst v3;
	s17 =	smov.u32 s22  }
0x5f2: {  	s19 =	sshra.s32 s16, $0x2;
	s25 =	sand.u32 $0x300, s23;
	s23 =	sadd.s32 $0x1C00, s1  }
0x5f3: {  	s1 =	sor.u32 s25, s23;
	v3 =	vld [tilespmem:s19+$0x400]  }
0x5f4: {  	v5 =	vld [tilespmem:s1+$0x400]  }
0x5f5: {  	v7 =	vld [tilespmem:s1+$0x0]  }
0x5f6: {  	v8 =	vld [tilespmem:s1+$0x40]  }
0x5f7: {  	v6 =	vld [tilespmem:s19+$0x410];
	_ =	sdelay $0x1  }
0x5f8: {  	v4 =	vld [tilespmem:s19+$0x420];
	v9 =	vunpack.i.u.bf16.f32 v5;
	v10 =	vunpack.i.l.bf16.f32 v5  }
0x5f9: {  	v11 =	vunpack.i.u.bf16.f32 v7;
	v7 =	vunpack.i.l.bf16.f32 v7;
	v12 =	vld [tilespmem:s1+$0x440]  }
0x5fa: {  	v5 =	vld [tilespmem:s19+$0x430];
	v13 =	vunpack.i.u.bf16.f32 v8;
	v8 =	vunpack.i.l.bf16.f32 v8;
	v7 =	vmul.f32 v7, v3  }
0x5fb: {  	v8 =	vmul.f32 v8, v6;
	v13 =	vmul.f32 v13, v6  }
0x5fc: {  	v11 =	vmul.f32 v11, v3  }
0x5fd: {  	v7 =	vadd.f32 v8, v7;
	v8 =	vmul.f32 v10, v4  }
0x5fe: {  	v11 =	vadd.f32 v13, v11;
	v9 =	vmul.f32 v9, v4;
	v10 =	vunpack.i.l.bf16.f32 v12  }
0x5ff: {  	v12 =	vunpack.i.u.bf16.f32 v12;
	v7 =	vadd.f32 v8, v7;
	v8 =	vmul.f32 v10, v5  }
0x600: {  	v9 =	vadd.f32 v9, v11;
	v10 =	vmul.f32 v12, v5  }
0x601: {  	v7 =	vadd.f32 v8, v7  }
0x602: {  	v8 =	vadd.f32 v10, v9  }
0x603: {  	[tilespmem:s22+$0xFFFFFF80] =	vst v7  }
0x604: {  	[tilespmem:s22+$0xFFFFFF90] =	vst v8  }
0x605: {  	v7 =	vld [tilespmem:s1+$0x10]  }
0x606: {  	v8 =	vld [tilespmem:s1+$0x50]  }
0x607: {  	v9 =	vld [tilespmem:s1+$0x410];
	_ =	sdelay $0x2  }
0x608: {  	v10 =	vunpack.i.u.bf16.f32 v7;
	v7 =	vunpack.i.l.bf16.f32 v7;
	v11 =	vld [tilespmem:s1+$0x450]  }
0x609: {  	v12 =	vunpack.i.u.bf16.f32 v8;
	v8 =	vunpack.i.l.bf16.f32 v8;
	v10 =	vmul.f32 v10, v3  }
0x60a: {  	v7 =	vmul.f32 v7, v3;
	v13 =	vunpack.i.u.bf16.f32 v9;
	v12 =	vmul.f32 v12, v6  }
0x60b: {  	v9 =	vunpack.i.l.bf16.f32 v9;
	v8 =	vmul.f32 v8, v6  }
0x60c: {  	v10 =	vadd.f32 v12, v10;
	v12 =	vmul.f32 v13, v4  }
0x60d: {  	v7 =	vadd.f32 v8, v7;
	v8 =	vmul.f32 v9, v4;
	v13 =	vunpack.i.u.bf16.f32 v11  }
0x60e: {  	v9 =	vunpack.i.l.bf16.f32 v11;
	v10 =	vadd.f32 v12, v10;
	v11 =	vmul.f32 v13, v5  }
0x60f: {  	v7 =	vadd.f32 v8, v7;
	v8 =	vmul.f32 v9, v5  }
0x610: {  	v9 =	vadd.f32 v11, v10  }
0x611: {  	v7 =	vadd.f32 v8, v7  }
0x612: {  	[tilespmem:s22+$0xFFFFFFB0] =	vst v9  }
0x613: {  	[tilespmem:s22+$0xFFFFFFA0] =	vst v7  }
0x614: {  	v7 =	vld [tilespmem:s1+$0x20]  }
0x615: {  	v8 =	vld [tilespmem:s1+$0x60]  }
0x616: {  	v9 =	vld [tilespmem:s1+$0x420]  }
0x617: {  	v10 =	vld [tilespmem:s1+$0x460];
	_ =	sdelay $0x1  }
0x618: {  	v11 =	vunpack.i.u.bf16.f32 v7;
	v7 =	vunpack.i.l.bf16.f32 v7  }
0x619: {  	v12 =	vunpack.i.u.bf16.f32 v8;
	v8 =	vunpack.i.l.bf16.f32 v8;
	v7 =	vmul.f32 v7, v3  }
0x61a: {  	v13 =	vunpack.i.l.bf16.f32 v9;
	v8 =	vmul.f32 v8, v6;
	v12 =	vmul.f32 v12, v6  }
0x61b: {  	v11 =	vmul.f32 v11, v3;
	v9 =	vunpack.i.u.bf16.f32 v9;
	v14 =	vunpack.i.l.bf16.f32 v10  }
0x61c: {  	v10 =	vunpack.i.u.bf16.f32 v10;
	v7 =	vadd.f32 v8, v7;
	v8 =	vmul.f32 v13, v4  }
0x61d: {  	v9 =	vmul.f32 v9, v4;
	v11 =	vadd.f32 v12, v11  }
0x61e: {  	v7 =	vadd.f32 v8, v7;
	v8 =	vmul.f32 v14, v5  }
0x61f: {  	v10 =	vmul.f32 v10, v5;
	v9 =	vadd.f32 v9, v11  }
0x620: {  	v7 =	vadd.f32 v8, v7  }
0x621: {  	v8 =	vadd.f32 v10, v9  }
0x622: {  	[tilespmem:s22+$0xFFFFFFC0] =	vst v7  }
0x623: {  	[tilespmem:s22+$0xFFFFFFD0] =	vst v8  }
0x624: {  	v7 =	vld [tilespmem:s1+$0x30]  }
0x625: {  	v8 =	vld [tilespmem:s1+$0x70]  }
0x626: {  	v9 =	vld [tilespmem:s1+$0x430]  }
0x627: {  	v10 =	vld [tilespmem:s1+$0x470];
	_ =	sdelay $0x1  }
0x628: {  	v11 =	vunpack.i.u.bf16.f32 v7;
	v7 =	vunpack.i.l.bf16.f32 v7  }
0x629: {  	v12 =	vunpack.i.u.bf16.f32 v8;
	v8 =	vunpack.i.l.bf16.f32 v8;
	v7 =	vmul.f32 v7, v3  }
0x62a: {  	v13 =	vunpack.i.l.bf16.f32 v9;
	v8 =	vmul.f32 v8, v6;
	v6 =	vmul.f32 v12, v6  }
0x62b: {  	v3 =	vmul.f32 v11, v3;
	v9 =	vunpack.i.u.bf16.f32 v9;
	v12 =	vunpack.i.l.bf16.f32 v10  }
0x62c: {  	v10 =	vunpack.i.u.bf16.f32 v10;
	v7 =	vadd.f32 v8, v7;
	v8 =	vmul.f32 v13, v4  }
0x62d: {  	v3 =	vadd.f32 v6, v3;
	v4 =	vmul.f32 v9, v4  }
0x62e: {  	v6 =	vadd.f32 v8, v7;
	v7 =	vmul.f32 v12, v5  }
0x62f: {  	v3 =	vadd.f32 v4, v3;
	v4 =	vmul.f32 v10, v5  }
0x630: {  	v5 =	vadd.f32 v7, v6  }
0x631: {  	v3 =	vadd.f32 v4, v3  }
0x632: {  	[tilespmem:s22+$0xFFFFFFE0] =	vst v5  }
0x633: {  	s1 =	sand.u32 $0x380, s18;
	[tilespmem:s22+$0xFFFFFFF0] =	vst v3  }
0x634: {  	s23 =	sor.u32 s1, s23;
	v3 =	vld [tilespmem:s19+$0x440]  }
0x635: {  	v5 =	vld [tilespmem:s23+$0x40]  }
0x636: {  	v6 =	vld [tilespmem:s19+$0x450]  }
0x637: {  	v4 =	vld [tilespmem:s19+$0x460]  }
0x638: {  	v7 =	vld [tilespmem:s23+$0x0]  }
0x639: {  	v8 =	vld [tilespmem:s23+$0x440]  }
0x63a: {  	v9 =	vunpack.i.u.bf16.f32 v5;
	v5 =	vunpack.i.l.bf16.f32 v5;
	v10 =	vld [tilespmem:s23+$0x400]  }
0x63b: {  	v11 =	vmul.f32 v5, v6;
	v9 =	vmul.f32 v9, v6;
	_ =	sdelay $0x1  }
0x63c: {  	v5 =	vld [tilespmem:s19+$0x470];
	v12 =	vunpack.i.u.bf16.f32 v7;
	v7 =	vunpack.i.l.bf16.f32 v7  }
0x63d: {  	v13 =	vunpack.i.l.bf16.f32 v8;
	v7 =	vmul.f32 v7, v3;
	v12 =	vmul.f32 v12, v3  }
0x63e: {  	v8 =	vunpack.i.u.bf16.f32 v8;
	v14 =	vunpack.i.u.bf16.f32 v10;
	v10 =	vunpack.i.l.bf16.f32 v10  }
0x63f: {  	v7 =	vadd.f32 v11, v7;
	v10 =	vmul.f32 v10, v4;
	v9 =	vadd.f32 v9, v12  }
0x640: {  	v11 =	vmul.f32 v14, v4  }
0x641: {  	v7 =	vadd.f32 v10, v7;
	v10 =	vmul.f32 v13, v5  }
0x642: {  	v9 =	vadd.f32 v11, v9;
	v8 =	vmul.f32 v8, v5  }
0x643: {  	v7 =	vadd.f32 v10, v7  }
0x644: {  	v8 =	vadd.f32 v8, v9  }
0x645: {  	[tilespmem:s22+$0x0] =	vst v7  }
0x646: {  	[tilespmem:s22+$0x10] =	vst v8  }
0x647: {  	v7 =	vld [tilespmem:s23+$0x10]  }
0x648: {  	v8 =	vld [tilespmem:s23+$0x50]  }
0x649: {  	v9 =	vld [tilespmem:s23+$0x410]  }
0x64a: {  	v10 =	vld [tilespmem:s23+$0x450];
	_ =	sdelay $0x1  }
0x64b: {  	v11 =	vunpack.i.u.bf16.f32 v7;
	v7 =	vunpack.i.l.bf16.f32 v7  }
0x64c: {  	v12 =	vunpack.i.u.bf16.f32 v8;
	v8 =	vunpack.i.l.bf16.f32 v8;
	v11 =	vmul.f32 v11, v3  }
0x64d: {  	v7 =	vmul.f32 v7, v3;
	v13 =	vunpack.i.u.bf16.f32 v9;
	v12 =	vmul.f32 v12, v6  }
0x64e: {  	v8 =	vmul.f32 v8, v6;
	v14 =	vunpack.i.u.bf16.f32 v10;
	v13 =	vmul.f32 v13, v4  }
0x64f: {  	v9 =	vunpack.i.l.bf16.f32 v9;
	v10 =	vunpack.i.l.bf16.f32 v10;
	v11 =	vadd.f32 v12, v11  }
0x650: {  	v7 =	vadd.f32 v8, v7;
	v8 =	vmul.f32 v9, v4  }
0x651: {  	v9 =	vadd.f32 v13, v11;
	v11 =	vmul.f32 v14, v5  }
0x652: {  	v7 =	vadd.f32 v8, v7;
	v8 =	vmul.f32 v10, v5  }
0x653: {  	v9 =	vadd.f32 v11, v9  }
0x654: {  	v7 =	vadd.f32 v8, v7  }
0x655: {  	[tilespmem:s22+$0x30] =	vst v9  }
0x656: {  	[tilespmem:s22+$0x20] =	vst v7  }
0x657: {  	v7 =	vld [tilespmem:s23+$0x20]  }
0x658: {  	v8 =	vld [tilespmem:s23+$0x460]  }
0x659: {  	v9 =	vld [tilespmem:s23+$0x420]  }
0x65a: {  	v10 =	vld [tilespmem:s23+$0x60];
	_ =	sdelay $0x1  }
0x65b: {  	v11 =	vunpack.i.u.bf16.f32 v7;
	v12 =	vunpack.i.l.bf16.f32 v7  }
0x65c: {  	v7 =	vunpack.i.u.bf16.f32 v8;
	v12 =	vmul.f32 v12, v3;
	v13 =	vmul.f32 v11, v3  }
0x65d: {  	v8 =	vunpack.i.l.bf16.f32 v8;
	v11 =	vunpack.i.u.bf16.f32 v9  }
.Ltmp5:
0x65e: {  	v9 =	vunpack.i.l.bf16.f32 v9;
	v14 =	vunpack.i.u.bf16.f32 v10;
	v10 =	vunpack.i.l.bf16.f32 v10;
	(pc) =	sbr.rel @p0 .LBB2_12-.Ltmp5, $4  }
0x65f: {  	v9 =	vmul.f32 v9, v4;
	v15 =	vmul.f32 v10, v6  }
0x660: {  	v14 =	vmul.f32 v14, v6;
	v10 =	vmul.f32 v11, v4  }
0x661: {  	v11 =	vadd.f32 v15, v12  }
0x662: {  	s22 =	sadd.s32 $0x100, s22;
	v12 =	vadd.f32 v14, v13  }
0x663: {  	v9 =	vadd.f32 v9, v11;
	v8 =	vmul.f32 v8, v5  }
0x664: {  	v7 =	vmul.f32 v7, v5;
	v10 =	vadd.f32 v10, v12  }
0x665: {  	v8 =	vadd.f32 v8, v9  }
0x666: {  	v7 =	vadd.f32 v7, v10  }
0x667: {  	[tilespmem:s17+$0x40] =	vst v8  }
0x668: {  	[tilespmem:s17+$0x50] =	vst v7  }
0x669: {  	v7 =	vld [tilespmem:s23+$0x30]  }
0x66a: {  	v8 =	vld [tilespmem:s23+$0x70];
	_ =	sdelay $0x1  }
0x66b: {  	v9 =	vld [tilespmem:s23+$0x430];
	_ =	sdelay $0x1  }
0x66c: {  	v10 =	vld [tilespmem:s23+$0x470]  }
0x66d: {  	v11 =	vunpack.i.u.bf16.f32 v7;
	v7 =	vunpack.i.l.bf16.f32 v7;
	v12 =	vunpack.i.l.bf16.f32 v8  }
0x66e: {  	v8 =	vunpack.i.u.bf16.f32 v8;
	v7 =	vmul.f32 v7, v3;
	v12 =	vmul.f32 v12, v6  }
0x66f: {  	v13 =	vunpack.i.l.bf16.f32 v9;
	v6 =	vmul.f32 v8, v6;
	v3 =	vmul.f32 v11, v3  }
0x670: {  	v8 =	vunpack.i.u.bf16.f32 v9;
	v9 =	vmul.f32 v13, v4;
	v7 =	vadd.f32 v12, v7  }
0x671: {  	v11 =	vunpack.i.l.bf16.f32 v10;
	v4 =	vmul.f32 v8, v4;
	v3 =	vadd.f32 v6, v3  }
0x672: {  	v8 =	vmul.f32 v11, v5;
	v6 =	vunpack.i.u.bf16.f32 v10;
	v7 =	vadd.f32 v9, v7  }
0x673: {  	v3 =	vadd.f32 v4, v3;
	v4 =	vmul.f32 v6, v5  }
0x674: {  	v5 =	vadd.f32 v8, v7  }
0x675: {  	v3 =	vadd.f32 v4, v3  }
0x676: {  	[tilespmem:s17+$0x60] =	vst v5  }
0x677: {  	s1 =	simm.s32 $0x200;
	s15 =	simm.s32 $0x6C00;
	[tilespmem:s17+$0x70] =	vst v3  }
0x678: {  	[spmem:s3] =	stream.indirect.scatter.add.f32 [tilespmem:s15], [sflag:$0xD], $0x80, s1, s13, $0xb8;
	[tilespmem:$0x1D000] =	vst v63  }
0x679: {  	_ =	swait.ge [sflag:s8], $0x1400  }
0x67a: {  	[sflag:s8] =	ssyncset.done $0x0  }
0x67b: {  	[sflag:s8] =	ssyncadd.s32 $0xFFFFEC00  }
0x67c: {  	_ =	swait.ge [sflag:s14], $0x2800  }
0x67d: {  	[sflag:s14] =	ssyncset.done $0x0  }
0x67e: {  	[sflag:s14] =	ssyncadd.s32 $0xFFFFD800  }
0x67f: {  	_ =	swait.ge [sflag:s20], $0xA00  }
0x680: {  	[sflag:s20] =	ssyncset.done $0x0  }
0x681: {  	[sflag:s20] =	ssyncadd.s32 $0xFFFFF600  }
0x682: {  	s16 =	simm.s32 $0x0;
	s18 =	simm.s32 $0x0;
	_ =	swait.ge [sflag:s29], $0x28  }
0x683: {  	s26 =	simm.s32 $0x0;
	s25 =	sand.u32 $0x3800, s16;
	[sflag:s29] =	ssyncset.done $0x0  }
0x684: {  	s18 =	sand.u32 $0x300, s18;
	s19 =	sor.u32 $0x4400, s25;
	[sflag:s29] =	ssyncadd.s32 $0xFFFFFFD8  }
0x685: {  	s18 =	sor.u32 s18, s19;
	v3 =	vld [tilespmem:s26+$0x1000]  }
0x686: {  	v4 =	vld [tilespmem:s18+$0x0]  }
0x687: {  	v5 =	vld [tilespmem:s18+$0x40]  }
0x688: {  	v6 =	vld [tilespmem:s26+$0x1010]  }
0x689: {  	v7 =	vld [tilespmem:s18+$0x400]  }
0x68a: {  	v8 =	vld [tilespmem:s26+$0x1020]  }
0x68b: {  	v9 =	vld [tilespmem:s18+$0x440]  }
0x68c: {  	v11 =	vld [tilespmem:s26+$0x1030];
	v10 =	vunpack.i.u.bf16.f32 v4;
	v4 =	vunpack.i.l.bf16.f32 v4;
	v12 =	vunpack.i.l.bf16.f32 v5  }
0x68d: {  	v5 =	vunpack.i.u.bf16.f32 v5;
	v4 =	vmul.f32 v4, v3;
	v12 =	vmul.f32 v12, v6  }
0x68e: {  	v13 =	vunpack.i.l.bf16.f32 v7;
	v5 =	vmul.f32 v5, v6;
	v10 =	vmul.f32 v10, v3  }
0x68f: {  	v7 =	vunpack.i.u.bf16.f32 v7;
	v4 =	vadd.f32 v12, v4;
	v12 =	vmul.f32 v13, v8  }
0x690: {  	v7 =	vmul.f32 v7, v8;
	v13 =	vunpack.i.l.bf16.f32 v9;
	v5 =	vadd.f32 v5, v10  }
0x691: {  	v9 =	vunpack.i.u.bf16.f32 v9;
	v10 =	vmul.f32 v13, v11;
	v4 =	vadd.f32 v12, v4  }
0x692: {  	v5 =	vadd.f32 v7, v5;
	v7 =	vmul.f32 v9, v11  }
0x693: {  	v4 =	vadd.f32 v10, v4  }
0x694: {  	s17 =	simm.s32 $0x8080;
	v5 =	vadd.f32 v7, v5  }
0x695: {  	[tilespmem:s17+$0xFFFFFF80] =	vst v4  }
0x696: {  	[tilespmem:s17+$0xFFFFFF90] =	vst v5  }
0x697: {  	v4 =	vld [tilespmem:s18+$0x10]  }
0x698: {  	v5 =	vld [tilespmem:s18+$0x50];
	_ =	sdelay $0x1  }
0x699: {  	v7 =	vld [tilespmem:s18+$0x410];
	_ =	sdelay $0x1  }
0x69a: {  	v9 =	vld [tilespmem:s18+$0x450]  }
0x69b: {  	v10 =	vunpack.i.u.bf16.f32 v4;
	v4 =	vunpack.i.l.bf16.f32 v4;
	v12 =	vunpack.i.u.bf16.f32 v5  }
0x69c: {  	v5 =	vunpack.i.l.bf16.f32 v5;
	v10 =	vmul.f32 v10, v3;
	v12 =	vmul.f32 v12, v6  }
0x69d: {  	v13 =	vunpack.i.u.bf16.f32 v7;
	v4 =	vmul.f32 v4, v3;
	v5 =	vmul.f32 v5, v6  }
0x69e: {  	v7 =	vunpack.i.l.bf16.f32 v7;
	v10 =	vadd.f32 v12, v10;
	v12 =	vmul.f32 v13, v8  }
0x69f: {  	v13 =	vunpack.i.u.bf16.f32 v9;
	v4 =	vadd.f32 v5, v4;
	v5 =	vmul.f32 v7, v8  }
0x6a0: {  	v7 =	vunpack.i.l.bf16.f32 v9;
	v9 =	vadd.f32 v12, v10;
	v10 =	vmul.f32 v13, v11  }
0x6a1: {  	v4 =	vadd.f32 v5, v4;
	v5 =	vmul.f32 v7, v11  }
0x6a2: {  	v7 =	vadd.f32 v10, v9  }
0x6a3: {  	v4 =	vadd.f32 v5, v4  }
0x6a4: {  	[tilespmem:s17+$0xFFFFFFB0] =	vst v7  }
0x6a5: {  	[tilespmem:s17+$0xFFFFFFA0] =	vst v4  }
0x6a6: {  	v4 =	vld [tilespmem:s18+$0x20]  }
0x6a7: {  	v5 =	vld [tilespmem:s18+$0x60];
	_ =	sdelay $0x1  }
0x6a8: {  	v7 =	vld [tilespmem:s18+$0x420];
	_ =	sdelay $0x1  }
0x6a9: {  	v9 =	vld [tilespmem:s18+$0x460]  }
0x6aa: {  	v10 =	vunpack.i.u.bf16.f32 v4;
	v4 =	vunpack.i.l.bf16.f32 v4;
	v12 =	vunpack.i.l.bf16.f32 v5  }
0x6ab: {  	v5 =	vunpack.i.u.bf16.f32 v5;
	v4 =	vmul.f32 v4, v3;
	v12 =	vmul.f32 v12, v6  }
0x6ac: {  	v13 =	vunpack.i.l.bf16.f32 v7;
	v5 =	vmul.f32 v5, v6;
	v10 =	vmul.f32 v10, v3  }
0x6ad: {  	v7 =	vunpack.i.u.bf16.f32 v7;
	v4 =	vadd.f32 v12, v4;
	v12 =	vmul.f32 v13, v8  }
0x6ae: {  	v7 =	vmul.f32 v7, v8;
	v13 =	vunpack.i.l.bf16.f32 v9;
	v5 =	vadd.f32 v5, v10  }
0x6af: {  	v9 =	vunpack.i.u.bf16.f32 v9;
	v10 =	vmul.f32 v13, v11;
	v4 =	vadd.f32 v12, v4  }
0x6b0: {  	v5 =	vadd.f32 v7, v5;
	v7 =	vmul.f32 v9, v11  }
0x6b1: {  	v4 =	vadd.f32 v10, v4  }
0x6b2: {  	v5 =	vadd.f32 v7, v5  }
0x6b3: {  	[tilespmem:s17+$0xFFFFFFC0] =	vst v4  }
0x6b4: {  	[tilespmem:s17+$0xFFFFFFD0] =	vst v5  }
0x6b5: {  	v4 =	vld [tilespmem:s18+$0x30]  }
0x6b6: {  	v5 =	vld [tilespmem:s18+$0x70];
	_ =	sdelay $0x1  }
0x6b7: {  	v7 =	vld [tilespmem:s18+$0x430];
	_ =	sdelay $0x1  }
0x6b8: {  	v9 =	vld [tilespmem:s18+$0x470]  }
0x6b9: {  	v10 =	vunpack.i.u.bf16.f32 v4;
	v4 =	vunpack.i.l.bf16.f32 v4;
	v12 =	vunpack.i.l.bf16.f32 v5  }
0x6ba: {  	v5 =	vunpack.i.u.bf16.f32 v5;
	v4 =	vmul.f32 v4, v3;
	v12 =	vmul.f32 v12, v6  }
0x6bb: {  	v13 =	vunpack.i.l.bf16.f32 v7;
	v5 =	vmul.f32 v5, v6;
	v3 =	vmul.f32 v10, v3  }
0x6bc: {  	v6 =	vunpack.i.u.bf16.f32 v7;
	v7 =	vmul.f32 v13, v8;
	v4 =	vadd.f32 v12, v4  }
0x6bd: {  	v10 =	vunpack.i.l.bf16.f32 v9;
	v3 =	vadd.f32 v5, v3;
	v5 =	vmul.f32 v6, v8  }
0x6be: {  	v6 =	vunpack.i.u.bf16.f32 v9;
	v4 =	vadd.f32 v7, v4;
	v7 =	vmul.f32 v10, v11  }
0x6bf: {  	v3 =	vadd.f32 v5, v3;
	v5 =	vmul.f32 v6, v11  }
0x6c0: {  	v4 =	vadd.f32 v7, v4  }
0x6c1: {  	v3 =	vadd.f32 v5, v3  }
0x6c2: {  	s18 =	simm.s32 $0x80;
	[tilespmem:s17+$0xFFFFFFE0] =	vst v4  }
0x6c3: {  	s21 =	sand.u32 $0x380, s18;
	[tilespmem:s17+$0xFFFFFFF0] =	vst v3  }
0x6c4: {  	s23 =	sor.u32 s21, s19;
	v3 =	vld [tilespmem:s26+$0x1040]  }
0x6c5: {  	v5 =	vld [tilespmem:s23+$0x40]  }
0x6c6: {  	v7 =	vld [tilespmem:s23+$0x0]  }
0x6c7: {  	v6 =	vld [tilespmem:s26+$0x1050]  }
0x6c8: {  	v8 =	vld [tilespmem:s23+$0x400]  }
0x6c9: {  	v4 =	vld [tilespmem:s26+$0x1060]  }
0x6ca: {  	v9 =	vld [tilespmem:s23+$0x440]  }
0x6cb: {  	v10 =	vunpack.i.u.bf16.f32 v5;
	v11 =	vunpack.i.l.bf16.f32 v5;
	v5 =	vld [tilespmem:s26+$0x1070];
	v12 =	vunpack.i.l.bf16.f32 v7  }
0x6cc: {  	v7 =	vunpack.i.u.bf16.f32 v7;
	v11 =	vmul.f32 v11, v6;
	v12 =	vmul.f32 v12, v3  }
0x6cd: {  	v13 =	vunpack.i.l.bf16.f32 v8;
	v10 =	vmul.f32 v10, v6;
	v7 =	vmul.f32 v7, v3  }
0x6ce: {  	v8 =	vunpack.i.u.bf16.f32 v8;
	v11 =	vadd.f32 v11, v12;
	v12 =	vmul.f32 v13, v4  }
0x6cf: {  	v8 =	vmul.f32 v8, v4;
	v13 =	vunpack.i.l.bf16.f32 v9;
	v7 =	vadd.f32 v10, v7  }
0x6d0: {  	v9 =	vunpack.i.u.bf16.f32 v9;
	v10 =	vadd.f32 v12, v11;
	v11 =	vmul.f32 v13, v5  }
0x6d1: {  	v7 =	vadd.f32 v8, v7;
	v8 =	vmul.f32 v9, v5  }
0x6d2: {  	v9 =	vadd.f32 v11, v10  }
0x6d3: {  	v7 =	vadd.f32 v8, v7  }
0x6d4: {  	[tilespmem:s17+$0x0] =	vst v9  }
0x6d5: {  	[tilespmem:s17+$0x10] =	vst v7  }
0x6d6: {  	v7 =	vld [tilespmem:s23+$0x10]  }
0x6d7: {  	v8 =	vld [tilespmem:s23+$0x50];
	_ =	sdelay $0x1  }
0x6d8: {  	v9 =	vld [tilespmem:s23+$0x410];
	_ =	sdelay $0x1  }
0x6d9: {  	v10 =	vld [tilespmem:s23+$0x450]  }
0x6da: {  	v11 =	vunpack.i.u.bf16.f32 v7;
	v7 =	vunpack.i.l.bf16.f32 v7;
	v12 =	vunpack.i.u.bf16.f32 v8  }
0x6db: {  	v8 =	vunpack.i.l.bf16.f32 v8;
	v11 =	vmul.f32 v11, v3;
	v12 =	vmul.f32 v12, v6  }
0x6dc: {  	v13 =	vunpack.i.u.bf16.f32 v9;
	v7 =	vmul.f32 v7, v3;
	v8 =	vmul.f32 v8, v6  }
0x6dd: {  	v9 =	vunpack.i.l.bf16.f32 v9;
	v13 =	vmul.f32 v13, v4;
	v11 =	vadd.f32 v12, v11  }
0x6de: {  	v12 =	vunpack.i.u.bf16.f32 v10;
	v7 =	vadd.f32 v8, v7;
	v8 =	vmul.f32 v9, v4  }
0x6df: {  	v9 =	vunpack.i.l.bf16.f32 v10;
	v10 =	vadd.f32 v13, v11;
	v11 =	vmul.f32 v12, v5  }
0x6e0: {  	v7 =	vadd.f32 v8, v7;
	v8 =	vmul.f32 v9, v5  }
0x6e1: {  	v9 =	vadd.f32 v11, v10  }
0x6e2: {  	v7 =	vadd.f32 v8, v7  }
0x6e3: {  	[tilespmem:s17+$0x30] =	vst v9  }
0x6e4: {  	[tilespmem:s17+$0x20] =	vst v7  }
0x6e5: {  	v7 =	vld [tilespmem:s23+$0x20]  }
0x6e6: {  	v8 =	vld [tilespmem:s23+$0x460]  }
0x6e7: {  	v9 =	vld [tilespmem:s23+$0x60];
	_ =	sdelay $0x1  }
0x6e8: {  	v10 =	vld [tilespmem:s23+$0x420];
	_ =	sdelay $0x1  }
0x6e9: {  	v11 =	vunpack.i.l.bf16.f32 v7  }
0x6ea: {  	v12 =	vunpack.i.u.bf16.f32 v7;
	v7 =	vunpack.i.u.bf16.f32 v8;
	v13 =	vunpack.i.u.bf16.f32 v9  }
0x6eb: {  	v9 =	vunpack.i.l.bf16.f32 v9;
	v11 =	vmul.f32 v11, v3;
	v12 =	vmul.f32 v12, v3  }
0x6ec: {  	v14 =	vunpack.i.l.bf16.f32 v10;
	v15 =	vmul.f32 v9, v6;
	v13 =	vmul.f32 v13, v6  }
0x6ed: {  	v10 =	vunpack.i.u.bf16.f32 v10;
	v8 =	vunpack.i.l.bf16.f32 v8;
	v9 =	vmul.f32 v14, v4  }
0x6ee: {  	s22 =	simm.s32 $0x8180;
	s21 =	simm.s32 $0x0;
	v10 =	vmul.f32 v10, v4;
	v11 =	vadd.f32 v15, v11;
	v12 =	vadd.f32 v13, v12  }
.LBB2_14:
0x6ef: {  	s21 =	sadd.s32 $0x2, s21;
	v7 =	vmul.f32 v7, v5;
	s18 =	sadd.s32 $0x100, s18;
	s16 =	sadd.s32 $0x200, s16  }
0x6f0: {  	v9 =	vadd.f32 v9, v11;
	v8 =	vmul.f32 v8, v5;
	p0 =	slt.u32 s21, $0x26;
	v10 =	vadd.f32 v10, v12;
	_ =	sdelay $0x1  }
0x6f1: {  	v8 =	vadd.f32 v8, v9;
	v7 =	vadd.f32 v7, v10;
	_ =	sdelay $0x1  }
0x6f2: {  	[tilespmem:s17+$0x50] =	vst v7  }
0x6f3: {  	[tilespmem:s17+$0x40] =	vst v8  }
0x6f4: {  	v7 =	vld [tilespmem:s23+$0x30]  }
0x6f5: {  	v8 =	vld [tilespmem:s23+$0x70]  }
0x6f6: {  	v9 =	vld [tilespmem:s23+$0x430]  }
0x6f7: {  	v10 =	vld [tilespmem:s23+$0x470];
	_ =	sdelay $0x1  }
0x6f8: {  	v11 =	vunpack.i.u.bf16.f32 v7;
	v7 =	vunpack.i.l.bf16.f32 v7  }
0x6f9: {  	v12 =	vunpack.i.u.bf16.f32 v8;
	v8 =	vunpack.i.l.bf16.f32 v8;
	v7 =	vmul.f32 v7, v3  }
0x6fa: {  	v13 =	vunpack.i.l.bf16.f32 v9;
	v8 =	vmul.f32 v8, v6;
	v6 =	vmul.f32 v12, v6  }
0x6fb: {  	v3 =	vmul.f32 v11, v3;
	v9 =	vunpack.i.u.bf16.f32 v9;
	v12 =	vmul.f32 v13, v4  }
0x6fc: {  	v11 =	vunpack.i.l.bf16.f32 v10;
	v4 =	vmul.f32 v9, v4;
	v7 =	vadd.f32 v8, v7  }
0x6fd: {  	v8 =	vunpack.i.u.bf16.f32 v10;
	v3 =	vadd.f32 v6, v3  }
0x6fe: {  	v6 =	vadd.f32 v12, v7;
	v7 =	vmul.f32 v11, v5  }
0x6ff: {  	v3 =	vadd.f32 v4, v3;
	v4 =	vmul.f32 v8, v5  }
0x700: {  	v5 =	vadd.f32 v7, v6  }
0x701: {  	v3 =	vadd.f32 v4, v3  }
0x702: {  	[tilespmem:s17+$0x60] =	vst v5  }
0x703: {  	s1 =	sand.u32 $0x3800, s16;
	s23 =	sadd.s32 $0xFFFFFF80, s18;
	[tilespmem:s17+$0x70] =	vst v3;
	s17 =	smov.u32 s22  }
0x704: {  	s19 =	sshra.s32 s16, $0x2;
	s25 =	sand.u32 $0x300, s23;
	s23 =	sor.u32 $0x4400, s1  }
0x705: {  	s1 =	sor.u32 s25, s23;
	v3 =	vld [tilespmem:s19+$0x1000]  }
0x706: {  	v5 =	vld [tilespmem:s1+$0x400]  }
0x707: {  	v7 =	vld [tilespmem:s1+$0x0]  }
0x708: {  	v8 =	vld [tilespmem:s1+$0x40]  }
0x709: {  	v6 =	vld [tilespmem:s19+$0x1010];
	_ =	sdelay $0x1  }
0x70a: {  	v4 =	vld [tilespmem:s19+$0x1020];
	v9 =	vunpack.i.u.bf16.f32 v5;
	v10 =	vunpack.i.l.bf16.f32 v5  }
0x70b: {  	v11 =	vunpack.i.u.bf16.f32 v7;
	v7 =	vunpack.i.l.bf16.f32 v7;
	v12 =	vld [tilespmem:s1+$0x440]  }
0x70c: {  	v5 =	vld [tilespmem:s19+$0x1030];
	v13 =	vunpack.i.u.bf16.f32 v8;
	v8 =	vunpack.i.l.bf16.f32 v8;
	v7 =	vmul.f32 v7, v3  }
0x70d: {  	v8 =	vmul.f32 v8, v6;
	v13 =	vmul.f32 v13, v6  }
0x70e: {  	v11 =	vmul.f32 v11, v3  }
0x70f: {  	v7 =	vadd.f32 v8, v7;
	v8 =	vmul.f32 v10, v4  }
0x710: {  	v11 =	vadd.f32 v13, v11;
	v9 =	vmul.f32 v9, v4;
	v10 =	vunpack.i.l.bf16.f32 v12  }
0x711: {  	v12 =	vunpack.i.u.bf16.f32 v12;
	v7 =	vadd.f32 v8, v7;
	v8 =	vmul.f32 v10, v5  }
0x712: {  	v9 =	vadd.f32 v9, v11;
	v10 =	vmul.f32 v12, v5  }
0x713: {  	v7 =	vadd.f32 v8, v7  }
0x714: {  	v8 =	vadd.f32 v10, v9  }
0x715: {  	[tilespmem:s22+$0xFFFFFF80] =	vst v7  }
0x716: {  	[tilespmem:s22+$0xFFFFFF90] =	vst v8  }
0x717: {  	v7 =	vld [tilespmem:s1+$0x10]  }
0x718: {  	v8 =	vld [tilespmem:s1+$0x50]  }
0x719: {  	v9 =	vld [tilespmem:s1+$0x410];
	_ =	sdelay $0x2  }
0x71a: {  	v10 =	vunpack.i.u.bf16.f32 v7;
	v7 =	vunpack.i.l.bf16.f32 v7;
	v11 =	vld [tilespmem:s1+$0x450]  }
0x71b: {  	v12 =	vunpack.i.u.bf16.f32 v8;
	v8 =	vunpack.i.l.bf16.f32 v8;
	v10 =	vmul.f32 v10, v3  }
0x71c: {  	v7 =	vmul.f32 v7, v3;
	v13 =	vunpack.i.u.bf16.f32 v9;
	v12 =	vmul.f32 v12, v6  }
0x71d: {  	v9 =	vunpack.i.l.bf16.f32 v9;
	v8 =	vmul.f32 v8, v6  }
0x71e: {  	v10 =	vadd.f32 v12, v10;
	v12 =	vmul.f32 v13, v4  }
0x71f: {  	v7 =	vadd.f32 v8, v7;
	v8 =	vmul.f32 v9, v4;
	v13 =	vunpack.i.u.bf16.f32 v11  }
0x720: {  	v9 =	vunpack.i.l.bf16.f32 v11;
	v10 =	vadd.f32 v12, v10;
	v11 =	vmul.f32 v13, v5  }
0x721: {  	v7 =	vadd.f32 v8, v7;
	v8 =	vmul.f32 v9, v5  }
0x722: {  	v9 =	vadd.f32 v11, v10  }
0x723: {  	v7 =	vadd.f32 v8, v7  }
0x724: {  	[tilespmem:s22+$0xFFFFFFB0] =	vst v9  }
0x725: {  	[tilespmem:s22+$0xFFFFFFA0] =	vst v7  }
0x726: {  	v7 =	vld [tilespmem:s1+$0x20]  }
0x727: {  	v8 =	vld [tilespmem:s1+$0x60]  }
0x728: {  	v9 =	vld [tilespmem:s1+$0x420]  }
0x729: {  	v10 =	vld [tilespmem:s1+$0x460];
	_ =	sdelay $0x1  }
0x72a: {  	v11 =	vunpack.i.u.bf16.f32 v7;
	v7 =	vunpack.i.l.bf16.f32 v7  }
0x72b: {  	v12 =	vunpack.i.u.bf16.f32 v8;
	v8 =	vunpack.i.l.bf16.f32 v8;
	v7 =	vmul.f32 v7, v3  }
0x72c: {  	v13 =	vunpack.i.l.bf16.f32 v9;
	v8 =	vmul.f32 v8, v6;
	v12 =	vmul.f32 v12, v6  }
0x72d: {  	v11 =	vmul.f32 v11, v3;
	v9 =	vunpack.i.u.bf16.f32 v9;
	v14 =	vunpack.i.l.bf16.f32 v10  }
0x72e: {  	v10 =	vunpack.i.u.bf16.f32 v10;
	v7 =	vadd.f32 v8, v7;
	v8 =	vmul.f32 v13, v4  }
0x72f: {  	v9 =	vmul.f32 v9, v4;
	v11 =	vadd.f32 v12, v11  }
0x730: {  	v7 =	vadd.f32 v8, v7;
	v8 =	vmul.f32 v14, v5  }
0x731: {  	v10 =	vmul.f32 v10, v5;
	v9 =	vadd.f32 v9, v11  }
0x732: {  	v7 =	vadd.f32 v8, v7  }
0x733: {  	v8 =	vadd.f32 v10, v9  }
0x734: {  	[tilespmem:s22+$0xFFFFFFC0] =	vst v7  }
0x735: {  	[tilespmem:s22+$0xFFFFFFD0] =	vst v8  }
0x736: {  	v7 =	vld [tilespmem:s1+$0x30]  }
0x737: {  	v8 =	vld [tilespmem:s1+$0x70]  }
0x738: {  	v9 =	vld [tilespmem:s1+$0x430]  }
0x739: {  	v10 =	vld [tilespmem:s1+$0x470];
	_ =	sdelay $0x1  }
0x73a: {  	v11 =	vunpack.i.u.bf16.f32 v7;
	v7 =	vunpack.i.l.bf16.f32 v7  }
0x73b: {  	v12 =	vunpack.i.u.bf16.f32 v8;
	v8 =	vunpack.i.l.bf16.f32 v8;
	v7 =	vmul.f32 v7, v3  }
0x73c: {  	v13 =	vunpack.i.l.bf16.f32 v9;
	v8 =	vmul.f32 v8, v6;
	v6 =	vmul.f32 v12, v6  }
0x73d: {  	v3 =	vmul.f32 v11, v3;
	v9 =	vunpack.i.u.bf16.f32 v9;
	v12 =	vunpack.i.l.bf16.f32 v10  }
0x73e: {  	v10 =	vunpack.i.u.bf16.f32 v10;
	v7 =	vadd.f32 v8, v7;
	v8 =	vmul.f32 v13, v4  }
0x73f: {  	v3 =	vadd.f32 v6, v3;
	v4 =	vmul.f32 v9, v4  }
0x740: {  	v6 =	vadd.f32 v8, v7;
	v7 =	vmul.f32 v12, v5  }
0x741: {  	v3 =	vadd.f32 v4, v3;
	v4 =	vmul.f32 v10, v5  }
0x742: {  	v5 =	vadd.f32 v7, v6  }
0x743: {  	v3 =	vadd.f32 v4, v3  }
0x744: {  	[tilespmem:s22+$0xFFFFFFE0] =	vst v5  }
0x745: {  	s1 =	sand.u32 $0x380, s18;
	[tilespmem:s22+$0xFFFFFFF0] =	vst v3  }
0x746: {  	s23 =	sor.u32 s1, s23;
	v3 =	vld [tilespmem:s19+$0x1040]  }
0x747: {  	v5 =	vld [tilespmem:s23+$0x40]  }
0x748: {  	v6 =	vld [tilespmem:s19+$0x1050]  }
0x749: {  	v4 =	vld [tilespmem:s19+$0x1060]  }
0x74a: {  	v7 =	vld [tilespmem:s23+$0x0]  }
0x74b: {  	v8 =	vld [tilespmem:s23+$0x440]  }
0x74c: {  	v9 =	vunpack.i.u.bf16.f32 v5;
	v5 =	vunpack.i.l.bf16.f32 v5;
	v10 =	vld [tilespmem:s23+$0x400]  }
0x74d: {  	v11 =	vmul.f32 v5, v6;
	v9 =	vmul.f32 v9, v6;
	_ =	sdelay $0x1  }
0x74e: {  	v5 =	vld [tilespmem:s19+$0x1070];
	v12 =	vunpack.i.u.bf16.f32 v7;
	v7 =	vunpack.i.l.bf16.f32 v7  }
0x74f: {  	v13 =	vunpack.i.l.bf16.f32 v8;
	v7 =	vmul.f32 v7, v3;
	v12 =	vmul.f32 v12, v3  }
0x750: {  	v8 =	vunpack.i.u.bf16.f32 v8;
	v14 =	vunpack.i.u.bf16.f32 v10;
	v10 =	vunpack.i.l.bf16.f32 v10  }
0x751: {  	v7 =	vadd.f32 v11, v7;
	v10 =	vmul.f32 v10, v4;
	v9 =	vadd.f32 v9, v12  }
0x752: {  	v11 =	vmul.f32 v14, v4  }
0x753: {  	v7 =	vadd.f32 v10, v7;
	v10 =	vmul.f32 v13, v5  }
0x754: {  	v9 =	vadd.f32 v11, v9;
	v8 =	vmul.f32 v8, v5  }
0x755: {  	v7 =	vadd.f32 v10, v7  }
0x756: {  	v8 =	vadd.f32 v8, v9  }
0x757: {  	[tilespmem:s22+$0x0] =	vst v7  }
0x758: {  	[tilespmem:s22+$0x10] =	vst v8  }
0x759: {  	v7 =	vld [tilespmem:s23+$0x10]  }
0x75a: {  	v8 =	vld [tilespmem:s23+$0x50]  }
0x75b: {  	v9 =	vld [tilespmem:s23+$0x410]  }
0x75c: {  	v10 =	vld [tilespmem:s23+$0x450];
	_ =	sdelay $0x1  }
0x75d: {  	v11 =	vunpack.i.u.bf16.f32 v7;
	v7 =	vunpack.i.l.bf16.f32 v7  }
0x75e: {  	v12 =	vunpack.i.u.bf16.f32 v8;
	v8 =	vunpack.i.l.bf16.f32 v8;
	v11 =	vmul.f32 v11, v3  }
0x75f: {  	v7 =	vmul.f32 v7, v3;
	v13 =	vunpack.i.u.bf16.f32 v9;
	v12 =	vmul.f32 v12, v6  }
0x760: {  	v8 =	vmul.f32 v8, v6;
	v14 =	vunpack.i.u.bf16.f32 v10;
	v13 =	vmul.f32 v13, v4  }
0x761: {  	v9 =	vunpack.i.l.bf16.f32 v9;
	v10 =	vunpack.i.l.bf16.f32 v10;
	v11 =	vadd.f32 v12, v11  }
0x762: {  	v7 =	vadd.f32 v8, v7;
	v8 =	vmul.f32 v9, v4  }
0x763: {  	v9 =	vadd.f32 v13, v11;
	v11 =	vmul.f32 v14, v5  }
0x764: {  	v7 =	vadd.f32 v8, v7;
	v8 =	vmul.f32 v10, v5  }
0x765: {  	v9 =	vadd.f32 v11, v9  }
0x766: {  	v7 =	vadd.f32 v8, v7  }
0x767: {  	[tilespmem:s22+$0x30] =	vst v9  }
0x768: {  	[tilespmem:s22+$0x20] =	vst v7  }
0x769: {  	v7 =	vld [tilespmem:s23+$0x20]  }
0x76a: {  	v8 =	vld [tilespmem:s23+$0x460]  }
0x76b: {  	v9 =	vld [tilespmem:s23+$0x420]  }
0x76c: {  	v10 =	vld [tilespmem:s23+$0x60];
	_ =	sdelay $0x1  }
0x76d: {  	v11 =	vunpack.i.u.bf16.f32 v7;
	v12 =	vunpack.i.l.bf16.f32 v7  }
0x76e: {  	v7 =	vunpack.i.u.bf16.f32 v8;
	v12 =	vmul.f32 v12, v3;
	v13 =	vmul.f32 v11, v3  }
0x76f: {  	v8 =	vunpack.i.l.bf16.f32 v8;
	v11 =	vunpack.i.u.bf16.f32 v9  }
.Ltmp6:
0x770: {  	v9 =	vunpack.i.l.bf16.f32 v9;
	v14 =	vunpack.i.u.bf16.f32 v10;
	v10 =	vunpack.i.l.bf16.f32 v10;
	(pc) =	sbr.rel @p0 .LBB2_14-.Ltmp6, $4  }
0x771: {  	v9 =	vmul.f32 v9, v4;
	v15 =	vmul.f32 v10, v6  }
0x772: {  	v14 =	vmul.f32 v14, v6;
	v10 =	vmul.f32 v11, v4  }
0x773: {  	v11 =	vadd.f32 v15, v12  }
0x774: {  	s22 =	sadd.s32 $0x100, s22;
	v12 =	vadd.f32 v14, v13  }
0x775: {  	v9 =	vadd.f32 v9, v11;
	v8 =	vmul.f32 v8, v5  }
0x776: {  	v7 =	vmul.f32 v7, v5;
	v10 =	vadd.f32 v10, v12  }
0x777: {  	v8 =	vadd.f32 v8, v9  }
0x778: {  	v7 =	vadd.f32 v7, v10  }
0x779: {  	[tilespmem:s17+$0x40] =	vst v8  }
0x77a: {  	[tilespmem:s17+$0x50] =	vst v7  }
0x77b: {  	v7 =	vld [tilespmem:s23+$0x30]  }
0x77c: {  	v8 =	vld [tilespmem:s23+$0x70];
	_ =	sdelay $0x1  }
0x77d: {  	v51 =	vld [tilespmem:s23+$0x430];
	_ =	sdelay $0x1  }
0x77e: {  	v52 =	vld [tilespmem:s23+$0x470]  }
0x77f: {  	v53 =	vunpack.i.u.bf16.f32 v7;
	v7 =	vunpack.i.l.bf16.f32 v7;
	v54 =	vunpack.i.l.bf16.f32 v8  }
0x780: {  	v8 =	vunpack.i.u.bf16.f32 v8;
	v7 =	vmul.f32 v7, v3;
	v12 =	vmul.f32 v54, v6  }
0x781: {  	v13 =	vunpack.i.l.bf16.f32 v51;
	v55 =	vmul.f32 v8, v6;
	v3 =	vmul.f32 v53, v3  }
0x782: {  	v56 =	vunpack.i.u.bf16.f32 v51;
	v57 =	vmul.f32 v13, v4;
	v7 =	vadd.f32 v12, v7  }
0x783: {  	v58 =	vunpack.i.l.bf16.f32 v52;
	v59 =	vmul.f32 v56, v4;
	v3 =	vadd.f32 v55, v3  }
0x784: {  	v60 =	vunpack.i.u.bf16.f32 v52;
	v61 =	vmul.f32 v58, v5;
	v7 =	vadd.f32 v57, v7  }
0x785: {  	v62 =	vmul.f32 v60, v5;
	v3 =	vadd.f32 v59, v3  }
0x786: {  	v63 =	vadd.f32 v61, v7  }
0x787: {  	v3 =	vadd.f32 v62, v3  }
0x788: {  	[tilespmem:s17+$0x60] =	vst v63  }
0x789: {  	s1 =	simm.s32 $0x8000;
	[tilespmem:s17+$0x70] =	vst v3  }
0x78a: {  	[spmem:s3] =	stream.indirect.scatter.add.f32 [tilespmem:s1], [sflag:$0xE], $0x80, s28, s13, $0xb8;
	[tilespmem:$0x1D000] =	vst v63  }
0x78b: {  	_ =	swait.ge [sflag:s0], $0x1400  }
0x78c: {  	[sflag:s0] =	ssyncset.done $0x0  }
0x78d: {  	[sflag:s0] =	ssyncadd.s32 $0xFFFFEC00  }
0x78e: {  	_ =	swait.ge [sflag:s8], $0x1400  }
0x78f: {  	[sflag:s8] =	ssyncset.done $0x0  }
0x790: {  	[sflag:s8] =	ssyncadd.s32 $0xFFFFEC00  }
0x791: {  	[bflag:$0x0] =	sbarrier.arrive $0xFFFF  }
0x792: {  	s16 =	rddreg [dreg:$0x6]  }
0x793: {  	s23 =	rddreg [dreg:$0x10]  }
0x794: {  	s17 =	simm.s32 $0xF;
	s15 =	rddreg [dreg:$0x13]  }
0x795: {  	[hbm:s23], [sflag:s16] =	dma.local [spmem:s15], $0x2780  }
0x796: {  	_ =	swait.ge [sflag:s17], $0x2780  }
0x797: {  	s25 =	rddreg [dreg:$0x12]  }
0x798: {  	s26 =	rddreg [dreg:$0x11];
	s15 =	sadd.s32 $0x1, s25  }
0x799: {  	p0 =	sne.s32 s15, s26  }
.Ltmp7:
0x79a: {  	_ = 	snop;
	(pc) =	sbr.rel @p0 .LBB2_1-.Ltmp7, $3  }
0x79b: {  	_ =	sdelay $0x1  }
0x79c: {  	[sflag:s17] =	ssyncset.done $0x0  }
0x79d: {  	[sflag:s17] =	ssyncadd.s32 $0xFFFFD880  }
0x79e: {  	_ =	sfence.sel $0x180000  }
0x79f: {  	[bflag:$0x0] =	sbarrier.arrive $0xFFFF  }
0x7a0: {  	_ =	strace $0x90000047  }
0x7a1: {  	s0 =	stileid.u32;
	[bflag:$0x2] =	sbarrier.arrive $0xFFFF  }
0x7a2: {  	p0 =	sne.s32 s0, $0x0;
	s0 =	rddreg [dreg:$0x3]  }
0x7a3: {  	s0 =	sadd.s32 @!p0 $0x100000, s0  }
0x7a4: {  	[sflag:s0] =	ssyncadd.tile.s32 @!p0 $0x1;
	_ =	shalt  }
.Lfunc_end2:
_tile_overlayer_lowered:
.L_overlay_start_2:
0x7a5: {  	(tag) =	ssettag $0x2  }
0x7a6: {  	s0 =	rddreg [dreg:$0x0];
	s2 =	stileid.u32  }
0x7a7: {  	s1 =	rddreg [dreg:$0x1];
	p0 =	sne.s32 s2, $0x0  }
0x7a8: {  	s3 =	rddreg [dreg:$0x2];
	[bflag:$0x3] =	sbarrier.arrive $0xFFFF;
	s2 =	simm.s32 @!p0 $0x1C0F  }
0x7a9: {  	[timem:s3], [sflag:s2] =	dma.local @!p0 [hbm:s0], s1  }
0x7aa: {  	s0 =	simm.s32 @!p0 $0xF  }
0x7ab: {  	_ =	swait.ge @!p0 [sflag:s0], s1  }
0x7ac: {  	s1 =	ssub.s32 @!p0 $0x0, s1;
	[sflag:s0] =	ssyncset.done @!p0 $0x0  }
0x7ad: {  	[sflag:s0] =	ssyncadd.s32 @!p0 s1  }
0x7ae: {  	[bflag:$0x3] =	sbarrier.arrive $0xFFFF  }
0x7af: {  	_ =	shalt  }

</sc_bundles>
